<compile_context>
chip_gen: v7x
topology: tpu7x:2x2x1
jax: 0.10.2.dev20260603
libtpu: 0.0.44.dev20260713+nightly
codegen_flags: <defaults>
</compile_context>

<pallas_src>
import dataclasses

import jax
import jax.numpy as jnp
from jax import lax
from jax.experimental import pallas as pl
from jax.experimental.pallas import tpu as pltpu
from jax.experimental.pallas import tpu_sc as plsc

N_NODES = 10000
N_EDGES = 320000
D_FEAT = 128
AUG_PROB = 0.2

NUM_CORES = 2
NUM_SUBCORES = 16
LANES = 16

CHUNK = 128
SUB = 16
LOADS_PER_TILE = 10
NBUF = 2
ROWS_PER_TILE = LOADS_PER_TILE * SUB
E_PAD = NUM_SUBCORES * ROWS_PER_TILE * 128
ACC_ROWS = 10240
STRIPE = ACC_ROWS // NUM_SUBCORES
DUMMY = N_NODES



def _prologue_body(x_ref, uf1_ref, uf2_ref, ue1_ref, ue2_ref, dst_ref,
                   x1_ref, x2_ref, d1_ref, d2_ref):
    x = x_ref[...]
    xpad = jnp.zeros((ACC_ROWS - N_NODES, D_FEAT), jnp.float32)
    x1 = x * (uf1_ref[...] > AUG_PROB).astype(jnp.float32)
    x2 = x * (uf2_ref[...] > AUG_PROB).astype(jnp.float32)
    x1_ref[...] = jnp.concatenate([x1, xpad], axis=0)
    x2_ref[...] = jnp.concatenate([x2, xpad], axis=0)
    dst = dst_ref[...]
    pad = jnp.full(((E_PAD - N_EDGES) // 128, 128), DUMMY, jnp.int32)
    d1 = jnp.where(ue1_ref[...] > AUG_PROB, dst, DUMMY)
    d2 = jnp.where(ue2_ref[...] > AUG_PROB, dst, DUMMY)
    d1_ref[...] = jnp.concatenate([d1, pad], axis=0)
    d2_ref[...] = jnp.concatenate([d2, pad], axis=0)


def _prologue(x, uf1, uf2, ue1, ue2, dst):
    return pl.pallas_call(
        _prologue_body,
        out_shape=(
            jax.ShapeDtypeStruct((ACC_ROWS, D_FEAT), jnp.float32),
            jax.ShapeDtypeStruct((ACC_ROWS, D_FEAT), jnp.float32),
            jax.ShapeDtypeStruct((E_PAD // 128, 128), jnp.int32),
            jax.ShapeDtypeStruct((E_PAD // 128, 128), jnp.int32),
        ),
    )(x, uf1, uf2, ue1, ue2, dst)



def _sc_body(src_hbm, d1_hbm, d2_hbm, x1_hbm, x2_hbm, zeros_hbm,
             acc1_out, deg1_out, acc2_out, deg2_out,
             src_v, dst_v, rows_v, rows2_v, hist_v, acc_sh,
             sem, sem2, sem3, sem4):
    c = lax.axis_index("c")
    s = lax.axis_index("s")

    zeros16 = jnp.zeros((LANES,), jnp.float32)

    def fill_hist(i, _):
        for j in range(D_FEAT // LANES):
            hist_v[i, pl.ds(LANES * j, LANES)] = zeros16
        return 0
    lax.fori_loop(0, ACC_ROWS // 128, fill_hist, 0)

    def zero_acc():
        pltpu.sync_copy(zeros_hbm.at[pl.ds(s * STRIPE, STRIPE)],
                        acc_sh.at[pl.ds(s * STRIPE, STRIPE)])

    ones16 = jnp.ones((LANES,), jnp.float32)

    def scatter_pass(x_hbm, dst_hbm):
        rows = (rows_v, rows2_v)
        gsem = (sem, sem2)
        ssem = (sem3, sem4)

        def load_step(i, _):
            r8 = s * ROWS_PER_TILE + i * SUB
            pltpu.sync_copy(dst_hbm.at[pl.ds(r8, SUB)], dst_v)
            pltpu.sync_copy(src_hbm.at[pl.ds(r8, SUB)], src_v)
            gd = [None] * NBUF
            sd = [None] * NBUF
            gd[0] = pltpu.async_copy(x_hbm.at[src_v.at[0]], rows[0], gsem[0])
            for j in range(SUB):
                b = j % NBUF
                if j + 1 < SUB:
                    b2 = (j + 1) % NBUF
                    if sd[b2] is not None:
                        sd[b2].wait()
                    gd[b2] = pltpu.async_copy(
                        x_hbm.at[src_v.at[j + 1]], rows[b2], gsem[b2])
                gd[b].wait()
                sd[b] = pltpu.async_copy(
                    rows[b], acc_sh.at[dst_v.at[j]], ssem[b], add=True)
                for k in range(CHUNK // LANES):
                    dv = dst_v[j, pl.ds(LANES * k, LANES)]
                    plsc.addupdate_scatter(
                        hist_v,
                        [lax.shift_right_logical(dv, 7),
                         lax.bitwise_and(dv, 127)],
                        ones16)
            for b in range(NBUF):
                if sd[b] is not None:
                    sd[b].wait()
            return 0
        lax.fori_loop(0, LOADS_PER_TILE, load_step, 0)

    def copyout(out_hbm):
        pltpu.sync_copy(acc_sh.at[pl.ds(s * STRIPE, STRIPE)],
                        out_hbm.at[pl.ds(s * STRIPE, STRIPE)])

    def phase(fn1, fn2):
        pl.when(c == 0)(fn1)
        pl.when(c == 1)(fn2)
        plsc.subcore_barrier()

    def finish(acc_out, deg_out):
        copyout(acc_out)
        pltpu.sync_copy(hist_v, deg_out.at[s])

    phase(zero_acc, zero_acc)
    phase(lambda: scatter_pass(x1_hbm, d1_hbm),
          lambda: scatter_pass(x2_hbm, d2_hbm))
    phase(lambda: finish(acc1_out, deg1_out),
          lambda: finish(acc2_out, deg2_out))


def _sc_aggregate(src_pad, d1, d2, x1, x2):
    mesh = plsc.VectorSubcoreMesh(
        core_axis_name="c", subcore_axis_name="s",
        num_cores=NUM_CORES, num_subcores=NUM_SUBCORES)
    f32 = jnp.float32
    cp = pltpu.CompilerParams()
    if "needs_layout_passes" in pltpu.CompilerParams.__dataclass_fields__:
        cp = dataclasses.replace(cp, needs_layout_passes=False)
    kern = pl.kernel(
        _sc_body,
        out_type=(
            jax.ShapeDtypeStruct((ACC_ROWS, D_FEAT), f32),
            jax.ShapeDtypeStruct((NUM_SUBCORES, ACC_ROWS // 128, 128), f32),
            jax.ShapeDtypeStruct((ACC_ROWS, D_FEAT), f32),
            jax.ShapeDtypeStruct((NUM_SUBCORES, ACC_ROWS // 128, 128), f32),
        ),
        mesh=mesh,
        scratch_types=[
            pltpu.VMEM((SUB, 128), jnp.int32),
            pltpu.VMEM((SUB, 128), jnp.int32),
            pltpu.VMEM((CHUNK, D_FEAT), f32),
            pltpu.VMEM((CHUNK, D_FEAT), f32),
            pltpu.VMEM((ACC_ROWS // 128, 128), f32),
            pltpu.VMEM_SHARED((ACC_ROWS, D_FEAT), f32),
        ] + [pltpu.SemaphoreType.DMA] * 4,
        compiler_params=cp,
    )
    zeros_hbm = jnp.zeros((ACC_ROWS, D_FEAT), f32)
    return kern(src_pad, d1, d2, x1, x2, zeros_hbm)



def _epilogue_body(acc1_ref, deg1_ref, x1_ref, acc2_ref, deg2_ref, x2_ref,
                   w_ref, b_ref, z1_ref, z2_ref):
    w = w_ref[...]
    b = b_ref[...]
    blk = acc1_ref.shape[0]
    rows8 = blk // 128
    rsel = (lax.broadcasted_iota(jnp.int32, (blk, rows8), 0) // 128 ==
            lax.broadcasted_iota(jnp.int32, (blk, rows8), 1)).astype(
                jnp.float32)
    csel = (lax.broadcasted_iota(jnp.int32, (blk, 128), 0) % 128 ==
            lax.broadcasted_iota(jnp.int32, (blk, 128), 1)).astype(
                jnp.float32)

    def one(acc_ref, deg_ref, x_ref, z_ref):
        grid = jnp.sum(deg_ref[...], axis=0)
        t = jnp.dot(rsel, grid, preferred_element_type=jnp.float32,
                    precision=lax.Precision.HIGHEST)
        deg = jnp.sum(t * csel, axis=1, keepdims=True)
        deg = jnp.maximum(deg, 1.0)
        h = acc_ref[...] / deg + x_ref[...]
        z_ref[...] = jnp.dot(h, w, preferred_element_type=jnp.float32,
                             precision=lax.Precision.HIGHEST) + b

    one(acc1_ref, deg1_ref, x1_ref, z1_ref)
    one(acc2_ref, deg2_ref, x2_ref, z2_ref)


def _epilogue(acc1, deg1, x1, acc2, deg2, x2, W, b2d):
    blk = 1024
    grid = (ACC_ROWS // blk,)
    row_spec = pl.BlockSpec((blk, D_FEAT), lambda i: (i, 0))
    deg_spec = pl.BlockSpec((NUM_SUBCORES, blk // 128, 128),
                            lambda i: (0, i, 0))
    w_spec = pl.BlockSpec((D_FEAT, D_FEAT), lambda i: (0, 0))
    b_spec = pl.BlockSpec((1, D_FEAT), lambda i: (0, 0))
    return pl.pallas_call(
        _epilogue_body,
        grid=grid,
        in_specs=[row_spec, deg_spec, row_spec,
                  row_spec, deg_spec, row_spec, w_spec, b_spec],
        out_specs=(row_spec, row_spec),
        out_shape=(
            jax.ShapeDtypeStruct((ACC_ROWS, D_FEAT), jnp.float32),
            jax.ShapeDtypeStruct((ACC_ROWS, D_FEAT), jnp.float32),
        ),
    )(acc1, deg1, x1, acc2, deg2, x2, W, b2d)



@jax.jit
def kernel(x, edge_index, W, b):
    key = jax.random.key(42)
    k1, k2 = jax.random.split(key)
    ke1, kf1 = jax.random.split(k1)
    ke2, kf2 = jax.random.split(k2)
    ue1 = jax.random.uniform(ke1, (N_EDGES,))
    uf1 = jax.random.uniform(kf1, x.shape)
    ue2 = jax.random.uniform(ke2, (N_EDGES,))
    uf2 = jax.random.uniform(kf2, x.shape)

    src = edge_index[0]
    dst = edge_index[1]

    x1, x2, d1, d2 = _prologue(
        x, uf1, uf2,
        ue1.reshape(N_EDGES // 128, 128),
        ue2.reshape(N_EDGES // 128, 128),
        dst.reshape(N_EDGES // 128, 128),
    )

    src_pad = jnp.concatenate(
        [src, jnp.zeros((E_PAD - N_EDGES,), jnp.int32)]).reshape(
            E_PAD // 128, 128)
    acc1, deg1, acc2, deg2 = _sc_aggregate(src_pad, d1, d2, x1, x2)

    z1, z2 = _epilogue(acc1, deg1, x1, acc2, deg2, x2,
                       W, b.reshape(1, D_FEAT))
    return (z1[:N_NODES], z2[:N_NODES])

# --- scband reference (transcript-rebuilt; emitter-appended) ---
"""Pipeline reference for scband-graph-contrastive-learning-8778913153222 (READ-ONLY COPY).

The authoritative reference and input builder live on the scoring server;
editing this copy changes nothing except your own understanding.
"""

import jax, jax.numpy as jnp
import numpy as np

N_NODES = 10000
N_EDGES = 320000
D_FEAT = 128
AUG_PROB = 0.2


def setup_inputs(seed: int = 0) -> dict:
    key = jax.random.key(seed)
    k1, k2, k3, k4 = jax.random.split(key, 4)
    x = jax.random.normal(k1, (N_NODES, D_FEAT), dtype=jnp.float32)
    edge_index = jax.random.randint(k2, (2, N_EDGES), 0, N_NODES, dtype=jnp.int32)
    # learned params for the single-layer GCN encoder (in=out=128)
    W = jax.random.normal(k3, (D_FEAT, D_FEAT), dtype=jnp.float32) * 0.05
    b = jnp.zeros((D_FEAT,), dtype=jnp.float32)
    return {"x": x, "edge_index": edge_index, "W": W, "b": b}


def _augment(edge_index, x, key, p):
    ke, kf = jax.random.split(key)
    num_edges = edge_index.shape[1]
    edge_mask = jax.random.uniform(ke, (num_edges,)) > p
    edge_w = edge_mask.astype(x.dtype)
    feature_mask = (jax.random.uniform(kf, x.shape) > p).astype(x.dtype)
    aug_x = x * feature_mask
    return edge_w, aug_x


def _encode(x, edge_index, edge_w, W, b):
    # single-layer GCN with mean aggregation + residual self term
    src = edge_index[0]
    dst = edge_index[1]
    msgs = jnp.take(x, src, axis=0) * edge_w[:, None]     # gather (memory-bound)
    agg = jax.ops.segment_sum(msgs, dst, num_segments=x.shape[0])  # scatter-add
    deg = jax.ops.segment_sum(edge_w, dst, num_segments=x.shape[0])
    agg = agg / jnp.clip(deg, 1.0)[:, None]
    return (agg + x) @ W + b


def reference(x, edge_index, W, b):
    key = jax.random.key(42)
    k1, k2 = jax.random.split(key)
    w1, x1 = _augment(edge_index, x, k1, AUG_PROB)
    w2, x2 = _augment(edge_index, x, k2, AUG_PROB)
    z1 = _encode(x1, edge_index, w1, W, b)
    z2 = _encode(x2, edge_index, w2, W, b)
    return (z1, z2)

if __name__ == "__main__":
    import jax
    _d = setup_inputs()
    print(jax.jit(kernel)(*tuple(_d.values())))

</pallas_src>

<mosaic_0001>
#map = affine_map<(d0, d1) -> (0, 0)>
#map1 = affine_map<(d0, d1) -> (0, 0, 0)>
module attributes {stable_mosaic.version = 14 : i64} {
  func.func @_sc_body(%arg0: i32, %arg1: i32, %arg2: memref<2560x128xi32, #tpu.memory_space<hbm>>, %arg3: memref<2560x128xi32, #tpu.memory_space<hbm>>, %arg4: memref<2560x128xi32, #tpu.memory_space<hbm>>, %arg5: memref<10240x128xf32, #tpu.memory_space<hbm>>, %arg6: memref<10240x128xf32, #tpu.memory_space<hbm>>, %arg7: memref<10240x128xf32, #tpu.memory_space<hbm>>, %arg8: memref<10240x128xf32, #tpu.memory_space<hbm>>, %arg9: memref<16x80x128xf32, #tpu.memory_space<hbm>>, %arg10: memref<10240x128xf32, #tpu.memory_space<hbm>>, %arg11: memref<16x80x128xf32, #tpu.memory_space<hbm>>, %arg12: memref<16x128xi32, #tpu.memory_space<vmem>>, %arg13: memref<16x128xi32, #tpu.memory_space<vmem>>, %arg14: memref<128x128xf32, #tpu.memory_space<vmem>>, %arg15: memref<128x128xf32, #tpu.memory_space<vmem>>, %arg16: memref<80x128xf32, #tpu.memory_space<vmem>>, %arg17: memref<10240x128xf32, #tpu.memory_space<vmem_shared>>, %arg18: memref<!tpu.dma_semaphore, #tpu.memory_space<semaphore_mem>>, %arg19: memref<!tpu.dma_semaphore, #tpu.memory_space<semaphore_mem>>, %arg20: memref<!tpu.dma_semaphore, #tpu.memory_space<semaphore_mem>>, %arg21: memref<!tpu.dma_semaphore, #tpu.memory_space<semaphore_mem>>) attributes {dimension_semantics = [#tpu.dimension_semantics<core_parallel>, #tpu.dimension_semantics<subcore_parallel>], iteration_bounds = array<i64: 2, 16>, scalar_prefetch = 0 : i64, scratch_operands = 10 : i64, tpu.core_type = #tpu.core_type<sc_vector_subcore>, window_params = [{transform_indices = #map}, {transform_indices = #map}, {transform_indices = #map}, {transform_indices = #map}, {transform_indices = #map}, {transform_indices = #map}, {transform_indices = #map}, {transform_indices = #map1}, {transform_indices = #map}, {transform_indices = #map1}]} {
    %broadcast_in_dim3A = arith.constant 0.000000e+00 : f32
    %broadcast_in_dim3A_0 = vector.broadcast %broadcast_in_dim3A : f32 to vector<16xf32>
    %scan3A = arith.constant 0 : i32
    %scan3A_1 = arith.constant 0 : i32
    %scan3A_2 = arith.constant 80 : i32
    %scan3A_3 = arith.addi %scan3A_1, %scan3A_2 : i32
    %scan3A_4 = arith.constant 1 : i32
    %scan3A_5 = scf.for %scan3A_38 = %scan3A_1 to %scan3A_3 step %scan3A_4 iter_args(%scan3A_39 = %scan3A) -> (i32)  : i32 {
      %swap3A = arith.index_cast %scan3A_38 : i32 to index
      %swap3A_40 = arith.constant 0 : index
      %swap3A_41 = tpu.vector_load %arg16[%swap3A, %swap3A_40] {strides = array<i32>} : memref<80x128xf32, #tpu.memory_space<vmem>>, vector<16xf32>,
      tpu.vector_store %arg16[%swap3A, %swap3A_40], %broadcast_in_dim3A_0 {strides = array<i32>} : memref<80x128xf32, #tpu.memory_space<vmem>>, vector<16xf32>,
      %swap3A_42 = arith.index_cast %scan3A_38 : i32 to index
      %swap3A_43 = arith.constant 16 : index
      %swap3A_44 = tpu.vector_load %arg16[%swap3A_42, %swap3A_43] {strides = array<i32>} : memref<80x128xf32, #tpu.memory_space<vmem>>, vector<16xf32>,
      tpu.vector_store %arg16[%swap3A_42, %swap3A_43], %broadcast_in_dim3A_0 {strides = array<i32>} : memref<80x128xf32, #tpu.memory_space<vmem>>, vector<16xf32>,
      %swap3A_45 = arith.index_cast %scan3A_38 : i32 to index
      %swap3A_46 = arith.constant 32 : index
      %swap3A_47 = tpu.vector_load %arg16[%swap3A_45, %swap3A_46] {strides = array<i32>} : memref<80x128xf32, #tpu.memory_space<vmem>>, vector<16xf32>,
      tpu.vector_store %arg16[%swap3A_45, %swap3A_46], %broadcast_in_dim3A_0 {strides = array<i32>} : memref<80x128xf32, #tpu.memory_space<vmem>>, vector<16xf32>,
      %swap3A_48 = arith.index_cast %scan3A_38 : i32 to index
      %swap3A_49 = arith.constant 48 : index
      %swap3A_50 = tpu.vector_load %arg16[%swap3A_48, %swap3A_49] {strides = array<i32>} : memref<80x128xf32, #tpu.memory_space<vmem>>, vector<16xf32>,
      tpu.vector_store %arg16[%swap3A_48, %swap3A_49], %broadcast_in_dim3A_0 {strides = array<i32>} : memref<80x128xf32, #tpu.memory_space<vmem>>, vector<16xf32>,
      %swap3A_51 = arith.index_cast %scan3A_38 : i32 to index
      %swap3A_52 = arith.constant 64 : index
      %swap3A_53 = tpu.vector_load %arg16[%swap3A_51, %swap3A_52] {strides = array<i32>} : memref<80x128xf32, #tpu.memory_space<vmem>>, vector<16xf32>,
      tpu.vector_store %arg16[%swap3A_51, %swap3A_52], %broadcast_in_dim3A_0 {strides = array<i32>} : memref<80x128xf32, #tpu.memory_space<vmem>>, vector<16xf32>,
      %swap3A_54 = arith.index_cast %scan3A_38 : i32 to index
      %swap3A_55 = arith.constant 80 : index
      %swap3A_56 = tpu.vector_load %arg16[%swap3A_54, %swap3A_55] {strides = array<i32>} : memref<80x128xf32, #tpu.memory_space<vmem>>, vector<16xf32>,
      tpu.vector_store %arg16[%swap3A_54, %swap3A_55], %broadcast_in_dim3A_0 {strides = array<i32>} : memref<80x128xf32, #tpu.memory_space<vmem>>, vector<16xf32>,
      %swap3A_57 = arith.index_cast %scan3A_38 : i32 to index
      %swap3A_58 = arith.constant 96 : index
      %swap3A_59 = tpu.vector_load %arg16[%swap3A_57, %swap3A_58] {strides = array<i32>} : memref<80x128xf32, #tpu.memory_space<vmem>>, vector<16xf32>,
      tpu.vector_store %arg16[%swap3A_57, %swap3A_58], %broadcast_in_dim3A_0 {strides = array<i32>} : memref<80x128xf32, #tpu.memory_space<vmem>>, vector<16xf32>,
      %swap3A_60 = arith.index_cast %scan3A_38 : i32 to index
      %swap3A_61 = arith.constant 112 : index
      %swap3A_62 = tpu.vector_load %arg16[%swap3A_60, %swap3A_61] {strides = array<i32>} : memref<80x128xf32, #tpu.memory_space<vmem>>, vector<16xf32>,
      tpu.vector_store %arg16[%swap3A_60, %swap3A_61], %broadcast_in_dim3A_0 {strides = array<i32>} : memref<80x128xf32, #tpu.memory_space<vmem>>, vector<16xf32>,
      %scan3A_63 = arith.constant 0 : i32
      scf.yield %scan3A_63 : i32
    }
    %scan3A_6 = arith.constant 80 : i32
    %broadcast_in_dim3A_7 = arith.constant 1.000000e+00 : f32
    %broadcast_in_dim3A_8 = vector.broadcast %broadcast_in_dim3A_7 : f32 to vector<16xf32>
    %eq3A = arith.constant 0 : i32
    %eq3A_9 = arith.cmpi eq, %arg0, %eq3A : i32
    %convert_element_type3A = arith.extui %eq3A_9 : i1 to i32
    %cond3A = arith.constant 0 : i32
    %cond3A_10 = arith.cmpi ne, %convert_element_type3A, %cond3A : i32
    scf.if %cond3A_10 {
      %mul3A = arith.constant 640 : i32
      %mul3A_38 = arith.muli %arg1, %mul3A : i32
      %mul3A_39 = arith.constant 640 : i32
      %mul3A_40 = arith.muli %arg1, %mul3A_39 : i32
      "tpu.region"() ({
        %run_scoped3A = tpu.sem_alloc : memref<!tpu.dma_semaphore, #tpu.memory_space<semaphore_mem>>
        %dma_start3A = arith.constant 0 : i32
        %dma_start3A_41 = tpu.memref_slice %arg17[%mul3A_40, %dma_start3A] : memref<10240x128xf32, #tpu.memory_space<vmem_shared>> -> memref<640x128xf32, #tpu.memory_space<vmem_shared>>
        %dma_start3A_42 = arith.constant 0 : i32
        %dma_start3A_43 = tpu.memref_slice %arg7[%mul3A_38, %dma_start3A_42] : memref<10240x128xf32, #tpu.memory_space<hbm>> -> memref<640x128xf32, #tpu.memory_space<hbm>>
        tpu.enqueue_dma source(%dma_start3A_43 : memref<640x128xf32, #tpu.memory_space<hbm>>) target(%dma_start3A_41 : memref<640x128xf32, #tpu.memory_space<vmem_shared>>) target_semaphore(%run_scoped3A : memref<!tpu.dma_semaphore, #tpu.memory_space<semaphore_mem>>)
        %dma_wait3A = arith.constant 0 : i32
        %dma_wait3A_44 = tpu.memref_slice %arg17[%mul3A_40, %dma_wait3A] : memref<10240x128xf32, #tpu.memory_space<vmem_shared>> -> memref<640x128xf32, #tpu.memory_space<vmem_shared>>
        %dma_wait3A_45 = arith.constant 0 : i32
        %dma_wait3A_46 = tpu.memref_slice %arg7[%mul3A_38, %dma_wait3A_45] : memref<10240x128xf32, #tpu.memory_space<hbm>> -> memref<640x128xf32, #tpu.memory_space<hbm>>
        tpu.wait_dma2 semaphore(%run_scoped3A : memref<!tpu.dma_semaphore, #tpu.memory_space<semaphore_mem>>) src(%dma_wait3A_46 : memref<640x128xf32, #tpu.memory_space<hbm>>) dst(%dma_wait3A_44 : memref<640x128xf32, #tpu.memory_space<vmem_shared>>)
        tpu.yield
      }) : () -> ()
    } else {
    }
    %eq3A_11 = arith.constant 1 : i32
    %eq3A_12 = arith.cmpi eq, %arg0, %eq3A_11 : i32
    %convert_element_type3A_13 = arith.extui %eq3A_12 : i1 to i32
    %cond3A_14 = arith.constant 0 : i32
    %cond3A_15 = arith.cmpi ne, %convert_element_type3A_13, %cond3A_14 : i32
    scf.if %cond3A_15 {
      %mul3A = arith.constant 640 : i32
      %mul3A_38 = arith.muli %arg1, %mul3A : i32
      %mul3A_39 = arith.constant 640 : i32
      %mul3A_40 = arith.muli %arg1, %mul3A_39 : i32
      "tpu.region"() ({
        %run_scoped3A = tpu.sem_alloc : memref<!tpu.dma_semaphore, #tpu.memory_space<semaphore_mem>>
        %dma_start3A = arith.constant 0 : i32
        %dma_start3A_41 = tpu.memref_slice %arg17[%mul3A_40, %dma_start3A] : memref<10240x128xf32, #tpu.memory_space<vmem_shared>> -> memref<640x128xf32, #tpu.memory_space<vmem_shared>>
        %dma_start3A_42 = arith.constant 0 : i32
        %dma_start3A_43 = tpu.memref_slice %arg7[%mul3A_38, %dma_start3A_42] : memref<10240x128xf32, #tpu.memory_space<hbm>> -> memref<640x128xf32, #tpu.memory_space<hbm>>
        tpu.enqueue_dma source(%dma_start3A_43 : memref<640x128xf32, #tpu.memory_space<hbm>>) target(%dma_start3A_41 : memref<640x128xf32, #tpu.memory_space<vmem_shared>>) target_semaphore(%run_scoped3A : memref<!tpu.dma_semaphore, #tpu.memory_space<semaphore_mem>>)
        %dma_wait3A = arith.constant 0 : i32
        %dma_wait3A_44 = tpu.memref_slice %arg17[%mul3A_40, %dma_wait3A] : memref<10240x128xf32, #tpu.memory_space<vmem_shared>> -> memref<640x128xf32, #tpu.memory_space<vmem_shared>>
        %dma_wait3A_45 = arith.constant 0 : i32
        %dma_wait3A_46 = tpu.memref_slice %arg7[%mul3A_38, %dma_wait3A_45] : memref<10240x128xf32, #tpu.memory_space<hbm>> -> memref<640x128xf32, #tpu.memory_space<hbm>>
        tpu.wait_dma2 semaphore(%run_scoped3A : memref<!tpu.dma_semaphore, #tpu.memory_space<semaphore_mem>>) src(%dma_wait3A_46 : memref<640x128xf32, #tpu.memory_space<hbm>>) dst(%dma_wait3A_44 : memref<640x128xf32, #tpu.memory_space<vmem_shared>>)
        tpu.yield
      }) : () -> ()
    } else {
    }
    %barrier3A = arith.constant 0 : index
    tpu.barrier barrier_id(%barrier3A)
    %eq3A_16 = arith.constant 0 : i32
    %eq3A_17 = arith.cmpi eq, %arg0, %eq3A_16 : i32
    %convert_element_type3A_18 = arith.extui %eq3A_17 : i1 to i32
    %cond3A_19 = arith.constant 0 : i32
    %cond3A_20 = arith.cmpi ne, %convert_element_type3A_18, %cond3A_19 : i32
    scf.if %cond3A_20 {
      %scan3A_38 = arith.constant 0 : i32
      %scan3A_39 = arith.constant 0 : i32
      %scan3A_40 = arith.constant 10 : i32
      %scan3A_41 = arith.addi %scan3A_39, %scan3A_40 : i32
      %scan3A_42 = arith.constant 1 : i32
      %scan3A_43 = scf.for %scan3A_45 = %scan3A_39 to %scan3A_41 step %scan3A_42 iter_args(%scan3A_46 = %scan3A_38) -> (i32)  : i32 {
        %mul3A = arith.constant 160 : i32
        %mul3A_47 = arith.muli %arg1, %mul3A : i32
        %mul3A_48 = arith.constant 16 : i32
        %mul3A_49 = arith.muli %scan3A_45, %mul3A_48 : i32
        %add3A = arith.addi %mul3A_47, %mul3A_49 : i32
        "tpu.region"() ({
          %run_scoped3A = tpu.sem_alloc : memref<!tpu.dma_semaphore, #tpu.memory_space<semaphore_mem>>
          %dma_start3A_1774 = arith.constant 0 : i32
          %dma_start3A_1775 = tpu.memref_slice %arg3[%add3A, %dma_start3A_1774] : memref<2560x128xi32, #tpu.memory_space<hbm>> -> memref<16x128xi32, #tpu.memory_space<hbm>>
          %dma_start3A_1776 = arith.constant 0 : i32
          %dma_start3A_1777 = tpu.memref_slice %arg3[%add3A, %dma_start3A_1776] : memref<2560x128xi32, #tpu.memory_space<hbm>> -> memref<16x128xi32, #tpu.memory_space<hbm>>
          tpu.enqueue_dma source(%dma_start3A_1777 : memref<16x128xi32, #tpu.memory_space<hbm>>) target(%arg13 : memref<16x128xi32, #tpu.memory_space<vmem>>) target_semaphore(%run_scoped3A : memref<!tpu.dma_semaphore, #tpu.memory_space<semaphore_mem>>)
          %dma_wait3A_1778 = arith.constant 0 : i32
          %dma_wait3A_1779 = tpu.memref_slice %arg3[%add3A, %dma_wait3A_1778] : memref<2560x128xi32, #tpu.memory_space<hbm>> -> memref<16x128xi32, #tpu.memory_space<hbm>>
          %dma_wait3A_1780 = arith.constant 0 : i32
          %dma_wait3A_1781 = tpu.memref_slice %arg3[%add3A, %dma_wait3A_1780] : memref<2560x128xi32, #tpu.memory_space<hbm>> -> memref<16x128xi32, #tpu.memory_space<hbm>>
          tpu.wait_dma2 semaphore(%run_scoped3A : memref<!tpu.dma_semaphore, #tpu.memory_space<semaphore_mem>>) src(%dma_wait3A_1781 : memref<16x128xi32, #tpu.memory_space<hbm>>) dst(%arg13 : memref<16x128xi32, #tpu.memory_space<vmem>>)
          tpu.yield
        }) : () -> ()
        "tpu.region"() ({
          %run_scoped3A = tpu.sem_alloc : memref<!tpu.dma_semaphore, #tpu.memory_space<semaphore_mem>>
          %dma_start3A_1774 = arith.constant 0 : i32
          %dma_start3A_1775 = tpu.memref_slice %arg2[%add3A, %dma_start3A_1774] : memref<2560x128xi32, #tpu.memory_space<hbm>> -> memref<16x128xi32, #tpu.memory_space<hbm>>
          %dma_start3A_1776 = arith.constant 0 : i32
          %dma_start3A_1777 = tpu.memref_slice %arg2[%add3A, %dma_start3A_1776] : memref<2560x128xi32, #tpu.memory_space<hbm>> -> memref<16x128xi32, #tpu.memory_space<hbm>>
          tpu.enqueue_dma source(%dma_start3A_1777 : memref<16x128xi32, #tpu.memory_space<hbm>>) target(%arg12 : memref<16x128xi32, #tpu.memory_space<vmem>>) target_semaphore(%run_scoped3A : memref<!tpu.dma_semaphore, #tpu.memory_space<semaphore_mem>>)
          %dma_wait3A_1778 = arith.constant 0 : i32
          %dma_wait3A_1779 = tpu.memref_slice %arg2[%add3A, %dma_wait3A_1778] : memref<2560x128xi32, #tpu.memory_space<hbm>> -> memref<16x128xi32, #tpu.memory_space<hbm>>
          %dma_wait3A_1780 = arith.constant 0 : i32
          %dma_wait3A_1781 = tpu.memref_slice %arg2[%add3A, %dma_wait3A_1780] : memref<2560x128xi32, #tpu.memory_space<hbm>> -> memref<16x128xi32, #tpu.memory_space<hbm>>
          tpu.wait_dma2 semaphore(%run_scoped3A : memref<!tpu.dma_semaphore, #tpu.memory_space<semaphore_mem>>) src(%dma_wait3A_1781 : memref<16x128xi32, #tpu.memory_space<hbm>>) dst(%arg12 : memref<16x128xi32, #tpu.memory_space<vmem>>)
          tpu.yield
        }) : () -> ()
        %dma_start3A = arith.constant 0 : i32
        %dma_start3A_50 = arith.constant 0 : i32
        %dma_start3A_51 = tpu.memref_slice %arg12[%dma_start3A, %dma_start3A_50] : memref<16x128xi32, #tpu.memory_space<vmem>> -> memref<1x128xi32, #tpu.memory_space<vmem>>
        %dma_start3A_52 = tpu.memref_squeeze %dma_start3A_51 : memref<1x128xi32, #tpu.memory_space<vmem>> -> memref<128xi32, #tpu.memory_space<vmem>>
        %dma_start3A_53 = arith.constant 0 : i32
        %dma_start3A_54 = arith.constant 0 : i32
        %dma_start3A_55 = tpu.memref_slice %arg5[%dma_start3A_53, %dma_start3A_54] : memref<10240x128xf32, #tpu.memory_space<hbm>> -> memref<10240x128xf32, #tpu.memory_space<hbm>>
        tpu.enqueue_indirect_dma source(%dma_start3A_55 : memref<10240x128xf32, #tpu.memory_space<hbm>>) target(%arg14 : memref<128x128xf32, #tpu.memory_space<vmem>>) offsets(%dma_start3A_52 : memref<128xi32, #tpu.memory_space<vmem>>) semaphore(%arg18 : memref<!tpu.dma_semaphore, #tpu.memory_space<semaphore_mem>>)
        %dma_start3A_56 = arith.constant 1 : i32
        %dma_start3A_57 = arith.constant 0 : i32
        %dma_start3A_58 = tpu.memref_slice %arg12[%dma_start3A_56, %dma_start3A_57] : memref<16x128xi32, #tpu.memory_space<vmem>> -> memref<1x128xi32, #tpu.memory_space<vmem>>
        %dma_start3A_59 = tpu.memref_squeeze %dma_start3A_58 : memref<1x128xi32, #tpu.memory_space<vmem>> -> memref<128xi32, #tpu.memory_space<vmem>>
        %dma_start3A_60 = arith.constant 0 : i32
        %dma_start3A_61 = arith.constant 0 : i32
        %dma_start3A_62 = tpu.memref_slice %arg5[%dma_start3A_60, %dma_start3A_61] : memref<10240x128xf32, #tpu.memory_space<hbm>> -> memref<10240x128xf32, #tpu.memory_space<hbm>>
        tpu.enqueue_indirect_dma source(%dma_start3A_62 : memref<10240x128xf32, #tpu.memory_space<hbm>>) target(%arg15 : memref<128x128xf32, #tpu.memory_space<vmem>>) offsets(%dma_start3A_59 : memref<128xi32, #tpu.memory_space<vmem>>) semaphore(%arg19 : memref<!tpu.dma_semaphore, #tpu.memory_space<semaphore_mem>>)
        %dma_wait3A = arith.constant 0 : i32
        %dma_wait3A_63 = arith.constant 0 : i32
        %dma_wait3A_64 = tpu.memref_slice %arg12[%dma_wait3A, %dma_wait3A_63] : memref<16x128xi32, #tpu.memory_space<vmem>> -> memref<1x128xi32, #tpu.memory_space<vmem>>
        %dma_wait3A_65 = tpu.memref_squeeze %dma_wait3A_64 : memref<1x128xi32, #tpu.memory_space<vmem>> -> memref<128xi32, #tpu.memory_space<vmem>>
        %dma_wait3A_66 = arith.constant 0 : i32
        %dma_wait3A_67 = arith.constant 0 : i32
        %dma_wait3A_68 = tpu.memref_slice %arg5[%dma_wait3A_66, %dma_wait3A_67] : memref<10240x128xf32, #tpu.memory_space<hbm>> -> memref<10240x128xf32, #tpu.memory_space<hbm>>
        tpu.wait_indirect_dma semaphore(%arg18 : memref<!tpu.dma_semaphore, #tpu.memory_space<semaphore_mem>>) src(%dma_wait3A_68 : memref<10240x128xf32, #tpu.memory_space<hbm>>) dst(%arg14 : memref<128x128xf32, #tpu.memory_space<vmem>>)
        %dma_start3A_69 = arith.constant 0 : i32
        %dma_start3A_70 = arith.constant 0 : i32
        %dma_start3A_71 = tpu.memref_slice %arg13[%dma_start3A_69, %dma_start3A_70] : memref<16x128xi32, #tpu.memory_space<vmem>> -> memref<1x128xi32, #tpu.memory_space<vmem>>
        %dma_start3A_72 = tpu.memref_squeeze %dma_start3A_71 : memref<1x128xi32, #tpu.memory_space<vmem>> -> memref<128xi32, #tpu.memory_space<vmem>>
        %dma_start3A_73 = arith.constant 0 : i32
        %dma_start3A_74 = arith.constant 0 : i32
        %dma_start3A_75 = tpu.memref_slice %arg17[%dma_start3A_73, %dma_start3A_74] : memref<10240x128xf32, #tpu.memory_space<vmem_shared>> -> memref<10240x128xf32, #tpu.memory_space<vmem_shared>>
        tpu.enqueue_indirect_dma source(%arg14 : memref<128x128xf32, #tpu.memory_space<vmem>>) target(%dma_start3A_75 : memref<10240x128xf32, #tpu.memory_space<vmem_shared>>) offsets(%dma_start3A_72 : memref<128xi32, #tpu.memory_space<vmem>>) semaphore(%arg20 : memref<!tpu.dma_semaphore, #tpu.memory_space<semaphore_mem>>) {add = true}
        %get3A = arith.constant 0 : i32
        %get3A_76 = arith.index_cast %get3A : i32 to index
        %get3A_77 = arith.constant 0 : index
        %get3A_78 = tpu.vector_load %arg13[%get3A_76, %get3A_77] {strides = array<i32>} : memref<16x128xi32, #tpu.memory_space<vmem>>, vector<16xi32>,
        %shift_right_logical3A = arith.constant 7 : i32
        %shift_right_logical3A_79 = vector.broadcast %shift_right_logical3A : i32 to vector<16xi32>
        %shift_right_logical3A_80 = arith.shrui %get3A_78, %shift_right_logical3A_79 : vector<16xi32>
        %and3A = arith.constant 127 : i32
        %and3A_81 = vector.broadcast %and3A : i32 to vector<16xi32>
        %and3A_82 = arith.andi %get3A_78, %and3A_81 : vector<16xi32>
        tpu.vector_store_idx %arg16[%shift_right_logical3A_80, %and3A_82], %broadcast_in_dim3A_8 {add = true} : memref<80x128xf32, #tpu.memory_space<vmem>>[vector<16xi32>, vector<16xi32>], vector<16xf32>,
        %get3A_83 = arith.constant 0 : i32
        %get3A_84 = arith.index_cast %get3A_83 : i32 to index
        %get3A_85 = arith.constant 16 : index
        %get3A_86 = tpu.vector_load %arg13[%get3A_84, %get3A_85] {strides = array<i32>} : memref<16x128xi32, #tpu.memory_space<vmem>>, vector<16xi32>,
        %shift_right_logical3A_87 = arith.constant 7 : i32
        %shift_right_logical3A_88 = vector.broadcast %shift_right_logical3A_87 : i32 to vector<16xi32>
        %shift_right_logical3A_89 = arith.shrui %get3A_86, %shift_right_logical3A_88 : vector<16xi32>
        %and3A_90 = arith.constant 127 : i32
        %and3A_91 = vector.broadcast %and3A_90 : i32 to vector<16xi32>
        %and3A_92 = arith.andi %get3A_86, %and3A_91 : vector<16xi32>
        tpu.vector_store_idx %arg16[%shift_right_logical3A_89, %and3A_92], %broadcast_in_dim3A_8 {add = true} : memref<80x128xf32, #tpu.memory_space<vmem>>[vector<16xi32>, vector<16xi32>], vector<16xf32>,
        %get3A_93 = arith.constant 0 : i32
        %get3A_94 = arith.index_cast %get3A_93 : i32 to index
        %get3A_95 = arith.constant 32 : index
        %get3A_96 = tpu.vector_load %arg13[%get3A_94, %get3A_95] {strides = array<i32>} : memref<16x128xi32, #tpu.memory_space<vmem>>, vector<16xi32>,
        %shift_right_logical3A_97 = arith.constant 7 : i32
        %shift_right_logical3A_98 = vector.broadcast %shift_right_logical3A_97 : i32 to vector<16xi32>
        %shift_right_logical3A_99 = arith.shrui %get3A_96, %shift_right_logical3A_98 : vector<16xi32>
        %and3A_100 = arith.constant 127 : i32
        %and3A_101 = vector.broadcast %and3A_100 : i32 to vector<16xi32>
        %and3A_102 = arith.andi %get3A_96, %and3A_101 : vector<16xi32>
        tpu.vector_store_idx %arg16[%shift_right_logical3A_99, %and3A_102], %broadcast_in_dim3A_8 {add = true} : memref<80x128xf32, #tpu.memory_space<vmem>>[vector<16xi32>, vector<16xi32>], vector<16xf32>,
        %get3A_103 = arith.constant 0 : i32
        %get3A_104 = arith.index_cast %get3A_103 : i32 to index
        %get3A_105 = arith.constant 48 : index
        %get3A_106 = tpu.vector_load %arg13[%get3A_104, %get3A_105] {strides = array<i32>} : memref<16x128xi32, #tpu.memory_space<vmem>>, vector<16xi32>,
        %shift_right_logical3A_107 = arith.constant 7 : i32
        %shift_right_logical3A_108 = vector.broadcast %shift_right_logical3A_107 : i32 to vector<16xi32>
        %shift_right_logical3A_109 = arith.shrui %get3A_106, %shift_right_logical3A_108 : vector<16xi32>
        %and3A_110 = arith.constant 127 : i32
        %and3A_111 = vector.broadcast %and3A_110 : i32 to vector<16xi32>
        %and3A_112 = arith.andi %get3A_106, %and3A_111 : vector<16xi32>
        tpu.vector_store_idx %arg16[%shift_right_logical3A_109, %and3A_112], %broadcast_in_dim3A_8 {add = true} : memref<80x128xf32, #tpu.memory_space<vmem>>[vector<16xi32>, vector<16xi32>], vector<16xf32>,
        %get3A_113 = arith.constant 0 : i32
        %get3A_114 = arith.index_cast %get3A_113 : i32 to index
        %get3A_115 = arith.constant 64 : index
        %get3A_116 = tpu.vector_load %arg13[%get3A_114, %get3A_115] {strides = array<i32>} : memref<16x128xi32, #tpu.memory_space<vmem>>, vector<16xi32>,
        %shift_right_logical3A_117 = arith.constant 7 : i32
        %shift_right_logical3A_118 = vector.broadcast %shift_right_logical3A_117 : i32 to vector<16xi32>
        %shift_right_logical3A_119 = arith.shrui %get3A_116, %shift_right_logical3A_118 : vector<16xi32>
        %and3A_120 = arith.constant 127 : i32
        %and3A_121 = vector.broadcast %and3A_120 : i32 to vector<16xi32>
        %and3A_122 = arith.andi %get3A_116, %and3A_121 : vector<16xi32>
        tpu.vector_store_idx %arg16[%shift_right_logical3A_119, %and3A_122], %broadcast_in_dim3A_8 {add = true} : memref<80x128xf32, #tpu.memory_space<vmem>>[vector<16xi32>, vector<16xi32>], vector<16xf32>,
        %get3A_123 = arith.constant 0 : i32
        %get3A_124 = arith.index_cast %get3A_123 : i32 to index
        %get3A_125 = arith.constant 80 : index
        %get3A_126 = tpu.vector_load %arg13[%get3A_124, %get3A_125] {strides = array<i32>} : memref<16x128xi32, #tpu.memory_space<vmem>>, vector<16xi32>,
        %shift_right_logical3A_127 = arith.constant 7 : i32
        %shift_right_logical3A_128 = vector.broadcast %shift_right_logical3A_127 : i32 to vector<16xi32>
        %shift_right_logical3A_129 = arith.shrui %get3A_126, %shift_right_logical3A_128 : vector<16xi32>
        %and3A_130 = arith.constant 127 : i32
        %and3A_131 = vector.broadcast %and3A_130 : i32 to vector<16xi32>
        %and3A_132 = arith.andi %get3A_126, %and3A_131 : vector<16xi32>
        tpu.vector_store_idx %arg16[%shift_right_logical3A_129, %and3A_132], %broadcast_in_dim3A_8 {add = true} : memref<80x128xf32, #tpu.memory_space<vmem>>[vector<16xi32>, vector<16xi32>], vector<16xf32>,
        %get3A_133 = arith.constant 0 : i32
        %get3A_134 = arith.index_cast %get3A_133 : i32 to index
        %get3A_135 = arith.constant 96 : index
        %get3A_136 = tpu.vector_load %arg13[%get3A_134, %get3A_135] {strides = array<i32>} : memref<16x128xi32, #tpu.memory_space<vmem>>, vector<16xi32>,
        %shift_right_logical3A_137 = arith.constant 7 : i32
        %shift_right_logical3A_138 = vector.broadcast %shift_right_logical3A_137 : i32 to vector<16xi32>
        %shift_right_logical3A_139 = arith.shrui %get3A_136, %shift_right_logical3A_138 : vector<16xi32>
        %and3A_140 = arith.constant 127 : i32
        %and3A_141 = vector.broadcast %and3A_140 : i32 to vector<16xi32>
        %and3A_142 = arith.andi %get3A_136, %and3A_141 : vector<16xi32>
        tpu.vector_store_idx %arg16[%shift_right_logical3A_139, %and3A_142], %broadcast_in_dim3A_8 {add = true} : memref<80x128xf32, #tpu.memory_space<vmem>>[vector<16xi32>, vector<16xi32>], vector<16xf32>,
        %get3A_143 = arith.constant 0 : i32
        %get3A_144 = arith.index_cast %get3A_143 : i32 to index
        %get3A_145 = arith.constant 112 : index
        %get3A_146 = tpu.vector_load %arg13[%get3A_144, %get3A_145] {strides = array<i32>} : memref<16x128xi32, #tpu.memory_space<vmem>>, vector<16xi32>,
        %shift_right_logical3A_147 = arith.constant 7 : i32
        %shift_right_logical3A_148 = vector.broadcast %shift_right_logical3A_147 : i32 to vector<16xi32>
        %shift_right_logical3A_149 = arith.shrui %get3A_146, %shift_right_logical3A_148 : vector<16xi32>
        %and3A_150 = arith.constant 127 : i32
        %and3A_151 = vector.broadcast %and3A_150 : i32 to vector<16xi32>
        %and3A_152 = arith.andi %get3A_146, %and3A_151 : vector<16xi32>
        tpu.vector_store_idx %arg16[%shift_right_logical3A_149, %and3A_152], %broadcast_in_dim3A_8 {add = true} : memref<80x128xf32, #tpu.memory_space<vmem>>[vector<16xi32>, vector<16xi32>], vector<16xf32>,
        %dma_wait3A_153 = arith.constant 0 : i32
        %dma_wait3A_154 = arith.constant 0 : i32
        %dma_wait3A_155 = tpu.memref_slice %arg13[%dma_wait3A_153, %dma_wait3A_154] : memref<16x128xi32, #tpu.memory_space<vmem>> -> memref<1x128xi32, #tpu.memory_space<vmem>>
        %dma_wait3A_156 = tpu.memref_squeeze %dma_wait3A_155 : memref<1x128xi32, #tpu.memory_space<vmem>> -> memref<128xi32, #tpu.memory_space<vmem>>
        %dma_wait3A_157 = arith.constant 0 : i32
        %dma_wait3A_158 = arith.constant 0 : i32
        %dma_wait3A_159 = tpu.memref_slice %arg17[%dma_wait3A_157, %dma_wait3A_158] : memref<10240x128xf32, #tpu.memory_space<vmem_shared>> -> memref<10240x128xf32, #tpu.memory_space<vmem_shared>>
        tpu.wait_indirect_dma semaphore(%arg20 : memref<!tpu.dma_semaphore, #tpu.memory_space<semaphore_mem>>) src(%arg14 : memref<128x128xf32, #tpu.memory_space<vmem>>) dst(%dma_wait3A_159 : memref<10240x128xf32, #tpu.memory_space<vmem_shared>>)
        %dma_start3A_160 = arith.constant 2 : i32
        %dma_start3A_161 = arith.constant 0 : i32
        %dma_start3A_162 = tpu.memref_slice %arg12[%dma_start3A_160, %dma_start3A_161] : memref<16x128xi32, #tpu.memory_space<vmem>> -> memref<1x128xi32, #tpu.memory_space<vmem>>
        %dma_start3A_163 = tpu.memref_squeeze %dma_start3A_162 : memref<1x128xi32, #tpu.memory_space<vmem>> -> memref<128xi32, #tpu.memory_space<vmem>>
        %dma_start3A_164 = arith.constant 0 : i32
        %dma_start3A_165 = arith.constant 0 : i32
        %dma_start3A_166 = tpu.memref_slice %arg5[%dma_start3A_164, %dma_start3A_165] : memref<10240x128xf32, #tpu.memory_space<hbm>> -> memref<10240x128xf32, #tpu.memory_space<hbm>>
        tpu.enqueue_indirect_dma source(%dma_start3A_166 : memref<10240x128xf32, #tpu.memory_space<hbm>>) target(%arg14 : memref<128x128xf32, #tpu.memory_space<vmem>>) offsets(%dma_start3A_163 : memref<128xi32, #tpu.memory_space<vmem>>) semaphore(%arg18 : memref<!tpu.dma_semaphore, #tpu.memory_space<semaphore_mem>>)
        %dma_wait3A_167 = arith.constant 1 : i32
        %dma_wait3A_168 = arith.constant 0 : i32
        %dma_wait3A_169 = tpu.memref_slice %arg12[%dma_wait3A_167, %dma_wait3A_168] : memref<16x128xi32, #tpu.memory_space<vmem>> -> memref<1x128xi32, #tpu.memory_space<vmem>>
        %dma_wait3A_170 = tpu.memref_squeeze %dma_wait3A_169 : memref<1x128xi32, #tpu.memory_space<vmem>> -> memref<128xi32, #tpu.memory_space<vmem>>
        %dma_wait3A_171 = arith.constant 0 : i32
        %dma_wait3A_172 = arith.constant 0 : i32
        %dma_wait3A_173 = tpu.memref_slice %arg5[%dma_wait3A_171, %dma_wait3A_172] : memref<10240x128xf32, #tpu.memory_space<hbm>> -> memref<10240x128xf32, #tpu.memory_space<hbm>>
        tpu.wait_indirect_dma semaphore(%arg19 : memref<!tpu.dma_semaphore, #tpu.memory_space<semaphore_mem>>) src(%dma_wait3A_173 : memref<10240x128xf32, #tpu.memory_space<hbm>>) dst(%arg15 : memref<128x128xf32, #tpu.memory_space<vmem>>)
        %dma_start3A_174 = arith.constant 1 : i32
        %dma_start3A_175 = arith.constant 0 : i32
        %dma_start3A_176 = tpu.memref_slice %arg13[%dma_start3A_174, %dma_start3A_175] : memref<16x128xi32, #tpu.memory_space<vmem>> -> memref<1x128xi32, #tpu.memory_space<vmem>>
        %dma_start3A_177 = tpu.memref_squeeze %dma_start3A_176 : memref<1x128xi32, #tpu.memory_space<vmem>> -> memref<128xi32, #tpu.memory_space<vmem>>
        %dma_start3A_178 = arith.constant 0 : i32
        %dma_start3A_179 = arith.constant 0 : i32
        %dma_start3A_180 = tpu.memref_slice %arg17[%dma_start3A_178, %dma_start3A_179] : memref<10240x128xf32, #tpu.memory_space<vmem_shared>> -> memref<10240x128xf32, #tpu.memory_space<vmem_shared>>
        tpu.enqueue_indirect_dma source(%arg15 : memref<128x128xf32, #tpu.memory_space<vmem>>) target(%dma_start3A_180 : memref<10240x128xf32, #tpu.memory_space<vmem_shared>>) offsets(%dma_start3A_177 : memref<128xi32, #tpu.memory_space<vmem>>) semaphore(%arg21 : memref<!tpu.dma_semaphore, #tpu.memory_space<semaphore_mem>>) {add = true}
        %get3A_181 = arith.constant 1 : i32
        %get3A_182 = arith.index_cast %get3A_181 : i32 to index
        %get3A_183 = arith.constant 0 : index
        %get3A_184 = tpu.vector_load %arg13[%get3A_182, %get3A_183] {strides = array<i32>} : memref<16x128xi32, #tpu.memory_space<vmem>>, vector<16xi32>,
        %shift_right_logical3A_185 = arith.constant 7 : i32
        %shift_right_logical3A_186 = vector.broadcast %shift_right_logical3A_185 : i32 to vector<16xi32>
        %shift_right_logical3A_187 = arith.shrui %get3A_184, %shift_right_logical3A_186 : vector<16xi32>
        %and3A_188 = arith.constant 127 : i32
        %and3A_189 = vector.broadcast %and3A_188 : i32 to vector<16xi32>
        %and3A_190 = arith.andi %get3A_184, %and3A_189 : vector<16xi32>
        tpu.vector_store_idx %arg16[%shift_right_logical3A_187, %and3A_190], %broadcast_in_dim3A_8 {add = true} : memref<80x128xf32, #tpu.memory_space<vmem>>[vector<16xi32>, vector<16xi32>], vector<16xf32>,
        %get3A_191 = arith.constant 1 : i32
        %get3A_192 = arith.index_cast %get3A_191 : i32 to index
        %get3A_193 = arith.constant 16 : index
        %get3A_194 = tpu.vector_load %arg13[%get3A_192, %get3A_193] {strides = array<i32>} : memref<16x128xi32, #tpu.memory_space<vmem>>, vector<16xi32>,
        %shift_right_logical3A_195 = arith.constant 7 : i32
        %shift_right_logical3A_196 = vector.broadcast %shift_right_logical3A_195 : i32 to vector<16xi32>
        %shift_right_logical3A_197 = arith.shrui %get3A_194, %shift_right_logical3A_196 : vector<16xi32>
        %and3A_198 = arith.constant 127 : i32
        %and3A_199 = vector.broadcast %and3A_198 : i32 to vector<16xi32>
        %and3A_200 = arith.andi %get3A_194, %and3A_199 : vector<16xi32>
        tpu.vector_store_idx %arg16[%shift_right_logical3A_197, %and3A_200], %broadcast_in_dim3A_8 {add = true} : memref<80x128xf32, #tpu.memory_space<vmem>>[vector<16xi32>, vector<16xi32>], vector<16xf32>,
        %get3A_201 = arith.constant 1 : i32
        %get3A_202 = arith.index_cast %get3A_201 : i32 to index
        %get3A_203 = arith.constant 32 : index
        %get3A_204 = tpu.vector_load %arg13[%get3A_202, %get3A_203] {strides = array<i32>} : memref<16x128xi32, #tpu.memory_space<vmem>>, vector<16xi32>,
        %shift_right_logical3A_205 = arith.constant 7 : i32
        %shift_right_logical3A_206 = vector.broadcast %shift_right_logical3A_205 : i32 to vector<16xi32>
        %shift_right_logical3A_207 = arith.shrui %get3A_204, %shift_right_logical3A_206 : vector<16xi32>
        %and3A_208 = arith.constant 127 : i32
        %and3A_209 = vector.broadcast %and3A_208 : i32 to vector<16xi32>
        %and3A_210 = arith.andi %get3A_204, %and3A_209 : vector<16xi32>
        tpu.vector_store_idx %arg16[%shift_right_logical3A_207, %and3A_210], %broadcast_in_dim3A_8 {add = true} : memref<80x128xf32, #tpu.memory_space<vmem>>[vector<16xi32>, vector<16xi32>], vector<16xf32>,
        %get3A_211 = arith.constant 1 : i32
        %get3A_212 = arith.index_cast %get3A_211 : i32 to index
        %get3A_213 = arith.constant 48 : index
        %get3A_214 = tpu.vector_load %arg13[%get3A_212, %get3A_213] {strides = array<i32>} : memref<16x128xi32, #tpu.memory_space<vmem>>, vector<16xi32>,
        %shift_right_logical3A_215 = arith.constant 7 : i32
        %shift_right_logical3A_216 = vector.broadcast %shift_right_logical3A_215 : i32 to vector<16xi32>
        %shift_right_logical3A_217 = arith.shrui %get3A_214, %shift_right_logical3A_216 : vector<16xi32>
        %and3A_218 = arith.constant 127 : i32
        %and3A_219 = vector.broadcast %and3A_218 : i32 to vector<16xi32>
        %and3A_220 = arith.andi %get3A_214, %and3A_219 : vector<16xi32>
        tpu.vector_store_idx %arg16[%shift_right_logical3A_217, %and3A_220], %broadcast_in_dim3A_8 {add = true} : memref<80x128xf32, #tpu.memory_space<vmem>>[vector<16xi32>, vector<16xi32>], vector<16xf32>,
        %get3A_221 = arith.constant 1 : i32
        %get3A_222 = arith.index_cast %get3A_221 : i32 to index
        %get3A_223 = arith.constant 64 : index
        %get3A_224 = tpu.vector_load %arg13[%get3A_222, %get3A_223] {strides = array<i32>} : memref<16x128xi32, #tpu.memory_space<vmem>>, vector<16xi32>,
        %shift_right_logical3A_225 = arith.constant 7 : i32
        %shift_right_logical3A_226 = vector.broadcast %shift_right_logical3A_225 : i32 to vector<16xi32>
        %shift_right_logical3A_227 = arith.shrui %get3A_224, %shift_right_logical3A_226 : vector<16xi32>
        %and3A_228 = arith.constant 127 : i32
        %and3A_229 = vector.broadcast %and3A_228 : i32 to vector<16xi32>
        %and3A_230 = arith.andi %get3A_224, %and3A_229 : vector<16xi32>
        tpu.vector_store_idx %arg16[%shift_right_logical3A_227, %and3A_230], %broadcast_in_dim3A_8 {add = true} : memref<80x128xf32, #tpu.memory_space<vmem>>[vector<16xi32>, vector<16xi32>], vector<16xf32>,
        %get3A_231 = arith.constant 1 : i32
        %get3A_232 = arith.index_cast %get3A_231 : i32 to index
        %get3A_233 = arith.constant 80 : index
        %get3A_234 = tpu.vector_load %arg13[%get3A_232, %get3A_233] {strides = array<i32>} : memref<16x128xi32, #tpu.memory_space<vmem>>, vector<16xi32>,
        %shift_right_logical3A_235 = arith.constant 7 : i32
        %shift_right_logical3A_236 = vector.broadcast %shift_right_logical3A_235 : i32 to vector<16xi32>
        %shift_right_logical3A_237 = arith.shrui %get3A_234, %shift_right_logical3A_236 : vector<16xi32>
        %and3A_238 = arith.constant 127 : i32
        %and3A_239 = vector.broadcast %and3A_238 : i32 to vector<16xi32>
        %and3A_240 = arith.andi %get3A_234, %and3A_239 : vector<16xi32>
        tpu.vector_store_idx %arg16[%shift_right_logical3A_237, %and3A_240], %broadcast_in_dim3A_8 {add = true} : memref<80x128xf32, #tpu.memory_space<vmem>>[vector<16xi32>, vector<16xi32>], vector<16xf32>,
        %get3A_241 = arith.constant 1 : i32
        %get3A_242 = arith.index_cast %get3A_241 : i32 to index
        %get3A_243 = arith.constant 96 : index
        %get3A_244 = tpu.vector_load %arg13[%get3A_242, %get3A_243] {strides = array<i32>} : memref<16x128xi32, #tpu.memory_space<vmem>>, vector<16xi32>,
        %shift_right_logical3A_245 = arith.constant 7 : i32
        %shift_right_logical3A_246 = vector.broadcast %shift_right_logical3A_245 : i32 to vector<16xi32>
        %shift_right_logical3A_247 = arith.shrui %get3A_244, %shift_right_logical3A_246 : vector<16xi32>
        %and3A_248 = arith.constant 127 : i32
        %and3A_249 = vector.broadcast %and3A_248 : i32 to vector<16xi32>
        %and3A_250 = arith.andi %get3A_244, %and3A_249 : vector<16xi32>
        tpu.vector_store_idx %arg16[%shift_right_logical3A_247, %and3A_250], %broadcast_in_dim3A_8 {add = true} : memref<80x128xf32, #tpu.memory_space<vmem>>[vector<16xi32>, vector<16xi32>], vector<16xf32>,
        %get3A_251 = arith.constant 1 : i32
        %get3A_252 = arith.index_cast %get3A_251 : i32 to index
        %get3A_253 = arith.constant 112 : index
        %get3A_254 = tpu.vector_load %arg13[%get3A_252, %get3A_253] {strides = array<i32>} : memref<16x128xi32, #tpu.memory_space<vmem>>, vector<16xi32>,
        %shift_right_logical3A_255 = arith.constant 7 : i32
        %shift_right_logical3A_256 = vector.broadcast %shift_right_logical3A_255 : i32 to vector<16xi32>
        %shift_right_logical3A_257 = arith.shrui %get3A_254, %shift_right_logical3A_256 : vector<16xi32>
        %and3A_258 = arith.constant 127 : i32
        %and3A_259 = vector.broadcast %and3A_258 : i32 to vector<16xi32>
        %and3A_260 = arith.andi %get3A_254, %and3A_259 : vector<16xi32>
        tpu.vector_store_idx %arg16[%shift_right_logical3A_257, %and3A_260], %broadcast_in_dim3A_8 {add = true} : memref<80x128xf32, #tpu.memory_space<vmem>>[vector<16xi32>, vector<16xi32>], vector<16xf32>,
        %dma_wait3A_261 = arith.constant 1 : i32
        %dma_wait3A_262 = arith.constant 0 : i32
        %dma_wait3A_263 = tpu.memref_slice %arg13[%dma_wait3A_261, %dma_wait3A_262] : memref<16x128xi32, #tpu.memory_space<vmem>> -> memref<1x128xi32, #tpu.memory_space<vmem>>
        %dma_wait3A_264 = tpu.memref_squeeze %dma_wait3A_263 : memref<1x128xi32, #tpu.memory_space<vmem>> -> memref<128xi32, #tpu.memory_space<vmem>>
        %dma_wait3A_265 = arith.constant 0 : i32
        %dma_wait3A_266 = arith.constant 0 : i32
        %dma_wait3A_267 = tpu.memref_slice %arg17[%dma_wait3A_265, %dma_wait3A_266] : memref<10240x128xf32, #tpu.memory_space<vmem_shared>> -> memref<10240x128xf32, #tpu.memory_space<vmem_shared>>
        tpu.wait_indirect_dma semaphore(%arg21 : memref<!tpu.dma_semaphore, #tpu.memory_space<semaphore_mem>>) src(%arg15 : memref<128x128xf32, #tpu.memory_space<vmem>>) dst(%dma_wait3A_267 : memref<10240x128xf32, #tpu.memory_space<vmem_shared>>)
        %dma_start3A_268 = arith.constant 3 : i32
        %dma_start3A_269 = arith.constant 0 : i32
        %dma_start3A_270 = tpu.memref_slice %arg12[%dma_start3A_268, %dma_start3A_269] : memref<16x128xi32, #tpu.memory_space<vmem>> -> memref<1x128xi32, #tpu.memory_space<vmem>>
        %dma_start3A_271 = tpu.memref_squeeze %dma_start3A_270 : memref<1x128xi32, #tpu.memory_space<vmem>> -> memref<128xi32, #tpu.memory_space<vmem>>
        %dma_start3A_272 = arith.constant 0 : i32
        %dma_start3A_273 = arith.constant 0 : i32
        %dma_start3A_274 = tpu.memref_slice %arg5[%dma_start3A_272, %dma_start3A_273] : memref<10240x128xf32, #tpu.memory_space<hbm>> -> memref<10240x128xf32, #tpu.memory_space<hbm>>
        tpu.enqueue_indirect_dma source(%dma_start3A_274 : memref<10240x128xf32, #tpu.memory_space<hbm>>) target(%arg15 : memref<128x128xf32, #tpu.memory_space<vmem>>) offsets(%dma_start3A_271 : memref<128xi32, #tpu.memory_space<vmem>>) semaphore(%arg19 : memref<!tpu.dma_semaphore, #tpu.memory_space<semaphore_mem>>)
        %dma_wait3A_275 = arith.constant 2 : i32
        %dma_wait3A_276 = arith.constant 0 : i32
        %dma_wait3A_277 = tpu.memref_slice %arg12[%dma_wait3A_275, %dma_wait3A_276] : memref<16x128xi32, #tpu.memory_space<vmem>> -> memref<1x128xi32, #tpu.memory_space<vmem>>
        %dma_wait3A_278 = tpu.memref_squeeze %dma_wait3A_277 : memref<1x128xi32, #tpu.memory_space<vmem>> -> memref<128xi32, #tpu.memory_space<vmem>>
        %dma_wait3A_279 = arith.constant 0 : i32
        %dma_wait3A_280 = arith.constant 0 : i32
        %dma_wait3A_281 = tpu.memref_slice %arg5[%dma_wait3A_279, %dma_wait3A_280] : memref<10240x128xf32, #tpu.memory_space<hbm>> -> memref<10240x128xf32, #tpu.memory_space<hbm>>
        tpu.wait_indirect_dma semaphore(%arg18 : memref<!tpu.dma_semaphore, #tpu.memory_space<semaphore_mem>>) src(%dma_wait3A_281 : memref<10240x128xf32, #tpu.memory_space<hbm>>) dst(%arg14 : memref<128x128xf32, #tpu.memory_space<vmem>>)
        %dma_start3A_282 = arith.constant 2 : i32
        %dma_start3A_283 = arith.constant 0 : i32
        %dma_start3A_284 = tpu.memref_slice %arg13[%dma_start3A_282, %dma_start3A_283] : memref<16x128xi32, #tpu.memory_space<vmem>> -> memref<1x128xi32, #tpu.memory_space<vmem>>
        %dma_start3A_285 = tpu.memref_squeeze %dma_start3A_284 : memref<1x128xi32, #tpu.memory_space<vmem>> -> memref<128xi32, #tpu.memory_space<vmem>>
        %dma_start3A_286 = arith.constant 0 : i32
        %dma_start3A_287 = arith.constant 0 : i32
        %dma_start3A_288 = tpu.memref_slice %arg17[%dma_start3A_286, %dma_start3A_287] : memref<10240x128xf32, #tpu.memory_space<vmem_shared>> -> memref<10240x128xf32, #tpu.memory_space<vmem_shared>>
        tpu.enqueue_indirect_dma source(%arg14 : memref<128x128xf32, #tpu.memory_space<vmem>>) target(%dma_start3A_288 : memref<10240x128xf32, #tpu.memory_space<vmem_shared>>) offsets(%dma_start3A_285 : memref<128xi32, #tpu.memory_space<vmem>>) semaphore(%arg20 : memref<!tpu.dma_semaphore, #tpu.memory_space<semaphore_mem>>) {add = true}
        %get3A_289 = arith.constant 2 : i32
        %get3A_290 = arith.index_cast %get3A_289 : i32 to index
        %get3A_291 = arith.constant 0 : index
        %get3A_292 = tpu.vector_load %arg13[%get3A_290, %get3A_291] {strides = array<i32>} : memref<16x128xi32, #tpu.memory_space<vmem>>, vector<16xi32>,
        %shift_right_logical3A_293 = arith.constant 7 : i32
        %shift_right_logical3A_294 = vector.broadcast %shift_right_logical3A_293 : i32 to vector<16xi32>
        %shift_right_logical3A_295 = arith.shrui %get3A_292, %shift_right_logical3A_294 : vector<16xi32>
        %and3A_296 = arith.constant 127 : i32
        %and3A_297 = vector.broadcast %and3A_296 : i32 to vector<16xi32>
        %and3A_298 = arith.andi %get3A_292, %and3A_297 : vector<16xi32>
        tpu.vector_store_idx %arg16[%shift_right_logical3A_295, %and3A_298], %broadcast_in_dim3A_8 {add = true} : memref<80x128xf32, #tpu.memory_space<vmem>>[vector<16xi32>, vector<16xi32>], vector<16xf32>,
        %get3A_299 = arith.constant 2 : i32
        %get3A_300 = arith.index_cast %get3A_299 : i32 to index
        %get3A_301 = arith.constant 16 : index
        %get3A_302 = tpu.vector_load %arg13[%get3A_300, %get3A_301] {strides = array<i32>} : memref<16x128xi32, #tpu.memory_space<vmem>>, vector<16xi32>,
        %shift_right_logical3A_303 = arith.constant 7 : i32
        %shift_right_logical3A_304 = vector.broadcast %shift_right_logical3A_303 : i32 to vector<16xi32>
        %shift_right_logical3A_305 = arith.shrui %get3A_302, %shift_right_logical3A_304 : vector<16xi32>
        %and3A_306 = arith.constant 127 : i32
        %and3A_307 = vector.broadcast %and3A_306 : i32 to vector<16xi32>
        %and3A_308 = arith.andi %get3A_302, %and3A_307 : vector<16xi32>
        tpu.vector_store_idx %arg16[%shift_right_logical3A_305, %and3A_308], %broadcast_in_dim3A_8 {add = true} : memref<80x128xf32, #tpu.memory_space<vmem>>[vector<16xi32>, vector<16xi32>], vector<16xf32>,
        %get3A_309 = arith.constant 2 : i32
        %get3A_310 = arith.index_cast %get3A_309 : i32 to index
        %get3A_311 = arith.constant 32 : index
        %get3A_312 = tpu.vector_load %arg13[%get3A_310, %get3A_311] {strides = array<i32>} : memref<16x128xi32, #tpu.memory_space<vmem>>, vector<16xi32>,
        %shift_right_logical3A_313 = arith.constant 7 : i32
        %shift_right_logical3A_314 = vector.broadcast %shift_right_logical3A_313 : i32 to vector<16xi32>
        %shift_right_logical3A_315 = arith.shrui %get3A_312, %shift_right_logical3A_314 : vector<16xi32>
        %and3A_316 = arith.constant 127 : i32
        %and3A_317 = vector.broadcast %and3A_316 : i32 to vector<16xi32>
        %and3A_318 = arith.andi %get3A_312, %and3A_317 : vector<16xi32>
        tpu.vector_store_idx %arg16[%shift_right_logical3A_315, %and3A_318], %broadcast_in_dim3A_8 {add = true} : memref<80x128xf32, #tpu.memory_space<vmem>>[vector<16xi32>, vector<16xi32>], vector<16xf32>,
        %get3A_319 = arith.constant 2 : i32
        %get3A_320 = arith.index_cast %get3A_319 : i32 to index
        %get3A_321 = arith.constant 48 : index
        %get3A_322 = tpu.vector_load %arg13[%get3A_320, %get3A_321] {strides = array<i32>} : memref<16x128xi32, #tpu.memory_space<vmem>>, vector<16xi32>,
        %shift_right_logical3A_323 = arith.constant 7 : i32
        %shift_right_logical3A_324 = vector.broadcast %shift_right_logical3A_323 : i32 to vector<16xi32>
        %shift_right_logical3A_325 = arith.shrui %get3A_322, %shift_right_logical3A_324 : vector<16xi32>
        %and3A_326 = arith.constant 127 : i32
        %and3A_327 = vector.broadcast %and3A_326 : i32 to vector<16xi32>
        %and3A_328 = arith.andi %get3A_322, %and3A_327 : vector<16xi32>
        tpu.vector_store_idx %arg16[%shift_right_logical3A_325, %and3A_328], %broadcast_in_dim3A_8 {add = true} : memref<80x128xf32, #tpu.memory_space<vmem>>[vector<16xi32>, vector<16xi32>], vector<16xf32>,
        %get3A_329 = arith.constant 2 : i32
        %get3A_330 = arith.index_cast %get3A_329 : i32 to index
        %get3A_331 = arith.constant 64 : index
        %get3A_332 = tpu.vector_load %arg13[%get3A_330, %get3A_331] {strides = array<i32>} : memref<16x128xi32, #tpu.memory_space<vmem>>, vector<16xi32>,
        %shift_right_logical3A_333 = arith.constant 7 : i32
        %shift_right_logical3A_334 = vector.broadcast %shift_right_logical3A_333 : i32 to vector<16xi32>
        %shift_right_logical3A_335 = arith.shrui %get3A_332, %shift_right_logical3A_334 : vector<16xi32>
        %and3A_336 = arith.constant 127 : i32
        %and3A_337 = vector.broadcast %and3A_336 : i32 to vector<16xi32>
        %and3A_338 = arith.andi %get3A_332, %and3A_337 : vector<16xi32>
        tpu.vector_store_idx %arg16[%shift_right_logical3A_335, %and3A_338], %broadcast_in_dim3A_8 {add = true} : memref<80x128xf32, #tpu.memory_space<vmem>>[vector<16xi32>, vector<16xi32>], vector<16xf32>,
        %get3A_339 = arith.constant 2 : i32
        %get3A_340 = arith.index_cast %get3A_339 : i32 to index
        %get3A_341 = arith.constant 80 : index
        %get3A_342 = tpu.vector_load %arg13[%get3A_340, %get3A_341] {strides = array<i32>} : memref<16x128xi32, #tpu.memory_space<vmem>>, vector<16xi32>,
        %shift_right_logical3A_343 = arith.constant 7 : i32
        %shift_right_logical3A_344 = vector.broadcast %shift_right_logical3A_343 : i32 to vector<16xi32>
        %shift_right_logical3A_345 = arith.shrui %get3A_342, %shift_right_logical3A_344 : vector<16xi32>
        %and3A_346 = arith.constant 127 : i32
        %and3A_347 = vector.broadcast %and3A_346 : i32 to vector<16xi32>
        %and3A_348 = arith.andi %get3A_342, %and3A_347 : vector<16xi32>
        tpu.vector_store_idx %arg16[%shift_right_logical3A_345, %and3A_348], %broadcast_in_dim3A_8 {add = true} : memref<80x128xf32, #tpu.memory_space<vmem>>[vector<16xi32>, vector<16xi32>], vector<16xf32>,
        %get3A_349 = arith.constant 2 : i32
        %get3A_350 = arith.index_cast %get3A_349 : i32 to index
        %get3A_351 = arith.constant 96 : index
        %get3A_352 = tpu.vector_load %arg13[%get3A_350, %get3A_351] {strides = array<i32>} : memref<16x128xi32, #tpu.memory_space<vmem>>, vector<16xi32>,
        %shift_right_logical3A_353 = arith.constant 7 : i32
        %shift_right_logical3A_354 = vector.broadcast %shift_right_logical3A_353 : i32 to vector<16xi32>
        %shift_right_logical3A_355 = arith.shrui %get3A_352, %shift_right_logical3A_354 : vector<16xi32>
        %and3A_356 = arith.constant 127 : i32
        %and3A_357 = vector.broadcast %and3A_356 : i32 to vector<16xi32>
        %and3A_358 = arith.andi %get3A_352, %and3A_357 : vector<16xi32>
        tpu.vector_store_idx %arg16[%shift_right_logical3A_355, %and3A_358], %broadcast_in_dim3A_8 {add = true} : memref<80x128xf32, #tpu.memory_space<vmem>>[vector<16xi32>, vector<16xi32>], vector<16xf32>,
        %get3A_359 = arith.constant 2 : i32
        %get3A_360 = arith.index_cast %get3A_359 : i32 to index
        %get3A_361 = arith.constant 112 : index
        %get3A_362 = tpu.vector_load %arg13[%get3A_360, %get3A_361] {strides = array<i32>} : memref<16x128xi32, #tpu.memory_space<vmem>>, vector<16xi32>,
        %shift_right_logical3A_363 = arith.constant 7 : i32
        %shift_right_logical3A_364 = vector.broadcast %shift_right_logical3A_363 : i32 to vector<16xi32>
        %shift_right_logical3A_365 = arith.shrui %get3A_362, %shift_right_logical3A_364 : vector<16xi32>
        %and3A_366 = arith.constant 127 : i32
        %and3A_367 = vector.broadcast %and3A_366 : i32 to vector<16xi32>
        %and3A_368 = arith.andi %get3A_362, %and3A_367 : vector<16xi32>
        tpu.vector_store_idx %arg16[%shift_right_logical3A_365, %and3A_368], %broadcast_in_dim3A_8 {add = true} : memref<80x128xf32, #tpu.memory_space<vmem>>[vector<16xi32>, vector<16xi32>], vector<16xf32>,
        %dma_wait3A_369 = arith.constant 2 : i32
        %dma_wait3A_370 = arith.constant 0 : i32
        %dma_wait3A_371 = tpu.memref_slice %arg13[%dma_wait3A_369, %dma_wait3A_370] : memref<16x128xi32, #tpu.memory_space<vmem>> -> memref<1x128xi32, #tpu.memory_space<vmem>>
        %dma_wait3A_372 = tpu.memref_squeeze %dma_wait3A_371 : memref<1x128xi32, #tpu.memory_space<vmem>> -> memref<128xi32, #tpu.memory_space<vmem>>
        %dma_wait3A_373 = arith.constant 0 : i32
        %dma_wait3A_374 = arith.constant 0 : i32
        %dma_wait3A_375 = tpu.memref_slice %arg17[%dma_wait3A_373, %dma_wait3A_374] : memref<10240x128xf32, #tpu.memory_space<vmem_shared>> -> memref<10240x128xf32, #tpu.memory_space<vmem_shared>>
        tpu.wait_indirect_dma semaphore(%arg20 : memref<!tpu.dma_semaphore, #tpu.memory_space<semaphore_mem>>) src(%arg14 : memref<128x128xf32, #tpu.memory_space<vmem>>) dst(%dma_wait3A_375 : memref<10240x128xf32, #tpu.memory_space<vmem_shared>>)
        %dma_start3A_376 = arith.constant 4 : i32
        %dma_start3A_377 = arith.constant 0 : i32
        %dma_start3A_378 = tpu.memref_slice %arg12[%dma_start3A_376, %dma_start3A_377] : memref<16x128xi32, #tpu.memory_space<vmem>> -> memref<1x128xi32, #tpu.memory_space<vmem>>
        %dma_start3A_379 = tpu.memref_squeeze %dma_start3A_378 : memref<1x128xi32, #tpu.memory_space<vmem>> -> memref<128xi32, #tpu.memory_space<vmem>>
        %dma_start3A_380 = arith.constant 0 : i32
        %dma_start3A_381 = arith.constant 0 : i32
        %dma_start3A_382 = tpu.memref_slice %arg5[%dma_start3A_380, %dma_start3A_381] : memref<10240x128xf32, #tpu.memory_space<hbm>> -> memref<10240x128xf32, #tpu.memory_space<hbm>>
        tpu.enqueue_indirect_dma source(%dma_start3A_382 : memref<10240x128xf32, #tpu.memory_space<hbm>>) target(%arg14 : memref<128x128xf32, #tpu.memory_space<vmem>>) offsets(%dma_start3A_379 : memref<128xi32, #tpu.memory_space<vmem>>) semaphore(%arg18 : memref<!tpu.dma_semaphore, #tpu.memory_space<semaphore_mem>>)
        %dma_wait3A_383 = arith.constant 3 : i32
        %dma_wait3A_384 = arith.constant 0 : i32
        %dma_wait3A_385 = tpu.memref_slice %arg12[%dma_wait3A_383, %dma_wait3A_384] : memref<16x128xi32, #tpu.memory_space<vmem>> -> memref<1x128xi32, #tpu.memory_space<vmem>>
        %dma_wait3A_386 = tpu.memref_squeeze %dma_wait3A_385 : memref<1x128xi32, #tpu.memory_space<vmem>> -> memref<128xi32, #tpu.memory_space<vmem>>
        %dma_wait3A_387 = arith.constant 0 : i32
        %dma_wait3A_388 = arith.constant 0 : i32
        %dma_wait3A_389 = tpu.memref_slice %arg5[%dma_wait3A_387, %dma_wait3A_388] : memref<10240x128xf32, #tpu.memory_space<hbm>> -> memref<10240x128xf32, #tpu.memory_space<hbm>>
        tpu.wait_indirect_dma semaphore(%arg19 : memref<!tpu.dma_semaphore, #tpu.memory_space<semaphore_mem>>) src(%dma_wait3A_389 : memref<10240x128xf32, #tpu.memory_space<hbm>>) dst(%arg15 : memref<128x128xf32, #tpu.memory_space<vmem>>)
        %dma_start3A_390 = arith.constant 3 : i32
        %dma_start3A_391 = arith.constant 0 : i32
        %dma_start3A_392 = tpu.memref_slice %arg13[%dma_start3A_390, %dma_start3A_391] : memref<16x128xi32, #tpu.memory_space<vmem>> -> memref<1x128xi32, #tpu.memory_space<vmem>>
        %dma_start3A_393 = tpu.memref_squeeze %dma_start3A_392 : memref<1x128xi32, #tpu.memory_space<vmem>> -> memref<128xi32, #tpu.memory_space<vmem>>
        %dma_start3A_394 = arith.constant 0 : i32
        %dma_start3A_395 = arith.constant 0 : i32
        %dma_start3A_396 = tpu.memref_slice %arg17[%dma_start3A_394, %dma_start3A_395] : memref<10240x128xf32, #tpu.memory_space<vmem_shared>> -> memref<10240x128xf32, #tpu.memory_space<vmem_shared>>
        tpu.enqueue_indirect_dma source(%arg15 : memref<128x128xf32, #tpu.memory_space<vmem>>) target(%dma_start3A_396 : memref<10240x128xf32, #tpu.memory_space<vmem_shared>>) offsets(%dma_start3A_393 : memref<128xi32, #tpu.memory_space<vmem>>) semaphore(%arg21 : memref<!tpu.dma_semaphore, #tpu.memory_space<semaphore_mem>>) {add = true}
        %get3A_397 = arith.constant 3 : i32
        %get3A_398 = arith.index_cast %get3A_397 : i32 to index
        %get3A_399 = arith.constant 0 : index
        %get3A_400 = tpu.vector_load %arg13[%get3A_398, %get3A_399] {strides = array<i32>} : memref<16x128xi32, #tpu.memory_space<vmem>>, vector<16xi32>,
        %shift_right_logical3A_401 = arith.constant 7 : i32
        %shift_right_logical3A_402 = vector.broadcast %shift_right_logical3A_401 : i32 to vector<16xi32>
        %shift_right_logical3A_403 = arith.shrui %get3A_400, %shift_right_logical3A_402 : vector<16xi32>
        %and3A_404 = arith.constant 127 : i32
        %and3A_405 = vector.broadcast %and3A_404 : i32 to vector<16xi32>
        %and3A_406 = arith.andi %get3A_400, %and3A_405 : vector<16xi32>
        tpu.vector_store_idx %arg16[%shift_right_logical3A_403, %and3A_406], %broadcast_in_dim3A_8 {add = true} : memref<80x128xf32, #tpu.memory_space<vmem>>[vector<16xi32>, vector<16xi32>], vector<16xf32>,
        %get3A_407 = arith.constant 3 : i32
        %get3A_408 = arith.index_cast %get3A_407 : i32 to index
        %get3A_409 = arith.constant 16 : index
        %get3A_410 = tpu.vector_load %arg13[%get3A_408, %get3A_409] {strides = array<i32>} : memref<16x128xi32, #tpu.memory_space<vmem>>, vector<16xi32>,
        %shift_right_logical3A_411 = arith.constant 7 : i32
        %shift_right_logical3A_412 = vector.broadcast %shift_right_logical3A_411 : i32 to vector<16xi32>
        %shift_right_logical3A_413 = arith.shrui %get3A_410, %shift_right_logical3A_412 : vector<16xi32>
        %and3A_414 = arith.constant 127 : i32
        %and3A_415 = vector.broadcast %and3A_414 : i32 to vector<16xi32>
        %and3A_416 = arith.andi %get3A_410, %and3A_415 : vector<16xi32>
        tpu.vector_store_idx %arg16[%shift_right_logical3A_413, %and3A_416], %broadcast_in_dim3A_8 {add = true} : memref<80x128xf32, #tpu.memory_space<vmem>>[vector<16xi32>, vector<16xi32>], vector<16xf32>,
        %get3A_417 = arith.constant 3 : i32
        %get3A_418 = arith.index_cast %get3A_417 : i32 to index
        %get3A_419 = arith.constant 32 : index
        %get3A_420 = tpu.vector_load %arg13[%get3A_418, %get3A_419] {strides = array<i32>} : memref<16x128xi32, #tpu.memory_space<vmem>>, vector<16xi32>,
        %shift_right_logical3A_421 = arith.constant 7 : i32
        %shift_right_logical3A_422 = vector.broadcast %shift_right_logical3A_421 : i32 to vector<16xi32>
        %shift_right_logical3A_423 = arith.shrui %get3A_420, %shift_right_logical3A_422 : vector<16xi32>
        %and3A_424 = arith.constant 127 : i32
        %and3A_425 = vector.broadcast %and3A_424 : i32 to vector<16xi32>
        %and3A_426 = arith.andi %get3A_420, %and3A_425 : vector<16xi32>
        tpu.vector_store_idx %arg16[%shift_right_logical3A_423, %and3A_426], %broadcast_in_dim3A_8 {add = true} : memref<80x128xf32, #tpu.memory_space<vmem>>[vector<16xi32>, vector<16xi32>], vector<16xf32>,
        %get3A_427 = arith.constant 3 : i32
        %get3A_428 = arith.index_cast %get3A_427 : i32 to index
        %get3A_429 = arith.constant 48 : index
        %get3A_430 = tpu.vector_load %arg13[%get3A_428, %get3A_429] {strides = array<i32>} : memref<16x128xi32, #tpu.memory_space<vmem>>, vector<16xi32>,
        %shift_right_logical3A_431 = arith.constant 7 : i32
        %shift_right_logical3A_432 = vector.broadcast %shift_right_logical3A_431 : i32 to vector<16xi32>
        %shift_right_logical3A_433 = arith.shrui %get3A_430, %shift_right_logical3A_432 : vector<16xi32>
        %and3A_434 = arith.constant 127 : i32
        %and3A_435 = vector.broadcast %and3A_434 : i32 to vector<16xi32>
        %and3A_436 = arith.andi %get3A_430, %and3A_435 : vector<16xi32>
        tpu.vector_store_idx %arg16[%shift_right_logical3A_433, %and3A_436], %broadcast_in_dim3A_8 {add = true} : memref<80x128xf32, #tpu.memory_space<vmem>>[vector<16xi32>, vector<16xi32>], vector<16xf32>,
        %get3A_437 = arith.constant 3 : i32
        %get3A_438 = arith.index_cast %get3A_437 : i32 to index
        %get3A_439 = arith.constant 64 : index
        %get3A_440 = tpu.vector_load %arg13[%get3A_438, %get3A_439] {strides = array<i32>} : memref<16x128xi32, #tpu.memory_space<vmem>>, vector<16xi32>,
        %shift_right_logical3A_441 = arith.constant 7 : i32
        %shift_right_logical3A_442 = vector.broadcast %shift_right_logical3A_441 : i32 to vector<16xi32>
        %shift_right_logical3A_443 = arith.shrui %get3A_440, %shift_right_logical3A_442 : vector<16xi32>
        %and3A_444 = arith.constant 127 : i32
        %and3A_445 = vector.broadcast %and3A_444 : i32 to vector<16xi32>
        %and3A_446 = arith.andi %get3A_440, %and3A_445 : vector<16xi32>
        tpu.vector_store_idx %arg16[%shift_right_logical3A_443, %and3A_446], %broadcast_in_dim3A_8 {add = true} : memref<80x128xf32, #tpu.memory_space<vmem>>[vector<16xi32>, vector<16xi32>], vector<16xf32>,
        %get3A_447 = arith.constant 3 : i32
        %get3A_448 = arith.index_cast %get3A_447 : i32 to index
        %get3A_449 = arith.constant 80 : index
        %get3A_450 = tpu.vector_load %arg13[%get3A_448, %get3A_449] {strides = array<i32>} : memref<16x128xi32, #tpu.memory_space<vmem>>, vector<16xi32>,
        %shift_right_logical3A_451 = arith.constant 7 : i32
        %shift_right_logical3A_452 = vector.broadcast %shift_right_logical3A_451 : i32 to vector<16xi32>
        %shift_right_logical3A_453 = arith.shrui %get3A_450, %shift_right_logical3A_452 : vector<16xi32>
        %and3A_454 = arith.constant 127 : i32
        %and3A_455 = vector.broadcast %and3A_454 : i32 to vector<16xi32>
        %and3A_456 = arith.andi %get3A_450, %and3A_455 : vector<16xi32>
        tpu.vector_store_idx %arg16[%shift_right_logical3A_453, %and3A_456], %broadcast_in_dim3A_8 {add = true} : memref<80x128xf32, #tpu.memory_space<vmem>>[vector<16xi32>, vector<16xi32>], vector<16xf32>,
        %get3A_457 = arith.constant 3 : i32
        %get3A_458 = arith.index_cast %get3A_457 : i32 to index
        %get3A_459 = arith.constant 96 : index
        %get3A_460 = tpu.vector_load %arg13[%get3A_458, %get3A_459] {strides = array<i32>} : memref<16x128xi32, #tpu.memory_space<vmem>>, vector<16xi32>,
        %shift_right_logical3A_461 = arith.constant 7 : i32
        %shift_right_logical3A_462 = vector.broadcast %shift_right_logical3A_461 : i32 to vector<16xi32>
        %shift_right_logical3A_463 = arith.shrui %get3A_460, %shift_right_logical3A_462 : vector<16xi32>
        %and3A_464 = arith.constant 127 : i32
        %and3A_465 = vector.broadcast %and3A_464 : i32 to vector<16xi32>
        %and3A_466 = arith.andi %get3A_460, %and3A_465 : vector<16xi32>
        tpu.vector_store_idx %arg16[%shift_right_logical3A_463, %and3A_466], %broadcast_in_dim3A_8 {add = true} : memref<80x128xf32, #tpu.memory_space<vmem>>[vector<16xi32>, vector<16xi32>], vector<16xf32>,
        %get3A_467 = arith.constant 3 : i32
        %get3A_468 = arith.index_cast %get3A_467 : i32 to index
        %get3A_469 = arith.constant 112 : index
        %get3A_470 = tpu.vector_load %arg13[%get3A_468, %get3A_469] {strides = array<i32>} : memref<16x128xi32, #tpu.memory_space<vmem>>, vector<16xi32>,
        %shift_right_logical3A_471 = arith.constant 7 : i32
        %shift_right_logical3A_472 = vector.broadcast %shift_right_logical3A_471 : i32 to vector<16xi32>
        %shift_right_logical3A_473 = arith.shrui %get3A_470, %shift_right_logical3A_472 : vector<16xi32>
        %and3A_474 = arith.constant 127 : i32
        %and3A_475 = vector.broadcast %and3A_474 : i32 to vector<16xi32>
        %and3A_476 = arith.andi %get3A_470, %and3A_475 : vector<16xi32>
        tpu.vector_store_idx %arg16[%shift_right_logical3A_473, %and3A_476], %broadcast_in_dim3A_8 {add = true} : memref<80x128xf32, #tpu.memory_space<vmem>>[vector<16xi32>, vector<16xi32>], vector<16xf32>,
        %dma_wait3A_477 = arith.constant 3 : i32
        %dma_wait3A_478 = arith.constant 0 : i32
        %dma_wait3A_479 = tpu.memref_slice %arg13[%dma_wait3A_477, %dma_wait3A_478] : memref<16x128xi32, #tpu.memory_space<vmem>> -> memref<1x128xi32, #tpu.memory_space<vmem>>
        %dma_wait3A_480 = tpu.memref_squeeze %dma_wait3A_479 : memref<1x128xi32, #tpu.memory_space<vmem>> -> memref<128xi32, #tpu.memory_space<vmem>>
        %dma_wait3A_481 = arith.constant 0 : i32
        %dma_wait3A_482 = arith.constant 0 : i32
        %dma_wait3A_483 = tpu.memref_slice %arg17[%dma_wait3A_481, %dma_wait3A_482] : memref<10240x128xf32, #tpu.memory_space<vmem_shared>> -> memref<10240x128xf32, #tpu.memory_space<vmem_shared>>
        tpu.wait_indirect_dma semaphore(%arg21 : memref<!tpu.dma_semaphore, #tpu.memory_space<semaphore_mem>>) src(%arg15 : memref<128x128xf32, #tpu.memory_space<vmem>>) dst(%dma_wait3A_483 : memref<10240x128xf32, #tpu.memory_space<vmem_shared>>)
        %dma_start3A_484 = arith.constant 5 : i32
        %dma_start3A_485 = arith.constant 0 : i32
        %dma_start3A_486 = tpu.memref_slice %arg12[%dma_start3A_484, %dma_start3A_485] : memref<16x128xi32, #tpu.memory_space<vmem>> -> memref<1x128xi32, #tpu.memory_space<vmem>>
        %dma_start3A_487 = tpu.memref_squeeze %dma_start3A_486 : memref<1x128xi32, #tpu.memory_space<vmem>> -> memref<128xi32, #tpu.memory_space<vmem>>
        %dma_start3A_488 = arith.constant 0 : i32
        %dma_start3A_489 = arith.constant 0 : i32
        %dma_start3A_490 = tpu.memref_slice %arg5[%dma_start3A_488, %dma_start3A_489] : memref<10240x128xf32, #tpu.memory_space<hbm>> -> memref<10240x128xf32, #tpu.memory_space<hbm>>
        tpu.enqueue_indirect_dma source(%dma_start3A_490 : memref<10240x128xf32, #tpu.memory_space<hbm>>) target(%arg15 : memref<128x128xf32, #tpu.memory_space<vmem>>) offsets(%dma_start3A_487 : memref<128xi32, #tpu.memory_space<vmem>>) semaphore(%arg19 : memref<!tpu.dma_semaphore, #tpu.memory_space<semaphore_mem>>)
        %dma_wait3A_491 = arith.constant 4 : i32
        %dma_wait3A_492 = arith.constant 0 : i32
        %dma_wait3A_493 = tpu.memref_slice %arg12[%dma_wait3A_491, %dma_wait3A_492] : memref<16x128xi32, #tpu.memory_space<vmem>> -> memref<1x128xi32, #tpu.memory_space<vmem>>
        %dma_wait3A_494 = tpu.memref_squeeze %dma_wait3A_493 : memref<1x128xi32, #tpu.memory_space<vmem>> -> memref<128xi32, #tpu.memory_space<vmem>>
        %dma_wait3A_495 = arith.constant 0 : i32
        %dma_wait3A_496 = arith.constant 0 : i32
        %dma_wait3A_497 = tpu.memref_slice %arg5[%dma_wait3A_495, %dma_wait3A_496] : memref<10240x128xf32, #tpu.memory_space<hbm>> -> memref<10240x128xf32, #tpu.memory_space<hbm>>
        tpu.wait_indirect_dma semaphore(%arg18 : memref<!tpu.dma_semaphore, #tpu.memory_space<semaphore_mem>>) src(%dma_wait3A_497 : memref<10240x128xf32, #tpu.memory_space<hbm>>) dst(%arg14 : memref<128x128xf32, #tpu.memory_space<vmem>>)
        %dma_start3A_498 = arith.constant 4 : i32
        %dma_start3A_499 = arith.constant 0 : i32
        %dma_start3A_500 = tpu.memref_slice %arg13[%dma_start3A_498, %dma_start3A_499] : memref<16x128xi32, #tpu.memory_space<vmem>> -> memref<1x128xi32, #tpu.memory_space<vmem>>
        %dma_start3A_501 = tpu.memref_squeeze %dma_start3A_500 : memref<1x128xi32, #tpu.memory_space<vmem>> -> memref<128xi32, #tpu.memory_space<vmem>>
        %dma_start3A_502 = arith.constant 0 : i32
        %dma_start3A_503 = arith.constant 0 : i32
        %dma_start3A_504 = tpu.memref_slice %arg17[%dma_start3A_502, %dma_start3A_503] : memref<10240x128xf32, #tpu.memory_space<vmem_shared>> -> memref<10240x128xf32, #tpu.memory_space<vmem_shared>>
        tpu.enqueue_indirect_dma source(%arg14 : memref<128x128xf32, #tpu.memory_space<vmem>>) target(%dma_start3A_504 : memref<10240x128xf32, #tpu.memory_space<vmem_shared>>) offsets(%dma_start3A_501 : memref<128xi32, #tpu.memory_space<vmem>>) semaphore(%arg20 : memref<!tpu.dma_semaphore, #tpu.memory_space<semaphore_mem>>) {add = true}
        %get3A_505 = arith.constant 4 : i32
        %get3A_506 = arith.index_cast %get3A_505 : i32 to index
        %get3A_507 = arith.constant 0 : index
        %get3A_508 = tpu.vector_load %arg13[%get3A_506, %get3A_507] {strides = array<i32>} : memref<16x128xi32, #tpu.memory_space<vmem>>, vector<16xi32>,
        %shift_right_logical3A_509 = arith.constant 7 : i32
        %shift_right_logical3A_510 = vector.broadcast %shift_right_logical3A_509 : i32 to vector<16xi32>
        %shift_right_logical3A_511 = arith.shrui %get3A_508, %shift_right_logical3A_510 : vector<16xi32>
        %and3A_512 = arith.constant 127 : i32
        %and3A_513 = vector.broadcast %and3A_512 : i32 to vector<16xi32>
        %and3A_514 = arith.andi %get3A_508, %and3A_513 : vector<16xi32>
        tpu.vector_store_idx %arg16[%shift_right_logical3A_511, %and3A_514], %broadcast_in_dim3A_8 {add = true} : memref<80x128xf32, #tpu.memory_space<vmem>>[vector<16xi32>, vector<16xi32>], vector<16xf32>,
        %get3A_515 = arith.constant 4 : i32
        %get3A_516 = arith.index_cast %get3A_515 : i32 to index
        %get3A_517 = arith.constant 16 : index
        %get3A_518 = tpu.vector_load %arg13[%get3A_516, %get3A_517] {strides = array<i32>} : memref<16x128xi32, #tpu.memory_space<vmem>>, vector<16xi32>,
        %shift_right_logical3A_519 = arith.constant 7 : i32
        %shift_right_logical3A_520 = vector.broadcast %shift_right_logical3A_519 : i32 to vector<16xi32>
        %shift_right_logical3A_521 = arith.shrui %get3A_518, %shift_right_logical3A_520 : vector<16xi32>
        %and3A_522 = arith.constant 127 : i32
        %and3A_523 = vector.broadcast %and3A_522 : i32 to vector<16xi32>
        %and3A_524 = arith.andi %get3A_518, %and3A_523 : vector<16xi32>
        tpu.vector_store_idx %arg16[%shift_right_logical3A_521, %and3A_524], %broadcast_in_dim3A_8 {add = true} : memref<80x128xf32, #tpu.memory_space<vmem>>[vector<16xi32>, vector<16xi32>], vector<16xf32>,
        %get3A_525 = arith.constant 4 : i32
        %get3A_526 = arith.index_cast %get3A_525 : i32 to index
        %get3A_527 = arith.constant 32 : index
        %get3A_528 = tpu.vector_load %arg13[%get3A_526, %get3A_527] {strides = array<i32>} : memref<16x128xi32, #tpu.memory_space<vmem>>, vector<16xi32>,
        %shift_right_logical3A_529 = arith.constant 7 : i32
        %shift_right_logical3A_530 = vector.broadcast %shift_right_logical3A_529 : i32 to vector<16xi32>
        %shift_right_logical3A_531 = arith.shrui %get3A_528, %shift_right_logical3A_530 : vector<16xi32>
        %and3A_532 = arith.constant 127 : i32
        %and3A_533 = vector.broadcast %and3A_532 : i32 to vector<16xi32>
        %and3A_534 = arith.andi %get3A_528, %and3A_533 : vector<16xi32>
        tpu.vector_store_idx %arg16[%shift_right_logical3A_531, %and3A_534], %broadcast_in_dim3A_8 {add = true} : memref<80x128xf32, #tpu.memory_space<vmem>>[vector<16xi32>, vector<16xi32>], vector<16xf32>,
        %get3A_535 = arith.constant 4 : i32
        %get3A_536 = arith.index_cast %get3A_535 : i32 to index
        %get3A_537 = arith.constant 48 : index
        %get3A_538 = tpu.vector_load %arg13[%get3A_536, %get3A_537] {strides = array<i32>} : memref<16x128xi32, #tpu.memory_space<vmem>>, vector<16xi32>,
        %shift_right_logical3A_539 = arith.constant 7 : i32
        %shift_right_logical3A_540 = vector.broadcast %shift_right_logical3A_539 : i32 to vector<16xi32>
        %shift_right_logical3A_541 = arith.shrui %get3A_538, %shift_right_logical3A_540 : vector<16xi32>
        %and3A_542 = arith.constant 127 : i32
        %and3A_543 = vector.broadcast %and3A_542 : i32 to vector<16xi32>
        %and3A_544 = arith.andi %get3A_538, %and3A_543 : vector<16xi32>
        tpu.vector_store_idx %arg16[%shift_right_logical3A_541, %and3A_544], %broadcast_in_dim3A_8 {add = true} : memref<80x128xf32, #tpu.memory_space<vmem>>[vector<16xi32>, vector<16xi32>], vector<16xf32>,
        %get3A_545 = arith.constant 4 : i32
        %get3A_546 = arith.index_cast %get3A_545 : i32 to index
        %get3A_547 = arith.constant 64 : index
        %get3A_548 = tpu.vector_load %arg13[%get3A_546, %get3A_547] {strides = array<i32>} : memref<16x128xi32, #tpu.memory_space<vmem>>, vector<16xi32>,
        %shift_right_logical3A_549 = arith.constant 7 : i32
        %shift_right_logical3A_550 = vector.broadcast %shift_right_logical3A_549 : i32 to vector<16xi32>
        %shift_right_logical3A_551 = arith.shrui %get3A_548, %shift_right_logical3A_550 : vector<16xi32>
        %and3A_552 = arith.constant 127 : i32
        %and3A_553 = vector.broadcast %and3A_552 : i32 to vector<16xi32>
        %and3A_554 = arith.andi %get3A_548, %and3A_553 : vector<16xi32>
        tpu.vector_store_idx %arg16[%shift_right_logical3A_551, %and3A_554], %broadcast_in_dim3A_8 {add = true} : memref<80x128xf32, #tpu.memory_space<vmem>>[vector<16xi32>, vector<16xi32>], vector<16xf32>,
        %get3A_555 = arith.constant 4 : i32
        %get3A_556 = arith.index_cast %get3A_555 : i32 to index
        %get3A_557 = arith.constant 80 : index
        %get3A_558 = tpu.vector_load %arg13[%get3A_556, %get3A_557] {strides = array<i32>} : memref<16x128xi32, #tpu.memory_space<vmem>>, vector<16xi32>,
        %shift_right_logical3A_559 = arith.constant 7 : i32
        %shift_right_logical3A_560 = vector.broadcast %shift_right_logical3A_559 : i32 to vector<16xi32>
        %shift_right_logical3A_561 = arith.shrui %get3A_558, %shift_right_logical3A_560 : vector<16xi32>
        %and3A_562 = arith.constant 127 : i32
        %and3A_563 = vector.broadcast %and3A_562 : i32 to vector<16xi32>
        %and3A_564 = arith.andi %get3A_558, %and3A_563 : vector<16xi32>
        tpu.vector_store_idx %arg16[%shift_right_logical3A_561, %and3A_564], %broadcast_in_dim3A_8 {add = true} : memref<80x128xf32, #tpu.memory_space<vmem>>[vector<16xi32>, vector<16xi32>], vector<16xf32>,
        %get3A_565 = arith.constant 4 : i32
        %get3A_566 = arith.index_cast %get3A_565 : i32 to index
        %get3A_567 = arith.constant 96 : index
        %get3A_568 = tpu.vector_load %arg13[%get3A_566, %get3A_567] {strides = array<i32>} : memref<16x128xi32, #tpu.memory_space<vmem>>, vector<16xi32>,
        %shift_right_logical3A_569 = arith.constant 7 : i32
        %shift_right_logical3A_570 = vector.broadcast %shift_right_logical3A_569 : i32 to vector<16xi32>
        %shift_right_logical3A_571 = arith.shrui %get3A_568, %shift_right_logical3A_570 : vector<16xi32>
        %and3A_572 = arith.constant 127 : i32
        %and3A_573 = vector.broadcast %and3A_572 : i32 to vector<16xi32>
        %and3A_574 = arith.andi %get3A_568, %and3A_573 : vector<16xi32>
        tpu.vector_store_idx %arg16[%shift_right_logical3A_571, %and3A_574], %broadcast_in_dim3A_8 {add = true} : memref<80x128xf32, #tpu.memory_space<vmem>>[vector<16xi32>, vector<16xi32>], vector<16xf32>,
        %get3A_575 = arith.constant 4 : i32
        %get3A_576 = arith.index_cast %get3A_575 : i32 to index
        %get3A_577 = arith.constant 112 : index
        %get3A_578 = tpu.vector_load %arg13[%get3A_576, %get3A_577] {strides = array<i32>} : memref<16x128xi32, #tpu.memory_space<vmem>>, vector<16xi32>,
        %shift_right_logical3A_579 = arith.constant 7 : i32
        %shift_right_logical3A_580 = vector.broadcast %shift_right_logical3A_579 : i32 to vector<16xi32>
        %shift_right_logical3A_581 = arith.shrui %get3A_578, %shift_right_logical3A_580 : vector<16xi32>
        %and3A_582 = arith.constant 127 : i32
        %and3A_583 = vector.broadcast %and3A_582 : i32 to vector<16xi32>
        %and3A_584 = arith.andi %get3A_578, %and3A_583 : vector<16xi32>
        tpu.vector_store_idx %arg16[%shift_right_logical3A_581, %and3A_584], %broadcast_in_dim3A_8 {add = true} : memref<80x128xf32, #tpu.memory_space<vmem>>[vector<16xi32>, vector<16xi32>], vector<16xf32>,
        %dma_wait3A_585 = arith.constant 4 : i32
        %dma_wait3A_586 = arith.constant 0 : i32
        %dma_wait3A_587 = tpu.memref_slice %arg13[%dma_wait3A_585, %dma_wait3A_586] : memref<16x128xi32, #tpu.memory_space<vmem>> -> memref<1x128xi32, #tpu.memory_space<vmem>>
        %dma_wait3A_588 = tpu.memref_squeeze %dma_wait3A_587 : memref<1x128xi32, #tpu.memory_space<vmem>> -> memref<128xi32, #tpu.memory_space<vmem>>
        %dma_wait3A_589 = arith.constant 0 : i32
        %dma_wait3A_590 = arith.constant 0 : i32
        %dma_wait3A_591 = tpu.memref_slice %arg17[%dma_wait3A_589, %dma_wait3A_590] : memref<10240x128xf32, #tpu.memory_space<vmem_shared>> -> memref<10240x128xf32, #tpu.memory_space<vmem_shared>>
        tpu.wait_indirect_dma semaphore(%arg20 : memref<!tpu.dma_semaphore, #tpu.memory_space<semaphore_mem>>) src(%arg14 : memref<128x128xf32, #tpu.memory_space<vmem>>) dst(%dma_wait3A_591 : memref<10240x128xf32, #tpu.memory_space<vmem_shared>>)
        %dma_start3A_592 = arith.constant 6 : i32
        %dma_start3A_593 = arith.constant 0 : i32
        %dma_start3A_594 = tpu.memref_slice %arg12[%dma_start3A_592, %dma_start3A_593] : memref<16x128xi32, #tpu.memory_space<vmem>> -> memref<1x128xi32, #tpu.memory_space<vmem>>
        %dma_start3A_595 = tpu.memref_squeeze %dma_start3A_594 : memref<1x128xi32, #tpu.memory_space<vmem>> -> memref<128xi32, #tpu.memory_space<vmem>>
        %dma_start3A_596 = arith.constant 0 : i32
        %dma_start3A_597 = arith.constant 0 : i32
        %dma_start3A_598 = tpu.memref_slice %arg5[%dma_start3A_596, %dma_start3A_597] : memref<10240x128xf32, #tpu.memory_space<hbm>> -> memref<10240x128xf32, #tpu.memory_space<hbm>>
        tpu.enqueue_indirect_dma source(%dma_start3A_598 : memref<10240x128xf32, #tpu.memory_space<hbm>>) target(%arg14 : memref<128x128xf32, #tpu.memory_space<vmem>>) offsets(%dma_start3A_595 : memref<128xi32, #tpu.memory_space<vmem>>) semaphore(%arg18 : memref<!tpu.dma_semaphore, #tpu.memory_space<semaphore_mem>>)
        %dma_wait3A_599 = arith.constant 5 : i32
        %dma_wait3A_600 = arith.constant 0 : i32
        %dma_wait3A_601 = tpu.memref_slice %arg12[%dma_wait3A_599, %dma_wait3A_600] : memref<16x128xi32, #tpu.memory_space<vmem>> -> memref<1x128xi32, #tpu.memory_space<vmem>>
        %dma_wait3A_602 = tpu.memref_squeeze %dma_wait3A_601 : memref<1x128xi32, #tpu.memory_space<vmem>> -> memref<128xi32, #tpu.memory_space<vmem>>
        %dma_wait3A_603 = arith.constant 0 : i32
        %dma_wait3A_604 = arith.constant 0 : i32
        %dma_wait3A_605 = tpu.memref_slice %arg5[%dma_wait3A_603, %dma_wait3A_604] : memref<10240x128xf32, #tpu.memory_space<hbm>> -> memref<10240x128xf32, #tpu.memory_space<hbm>>
        tpu.wait_indirect_dma semaphore(%arg19 : memref<!tpu.dma_semaphore, #tpu.memory_space<semaphore_mem>>) src(%dma_wait3A_605 : memref<10240x128xf32, #tpu.memory_space<hbm>>) dst(%arg15 : memref<128x128xf32, #tpu.memory_space<vmem>>)
        %dma_start3A_606 = arith.constant 5 : i32
        %dma_start3A_607 = arith.constant 0 : i32
        %dma_start3A_608 = tpu.memref_slice %arg13[%dma_start3A_606, %dma_start3A_607] : memref<16x128xi32, #tpu.memory_space<vmem>> -> memref<1x128xi32, #tpu.memory_space<vmem>>
        %dma_start3A_609 = tpu.memref_squeeze %dma_start3A_608 : memref<1x128xi32, #tpu.memory_space<vmem>> -> memref<128xi32, #tpu.memory_space<vmem>>
        %dma_start3A_610 = arith.constant 0 : i32
        %dma_start3A_611 = arith.constant 0 : i32
        %dma_start3A_612 = tpu.memref_slice %arg17[%dma_start3A_610, %dma_start3A_611] : memref<10240x128xf32, #tpu.memory_space<vmem_shared>> -> memref<10240x128xf32, #tpu.memory_space<vmem_shared>>
        tpu.enqueue_indirect_dma source(%arg15 : memref<128x128xf32, #tpu.memory_space<vmem>>) target(%dma_start3A_612 : memref<10240x128xf32, #tpu.memory_space<vmem_shared>>) offsets(%dma_start3A_609 : memref<128xi32, #tpu.memory_space<vmem>>) semaphore(%arg21 : memref<!tpu.dma_semaphore, #tpu.memory_space<semaphore_mem>>) {add = true}
        %get3A_613 = arith.constant 5 : i32
        %get3A_614 = arith.index_cast %get3A_613 : i32 to index
        %get3A_615 = arith.constant 0 : index
        %get3A_616 = tpu.vector_load %arg13[%get3A_614, %get3A_615] {strides = array<i32>} : memref<16x128xi32, #tpu.memory_space<vmem>>, vector<16xi32>,
        %shift_right_logical3A_617 = arith.constant 7 : i32
        %shift_right_logical3A_618 = vector.broadcast %shift_right_logical3A_617 : i32 to vector<16xi32>
        %shift_right_logical3A_619 = arith.shrui %get3A_616, %shift_right_logical3A_618 : vector<16xi32>
        %and3A_620 = arith.constant 127 : i32
        %and3A_621 = vector.broadcast %and3A_620 : i32 to vector<16xi32>
        %and3A_622 = arith.andi %get3A_616, %and3A_621 : vector<16xi32>
        tpu.vector_store_idx %arg16[%shift_right_logical3A_619, %and3A_622], %broadcast_in_dim3A_8 {add = true} : memref<80x128xf32, #tpu.memory_space<vmem>>[vector<16xi32>, vector<16xi32>], vector<16xf32>,
        %get3A_623 = arith.constant 5 : i32
        %get3A_624 = arith.index_cast %get3A_623 : i32 to index
        %get3A_625 = arith.constant 16 : index
        %get3A_626 = tpu.vector_load %arg13[%get3A_624, %get3A_625] {strides = array<i32>} : memref<16x128xi32, #tpu.memory_space<vmem>>, vector<16xi32>,
        %shift_right_logical3A_627 = arith.constant 7 : i32
        %shift_right_logical3A_628 = vector.broadcast %shift_right_logical3A_627 : i32 to vector<16xi32>
        %shift_right_logical3A_629 = arith.shrui %get3A_626, %shift_right_logical3A_628 : vector<16xi32>
        %and3A_630 = arith.constant 127 : i32
        %and3A_631 = vector.broadcast %and3A_630 : i32 to vector<16xi32>
        %and3A_632 = arith.andi %get3A_626, %and3A_631 : vector<16xi32>
        tpu.vector_store_idx %arg16[%shift_right_logical3A_629, %and3A_632], %broadcast_in_dim3A_8 {add = true} : memref<80x128xf32, #tpu.memory_space<vmem>>[vector<16xi32>, vector<16xi32>], vector<16xf32>,
        %get3A_633 = arith.constant 5 : i32
        %get3A_634 = arith.index_cast %get3A_633 : i32 to index
        %get3A_635 = arith.constant 32 : index
        %get3A_636 = tpu.vector_load %arg13[%get3A_634, %get3A_635] {strides = array<i32>} : memref<16x128xi32, #tpu.memory_space<vmem>>, vector<16xi32>,
        %shift_right_logical3A_637 = arith.constant 7 : i32
        %shift_right_logical3A_638 = vector.broadcast %shift_right_logical3A_637 : i32 to vector<16xi32>
        %shift_right_logical3A_639 = arith.shrui %get3A_636, %shift_right_logical3A_638 : vector<16xi32>
        %and3A_640 = arith.constant 127 : i32
        %and3A_641 = vector.broadcast %and3A_640 : i32 to vector<16xi32>
        %and3A_642 = arith.andi %get3A_636, %and3A_641 : vector<16xi32>
        tpu.vector_store_idx %arg16[%shift_right_logical3A_639, %and3A_642], %broadcast_in_dim3A_8 {add = true} : memref<80x128xf32, #tpu.memory_space<vmem>>[vector<16xi32>, vector<16xi32>], vector<16xf32>,
        %get3A_643 = arith.constant 5 : i32
        %get3A_644 = arith.index_cast %get3A_643 : i32 to index
        %get3A_645 = arith.constant 48 : index
        %get3A_646 = tpu.vector_load %arg13[%get3A_644, %get3A_645] {strides = array<i32>} : memref<16x128xi32, #tpu.memory_space<vmem>>, vector<16xi32>,
        %shift_right_logical3A_647 = arith.constant 7 : i32
        %shift_right_logical3A_648 = vector.broadcast %shift_right_logical3A_647 : i32 to vector<16xi32>
        %shift_right_logical3A_649 = arith.shrui %get3A_646, %shift_right_logical3A_648 : vector<16xi32>
        %and3A_650 = arith.constant 127 : i32
        %and3A_651 = vector.broadcast %and3A_650 : i32 to vector<16xi32>
        %and3A_652 = arith.andi %get3A_646, %and3A_651 : vector<16xi32>
        tpu.vector_store_idx %arg16[%shift_right_logical3A_649, %and3A_652], %broadcast_in_dim3A_8 {add = true} : memref<80x128xf32, #tpu.memory_space<vmem>>[vector<16xi32>, vector<16xi32>], vector<16xf32>,
        %get3A_653 = arith.constant 5 : i32
        %get3A_654 = arith.index_cast %get3A_653 : i32 to index
        %get3A_655 = arith.constant 64 : index
        %get3A_656 = tpu.vector_load %arg13[%get3A_654, %get3A_655] {strides = array<i32>} : memref<16x128xi32, #tpu.memory_space<vmem>>, vector<16xi32>,
        %shift_right_logical3A_657 = arith.constant 7 : i32
        %shift_right_logical3A_658 = vector.broadcast %shift_right_logical3A_657 : i32 to vector<16xi32>
        %shift_right_logical3A_659 = arith.shrui %get3A_656, %shift_right_logical3A_658 : vector<16xi32>
        %and3A_660 = arith.constant 127 : i32
        %and3A_661 = vector.broadcast %and3A_660 : i32 to vector<16xi32>
        %and3A_662 = arith.andi %get3A_656, %and3A_661 : vector<16xi32>
        tpu.vector_store_idx %arg16[%shift_right_logical3A_659, %and3A_662], %broadcast_in_dim3A_8 {add = true} : memref<80x128xf32, #tpu.memory_space<vmem>>[vector<16xi32>, vector<16xi32>], vector<16xf32>,
        %get3A_663 = arith.constant 5 : i32
        %get3A_664 = arith.index_cast %get3A_663 : i32 to index
        %get3A_665 = arith.constant 80 : index
        %get3A_666 = tpu.vector_load %arg13[%get3A_664, %get3A_665] {strides = array<i32>} : memref<16x128xi32, #tpu.memory_space<vmem>>, vector<16xi32>,
        %shift_right_logical3A_667 = arith.constant 7 : i32
        %shift_right_logical3A_668 = vector.broadcast %shift_right_logical3A_667 : i32 to vector<16xi32>
        %shift_right_logical3A_669 = arith.shrui %get3A_666, %shift_right_logical3A_668 : vector<16xi32>
        %and3A_670 = arith.constant 127 : i32
        %and3A_671 = vector.broadcast %and3A_670 : i32 to vector<16xi32>
        %and3A_672 = arith.andi %get3A_666, %and3A_671 : vector<16xi32>
        tpu.vector_store_idx %arg16[%shift_right_logical3A_669, %and3A_672], %broadcast_in_dim3A_8 {add = true} : memref<80x128xf32, #tpu.memory_space<vmem>>[vector<16xi32>, vector<16xi32>], vector<16xf32>,
        %get3A_673 = arith.constant 5 : i32
        %get3A_674 = arith.index_cast %get3A_673 : i32 to index
        %get3A_675 = arith.constant 96 : index
        %get3A_676 = tpu.vector_load %arg13[%get3A_674, %get3A_675] {strides = array<i32>} : memref<16x128xi32, #tpu.memory_space<vmem>>, vector<16xi32>,
        %shift_right_logical3A_677 = arith.constant 7 : i32
        %shift_right_logical3A_678 = vector.broadcast %shift_right_logical3A_677 : i32 to vector<16xi32>
        %shift_right_logical3A_679 = arith.shrui %get3A_676, %shift_right_logical3A_678 : vector<16xi32>
        %and3A_680 = arith.constant 127 : i32
        %and3A_681 = vector.broadcast %and3A_680 : i32 to vector<16xi32>
        %and3A_682 = arith.andi %get3A_676, %and3A_681 : vector<16xi32>
        tpu.vector_store_idx %arg16[%shift_right_logical3A_679, %and3A_682], %broadcast_in_dim3A_8 {add = true} : memref<80x128xf32, #tpu.memory_space<vmem>>[vector<16xi32>, vector<16xi32>], vector<16xf32>,
        %get3A_683 = arith.constant 5 : i32
        %get3A_684 = arith.index_cast %get3A_683 : i32 to index
        %get3A_685 = arith.constant 112 : index
        %get3A_686 = tpu.vector_load %arg13[%get3A_684, %get3A_685] {strides = array<i32>} : memref<16x128xi32, #tpu.memory_space<vmem>>, vector<16xi32>,
        %shift_right_logical3A_687 = arith.constant 7 : i32
        %shift_right_logical3A_688 = vector.broadcast %shift_right_logical3A_687 : i32 to vector<16xi32>
        %shift_right_logical3A_689 = arith.shrui %get3A_686, %shift_right_logical3A_688 : vector<16xi32>
        %and3A_690 = arith.constant 127 : i32
        %and3A_691 = vector.broadcast %and3A_690 : i32 to vector<16xi32>
        %and3A_692 = arith.andi %get3A_686, %and3A_691 : vector<16xi32>
        tpu.vector_store_idx %arg16[%shift_right_logical3A_689, %and3A_692], %broadcast_in_dim3A_8 {add = true} : memref<80x128xf32, #tpu.memory_space<vmem>>[vector<16xi32>, vector<16xi32>], vector<16xf32>,
        %dma_wait3A_693 = arith.constant 5 : i32
        %dma_wait3A_694 = arith.constant 0 : i32
        %dma_wait3A_695 = tpu.memref_slice %arg13[%dma_wait3A_693, %dma_wait3A_694] : memref<16x128xi32, #tpu.memory_space<vmem>> -> memref<1x128xi32, #tpu.memory_space<vmem>>
        %dma_wait3A_696 = tpu.memref_squeeze %dma_wait3A_695 : memref<1x128xi32, #tpu.memory_space<vmem>> -> memref<128xi32, #tpu.memory_space<vmem>>
        %dma_wait3A_697 = arith.constant 0 : i32
        %dma_wait3A_698 = arith.constant 0 : i32
        %dma_wait3A_699 = tpu.memref_slice %arg17[%dma_wait3A_697, %dma_wait3A_698] : memref<10240x128xf32, #tpu.memory_space<vmem_shared>> -> memref<10240x128xf32, #tpu.memory_space<vmem_shared>>
        tpu.wait_indirect_dma semaphore(%arg21 : memref<!tpu.dma_semaphore, #tpu.memory_space<semaphore_mem>>) src(%arg15 : memref<128x128xf32, #tpu.memory_space<vmem>>) dst(%dma_wait3A_699 : memref<10240x128xf32, #tpu.memory_space<vmem_shared>>)
        %dma_start3A_700 = arith.constant 7 : i32
        %dma_start3A_701 = arith.constant 0 : i32
        %dma_start3A_702 = tpu.memref_slice %arg12[%dma_start3A_700, %dma_start3A_701] : memref<16x128xi32, #tpu.memory_space<vmem>> -> memref<1x128xi32, #tpu.memory_space<vmem>>
        %dma_start3A_703 = tpu.memref_squeeze %dma_start3A_702 : memref<1x128xi32, #tpu.memory_space<vmem>> -> memref<128xi32, #tpu.memory_space<vmem>>
        %dma_start3A_704 = arith.constant 0 : i32
        %dma_start3A_705 = arith.constant 0 : i32
        %dma_start3A_706 = tpu.memref_slice %arg5[%dma_start3A_704, %dma_start3A_705] : memref<10240x128xf32, #tpu.memory_space<hbm>> -> memref<10240x128xf32, #tpu.memory_space<hbm>>
        tpu.enqueue_indirect_dma source(%dma_start3A_706 : memref<10240x128xf32, #tpu.memory_space<hbm>>) target(%arg15 : memref<128x128xf32, #tpu.memory_space<vmem>>) offsets(%dma_start3A_703 : memref<128xi32, #tpu.memory_space<vmem>>) semaphore(%arg19 : memref<!tpu.dma_semaphore, #tpu.memory_space<semaphore_mem>>)
        %dma_wait3A_707 = arith.constant 6 : i32
        %dma_wait3A_708 = arith.constant 0 : i32
        %dma_wait3A_709 = tpu.memref_slice %arg12[%dma_wait3A_707, %dma_wait3A_708] : memref<16x128xi32, #tpu.memory_space<vmem>> -> memref<1x128xi32, #tpu.memory_space<vmem>>
        %dma_wait3A_710 = tpu.memref_squeeze %dma_wait3A_709 : memref<1x128xi32, #tpu.memory_space<vmem>> -> memref<128xi32, #tpu.memory_space<vmem>>
        %dma_wait3A_711 = arith.constant 0 : i32
        %dma_wait3A_712 = arith.constant 0 : i32
        %dma_wait3A_713 = tpu.memref_slice %arg5[%dma_wait3A_711, %dma_wait3A_712] : memref<10240x128xf32, #tpu.memory_space<hbm>> -> memref<10240x128xf32, #tpu.memory_space<hbm>>
        tpu.wait_indirect_dma semaphore(%arg18 : memref<!tpu.dma_semaphore, #tpu.memory_space<semaphore_mem>>) src(%dma_wait3A_713 : memref<10240x128xf32, #tpu.memory_space<hbm>>) dst(%arg14 : memref<128x128xf32, #tpu.memory_space<vmem>>)
        %dma_start3A_714 = arith.constant 6 : i32
        %dma_start3A_715 = arith.constant 0 : i32
        %dma_start3A_716 = tpu.memref_slice %arg13[%dma_start3A_714, %dma_start3A_715] : memref<16x128xi32, #tpu.memory_space<vmem>> -> memref<1x128xi32, #tpu.memory_space<vmem>>
        %dma_start3A_717 = tpu.memref_squeeze %dma_start3A_716 : memref<1x128xi32, #tpu.memory_space<vmem>> -> memref<128xi32, #tpu.memory_space<vmem>>
        %dma_start3A_718 = arith.constant 0 : i32
        %dma_start3A_719 = arith.constant 0 : i32
        %dma_start3A_720 = tpu.memref_slice %arg17[%dma_start3A_718, %dma_start3A_719] : memref<10240x128xf32, #tpu.memory_space<vmem_shared>> -> memref<10240x128xf32, #tpu.memory_space<vmem_shared>>
        tpu.enqueue_indirect_dma source(%arg14 : memref<128x128xf32, #tpu.memory_space<vmem>>) target(%dma_start3A_720 : memref<10240x128xf32, #tpu.memory_space<vmem_shared>>) offsets(%dma_start3A_717 : memref<128xi32, #tpu.memory_space<vmem>>) semaphore(%arg20 : memref<!tpu.dma_semaphore, #tpu.memory_space<semaphore_mem>>) {add = true}
        %get3A_721 = arith.constant 6 : i32
        %get3A_722 = arith.index_cast %get3A_721 : i32 to index
        %get3A_723 = arith.constant 0 : index
        %get3A_724 = tpu.vector_load %arg13[%get3A_722, %get3A_723] {strides = array<i32>} : memref<16x128xi32, #tpu.memory_space<vmem>>, vector<16xi32>,
        %shift_right_logical3A_725 = arith.constant 7 : i32
        %shift_right_logical3A_726 = vector.broadcast %shift_right_logical3A_725 : i32 to vector<16xi32>
        %shift_right_logical3A_727 = arith.shrui %get3A_724, %shift_right_logical3A_726 : vector<16xi32>
        %and3A_728 = arith.constant 127 : i32
        %and3A_729 = vector.broadcast %and3A_728 : i32 to vector<16xi32>
        %and3A_730 = arith.andi %get3A_724, %and3A_729 : vector<16xi32>
        tpu.vector_store_idx %arg16[%shift_right_logical3A_727, %and3A_730], %broadcast_in_dim3A_8 {add = true} : memref<80x128xf32, #tpu.memory_space<vmem>>[vector<16xi32>, vector<16xi32>], vector<16xf32>,
        %get3A_731 = arith.constant 6 : i32
        %get3A_732 = arith.index_cast %get3A_731 : i32 to index
        %get3A_733 = arith.constant 16 : index
        %get3A_734 = tpu.vector_load %arg13[%get3A_732, %get3A_733] {strides = array<i32>} : memref<16x128xi32, #tpu.memory_space<vmem>>, vector<16xi32>,
        %shift_right_logical3A_735 = arith.constant 7 : i32
        %shift_right_logical3A_736 = vector.broadcast %shift_right_logical3A_735 : i32 to vector<16xi32>
        %shift_right_logical3A_737 = arith.shrui %get3A_734, %shift_right_logical3A_736 : vector<16xi32>
        %and3A_738 = arith.constant 127 : i32
        %and3A_739 = vector.broadcast %and3A_738 : i32 to vector<16xi32>
        %and3A_740 = arith.andi %get3A_734, %and3A_739 : vector<16xi32>
        tpu.vector_store_idx %arg16[%shift_right_logical3A_737, %and3A_740], %broadcast_in_dim3A_8 {add = true} : memref<80x128xf32, #tpu.memory_space<vmem>>[vector<16xi32>, vector<16xi32>], vector<16xf32>,
        %get3A_741 = arith.constant 6 : i32
        %get3A_742 = arith.index_cast %get3A_741 : i32 to index
        %get3A_743 = arith.constant 32 : index
        %get3A_744 = tpu.vector_load %arg13[%get3A_742, %get3A_743] {strides = array<i32>} : memref<16x128xi32, #tpu.memory_space<vmem>>, vector<16xi32>,
        %shift_right_logical3A_745 = arith.constant 7 : i32
        %shift_right_logical3A_746 = vector.broadcast %shift_right_logical3A_745 : i32 to vector<16xi32>
        %shift_right_logical3A_747 = arith.shrui %get3A_744, %shift_right_logical3A_746 : vector<16xi32>
        %and3A_748 = arith.constant 127 : i32
        %and3A_749 = vector.broadcast %and3A_748 : i32 to vector<16xi32>
        %and3A_750 = arith.andi %get3A_744, %and3A_749 : vector<16xi32>
        tpu.vector_store_idx %arg16[%shift_right_logical3A_747, %and3A_750], %broadcast_in_dim3A_8 {add = true} : memref<80x128xf32, #tpu.memory_space<vmem>>[vector<16xi32>, vector<16xi32>], vector<16xf32>,
        %get3A_751 = arith.constant 6 : i32
        %get3A_752 = arith.index_cast %get3A_751 : i32 to index
        %get3A_753 = arith.constant 48 : index
        %get3A_754 = tpu.vector_load %arg13[%get3A_752, %get3A_753] {strides = array<i32>} : memref<16x128xi32, #tpu.memory_space<vmem>>, vector<16xi32>,
        %shift_right_logical3A_755 = arith.constant 7 : i32
        %shift_right_logical3A_756 = vector.broadcast %shift_right_logical3A_755 : i32 to vector<16xi32>
        %shift_right_logical3A_757 = arith.shrui %get3A_754, %shift_right_logical3A_756 : vector<16xi32>
        %and3A_758 = arith.constant 127 : i32
        %and3A_759 = vector.broadcast %and3A_758 : i32 to vector<16xi32>
        %and3A_760 = arith.andi %get3A_754, %and3A_759 : vector<16xi32>
        tpu.vector_store_idx %arg16[%shift_right_logical3A_757, %and3A_760], %broadcast_in_dim3A_8 {add = true} : memref<80x128xf32, #tpu.memory_space<vmem>>[vector<16xi32>, vector<16xi32>], vector<16xf32>,
        %get3A_761 = arith.constant 6 : i32
        %get3A_762 = arith.index_cast %get3A_761 : i32 to index
        %get3A_763 = arith.constant 64 : index
        %get3A_764 = tpu.vector_load %arg13[%get3A_762, %get3A_763] {strides = array<i32>} : memref<16x128xi32, #tpu.memory_space<vmem>>, vector<16xi32>,
        %shift_right_logical3A_765 = arith.constant 7 : i32
        %shift_right_logical3A_766 = vector.broadcast %shift_right_logical3A_765 : i32 to vector<16xi32>
        %shift_right_logical3A_767 = arith.shrui %get3A_764, %shift_right_logical3A_766 : vector<16xi32>
        %and3A_768 = arith.constant 127 : i32
        %and3A_769 = vector.broadcast %and3A_768 : i32 to vector<16xi32>
        %and3A_770 = arith.andi %get3A_764, %and3A_769 : vector<16xi32>
        tpu.vector_store_idx %arg16[%shift_right_logical3A_767, %and3A_770], %broadcast_in_dim3A_8 {add = true} : memref<80x128xf32, #tpu.memory_space<vmem>>[vector<16xi32>, vector<16xi32>], vector<16xf32>,
        %get3A_771 = arith.constant 6 : i32
        %get3A_772 = arith.index_cast %get3A_771 : i32 to index
        %get3A_773 = arith.constant 80 : index
        %get3A_774 = tpu.vector_load %arg13[%get3A_772, %get3A_773] {strides = array<i32>} : memref<16x128xi32, #tpu.memory_space<vmem>>, vector<16xi32>,
        %shift_right_logical3A_775 = arith.constant 7 : i32
        %shift_right_logical3A_776 = vector.broadcast %shift_right_logical3A_775 : i32 to vector<16xi32>
        %shift_right_logical3A_777 = arith.shrui %get3A_774, %shift_right_logical3A_776 : vector<16xi32>
        %and3A_778 = arith.constant 127 : i32
        %and3A_779 = vector.broadcast %and3A_778 : i32 to vector<16xi32>
        %and3A_780 = arith.andi %get3A_774, %and3A_779 : vector<16xi32>
        tpu.vector_store_idx %arg16[%shift_right_logical3A_777, %and3A_780], %broadcast_in_dim3A_8 {add = true} : memref<80x128xf32, #tpu.memory_space<vmem>>[vector<16xi32>, vector<16xi32>], vector<16xf32>,
        %get3A_781 = arith.constant 6 : i32
        %get3A_782 = arith.index_cast %get3A_781 : i32 to index
        %get3A_783 = arith.constant 96 : index
        %get3A_784 = tpu.vector_load %arg13[%get3A_782, %get3A_783] {strides = array<i32>} : memref<16x128xi32, #tpu.memory_space<vmem>>, vector<16xi32>,
        %shift_right_logical3A_785 = arith.constant 7 : i32
        %shift_right_logical3A_786 = vector.broadcast %shift_right_logical3A_785 : i32 to vector<16xi32>
        %shift_right_logical3A_787 = arith.shrui %get3A_784, %shift_right_logical3A_786 : vector<16xi32>
        %and3A_788 = arith.constant 127 : i32
        %and3A_789 = vector.broadcast %and3A_788 : i32 to vector<16xi32>
        %and3A_790 = arith.andi %get3A_784, %and3A_789 : vector<16xi32>
        tpu.vector_store_idx %arg16[%shift_right_logical3A_787, %and3A_790], %broadcast_in_dim3A_8 {add = true} : memref<80x128xf32, #tpu.memory_space<vmem>>[vector<16xi32>, vector<16xi32>], vector<16xf32>,
        %get3A_791 = arith.constant 6 : i32
        %get3A_792 = arith.index_cast %get3A_791 : i32 to index
        %get3A_793 = arith.constant 112 : index
        %get3A_794 = tpu.vector_load %arg13[%get3A_792, %get3A_793] {strides = array<i32>} : memref<16x128xi32, #tpu.memory_space<vmem>>, vector<16xi32>,
        %shift_right_logical3A_795 = arith.constant 7 : i32
        %shift_right_logical3A_796 = vector.broadcast %shift_right_logical3A_795 : i32 to vector<16xi32>
        %shift_right_logical3A_797 = arith.shrui %get3A_794, %shift_right_logical3A_796 : vector<16xi32>
        %and3A_798 = arith.constant 127 : i32
        %and3A_799 = vector.broadcast %and3A_798 : i32 to vector<16xi32>
        %and3A_800 = arith.andi %get3A_794, %and3A_799 : vector<16xi32>
        tpu.vector_store_idx %arg16[%shift_right_logical3A_797, %and3A_800], %broadcast_in_dim3A_8 {add = true} : memref<80x128xf32, #tpu.memory_space<vmem>>[vector<16xi32>, vector<16xi32>], vector<16xf32>,
        %dma_wait3A_801 = arith.constant 6 : i32
        %dma_wait3A_802 = arith.constant 0 : i32
        %dma_wait3A_803 = tpu.memref_slice %arg13[%dma_wait3A_801, %dma_wait3A_802] : memref<16x128xi32, #tpu.memory_space<vmem>> -> memref<1x128xi32, #tpu.memory_space<vmem>>
        %dma_wait3A_804 = tpu.memref_squeeze %dma_wait3A_803 : memref<1x128xi32, #tpu.memory_space<vmem>> -> memref<128xi32, #tpu.memory_space<vmem>>
        %dma_wait3A_805 = arith.constant 0 : i32
        %dma_wait3A_806 = arith.constant 0 : i32
        %dma_wait3A_807 = tpu.memref_slice %arg17[%dma_wait3A_805, %dma_wait3A_806] : memref<10240x128xf32, #tpu.memory_space<vmem_shared>> -> memref<10240x128xf32, #tpu.memory_space<vmem_shared>>
        tpu.wait_indirect_dma semaphore(%arg20 : memref<!tpu.dma_semaphore, #tpu.memory_space<semaphore_mem>>) src(%arg14 : memref<128x128xf32, #tpu.memory_space<vmem>>) dst(%dma_wait3A_807 : memref<10240x128xf32, #tpu.memory_space<vmem_shared>>)
        %dma_start3A_808 = arith.constant 8 : i32
        %dma_start3A_809 = arith.constant 0 : i32
        %dma_start3A_810 = tpu.memref_slice %arg12[%dma_start3A_808, %dma_start3A_809] : memref<16x128xi32, #tpu.memory_space<vmem>> -> memref<1x128xi32, #tpu.memory_space<vmem>>
        %dma_start3A_811 = tpu.memref_squeeze %dma_start3A_810 : memref<1x128xi32, #tpu.memory_space<vmem>> -> memref<128xi32, #tpu.memory_space<vmem>>
        %dma_start3A_812 = arith.constant 0 : i32
        %dma_start3A_813 = arith.constant 0 : i32
        %dma_start3A_814 = tpu.memref_slice %arg5[%dma_start3A_812, %dma_start3A_813] : memref<10240x128xf32, #tpu.memory_space<hbm>> -> memref<10240x128xf32, #tpu.memory_space<hbm>>
        tpu.enqueue_indirect_dma source(%dma_start3A_814 : memref<10240x128xf32, #tpu.memory_space<hbm>>) target(%arg14 : memref<128x128xf32, #tpu.memory_space<vmem>>) offsets(%dma_start3A_811 : memref<128xi32, #tpu.memory_space<vmem>>) semaphore(%arg18 : memref<!tpu.dma_semaphore, #tpu.memory_space<semaphore_mem>>)
        %dma_wait3A_815 = arith.constant 7 : i32
        %dma_wait3A_816 = arith.constant 0 : i32
        %dma_wait3A_817 = tpu.memref_slice %arg12[%dma_wait3A_815, %dma_wait3A_816] : memref<16x128xi32, #tpu.memory_space<vmem>> -> memref<1x128xi32, #tpu.memory_space<vmem>>
        %dma_wait3A_818 = tpu.memref_squeeze %dma_wait3A_817 : memref<1x128xi32, #tpu.memory_space<vmem>> -> memref<128xi32, #tpu.memory_space<vmem>>
        %dma_wait3A_819 = arith.constant 0 : i32
        %dma_wait3A_820 = arith.constant 0 : i32
        %dma_wait3A_821 = tpu.memref_slice %arg5[%dma_wait3A_819, %dma_wait3A_820] : memref<10240x128xf32, #tpu.memory_space<hbm>> -> memref<10240x128xf32, #tpu.memory_space<hbm>>
        tpu.wait_indirect_dma semaphore(%arg19 : memref<!tpu.dma_semaphore, #tpu.memory_space<semaphore_mem>>) src(%dma_wait3A_821 : memref<10240x128xf32, #tpu.memory_space<hbm>>) dst(%arg15 : memref<128x128xf32, #tpu.memory_space<vmem>>)
        %dma_start3A_822 = arith.constant 7 : i32
        %dma_start3A_823 = arith.constant 0 : i32
        %dma_start3A_824 = tpu.memref_slice %arg13[%dma_start3A_822, %dma_start3A_823] : memref<16x128xi32, #tpu.memory_space<vmem>> -> memref<1x128xi32, #tpu.memory_space<vmem>>
        %dma_start3A_825 = tpu.memref_squeeze %dma_start3A_824 : memref<1x128xi32, #tpu.memory_space<vmem>> -> memref<128xi32, #tpu.memory_space<vmem>>
        %dma_start3A_826 = arith.constant 0 : i32
        %dma_start3A_827 = arith.constant 0 : i32
        %dma_start3A_828 = tpu.memref_slice %arg17[%dma_start3A_826, %dma_start3A_827] : memref<10240x128xf32, #tpu.memory_space<vmem_shared>> -> memref<10240x128xf32, #tpu.memory_space<vmem_shared>>
        tpu.enqueue_indirect_dma source(%arg15 : memref<128x128xf32, #tpu.memory_space<vmem>>) target(%dma_start3A_828 : memref<10240x128xf32, #tpu.memory_space<vmem_shared>>) offsets(%dma_start3A_825 : memref<128xi32, #tpu.memory_space<vmem>>) semaphore(%arg21 : memref<!tpu.dma_semaphore, #tpu.memory_space<semaphore_mem>>) {add = true}
        %get3A_829 = arith.constant 7 : i32
        %get3A_830 = arith.index_cast %get3A_829 : i32 to index
        %get3A_831 = arith.constant 0 : index
        %get3A_832 = tpu.vector_load %arg13[%get3A_830, %get3A_831] {strides = array<i32>} : memref<16x128xi32, #tpu.memory_space<vmem>>, vector<16xi32>,
        %shift_right_logical3A_833 = arith.constant 7 : i32
        %shift_right_logical3A_834 = vector.broadcast %shift_right_logical3A_833 : i32 to vector<16xi32>
        %shift_right_logical3A_835 = arith.shrui %get3A_832, %shift_right_logical3A_834 : vector<16xi32>
        %and3A_836 = arith.constant 127 : i32
        %and3A_837 = vector.broadcast %and3A_836 : i32 to vector<16xi32>
        %and3A_838 = arith.andi %get3A_832, %and3A_837 : vector<16xi32>
        tpu.vector_store_idx %arg16[%shift_right_logical3A_835, %and3A_838], %broadcast_in_dim3A_8 {add = true} : memref<80x128xf32, #tpu.memory_space<vmem>>[vector<16xi32>, vector<16xi32>], vector<16xf32>,
        %get3A_839 = arith.constant 7 : i32
        %get3A_840 = arith.index_cast %get3A_839 : i32 to index
        %get3A_841 = arith.constant 16 : index
        %get3A_842 = tpu.vector_load %arg13[%get3A_840, %get3A_841] {strides = array<i32>} : memref<16x128xi32, #tpu.memory_space<vmem>>, vector<16xi32>,
        %shift_right_logical3A_843 = arith.constant 7 : i32
        %shift_right_logical3A_844 = vector.broadcast %shift_right_logical3A_843 : i32 to vector<16xi32>
        %shift_right_logical3A_845 = arith.shrui %get3A_842, %shift_right_logical3A_844 : vector<16xi32>
        %and3A_846 = arith.constant 127 : i32
        %and3A_847 = vector.broadcast %and3A_846 : i32 to vector<16xi32>
        %and3A_848 = arith.andi %get3A_842, %and3A_847 : vector<16xi32>
        tpu.vector_store_idx %arg16[%shift_right_logical3A_845, %and3A_848], %broadcast_in_dim3A_8 {add = true} : memref<80x128xf32, #tpu.memory_space<vmem>>[vector<16xi32>, vector<16xi32>], vector<16xf32>,
        %get3A_849 = arith.constant 7 : i32
        %get3A_850 = arith.index_cast %get3A_849 : i32 to index
        %get3A_851 = arith.constant 32 : index
        %get3A_852 = tpu.vector_load %arg13[%get3A_850, %get3A_851] {strides = array<i32>} : memref<16x128xi32, #tpu.memory_space<vmem>>, vector<16xi32>,
        %shift_right_logical3A_853 = arith.constant 7 : i32
        %shift_right_logical3A_854 = vector.broadcast %shift_right_logical3A_853 : i32 to vector<16xi32>
        %shift_right_logical3A_855 = arith.shrui %get3A_852, %shift_right_logical3A_854 : vector<16xi32>
        %and3A_856 = arith.constant 127 : i32
        %and3A_857 = vector.broadcast %and3A_856 : i32 to vector<16xi32>
        %and3A_858 = arith.andi %get3A_852, %and3A_857 : vector<16xi32>
        tpu.vector_store_idx %arg16[%shift_right_logical3A_855, %and3A_858], %broadcast_in_dim3A_8 {add = true} : memref<80x128xf32, #tpu.memory_space<vmem>>[vector<16xi32>, vector<16xi32>], vector<16xf32>,
        %get3A_859 = arith.constant 7 : i32
        %get3A_860 = arith.index_cast %get3A_859 : i32 to index
        %get3A_861 = arith.constant 48 : index
        %get3A_862 = tpu.vector_load %arg13[%get3A_860, %get3A_861] {strides = array<i32>} : memref<16x128xi32, #tpu.memory_space<vmem>>, vector<16xi32>,
        %shift_right_logical3A_863 = arith.constant 7 : i32
        %shift_right_logical3A_864 = vector.broadcast %shift_right_logical3A_863 : i32 to vector<16xi32>
        %shift_right_logical3A_865 = arith.shrui %get3A_862, %shift_right_logical3A_864 : vector<16xi32>
        %and3A_866 = arith.constant 127 : i32
        %and3A_867 = vector.broadcast %and3A_866 : i32 to vector<16xi32>
        %and3A_868 = arith.andi %get3A_862, %and3A_867 : vector<16xi32>
        tpu.vector_store_idx %arg16[%shift_right_logical3A_865, %and3A_868], %broadcast_in_dim3A_8 {add = true} : memref<80x128xf32, #tpu.memory_space<vmem>>[vector<16xi32>, vector<16xi32>], vector<16xf32>,
        %get3A_869 = arith.constant 7 : i32
        %get3A_870 = arith.index_cast %get3A_869 : i32 to index
        %get3A_871 = arith.constant 64 : index
        %get3A_872 = tpu.vector_load %arg13[%get3A_870, %get3A_871] {strides = array<i32>} : memref<16x128xi32, #tpu.memory_space<vmem>>, vector<16xi32>,
        %shift_right_logical3A_873 = arith.constant 7 : i32
        %shift_right_logical3A_874 = vector.broadcast %shift_right_logical3A_873 : i32 to vector<16xi32>
        %shift_right_logical3A_875 = arith.shrui %get3A_872, %shift_right_logical3A_874 : vector<16xi32>
        %and3A_876 = arith.constant 127 : i32
        %and3A_877 = vector.broadcast %and3A_876 : i32 to vector<16xi32>
        %and3A_878 = arith.andi %get3A_872, %and3A_877 : vector<16xi32>
        tpu.vector_store_idx %arg16[%shift_right_logical3A_875, %and3A_878], %broadcast_in_dim3A_8 {add = true} : memref<80x128xf32, #tpu.memory_space<vmem>>[vector<16xi32>, vector<16xi32>], vector<16xf32>,
        %get3A_879 = arith.constant 7 : i32
        %get3A_880 = arith.index_cast %get3A_879 : i32 to index
        %get3A_881 = arith.constant 80 : index
        %get3A_882 = tpu.vector_load %arg13[%get3A_880, %get3A_881] {strides = array<i32>} : memref<16x128xi32, #tpu.memory_space<vmem>>, vector<16xi32>,
        %shift_right_logical3A_883 = arith.constant 7 : i32
        %shift_right_logical3A_884 = vector.broadcast %shift_right_logical3A_883 : i32 to vector<16xi32>
        %shift_right_logical3A_885 = arith.shrui %get3A_882, %shift_right_logical3A_884 : vector<16xi32>
        %and3A_886 = arith.constant 127 : i32
        %and3A_887 = vector.broadcast %and3A_886 : i32 to vector<16xi32>
        %and3A_888 = arith.andi %get3A_882, %and3A_887 : vector<16xi32>
        tpu.vector_store_idx %arg16[%shift_right_logical3A_885, %and3A_888], %broadcast_in_dim3A_8 {add = true} : memref<80x128xf32, #tpu.memory_space<vmem>>[vector<16xi32>, vector<16xi32>], vector<16xf32>,
        %get3A_889 = arith.constant 7 : i32
        %get3A_890 = arith.index_cast %get3A_889 : i32 to index
        %get3A_891 = arith.constant 96 : index
        %get3A_892 = tpu.vector_load %arg13[%get3A_890, %get3A_891] {strides = array<i32>} : memref<16x128xi32, #tpu.memory_space<vmem>>, vector<16xi32>,
        %shift_right_logical3A_893 = arith.constant 7 : i32
        %shift_right_logical3A_894 = vector.broadcast %shift_right_logical3A_893 : i32 to vector<16xi32>
        %shift_right_logical3A_895 = arith.shrui %get3A_892, %shift_right_logical3A_894 : vector<16xi32>
        %and3A_896 = arith.constant 127 : i32
        %and3A_897 = vector.broadcast %and3A_896 : i32 to vector<16xi32>
        %and3A_898 = arith.andi %get3A_892, %and3A_897 : vector<16xi32>
        tpu.vector_store_idx %arg16[%shift_right_logical3A_895, %and3A_898], %broadcast_in_dim3A_8 {add = true} : memref<80x128xf32, #tpu.memory_space<vmem>>[vector<16xi32>, vector<16xi32>], vector<16xf32>,
        %get3A_899 = arith.constant 7 : i32
        %get3A_900 = arith.index_cast %get3A_899 : i32 to index
        %get3A_901 = arith.constant 112 : index
        %get3A_902 = tpu.vector_load %arg13[%get3A_900, %get3A_901] {strides = array<i32>} : memref<16x128xi32, #tpu.memory_space<vmem>>, vector<16xi32>,
        %shift_right_logical3A_903 = arith.constant 7 : i32
        %shift_right_logical3A_904 = vector.broadcast %shift_right_logical3A_903 : i32 to vector<16xi32>
        %shift_right_logical3A_905 = arith.shrui %get3A_902, %shift_right_logical3A_904 : vector<16xi32>
        %and3A_906 = arith.constant 127 : i32
        %and3A_907 = vector.broadcast %and3A_906 : i32 to vector<16xi32>
        %and3A_908 = arith.andi %get3A_902, %and3A_907 : vector<16xi32>
        tpu.vector_store_idx %arg16[%shift_right_logical3A_905, %and3A_908], %broadcast_in_dim3A_8 {add = true} : memref<80x128xf32, #tpu.memory_space<vmem>>[vector<16xi32>, vector<16xi32>], vector<16xf32>,
        %dma_wait3A_909 = arith.constant 7 : i32
        %dma_wait3A_910 = arith.constant 0 : i32
        %dma_wait3A_911 = tpu.memref_slice %arg13[%dma_wait3A_909, %dma_wait3A_910] : memref<16x128xi32, #tpu.memory_space<vmem>> -> memref<1x128xi32, #tpu.memory_space<vmem>>
        %dma_wait3A_912 = tpu.memref_squeeze %dma_wait3A_911 : memref<1x128xi32, #tpu.memory_space<vmem>> -> memref<128xi32, #tpu.memory_space<vmem>>
        %dma_wait3A_913 = arith.constant 0 : i32
        %dma_wait3A_914 = arith.constant 0 : i32
        %dma_wait3A_915 = tpu.memref_slice %arg17[%dma_wait3A_913, %dma_wait3A_914] : memref<10240x128xf32, #tpu.memory_space<vmem_shared>> -> memref<10240x128xf32, #tpu.memory_space<vmem_shared>>
        tpu.wait_indirect_dma semaphore(%arg21 : memref<!tpu.dma_semaphore, #tpu.memory_space<semaphore_mem>>) src(%arg15 : memref<128x128xf32, #tpu.memory_space<vmem>>) dst(%dma_wait3A_915 : memref<10240x128xf32, #tpu.memory_space<vmem_shared>>)
        %dma_start3A_916 = arith.constant 9 : i32
        %dma_start3A_917 = arith.constant 0 : i32
        %dma_start3A_918 = tpu.memref_slice %arg12[%dma_start3A_916, %dma_start3A_917] : memref<16x128xi32, #tpu.memory_space<vmem>> -> memref<1x128xi32, #tpu.memory_space<vmem>>
        %dma_start3A_919 = tpu.memref_squeeze %dma_start3A_918 : memref<1x128xi32, #tpu.memory_space<vmem>> -> memref<128xi32, #tpu.memory_space<vmem>>
        %dma_start3A_920 = arith.constant 0 : i32
        %dma_start3A_921 = arith.constant 0 : i32
        %dma_start3A_922 = tpu.memref_slice %arg5[%dma_start3A_920, %dma_start3A_921] : memref<10240x128xf32, #tpu.memory_space<hbm>> -> memref<10240x128xf32, #tpu.memory_space<hbm>>
        tpu.enqueue_indirect_dma source(%dma_start3A_922 : memref<10240x128xf32, #tpu.memory_space<hbm>>) target(%arg15 : memref<128x128xf32, #tpu.memory_space<vmem>>) offsets(%dma_start3A_919 : memref<128xi32, #tpu.memory_space<vmem>>) semaphore(%arg19 : memref<!tpu.dma_semaphore, #tpu.memory_space<semaphore_mem>>)
        %dma_wait3A_923 = arith.constant 8 : i32
        %dma_wait3A_924 = arith.constant 0 : i32
        %dma_wait3A_925 = tpu.memref_slice %arg12[%dma_wait3A_923, %dma_wait3A_924] : memref<16x128xi32, #tpu.memory_space<vmem>> -> memref<1x128xi32, #tpu.memory_space<vmem>>
        %dma_wait3A_926 = tpu.memref_squeeze %dma_wait3A_925 : memref<1x128xi32, #tpu.memory_space<vmem>> -> memref<128xi32, #tpu.memory_space<vmem>>
        %dma_wait3A_927 = arith.constant 0 : i32
        %dma_wait3A_928 = arith.constant 0 : i32
        %dma_wait3A_929 = tpu.memref_slice %arg5[%dma_wait3A_927, %dma_wait3A_928] : memref<10240x128xf32, #tpu.memory_space<hbm>> -> memref<10240x128xf32, #tpu.memory_space<hbm>>
        tpu.wait_indirect_dma semaphore(%arg18 : memref<!tpu.dma_semaphore, #tpu.memory_space<semaphore_mem>>) src(%dma_wait3A_929 : memref<10240x128xf32, #tpu.memory_space<hbm>>) dst(%arg14 : memref<128x128xf32, #tpu.memory_space<vmem>>)
        %dma_start3A_930 = arith.constant 8 : i32
        %dma_start3A_931 = arith.constant 0 : i32
        %dma_start3A_932 = tpu.memref_slice %arg13[%dma_start3A_930, %dma_start3A_931] : memref<16x128xi32, #tpu.memory_space<vmem>> -> memref<1x128xi32, #tpu.memory_space<vmem>>
        %dma_start3A_933 = tpu.memref_squeeze %dma_start3A_932 : memref<1x128xi32, #tpu.memory_space<vmem>> -> memref<128xi32, #tpu.memory_space<vmem>>
        %dma_start3A_934 = arith.constant 0 : i32
        %dma_start3A_935 = arith.constant 0 : i32
        %dma_start3A_936 = tpu.memref_slice %arg17[%dma_start3A_934, %dma_start3A_935] : memref<10240x128xf32, #tpu.memory_space<vmem_shared>> -> memref<10240x128xf32, #tpu.memory_space<vmem_shared>>
        tpu.enqueue_indirect_dma source(%arg14 : memref<128x128xf32, #tpu.memory_space<vmem>>) target(%dma_start3A_936 : memref<10240x128xf32, #tpu.memory_space<vmem_shared>>) offsets(%dma_start3A_933 : memref<128xi32, #tpu.memory_space<vmem>>) semaphore(%arg20 : memref<!tpu.dma_semaphore, #tpu.memory_space<semaphore_mem>>) {add = true}
        %get3A_937 = arith.constant 8 : i32
        %get3A_938 = arith.index_cast %get3A_937 : i32 to index
        %get3A_939 = arith.constant 0 : index
        %get3A_940 = tpu.vector_load %arg13[%get3A_938, %get3A_939] {strides = array<i32>} : memref<16x128xi32, #tpu.memory_space<vmem>>, vector<16xi32>,
        %shift_right_logical3A_941 = arith.constant 7 : i32
        %shift_right_logical3A_942 = vector.broadcast %shift_right_logical3A_941 : i32 to vector<16xi32>
        %shift_right_logical3A_943 = arith.shrui %get3A_940, %shift_right_logical3A_942 : vector<16xi32>
        %and3A_944 = arith.constant 127 : i32
        %and3A_945 = vector.broadcast %and3A_944 : i32 to vector<16xi32>
        %and3A_946 = arith.andi %get3A_940, %and3A_945 : vector<16xi32>
        tpu.vector_store_idx %arg16[%shift_right_logical3A_943, %and3A_946], %broadcast_in_dim3A_8 {add = true} : memref<80x128xf32, #tpu.memory_space<vmem>>[vector<16xi32>, vector<16xi32>], vector<16xf32>,
        %get3A_947 = arith.constant 8 : i32
        %get3A_948 = arith.index_cast %get3A_947 : i32 to index
        %get3A_949 = arith.constant 16 : index
        %get3A_950 = tpu.vector_load %arg13[%get3A_948, %get3A_949] {strides = array<i32>} : memref<16x128xi32, #tpu.memory_space<vmem>>, vector<16xi32>,
        %shift_right_logical3A_951 = arith.constant 7 : i32
        %shift_right_logical3A_952 = vector.broadcast %shift_right_logical3A_951 : i32 to vector<16xi32>
        %shift_right_logical3A_953 = arith.shrui %get3A_950, %shift_right_logical3A_952 : vector<16xi32>
        %and3A_954 = arith.constant 127 : i32
        %and3A_955 = vector.broadcast %and3A_954 : i32 to vector<16xi32>
        %and3A_956 = arith.andi %get3A_950, %and3A_955 : vector<16xi32>
        tpu.vector_store_idx %arg16[%shift_right_logical3A_953, %and3A_956], %broadcast_in_dim3A_8 {add = true} : memref<80x128xf32, #tpu.memory_space<vmem>>[vector<16xi32>, vector<16xi32>], vector<16xf32>,
        %get3A_957 = arith.constant 8 : i32
        %get3A_958 = arith.index_cast %get3A_957 : i32 to index
        %get3A_959 = arith.constant 32 : index
        %get3A_960 = tpu.vector_load %arg13[%get3A_958, %get3A_959] {strides = array<i32>} : memref<16x128xi32, #tpu.memory_space<vmem>>, vector<16xi32>,
        %shift_right_logical3A_961 = arith.constant 7 : i32
        %shift_right_logical3A_962 = vector.broadcast %shift_right_logical3A_961 : i32 to vector<16xi32>
        %shift_right_logical3A_963 = arith.shrui %get3A_960, %shift_right_logical3A_962 : vector<16xi32>
        %and3A_964 = arith.constant 127 : i32
        %and3A_965 = vector.broadcast %and3A_964 : i32 to vector<16xi32>
        %and3A_966 = arith.andi %get3A_960, %and3A_965 : vector<16xi32>
        tpu.vector_store_idx %arg16[%shift_right_logical3A_963, %and3A_966], %broadcast_in_dim3A_8 {add = true} : memref<80x128xf32, #tpu.memory_space<vmem>>[vector<16xi32>, vector<16xi32>], vector<16xf32>,
        %get3A_967 = arith.constant 8 : i32
        %get3A_968 = arith.index_cast %get3A_967 : i32 to index
        %get3A_969 = arith.constant 48 : index
        %get3A_970 = tpu.vector_load %arg13[%get3A_968, %get3A_969] {strides = array<i32>} : memref<16x128xi32, #tpu.memory_space<vmem>>, vector<16xi32>,
        %shift_right_logical3A_971 = arith.constant 7 : i32
        %shift_right_logical3A_972 = vector.broadcast %shift_right_logical3A_971 : i32 to vector<16xi32>
        %shift_right_logical3A_973 = arith.shrui %get3A_970, %shift_right_logical3A_972 : vector<16xi32>
        %and3A_974 = arith.constant 127 : i32
        %and3A_975 = vector.broadcast %and3A_974 : i32 to vector<16xi32>
        %and3A_976 = arith.andi %get3A_970, %and3A_975 : vector<16xi32>
        tpu.vector_store_idx %arg16[%shift_right_logical3A_973, %and3A_976], %broadcast_in_dim3A_8 {add = true} : memref<80x128xf32, #tpu.memory_space<vmem>>[vector<16xi32>, vector<16xi32>], vector<16xf32>,
        %get3A_977 = arith.constant 8 : i32
        %get3A_978 = arith.index_cast %get3A_977 : i32 to index
        %get3A_979 = arith.constant 64 : index
        %get3A_980 = tpu.vector_load %arg13[%get3A_978, %get3A_979] {strides = array<i32>} : memref<16x128xi32, #tpu.memory_space<vmem>>, vector<16xi32>,
        %shift_right_logical3A_981 = arith.constant 7 : i32
        %shift_right_logical3A_982 = vector.broadcast %shift_right_logical3A_981 : i32 to vector<16xi32>
        %shift_right_logical3A_983 = arith.shrui %get3A_980, %shift_right_logical3A_982 : vector<16xi32>
        %and3A_984 = arith.constant 127 : i32
        %and3A_985 = vector.broadcast %and3A_984 : i32 to vector<16xi32>
        %and3A_986 = arith.andi %get3A_980, %and3A_985 : vector<16xi32>
        tpu.vector_store_idx %arg16[%shift_right_logical3A_983, %and3A_986], %broadcast_in_dim3A_8 {add = true} : memref<80x128xf32, #tpu.memory_space<vmem>>[vector<16xi32>, vector<16xi32>], vector<16xf32>,
        %get3A_987 = arith.constant 8 : i32
        %get3A_988 = arith.index_cast %get3A_987 : i32 to index
        %get3A_989 = arith.constant 80 : index
        %get3A_990 = tpu.vector_load %arg13[%get3A_988, %get3A_989] {strides = array<i32>} : memref<16x128xi32, #tpu.memory_space<vmem>>, vector<16xi32>,
        %shift_right_logical3A_991 = arith.constant 7 : i32
        %shift_right_logical3A_992 = vector.broadcast %shift_right_logical3A_991 : i32 to vector<16xi32>
        %shift_right_logical3A_993 = arith.shrui %get3A_990, %shift_right_logical3A_992 : vector<16xi32>
        %and3A_994 = arith.constant 127 : i32
        %and3A_995 = vector.broadcast %and3A_994 : i32 to vector<16xi32>
        %and3A_996 = arith.andi %get3A_990, %and3A_995 : vector<16xi32>
        tpu.vector_store_idx %arg16[%shift_right_logical3A_993, %and3A_996], %broadcast_in_dim3A_8 {add = true} : memref<80x128xf32, #tpu.memory_space<vmem>>[vector<16xi32>, vector<16xi32>], vector<16xf32>,
        %get3A_997 = arith.constant 8 : i32
        %get3A_998 = arith.index_cast %get3A_997 : i32 to index
        %get3A_999 = arith.constant 96 : index
        %get3A_1000 = tpu.vector_load %arg13[%get3A_998, %get3A_999] {strides = array<i32>} : memref<16x128xi32, #tpu.memory_space<vmem>>, vector<16xi32>,
        %shift_right_logical3A_1001 = arith.constant 7 : i32
        %shift_right_logical3A_1002 = vector.broadcast %shift_right_logical3A_1001 : i32 to vector<16xi32>
        %shift_right_logical3A_1003 = arith.shrui %get3A_1000, %shift_right_logical3A_1002 : vector<16xi32>
        %and3A_1004 = arith.constant 127 : i32
        %and3A_1005 = vector.broadcast %and3A_1004 : i32 to vector<16xi32>
        %and3A_1006 = arith.andi %get3A_1000, %and3A_1005 : vector<16xi32>
        tpu.vector_store_idx %arg16[%shift_right_logical3A_1003, %and3A_1006], %broadcast_in_dim3A_8 {add = true} : memref<80x128xf32, #tpu.memory_space<vmem>>[vector<16xi32>, vector<16xi32>], vector<16xf32>,
        %get3A_1007 = arith.constant 8 : i32
        %get3A_1008 = arith.index_cast %get3A_1007 : i32 to index
        %get3A_1009 = arith.constant 112 : index
        %get3A_1010 = tpu.vector_load %arg13[%get3A_1008, %get3A_1009] {strides = array<i32>} : memref<16x128xi32, #tpu.memory_space<vmem>>, vector<16xi32>,
        %shift_right_logical3A_1011 = arith.constant 7 : i32
        %shift_right_logical3A_1012 = vector.broadcast %shift_right_logical3A_1011 : i32 to vector<16xi32>
        %shift_right_logical3A_1013 = arith.shrui %get3A_1010, %shift_right_logical3A_1012 : vector<16xi32>
        %and3A_1014 = arith.constant 127 : i32
        %and3A_1015 = vector.broadcast %and3A_1014 : i32 to vector<16xi32>
        %and3A_1016 = arith.andi %get3A_1010, %and3A_1015 : vector<16xi32>
        tpu.vector_store_idx %arg16[%shift_right_logical3A_1013, %and3A_1016], %broadcast_in_dim3A_8 {add = true} : memref<80x128xf32, #tpu.memory_space<vmem>>[vector<16xi32>, vector<16xi32>], vector<16xf32>,
        %dma_wait3A_1017 = arith.constant 8 : i32
        %dma_wait3A_1018 = arith.constant 0 : i32
        %dma_wait3A_1019 = tpu.memref_slice %arg13[%dma_wait3A_1017, %dma_wait3A_1018] : memref<16x128xi32, #tpu.memory_space<vmem>> -> memref<1x128xi32, #tpu.memory_space<vmem>>
        %dma_wait3A_1020 = tpu.memref_squeeze %dma_wait3A_1019 : memref<1x128xi32, #tpu.memory_space<vmem>> -> memref<128xi32, #tpu.memory_space<vmem>>
        %dma_wait3A_1021 = arith.constant 0 : i32
        %dma_wait3A_1022 = arith.constant 0 : i32
        %dma_wait3A_1023 = tpu.memref_slice %arg17[%dma_wait3A_1021, %dma_wait3A_1022] : memref<10240x128xf32, #tpu.memory_space<vmem_shared>> -> memref<10240x128xf32, #tpu.memory_space<vmem_shared>>
        tpu.wait_indirect_dma semaphore(%arg20 : memref<!tpu.dma_semaphore, #tpu.memory_space<semaphore_mem>>) src(%arg14 : memref<128x128xf32, #tpu.memory_space<vmem>>) dst(%dma_wait3A_1023 : memref<10240x128xf32, #tpu.memory_space<vmem_shared>>)
        %dma_start3A_1024 = arith.constant 10 : i32
        %dma_start3A_1025 = arith.constant 0 : i32
        %dma_start3A_1026 = tpu.memref_slice %arg12[%dma_start3A_1024, %dma_start3A_1025] : memref<16x128xi32, #tpu.memory_space<vmem>> -> memref<1x128xi32, #tpu.memory_space<vmem>>
        %dma_start3A_1027 = tpu.memref_squeeze %dma_start3A_1026 : memref<1x128xi32, #tpu.memory_space<vmem>> -> memref<128xi32, #tpu.memory_space<vmem>>
        %dma_start3A_1028 = arith.constant 0 : i32
        %dma_start3A_1029 = arith.constant 0 : i32
        %dma_start3A_1030 = tpu.memref_slice %arg5[%dma_start3A_1028, %dma_start3A_1029] : memref<10240x128xf32, #tpu.memory_space<hbm>> -> memref<10240x128xf32, #tpu.memory_space<hbm>>
        tpu.enqueue_indirect_dma source(%dma_start3A_1030 : memref<10240x128xf32, #tpu.memory_space<hbm>>) target(%arg14 : memref<128x128xf32, #tpu.memory_space<vmem>>) offsets(%dma_start3A_1027 : memref<128xi32, #tpu.memory_space<vmem>>) semaphore(%arg18 : memref<!tpu.dma_semaphore, #tpu.memory_space<semaphore_mem>>)
        %dma_wait3A_1031 = arith.constant 9 : i32
        %dma_wait3A_1032 = arith.constant 0 : i32
        %dma_wait3A_1033 = tpu.memref_slice %arg12[%dma_wait3A_1031, %dma_wait3A_1032] : memref<16x128xi32, #tpu.memory_space<vmem>> -> memref<1x128xi32, #tpu.memory_space<vmem>>
        %dma_wait3A_1034 = tpu.memref_squeeze %dma_wait3A_1033 : memref<1x128xi32, #tpu.memory_space<vmem>> -> memref<128xi32, #tpu.memory_space<vmem>>
        %dma_wait3A_1035 = arith.constant 0 : i32
        %dma_wait3A_1036 = arith.constant 0 : i32
        %dma_wait3A_1037 = tpu.memref_slice %arg5[%dma_wait3A_1035, %dma_wait3A_1036] : memref<10240x128xf32, #tpu.memory_space<hbm>> -> memref<10240x128xf32, #tpu.memory_space<hbm>>
        tpu.wait_indirect_dma semaphore(%arg19 : memref<!tpu.dma_semaphore, #tpu.memory_space<semaphore_mem>>) src(%dma_wait3A_1037 : memref<10240x128xf32, #tpu.memory_space<hbm>>) dst(%arg15 : memref<128x128xf32, #tpu.memory_space<vmem>>)
        %dma_start3A_1038 = arith.constant 9 : i32
        %dma_start3A_1039 = arith.constant 0 : i32
        %dma_start3A_1040 = tpu.memref_slice %arg13[%dma_start3A_1038, %dma_start3A_1039] : memref<16x128xi32, #tpu.memory_space<vmem>> -> memref<1x128xi32, #tpu.memory_space<vmem>>
        %dma_start3A_1041 = tpu.memref_squeeze %dma_start3A_1040 : memref<1x128xi32, #tpu.memory_space<vmem>> -> memref<128xi32, #tpu.memory_space<vmem>>
        %dma_start3A_1042 = arith.constant 0 : i32
        %dma_start3A_1043 = arith.constant 0 : i32
        %dma_start3A_1044 = tpu.memref_slice %arg17[%dma_start3A_1042, %dma_start3A_1043] : memref<10240x128xf32, #tpu.memory_space<vmem_shared>> -> memref<10240x128xf32, #tpu.memory_space<vmem_shared>>
        tpu.enqueue_indirect_dma source(%arg15 : memref<128x128xf32, #tpu.memory_space<vmem>>) target(%dma_start3A_1044 : memref<10240x128xf32, #tpu.memory_space<vmem_shared>>) offsets(%dma_start3A_1041 : memref<128xi32, #tpu.memory_space<vmem>>) semaphore(%arg21 : memref<!tpu.dma_semaphore, #tpu.memory_space<semaphore_mem>>) {add = true}
        %get3A_1045 = arith.constant 9 : i32
        %get3A_1046 = arith.index_cast %get3A_1045 : i32 to index
        %get3A_1047 = arith.constant 0 : index
        %get3A_1048 = tpu.vector_load %arg13[%get3A_1046, %get3A_1047] {strides = array<i32>} : memref<16x128xi32, #tpu.memory_space<vmem>>, vector<16xi32>,
        %shift_right_logical3A_1049 = arith.constant 7 : i32
        %shift_right_logical3A_1050 = vector.broadcast %shift_right_logical3A_1049 : i32 to vector<16xi32>
        %shift_right_logical3A_1051 = arith.shrui %get3A_1048, %shift_right_logical3A_1050 : vector<16xi32>
        %and3A_1052 = arith.constant 127 : i32
        %and3A_1053 = vector.broadcast %and3A_1052 : i32 to vector<16xi32>
        %and3A_1054 = arith.andi %get3A_1048, %and3A_1053 : vector<16xi32>
        tpu.vector_store_idx %arg16[%shift_right_logical3A_1051, %and3A_1054], %broadcast_in_dim3A_8 {add = true} : memref<80x128xf32, #tpu.memory_space<vmem>>[vector<16xi32>, vector<16xi32>], vector<16xf32>,
        %get3A_1055 = arith.constant 9 : i32
        %get3A_1056 = arith.index_cast %get3A_1055 : i32 to index
        %get3A_1057 = arith.constant 16 : index
        %get3A_1058 = tpu.vector_load %arg13[%get3A_1056, %get3A_1057] {strides = array<i32>} : memref<16x128xi32, #tpu.memory_space<vmem>>, vector<16xi32>,
        %shift_right_logical3A_1059 = arith.constant 7 : i32
        %shift_right_logical3A_1060 = vector.broadcast %shift_right_logical3A_1059 : i32 to vector<16xi32>
        %shift_right_logical3A_1061 = arith.shrui %get3A_1058, %shift_right_logical3A_1060 : vector<16xi32>
        %and3A_1062 = arith.constant 127 : i32
        %and3A_1063 = vector.broadcast %and3A_1062 : i32 to vector<16xi32>
        %and3A_1064 = arith.andi %get3A_1058, %and3A_1063 : vector<16xi32>
        tpu.vector_store_idx %arg16[%shift_right_logical3A_1061, %and3A_1064], %broadcast_in_dim3A_8 {add = true} : memref<80x128xf32, #tpu.memory_space<vmem>>[vector<16xi32>, vector<16xi32>], vector<16xf32>,
        %get3A_1065 = arith.constant 9 : i32
        %get3A_1066 = arith.index_cast %get3A_1065 : i32 to index
        %get3A_1067 = arith.constant 32 : index
        %get3A_1068 = tpu.vector_load %arg13[%get3A_1066, %get3A_1067] {strides = array<i32>} : memref<16x128xi32, #tpu.memory_space<vmem>>, vector<16xi32>,
        %shift_right_logical3A_1069 = arith.constant 7 : i32
        %shift_right_logical3A_1070 = vector.broadcast %shift_right_logical3A_1069 : i32 to vector<16xi32>
        %shift_right_logical3A_1071 = arith.shrui %get3A_1068, %shift_right_logical3A_1070 : vector<16xi32>
        %and3A_1072 = arith.constant 127 : i32
        %and3A_1073 = vector.broadcast %and3A_1072 : i32 to vector<16xi32>
        %and3A_1074 = arith.andi %get3A_1068, %and3A_1073 : vector<16xi32>
        tpu.vector_store_idx %arg16[%shift_right_logical3A_1071, %and3A_1074], %broadcast_in_dim3A_8 {add = true} : memref<80x128xf32, #tpu.memory_space<vmem>>[vector<16xi32>, vector<16xi32>], vector<16xf32>,
        %get3A_1075 = arith.constant 9 : i32
        %get3A_1076 = arith.index_cast %get3A_1075 : i32 to index
        %get3A_1077 = arith.constant 48 : index
        %get3A_1078 = tpu.vector_load %arg13[%get3A_1076, %get3A_1077] {strides = array<i32>} : memref<16x128xi32, #tpu.memory_space<vmem>>, vector<16xi32>,
        %shift_right_logical3A_1079 = arith.constant 7 : i32
        %shift_right_logical3A_1080 = vector.broadcast %shift_right_logical3A_1079 : i32 to vector<16xi32>
        %shift_right_logical3A_1081 = arith.shrui %get3A_1078, %shift_right_logical3A_1080 : vector<16xi32>
        %and3A_1082 = arith.constant 127 : i32
        %and3A_1083 = vector.broadcast %and3A_1082 : i32 to vector<16xi32>
        %and3A_1084 = arith.andi %get3A_1078, %and3A_1083 : vector<16xi32>
        tpu.vector_store_idx %arg16[%shift_right_logical3A_1081, %and3A_1084], %broadcast_in_dim3A_8 {add = true} : memref<80x128xf32, #tpu.memory_space<vmem>>[vector<16xi32>, vector<16xi32>], vector<16xf32>,
        %get3A_1085 = arith.constant 9 : i32
        %get3A_1086 = arith.index_cast %get3A_1085 : i32 to index
        %get3A_1087 = arith.constant 64 : index
        %get3A_1088 = tpu.vector_load %arg13[%get3A_1086, %get3A_1087] {strides = array<i32>} : memref<16x128xi32, #tpu.memory_space<vmem>>, vector<16xi32>,
        %shift_right_logical3A_1089 = arith.constant 7 : i32
        %shift_right_logical3A_1090 = vector.broadcast %shift_right_logical3A_1089 : i32 to vector<16xi32>
        %shift_right_logical3A_1091 = arith.shrui %get3A_1088, %shift_right_logical3A_1090 : vector<16xi32>
        %and3A_1092 = arith.constant 127 : i32
        %and3A_1093 = vector.broadcast %and3A_1092 : i32 to vector<16xi32>
        %and3A_1094 = arith.andi %get3A_1088, %and3A_1093 : vector<16xi32>
        tpu.vector_store_idx %arg16[%shift_right_logical3A_1091, %and3A_1094], %broadcast_in_dim3A_8 {add = true} : memref<80x128xf32, #tpu.memory_space<vmem>>[vector<16xi32>, vector<16xi32>], vector<16xf32>,
        %get3A_1095 = arith.constant 9 : i32
        %get3A_1096 = arith.index_cast %get3A_1095 : i32 to index
        %get3A_1097 = arith.constant 80 : index
        %get3A_1098 = tpu.vector_load %arg13[%get3A_1096, %get3A_1097] {strides = array<i32>} : memref<16x128xi32, #tpu.memory_space<vmem>>, vector<16xi32>,
        %shift_right_logical3A_1099 = arith.constant 7 : i32
        %shift_right_logical3A_1100 = vector.broadcast %shift_right_logical3A_1099 : i32 to vector<16xi32>
        %shift_right_logical3A_1101 = arith.shrui %get3A_1098, %shift_right_logical3A_1100 : vector<16xi32>
        %and3A_1102 = arith.constant 127 : i32
        %and3A_1103 = vector.broadcast %and3A_1102 : i32 to vector<16xi32>
        %and3A_1104 = arith.andi %get3A_1098, %and3A_1103 : vector<16xi32>
        tpu.vector_store_idx %arg16[%shift_right_logical3A_1101, %and3A_1104], %broadcast_in_dim3A_8 {add = true} : memref<80x128xf32, #tpu.memory_space<vmem>>[vector<16xi32>, vector<16xi32>], vector<16xf32>,
        %get3A_1105 = arith.constant 9 : i32
        %get3A_1106 = arith.index_cast %get3A_1105 : i32 to index
        %get3A_1107 = arith.constant 96 : index
        %get3A_1108 = tpu.vector_load %arg13[%get3A_1106, %get3A_1107] {strides = array<i32>} : memref<16x128xi32, #tpu.memory_space<vmem>>, vector<16xi32>,
        %shift_right_logical3A_1109 = arith.constant 7 : i32
        %shift_right_logical3A_1110 = vector.broadcast %shift_right_logical3A_1109 : i32 to vector<16xi32>
        %shift_right_logical3A_1111 = arith.shrui %get3A_1108, %shift_right_logical3A_1110 : vector<16xi32>
        %and3A_1112 = arith.constant 127 : i32
        %and3A_1113 = vector.broadcast %and3A_1112 : i32 to vector<16xi32>
        %and3A_1114 = arith.andi %get3A_1108, %and3A_1113 : vector<16xi32>
        tpu.vector_store_idx %arg16[%shift_right_logical3A_1111, %and3A_1114], %broadcast_in_dim3A_8 {add = true} : memref<80x128xf32, #tpu.memory_space<vmem>>[vector<16xi32>, vector<16xi32>], vector<16xf32>,
        %get3A_1115 = arith.constant 9 : i32
        %get3A_1116 = arith.index_cast %get3A_1115 : i32 to index
        %get3A_1117 = arith.constant 112 : index
        %get3A_1118 = tpu.vector_load %arg13[%get3A_1116, %get3A_1117] {strides = array<i32>} : memref<16x128xi32, #tpu.memory_space<vmem>>, vector<16xi32>,
        %shift_right_logical3A_1119 = arith.constant 7 : i32
        %shift_right_logical3A_1120 = vector.broadcast %shift_right_logical3A_1119 : i32 to vector<16xi32>
        %shift_right_logical3A_1121 = arith.shrui %get3A_1118, %shift_right_logical3A_1120 : vector<16xi32>
        %and3A_1122 = arith.constant 127 : i32
        %and3A_1123 = vector.broadcast %and3A_1122 : i32 to vector<16xi32>
        %and3A_1124 = arith.andi %get3A_1118, %and3A_1123 : vector<16xi32>
        tpu.vector_store_idx %arg16[%shift_right_logical3A_1121, %and3A_1124], %broadcast_in_dim3A_8 {add = true} : memref<80x128xf32, #tpu.memory_space<vmem>>[vector<16xi32>, vector<16xi32>], vector<16xf32>,
        %dma_wait3A_1125 = arith.constant 9 : i32
        %dma_wait3A_1126 = arith.constant 0 : i32
        %dma_wait3A_1127 = tpu.memref_slice %arg13[%dma_wait3A_1125, %dma_wait3A_1126] : memref<16x128xi32, #tpu.memory_space<vmem>> -> memref<1x128xi32, #tpu.memory_space<vmem>>
        %dma_wait3A_1128 = tpu.memref_squeeze %dma_wait3A_1127 : memref<1x128xi32, #tpu.memory_space<vmem>> -> memref<128xi32, #tpu.memory_space<vmem>>
        %dma_wait3A_1129 = arith.constant 0 : i32
        %dma_wait3A_1130 = arith.constant 0 : i32
        %dma_wait3A_1131 = tpu.memref_slice %arg17[%dma_wait3A_1129, %dma_wait3A_1130] : memref<10240x128xf32, #tpu.memory_space<vmem_shared>> -> memref<10240x128xf32, #tpu.memory_space<vmem_shared>>
        tpu.wait_indirect_dma semaphore(%arg21 : memref<!tpu.dma_semaphore, #tpu.memory_space<semaphore_mem>>) src(%arg15 : memref<128x128xf32, #tpu.memory_space<vmem>>) dst(%dma_wait3A_1131 : memref<10240x128xf32, #tpu.memory_space<vmem_shared>>)
        %dma_start3A_1132 = arith.constant 11 : i32
        %dma_start3A_1133 = arith.constant 0 : i32
        %dma_start3A_1134 = tpu.memref_slice %arg12[%dma_start3A_1132, %dma_start3A_1133] : memref<16x128xi32, #tpu.memory_space<vmem>> -> memref<1x128xi32, #tpu.memory_space<vmem>>
        %dma_start3A_1135 = tpu.memref_squeeze %dma_start3A_1134 : memref<1x128xi32, #tpu.memory_space<vmem>> -> memref<128xi32, #tpu.memory_space<vmem>>
        %dma_start3A_1136 = arith.constant 0 : i32
        %dma_start3A_1137 = arith.constant 0 : i32
        %dma_start3A_1138 = tpu.memref_slice %arg5[%dma_start3A_1136, %dma_start3A_1137] : memref<10240x128xf32, #tpu.memory_space<hbm>> -> memref<10240x128xf32, #tpu.memory_space<hbm>>
        tpu.enqueue_indirect_dma source(%dma_start3A_1138 : memref<10240x128xf32, #tpu.memory_space<hbm>>) target(%arg15 : memref<128x128xf32, #tpu.memory_space<vmem>>) offsets(%dma_start3A_1135 : memref<128xi32, #tpu.memory_space<vmem>>) semaphore(%arg19 : memref<!tpu.dma_semaphore, #tpu.memory_space<semaphore_mem>>)
        %dma_wait3A_1139 = arith.constant 10 : i32
        %dma_wait3A_1140 = arith.constant 0 : i32
        %dma_wait3A_1141 = tpu.memref_slice %arg12[%dma_wait3A_1139, %dma_wait3A_1140] : memref<16x128xi32, #tpu.memory_space<vmem>> -> memref<1x128xi32, #tpu.memory_space<vmem>>
        %dma_wait3A_1142 = tpu.memref_squeeze %dma_wait3A_1141 : memref<1x128xi32, #tpu.memory_space<vmem>> -> memref<128xi32, #tpu.memory_space<vmem>>
        %dma_wait3A_1143 = arith.constant 0 : i32
        %dma_wait3A_1144 = arith.constant 0 : i32
        %dma_wait3A_1145 = tpu.memref_slice %arg5[%dma_wait3A_1143, %dma_wait3A_1144] : memref<10240x128xf32, #tpu.memory_space<hbm>> -> memref<10240x128xf32, #tpu.memory_space<hbm>>
        tpu.wait_indirect_dma semaphore(%arg18 : memref<!tpu.dma_semaphore, #tpu.memory_space<semaphore_mem>>) src(%dma_wait3A_1145 : memref<10240x128xf32, #tpu.memory_space<hbm>>) dst(%arg14 : memref<128x128xf32, #tpu.memory_space<vmem>>)
        %dma_start3A_1146 = arith.constant 10 : i32
        %dma_start3A_1147 = arith.constant 0 : i32
        %dma_start3A_1148 = tpu.memref_slice %arg13[%dma_start3A_1146, %dma_start3A_1147] : memref<16x128xi32, #tpu.memory_space<vmem>> -> memref<1x128xi32, #tpu.memory_space<vmem>>
        %dma_start3A_1149 = tpu.memref_squeeze %dma_start3A_1148 : memref<1x128xi32, #tpu.memory_space<vmem>> -> memref<128xi32, #tpu.memory_space<vmem>>
        %dma_start3A_1150 = arith.constant 0 : i32
        %dma_start3A_1151 = arith.constant 0 : i32
        %dma_start3A_1152 = tpu.memref_slice %arg17[%dma_start3A_1150, %dma_start3A_1151] : memref<10240x128xf32, #tpu.memory_space<vmem_shared>> -> memref<10240x128xf32, #tpu.memory_space<vmem_shared>>
        tpu.enqueue_indirect_dma source(%arg14 : memref<128x128xf32, #tpu.memory_space<vmem>>) target(%dma_start3A_1152 : memref<10240x128xf32, #tpu.memory_space<vmem_shared>>) offsets(%dma_start3A_1149 : memref<128xi32, #tpu.memory_space<vmem>>) semaphore(%arg20 : memref<!tpu.dma_semaphore, #tpu.memory_space<semaphore_mem>>) {add = true}
        %get3A_1153 = arith.constant 10 : i32
        %get3A_1154 = arith.index_cast %get3A_1153 : i32 to index
        %get3A_1155 = arith.constant 0 : index
        %get3A_1156 = tpu.vector_load %arg13[%get3A_1154, %get3A_1155] {strides = array<i32>} : memref<16x128xi32, #tpu.memory_space<vmem>>, vector<16xi32>,
        %shift_right_logical3A_1157 = arith.constant 7 : i32
        %shift_right_logical3A_1158 = vector.broadcast %shift_right_logical3A_1157 : i32 to vector<16xi32>
        %shift_right_logical3A_1159 = arith.shrui %get3A_1156, %shift_right_logical3A_1158 : vector<16xi32>
        %and3A_1160 = arith.constant 127 : i32
        %and3A_1161 = vector.broadcast %and3A_1160 : i32 to vector<16xi32>
        %and3A_1162 = arith.andi %get3A_1156, %and3A_1161 : vector<16xi32>
        tpu.vector_store_idx %arg16[%shift_right_logical3A_1159, %and3A_1162], %broadcast_in_dim3A_8 {add = true} : memref<80x128xf32, #tpu.memory_space<vmem>>[vector<16xi32>, vector<16xi32>], vector<16xf32>,
        %get3A_1163 = arith.constant 10 : i32
        %get3A_1164 = arith.index_cast %get3A_1163 : i32 to index
        %get3A_1165 = arith.constant 16 : index
        %get3A_1166 = tpu.vector_load %arg13[%get3A_1164, %get3A_1165] {strides = array<i32>} : memref<16x128xi32, #tpu.memory_space<vmem>>, vector<16xi32>,
        %shift_right_logical3A_1167 = arith.constant 7 : i32
        %shift_right_logical3A_1168 = vector.broadcast %shift_right_logical3A_1167 : i32 to vector<16xi32>
        %shift_right_logical3A_1169 = arith.shrui %get3A_1166, %shift_right_logical3A_1168 : vector<16xi32>
        %and3A_1170 = arith.constant 127 : i32
        %and3A_1171 = vector.broadcast %and3A_1170 : i32 to vector<16xi32>
        %and3A_1172 = arith.andi %get3A_1166, %and3A_1171 : vector<16xi32>
        tpu.vector_store_idx %arg16[%shift_right_logical3A_1169, %and3A_1172], %broadcast_in_dim3A_8 {add = true} : memref<80x128xf32, #tpu.memory_space<vmem>>[vector<16xi32>, vector<16xi32>], vector<16xf32>,
        %get3A_1173 = arith.constant 10 : i32
        %get3A_1174 = arith.index_cast %get3A_1173 : i32 to index
        %get3A_1175 = arith.constant 32 : index
        %get3A_1176 = tpu.vector_load %arg13[%get3A_1174, %get3A_1175] {strides = array<i32>} : memref<16x128xi32, #tpu.memory_space<vmem>>, vector<16xi32>,
        %shift_right_logical3A_1177 = arith.constant 7 : i32
        %shift_right_logical3A_1178 = vector.broadcast %shift_right_logical3A_1177 : i32 to vector<16xi32>
        %shift_right_logical3A_1179 = arith.shrui %get3A_1176, %shift_right_logical3A_1178 : vector<16xi32>
        %and3A_1180 = arith.constant 127 : i32
        %and3A_1181 = vector.broadcast %and3A_1180 : i32 to vector<16xi32>
        %and3A_1182 = arith.andi %get3A_1176, %and3A_1181 : vector<16xi32>
        tpu.vector_store_idx %arg16[%shift_right_logical3A_1179, %and3A_1182], %broadcast_in_dim3A_8 {add = true} : memref<80x128xf32, #tpu.memory_space<vmem>>[vector<16xi32>, vector<16xi32>], vector<16xf32>,
        %get3A_1183 = arith.constant 10 : i32
        %get3A_1184 = arith.index_cast %get3A_1183 : i32 to index
        %get3A_1185 = arith.constant 48 : index
        %get3A_1186 = tpu.vector_load %arg13[%get3A_1184, %get3A_1185] {strides = array<i32>} : memref<16x128xi32, #tpu.memory_space<vmem>>, vector<16xi32>,
        %shift_right_logical3A_1187 = arith.constant 7 : i32
        %shift_right_logical3A_1188 = vector.broadcast %shift_right_logical3A_1187 : i32 to vector<16xi32>
        %shift_right_logical3A_1189 = arith.shrui %get3A_1186, %shift_right_logical3A_1188 : vector<16xi32>
        %and3A_1190 = arith.constant 127 : i32
        %and3A_1191 = vector.broadcast %and3A_1190 : i32 to vector<16xi32>
        %and3A_1192 = arith.andi %get3A_1186, %and3A_1191 : vector<16xi32>
        tpu.vector_store_idx %arg16[%shift_right_logical3A_1189, %and3A_1192], %broadcast_in_dim3A_8 {add = true} : memref<80x128xf32, #tpu.memory_space<vmem>>[vector<16xi32>, vector<16xi32>], vector<16xf32>,
        %get3A_1193 = arith.constant 10 : i32
        %get3A_1194 = arith.index_cast %get3A_1193 : i32 to index
        %get3A_1195 = arith.constant 64 : index
        %get3A_1196 = tpu.vector_load %arg13[%get3A_1194, %get3A_1195] {strides = array<i32>} : memref<16x128xi32, #tpu.memory_space<vmem>>, vector<16xi32>,
        %shift_right_logical3A_1197 = arith.constant 7 : i32
        %shift_right_logical3A_1198 = vector.broadcast %shift_right_logical3A_1197 : i32 to vector<16xi32>
        %shift_right_logical3A_1199 = arith.shrui %get3A_1196, %shift_right_logical3A_1198 : vector<16xi32>
        %and3A_1200 = arith.constant 127 : i32
        %and3A_1201 = vector.broadcast %and3A_1200 : i32 to vector<16xi32>
        %and3A_1202 = arith.andi %get3A_1196, %and3A_1201 : vector<16xi32>
        tpu.vector_store_idx %arg16[%shift_right_logical3A_1199, %and3A_1202], %broadcast_in_dim3A_8 {add = true} : memref<80x128xf32, #tpu.memory_space<vmem>>[vector<16xi32>, vector<16xi32>], vector<16xf32>,
        %get3A_1203 = arith.constant 10 : i32
        %get3A_1204 = arith.index_cast %get3A_1203 : i32 to index
        %get3A_1205 = arith.constant 80 : index
        %get3A_1206 = tpu.vector_load %arg13[%get3A_1204, %get3A_1205] {strides = array<i32>} : memref<16x128xi32, #tpu.memory_space<vmem>>, vector<16xi32>,
        %shift_right_logical3A_1207 = arith.constant 7 : i32
        %shift_right_logical3A_1208 = vector.broadcast %shift_right_logical3A_1207 : i32 to vector<16xi32>
        %shift_right_logical3A_1209 = arith.shrui %get3A_1206, %shift_right_logical3A_1208 : vector<16xi32>
        %and3A_1210 = arith.constant 127 : i32
        %and3A_1211 = vector.broadcast %and3A_1210 : i32 to vector<16xi32>
        %and3A_1212 = arith.andi %get3A_1206, %and3A_1211 : vector<16xi32>
        tpu.vector_store_idx %arg16[%shift_right_logical3A_1209, %and3A_1212], %broadcast_in_dim3A_8 {add = true} : memref<80x128xf32, #tpu.memory_space<vmem>>[vector<16xi32>, vector<16xi32>], vector<16xf32>,
        %get3A_1213 = arith.constant 10 : i32
        %get3A_1214 = arith.index_cast %get3A_1213 : i32 to index
        %get3A_1215 = arith.constant 96 : index
        %get3A_1216 = tpu.vector_load %arg13[%get3A_1214, %get3A_1215] {strides = array<i32>} : memref<16x128xi32, #tpu.memory_space<vmem>>, vector<16xi32>,
        %shift_right_logical3A_1217 = arith.constant 7 : i32
        %shift_right_logical3A_1218 = vector.broadcast %shift_right_logical3A_1217 : i32 to vector<16xi32>
        %shift_right_logical3A_1219 = arith.shrui %get3A_1216, %shift_right_logical3A_1218 : vector<16xi32>
        %and3A_1220 = arith.constant 127 : i32
        %and3A_1221 = vector.broadcast %and3A_1220 : i32 to vector<16xi32>
        %and3A_1222 = arith.andi %get3A_1216, %and3A_1221 : vector<16xi32>
        tpu.vector_store_idx %arg16[%shift_right_logical3A_1219, %and3A_1222], %broadcast_in_dim3A_8 {add = true} : memref<80x128xf32, #tpu.memory_space<vmem>>[vector<16xi32>, vector<16xi32>], vector<16xf32>,
        %get3A_1223 = arith.constant 10 : i32
        %get3A_1224 = arith.index_cast %get3A_1223 : i32 to index
        %get3A_1225 = arith.constant 112 : index
        %get3A_1226 = tpu.vector_load %arg13[%get3A_1224, %get3A_1225] {strides = array<i32>} : memref<16x128xi32, #tpu.memory_space<vmem>>, vector<16xi32>,
        %shift_right_logical3A_1227 = arith.constant 7 : i32
        %shift_right_logical3A_1228 = vector.broadcast %shift_right_logical3A_1227 : i32 to vector<16xi32>
        %shift_right_logical3A_1229 = arith.shrui %get3A_1226, %shift_right_logical3A_1228 : vector<16xi32>
        %and3A_1230 = arith.constant 127 : i32
        %and3A_1231 = vector.broadcast %and3A_1230 : i32 to vector<16xi32>
        %and3A_1232 = arith.andi %get3A_1226, %and3A_1231 : vector<16xi32>
        tpu.vector_store_idx %arg16[%shift_right_logical3A_1229, %and3A_1232], %broadcast_in_dim3A_8 {add = true} : memref<80x128xf32, #tpu.memory_space<vmem>>[vector<16xi32>, vector<16xi32>], vector<16xf32>,
        %dma_wait3A_1233 = arith.constant 10 : i32
        %dma_wait3A_1234 = arith.constant 0 : i32
        %dma_wait3A_1235 = tpu.memref_slice %arg13[%dma_wait3A_1233, %dma_wait3A_1234] : memref<16x128xi32, #tpu.memory_space<vmem>> -> memref<1x128xi32, #tpu.memory_space<vmem>>
        %dma_wait3A_1236 = tpu.memref_squeeze %dma_wait3A_1235 : memref<1x128xi32, #tpu.memory_space<vmem>> -> memref<128xi32, #tpu.memory_space<vmem>>
        %dma_wait3A_1237 = arith.constant 0 : i32
        %dma_wait3A_1238 = arith.constant 0 : i32
        %dma_wait3A_1239 = tpu.memref_slice %arg17[%dma_wait3A_1237, %dma_wait3A_1238] : memref<10240x128xf32, #tpu.memory_space<vmem_shared>> -> memref<10240x128xf32, #tpu.memory_space<vmem_shared>>
        tpu.wait_indirect_dma semaphore(%arg20 : memref<!tpu.dma_semaphore, #tpu.memory_space<semaphore_mem>>) src(%arg14 : memref<128x128xf32, #tpu.memory_space<vmem>>) dst(%dma_wait3A_1239 : memref<10240x128xf32, #tpu.memory_space<vmem_shared>>)
        %dma_start3A_1240 = arith.constant 12 : i32
        %dma_start3A_1241 = arith.constant 0 : i32
        %dma_start3A_1242 = tpu.memref_slice %arg12[%dma_start3A_1240, %dma_start3A_1241] : memref<16x128xi32, #tpu.memory_space<vmem>> -> memref<1x128xi32, #tpu.memory_space<vmem>>
        %dma_start3A_1243 = tpu.memref_squeeze %dma_start3A_1242 : memref<1x128xi32, #tpu.memory_space<vmem>> -> memref<128xi32, #tpu.memory_space<vmem>>
        %dma_start3A_1244 = arith.constant 0 : i32
        %dma_start3A_1245 = arith.constant 0 : i32
        %dma_start3A_1246 = tpu.memref_slice %arg5[%dma_start3A_1244, %dma_start3A_1245] : memref<10240x128xf32, #tpu.memory_space<hbm>> -> memref<10240x128xf32, #tpu.memory_space<hbm>>
        tpu.enqueue_indirect_dma source(%dma_start3A_1246 : memref<10240x128xf32, #tpu.memory_space<hbm>>) target(%arg14 : memref<128x128xf32, #tpu.memory_space<vmem>>) offsets(%dma_start3A_1243 : memref<128xi32, #tpu.memory_space<vmem>>) semaphore(%arg18 : memref<!tpu.dma_semaphore, #tpu.memory_space<semaphore_mem>>)
        %dma_wait3A_1247 = arith.constant 11 : i32
        %dma_wait3A_1248 = arith.constant 0 : i32
        %dma_wait3A_1249 = tpu.memref_slice %arg12[%dma_wait3A_1247, %dma_wait3A_1248] : memref<16x128xi32, #tpu.memory_space<vmem>> -> memref<1x128xi32, #tpu.memory_space<vmem>>
        %dma_wait3A_1250 = tpu.memref_squeeze %dma_wait3A_1249 : memref<1x128xi32, #tpu.memory_space<vmem>> -> memref<128xi32, #tpu.memory_space<vmem>>
        %dma_wait3A_1251 = arith.constant 0 : i32
        %dma_wait3A_1252 = arith.constant 0 : i32
        %dma_wait3A_1253 = tpu.memref_slice %arg5[%dma_wait3A_1251, %dma_wait3A_1252] : memref<10240x128xf32, #tpu.memory_space<hbm>> -> memref<10240x128xf32, #tpu.memory_space<hbm>>
        tpu.wait_indirect_dma semaphore(%arg19 : memref<!tpu.dma_semaphore, #tpu.memory_space<semaphore_mem>>) src(%dma_wait3A_1253 : memref<10240x128xf32, #tpu.memory_space<hbm>>) dst(%arg15 : memref<128x128xf32, #tpu.memory_space<vmem>>)
        %dma_start3A_1254 = arith.constant 11 : i32
        %dma_start3A_1255 = arith.constant 0 : i32
        %dma_start3A_1256 = tpu.memref_slice %arg13[%dma_start3A_1254, %dma_start3A_1255] : memref<16x128xi32, #tpu.memory_space<vmem>> -> memref<1x128xi32, #tpu.memory_space<vmem>>
        %dma_start3A_1257 = tpu.memref_squeeze %dma_start3A_1256 : memref<1x128xi32, #tpu.memory_space<vmem>> -> memref<128xi32, #tpu.memory_space<vmem>>
        %dma_start3A_1258 = arith.constant 0 : i32
        %dma_start3A_1259 = arith.constant 0 : i32
        %dma_start3A_1260 = tpu.memref_slice %arg17[%dma_start3A_1258, %dma_start3A_1259] : memref<10240x128xf32, #tpu.memory_space<vmem_shared>> -> memref<10240x128xf32, #tpu.memory_space<vmem_shared>>
        tpu.enqueue_indirect_dma source(%arg15 : memref<128x128xf32, #tpu.memory_space<vmem>>) target(%dma_start3A_1260 : memref<10240x128xf32, #tpu.memory_space<vmem_shared>>) offsets(%dma_start3A_1257 : memref<128xi32, #tpu.memory_space<vmem>>) semaphore(%arg21 : memref<!tpu.dma_semaphore, #tpu.memory_space<semaphore_mem>>) {add = true}
        %get3A_1261 = arith.constant 11 : i32
        %get3A_1262 = arith.index_cast %get3A_1261 : i32 to index
        %get3A_1263 = arith.constant 0 : index
        %get3A_1264 = tpu.vector_load %arg13[%get3A_1262, %get3A_1263] {strides = array<i32>} : memref<16x128xi32, #tpu.memory_space<vmem>>, vector<16xi32>,
        %shift_right_logical3A_1265 = arith.constant 7 : i32
        %shift_right_logical3A_1266 = vector.broadcast %shift_right_logical3A_1265 : i32 to vector<16xi32>
        %shift_right_logical3A_1267 = arith.shrui %get3A_1264, %shift_right_logical3A_1266 : vector<16xi32>
        %and3A_1268 = arith.constant 127 : i32
        %and3A_1269 = vector.broadcast %and3A_1268 : i32 to vector<16xi32>
        %and3A_1270 = arith.andi %get3A_1264, %and3A_1269 : vector<16xi32>
        tpu.vector_store_idx %arg16[%shift_right_logical3A_1267, %and3A_1270], %broadcast_in_dim3A_8 {add = true} : memref<80x128xf32, #tpu.memory_space<vmem>>[vector<16xi32>, vector<16xi32>], vector<16xf32>,
        %get3A_1271 = arith.constant 11 : i32
        %get3A_1272 = arith.index_cast %get3A_1271 : i32 to index
        %get3A_1273 = arith.constant 16 : index
        %get3A_1274 = tpu.vector_load %arg13[%get3A_1272, %get3A_1273] {strides = array<i32>} : memref<16x128xi32, #tpu.memory_space<vmem>>, vector<16xi32>,
        %shift_right_logical3A_1275 = arith.constant 7 : i32
        %shift_right_logical3A_1276 = vector.broadcast %shift_right_logical3A_1275 : i32 to vector<16xi32>
        %shift_right_logical3A_1277 = arith.shrui %get3A_1274, %shift_right_logical3A_1276 : vector<16xi32>
        %and3A_1278 = arith.constant 127 : i32
        %and3A_1279 = vector.broadcast %and3A_1278 : i32 to vector<16xi32>
        %and3A_1280 = arith.andi %get3A_1274, %and3A_1279 : vector<16xi32>
        tpu.vector_store_idx %arg16[%shift_right_logical3A_1277, %and3A_1280], %broadcast_in_dim3A_8 {add = true} : memref<80x128xf32, #tpu.memory_space<vmem>>[vector<16xi32>, vector<16xi32>], vector<16xf32>,
        %get3A_1281 = arith.constant 11 : i32
        %get3A_1282 = arith.index_cast %get3A_1281 : i32 to index
        %get3A_1283 = arith.constant 32 : index
        %get3A_1284 = tpu.vector_load %arg13[%get3A_1282, %get3A_1283] {strides = array<i32>} : memref<16x128xi32, #tpu.memory_space<vmem>>, vector<16xi32>,
        %shift_right_logical3A_1285 = arith.constant 7 : i32
        %shift_right_logical3A_1286 = vector.broadcast %shift_right_logical3A_1285 : i32 to vector<16xi32>
        %shift_right_logical3A_1287 = arith.shrui %get3A_1284, %shift_right_logical3A_1286 : vector<16xi32>
        %and3A_1288 = arith.constant 127 : i32
        %and3A_1289 = vector.broadcast %and3A_1288 : i32 to vector<16xi32>
        %and3A_1290 = arith.andi %get3A_1284, %and3A_1289 : vector<16xi32>
        tpu.vector_store_idx %arg16[%shift_right_logical3A_1287, %and3A_1290], %broadcast_in_dim3A_8 {add = true} : memref<80x128xf32, #tpu.memory_space<vmem>>[vector<16xi32>, vector<16xi32>], vector<16xf32>,
        %get3A_1291 = arith.constant 11 : i32
        %get3A_1292 = arith.index_cast %get3A_1291 : i32 to index
        %get3A_1293 = arith.constant 48 : index
        %get3A_1294 = tpu.vector_load %arg13[%get3A_1292, %get3A_1293] {strides = array<i32>} : memref<16x128xi32, #tpu.memory_space<vmem>>, vector<16xi32>,
        %shift_right_logical3A_1295 = arith.constant 7 : i32
        %shift_right_logical3A_1296 = vector.broadcast %shift_right_logical3A_1295 : i32 to vector<16xi32>
        %shift_right_logical3A_1297 = arith.shrui %get3A_1294, %shift_right_logical3A_1296 : vector<16xi32>
        %and3A_1298 = arith.constant 127 : i32
        %and3A_1299 = vector.broadcast %and3A_1298 : i32 to vector<16xi32>
        %and3A_1300 = arith.andi %get3A_1294, %and3A_1299 : vector<16xi32>
        tpu.vector_store_idx %arg16[%shift_right_logical3A_1297, %and3A_1300], %broadcast_in_dim3A_8 {add = true} : memref<80x128xf32, #tpu.memory_space<vmem>>[vector<16xi32>, vector<16xi32>], vector<16xf32>,
        %get3A_1301 = arith.constant 11 : i32
        %get3A_1302 = arith.index_cast %get3A_1301 : i32 to index
        %get3A_1303 = arith.constant 64 : index
        %get3A_1304 = tpu.vector_load %arg13[%get3A_1302, %get3A_1303] {strides = array<i32>} : memref<16x128xi32, #tpu.memory_space<vmem>>, vector<16xi32>,
        %shift_right_logical3A_1305 = arith.constant 7 : i32
        %shift_right_logical3A_1306 = vector.broadcast %shift_right_logical3A_1305 : i32 to vector<16xi32>
        %shift_right_logical3A_1307 = arith.shrui %get3A_1304, %shift_right_logical3A_1306 : vector<16xi32>
        %and3A_1308 = arith.constant 127 : i32
        %and3A_1309 = vector.broadcast %and3A_1308 : i32 to vector<16xi32>
        %and3A_1310 = arith.andi %get3A_1304, %and3A_1309 : vector<16xi32>
        tpu.vector_store_idx %arg16[%shift_right_logical3A_1307, %and3A_1310], %broadcast_in_dim3A_8 {add = true} : memref<80x128xf32, #tpu.memory_space<vmem>>[vector<16xi32>, vector<16xi32>], vector<16xf32>,
        %get3A_1311 = arith.constant 11 : i32
        %get3A_1312 = arith.index_cast %get3A_1311 : i32 to index
        %get3A_1313 = arith.constant 80 : index
        %get3A_1314 = tpu.vector_load %arg13[%get3A_1312, %get3A_1313] {strides = array<i32>} : memref<16x128xi32, #tpu.memory_space<vmem>>, vector<16xi32>,
        %shift_right_logical3A_1315 = arith.constant 7 : i32
        %shift_right_logical3A_1316 = vector.broadcast %shift_right_logical3A_1315 : i32 to vector<16xi32>
        %shift_right_logical3A_1317 = arith.shrui %get3A_1314, %shift_right_logical3A_1316 : vector<16xi32>
        %and3A_1318 = arith.constant 127 : i32
        %and3A_1319 = vector.broadcast %and3A_1318 : i32 to vector<16xi32>
        %and3A_1320 = arith.andi %get3A_1314, %and3A_1319 : vector<16xi32>
        tpu.vector_store_idx %arg16[%shift_right_logical3A_1317, %and3A_1320], %broadcast_in_dim3A_8 {add = true} : memref<80x128xf32, #tpu.memory_space<vmem>>[vector<16xi32>, vector<16xi32>], vector<16xf32>,
        %get3A_1321 = arith.constant 11 : i32
        %get3A_1322 = arith.index_cast %get3A_1321 : i32 to index
        %get3A_1323 = arith.constant 96 : index
        %get3A_1324 = tpu.vector_load %arg13[%get3A_1322, %get3A_1323] {strides = array<i32>} : memref<16x128xi32, #tpu.memory_space<vmem>>, vector<16xi32>,
        %shift_right_logical3A_1325 = arith.constant 7 : i32
        %shift_right_logical3A_1326 = vector.broadcast %shift_right_logical3A_1325 : i32 to vector<16xi32>
        %shift_right_logical3A_1327 = arith.shrui %get3A_1324, %shift_right_logical3A_1326 : vector<16xi32>
        %and3A_1328 = arith.constant 127 : i32
        %and3A_1329 = vector.broadcast %and3A_1328 : i32 to vector<16xi32>
        %and3A_1330 = arith.andi %get3A_1324, %and3A_1329 : vector<16xi32>
        tpu.vector_store_idx %arg16[%shift_right_logical3A_1327, %and3A_1330], %broadcast_in_dim3A_8 {add = true} : memref<80x128xf32, #tpu.memory_space<vmem>>[vector<16xi32>, vector<16xi32>], vector<16xf32>,
        %get3A_1331 = arith.constant 11 : i32
        %get3A_1332 = arith.index_cast %get3A_1331 : i32 to index
        %get3A_1333 = arith.constant 112 : index
        %get3A_1334 = tpu.vector_load %arg13[%get3A_1332, %get3A_1333] {strides = array<i32>} : memref<16x128xi32, #tpu.memory_space<vmem>>, vector<16xi32>,
        %shift_right_logical3A_1335 = arith.constant 7 : i32
        %shift_right_logical3A_1336 = vector.broadcast %shift_right_logical3A_1335 : i32 to vector<16xi32>
        %shift_right_logical3A_1337 = arith.shrui %get3A_1334, %shift_right_logical3A_1336 : vector<16xi32>
        %and3A_1338 = arith.constant 127 : i32
        %and3A_1339 = vector.broadcast %and3A_1338 : i32 to vector<16xi32>
        %and3A_1340 = arith.andi %get3A_1334, %and3A_1339 : vector<16xi32>
        tpu.vector_store_idx %arg16[%shift_right_logical3A_1337, %and3A_1340], %broadcast_in_dim3A_8 {add = true} : memref<80x128xf32, #tpu.memory_space<vmem>>[vector<16xi32>, vector<16xi32>], vector<16xf32>,
        %dma_wait3A_1341 = arith.constant 11 : i32
        %dma_wait3A_1342 = arith.constant 0 : i32
        %dma_wait3A_1343 = tpu.memref_slice %arg13[%dma_wait3A_1341, %dma_wait3A_1342] : memref<16x128xi32, #tpu.memory_space<vmem>> -> memref<1x128xi32, #tpu.memory_space<vmem>>
        %dma_wait3A_1344 = tpu.memref_squeeze %dma_wait3A_1343 : memref<1x128xi32, #tpu.memory_space<vmem>> -> memref<128xi32, #tpu.memory_space<vmem>>
        %dma_wait3A_1345 = arith.constant 0 : i32
        %dma_wait3A_1346 = arith.constant 0 : i32
        %dma_wait3A_1347 = tpu.memref_slice %arg17[%dma_wait3A_1345, %dma_wait3A_1346] : memref<10240x128xf32, #tpu.memory_space<vmem_shared>> -> memref<10240x128xf32, #tpu.memory_space<vmem_shared>>
        tpu.wait_indirect_dma semaphore(%arg21 : memref<!tpu.dma_semaphore, #tpu.memory_space<semaphore_mem>>) src(%arg15 : memref<128x128xf32, #tpu.memory_space<vmem>>) dst(%dma_wait3A_1347 : memref<10240x128xf32, #tpu.memory_space<vmem_shared>>)
        %dma_start3A_1348 = arith.constant 13 : i32
        %dma_start3A_1349 = arith.constant 0 : i32
        %dma_start3A_1350 = tpu.memref_slice %arg12[%dma_start3A_1348, %dma_start3A_1349] : memref<16x128xi32, #tpu.memory_space<vmem>> -> memref<1x128xi32, #tpu.memory_space<vmem>>
        %dma_start3A_1351 = tpu.memref_squeeze %dma_start3A_1350 : memref<1x128xi32, #tpu.memory_space<vmem>> -> memref<128xi32, #tpu.memory_space<vmem>>
        %dma_start3A_1352 = arith.constant 0 : i32
        %dma_start3A_1353 = arith.constant 0 : i32
        %dma_start3A_1354 = tpu.memref_slice %arg5[%dma_start3A_1352, %dma_start3A_1353] : memref<10240x128xf32, #tpu.memory_space<hbm>> -> memref<10240x128xf32, #tpu.memory_space<hbm>>
        tpu.enqueue_indirect_dma source(%dma_start3A_1354 : memref<10240x128xf32, #tpu.memory_space<hbm>>) target(%arg15 : memref<128x128xf32, #tpu.memory_space<vmem>>) offsets(%dma_start3A_1351 : memref<128xi32, #tpu.memory_space<vmem>>) semaphore(%arg19 : memref<!tpu.dma_semaphore, #tpu.memory_space<semaphore_mem>>)
        %dma_wait3A_1355 = arith.constant 12 : i32
        %dma_wait3A_1356 = arith.constant 0 : i32
        %dma_wait3A_1357 = tpu.memref_slice %arg12[%dma_wait3A_1355, %dma_wait3A_1356] : memref<16x128xi32, #tpu.memory_space<vmem>> -> memref<1x128xi32, #tpu.memory_space<vmem>>
        %dma_wait3A_1358 = tpu.memref_squeeze %dma_wait3A_1357 : memref<1x128xi32, #tpu.memory_space<vmem>> -> memref<128xi32, #tpu.memory_space<vmem>>
        %dma_wait3A_1359 = arith.constant 0 : i32
        %dma_wait3A_1360 = arith.constant 0 : i32
        %dma_wait3A_1361 = tpu.memref_slice %arg5[%dma_wait3A_1359, %dma_wait3A_1360] : memref<10240x128xf32, #tpu.memory_space<hbm>> -> memref<10240x128xf32, #tpu.memory_space<hbm>>
        tpu.wait_indirect_dma semaphore(%arg18 : memref<!tpu.dma_semaphore, #tpu.memory_space<semaphore_mem>>) src(%dma_wait3A_1361 : memref<10240x128xf32, #tpu.memory_space<hbm>>) dst(%arg14 : memref<128x128xf32, #tpu.memory_space<vmem>>)
        %dma_start3A_1362 = arith.constant 12 : i32
        %dma_start3A_1363 = arith.constant 0 : i32
        %dma_start3A_1364 = tpu.memref_slice %arg13[%dma_start3A_1362, %dma_start3A_1363] : memref<16x128xi32, #tpu.memory_space<vmem>> -> memref<1x128xi32, #tpu.memory_space<vmem>>
        %dma_start3A_1365 = tpu.memref_squeeze %dma_start3A_1364 : memref<1x128xi32, #tpu.memory_space<vmem>> -> memref<128xi32, #tpu.memory_space<vmem>>
        %dma_start3A_1366 = arith.constant 0 : i32
        %dma_start3A_1367 = arith.constant 0 : i32
        %dma_start3A_1368 = tpu.memref_slice %arg17[%dma_start3A_1366, %dma_start3A_1367] : memref<10240x128xf32, #tpu.memory_space<vmem_shared>> -> memref<10240x128xf32, #tpu.memory_space<vmem_shared>>
        tpu.enqueue_indirect_dma source(%arg14 : memref<128x128xf32, #tpu.memory_space<vmem>>) target(%dma_start3A_1368 : memref<10240x128xf32, #tpu.memory_space<vmem_shared>>) offsets(%dma_start3A_1365 : memref<128xi32, #tpu.memory_space<vmem>>) semaphore(%arg20 : memref<!tpu.dma_semaphore, #tpu.memory_space<semaphore_mem>>) {add = true}
        %get3A_1369 = arith.constant 12 : i32
        %get3A_1370 = arith.index_cast %get3A_1369 : i32 to index
        %get3A_1371 = arith.constant 0 : index
        %get3A_1372 = tpu.vector_load %arg13[%get3A_1370, %get3A_1371] {strides = array<i32>} : memref<16x128xi32, #tpu.memory_space<vmem>>, vector<16xi32>,
        %shift_right_logical3A_1373 = arith.constant 7 : i32
        %shift_right_logical3A_1374 = vector.broadcast %shift_right_logical3A_1373 : i32 to vector<16xi32>
        %shift_right_logical3A_1375 = arith.shrui %get3A_1372, %shift_right_logical3A_1374 : vector<16xi32>
        %and3A_1376 = arith.constant 127 : i32
        %and3A_1377 = vector.broadcast %and3A_1376 : i32 to vector<16xi32>
        %and3A_1378 = arith.andi %get3A_1372, %and3A_1377 : vector<16xi32>
        tpu.vector_store_idx %arg16[%shift_right_logical3A_1375, %and3A_1378], %broadcast_in_dim3A_8 {add = true} : memref<80x128xf32, #tpu.memory_space<vmem>>[vector<16xi32>, vector<16xi32>], vector<16xf32>,
        %get3A_1379 = arith.constant 12 : i32
        %get3A_1380 = arith.index_cast %get3A_1379 : i32 to index
        %get3A_1381 = arith.constant 16 : index
        %get3A_1382 = tpu.vector_load %arg13[%get3A_1380, %get3A_1381] {strides = array<i32>} : memref<16x128xi32, #tpu.memory_space<vmem>>, vector<16xi32>,
        %shift_right_logical3A_1383 = arith.constant 7 : i32
        %shift_right_logical3A_1384 = vector.broadcast %shift_right_logical3A_1383 : i32 to vector<16xi32>
        %shift_right_logical3A_1385 = arith.shrui %get3A_1382, %shift_right_logical3A_1384 : vector<16xi32>
        %and3A_1386 = arith.constant 127 : i32
        %and3A_1387 = vector.broadcast %and3A_1386 : i32 to vector<16xi32>
        %and3A_1388 = arith.andi %get3A_1382, %and3A_1387 : vector<16xi32>
        tpu.vector_store_idx %arg16[%shift_right_logical3A_1385, %and3A_1388], %broadcast_in_dim3A_8 {add = true} : memref<80x128xf32, #tpu.memory_space<vmem>>[vector<16xi32>, vector<16xi32>], vector<16xf32>,
        %get3A_1389 = arith.constant 12 : i32
        %get3A_1390 = arith.index_cast %get3A_1389 : i32 to index
        %get3A_1391 = arith.constant 32 : index
        %get3A_1392 = tpu.vector_load %arg13[%get3A_1390, %get3A_1391] {strides = array<i32>} : memref<16x128xi32, #tpu.memory_space<vmem>>, vector<16xi32>,
        %shift_right_logical3A_1393 = arith.constant 7 : i32
        %shift_right_logical3A_1394 = vector.broadcast %shift_right_logical3A_1393 : i32 to vector<16xi32>
        %shift_right_logical3A_1395 = arith.shrui %get3A_1392, %shift_right_logical3A_1394 : vector<16xi32>
        %and3A_1396 = arith.constant 127 : i32
        %and3A_1397 = vector.broadcast %and3A_1396 : i32 to vector<16xi32>
        %and3A_1398 = arith.andi %get3A_1392, %and3A_1397 : vector<16xi32>
        tpu.vector_store_idx %arg16[%shift_right_logical3A_1395, %and3A_1398], %broadcast_in_dim3A_8 {add = true} : memref<80x128xf32, #tpu.memory_space<vmem>>[vector<16xi32>, vector<16xi32>], vector<16xf32>,
        %get3A_1399 = arith.constant 12 : i32
        %get3A_1400 = arith.index_cast %get3A_1399 : i32 to index
        %get3A_1401 = arith.constant 48 : index
        %get3A_1402 = tpu.vector_load %arg13[%get3A_1400, %get3A_1401] {strides = array<i32>} : memref<16x128xi32, #tpu.memory_space<vmem>>, vector<16xi32>,
        %shift_right_logical3A_1403 = arith.constant 7 : i32
        %shift_right_logical3A_1404 = vector.broadcast %shift_right_logical3A_1403 : i32 to vector<16xi32>
        %shift_right_logical3A_1405 = arith.shrui %get3A_1402, %shift_right_logical3A_1404 : vector<16xi32>
        %and3A_1406 = arith.constant 127 : i32
        %and3A_1407 = vector.broadcast %and3A_1406 : i32 to vector<16xi32>
        %and3A_1408 = arith.andi %get3A_1402, %and3A_1407 : vector<16xi32>
        tpu.vector_store_idx %arg16[%shift_right_logical3A_1405, %and3A_1408], %broadcast_in_dim3A_8 {add = true} : memref<80x128xf32, #tpu.memory_space<vmem>>[vector<16xi32>, vector<16xi32>], vector<16xf32>,
        %get3A_1409 = arith.constant 12 : i32
        %get3A_1410 = arith.index_cast %get3A_1409 : i32 to index
        %get3A_1411 = arith.constant 64 : index
        %get3A_1412 = tpu.vector_load %arg13[%get3A_1410, %get3A_1411] {strides = array<i32>} : memref<16x128xi32, #tpu.memory_space<vmem>>, vector<16xi32>,
        %shift_right_logical3A_1413 = arith.constant 7 : i32
        %shift_right_logical3A_1414 = vector.broadcast %shift_right_logical3A_1413 : i32 to vector<16xi32>
        %shift_right_logical3A_1415 = arith.shrui %get3A_1412, %shift_right_logical3A_1414 : vector<16xi32>
        %and3A_1416 = arith.constant 127 : i32
        %and3A_1417 = vector.broadcast %and3A_1416 : i32 to vector<16xi32>
        %and3A_1418 = arith.andi %get3A_1412, %and3A_1417 : vector<16xi32>
        tpu.vector_store_idx %arg16[%shift_right_logical3A_1415, %and3A_1418], %broadcast_in_dim3A_8 {add = true} : memref<80x128xf32, #tpu.memory_space<vmem>>[vector<16xi32>, vector<16xi32>], vector<16xf32>,
        %get3A_1419 = arith.constant 12 : i32
        %get3A_1420 = arith.index_cast %get3A_1419 : i32 to index
        %get3A_1421 = arith.constant 80 : index
        %get3A_1422 = tpu.vector_load %arg13[%get3A_1420, %get3A_1421] {strides = array<i32>} : memref<16x128xi32, #tpu.memory_space<vmem>>, vector<16xi32>,
        %shift_right_logical3A_1423 = arith.constant 7 : i32
        %shift_right_logical3A_1424 = vector.broadcast %shift_right_logical3A_1423 : i32 to vector<16xi32>
        %shift_right_logical3A_1425 = arith.shrui %get3A_1422, %shift_right_logical3A_1424 : vector<16xi32>
        %and3A_1426 = arith.constant 127 : i32
        %and3A_1427 = vector.broadcast %and3A_1426 : i32 to vector<16xi32>
        %and3A_1428 = arith.andi %get3A_1422, %and3A_1427 : vector<16xi32>
        tpu.vector_store_idx %arg16[%shift_right_logical3A_1425, %and3A_1428], %broadcast_in_dim3A_8 {add = true} : memref<80x128xf32, #tpu.memory_space<vmem>>[vector<16xi32>, vector<16xi32>], vector<16xf32>,
        %get3A_1429 = arith.constant 12 : i32
        %get3A_1430 = arith.index_cast %get3A_1429 : i32 to index
        %get3A_1431 = arith.constant 96 : index
        %get3A_1432 = tpu.vector_load %arg13[%get3A_1430, %get3A_1431] {strides = array<i32>} : memref<16x128xi32, #tpu.memory_space<vmem>>, vector<16xi32>,
        %shift_right_logical3A_1433 = arith.constant 7 : i32
        %shift_right_logical3A_1434 = vector.broadcast %shift_right_logical3A_1433 : i32 to vector<16xi32>
        %shift_right_logical3A_1435 = arith.shrui %get3A_1432, %shift_right_logical3A_1434 : vector<16xi32>
        %and3A_1436 = arith.constant 127 : i32
        %and3A_1437 = vector.broadcast %and3A_1436 : i32 to vector<16xi32>
        %and3A_1438 = arith.andi %get3A_1432, %and3A_1437 : vector<16xi32>
        tpu.vector_store_idx %arg16[%shift_right_logical3A_1435, %and3A_1438], %broadcast_in_dim3A_8 {add = true} : memref<80x128xf32, #tpu.memory_space<vmem>>[vector<16xi32>, vector<16xi32>], vector<16xf32>,
        %get3A_1439 = arith.constant 12 : i32
        %get3A_1440 = arith.index_cast %get3A_1439 : i32 to index
        %get3A_1441 = arith.constant 112 : index
        %get3A_1442 = tpu.vector_load %arg13[%get3A_1440, %get3A_1441] {strides = array<i32>} : memref<16x128xi32, #tpu.memory_space<vmem>>, vector<16xi32>,
        %shift_right_logical3A_1443 = arith.constant 7 : i32
        %shift_right_logical3A_1444 = vector.broadcast %shift_right_logical3A_1443 : i32 to vector<16xi32>
        %shift_right_logical3A_1445 = arith.shrui %get3A_1442, %shift_right_logical3A_1444 : vector<16xi32>
        %and3A_1446 = arith.constant 127 : i32
        %and3A_1447 = vector.broadcast %and3A_1446 : i32 to vector<16xi32>
        %and3A_1448 = arith.andi %get3A_1442, %and3A_1447 : vector<16xi32>
        tpu.vector_store_idx %arg16[%shift_right_logical3A_1445, %and3A_1448], %broadcast_in_dim3A_8 {add = true} : memref<80x128xf32, #tpu.memory_space<vmem>>[vector<16xi32>, vector<16xi32>], vector<16xf32>,
        %dma_wait3A_1449 = arith.constant 12 : i32
        %dma_wait3A_1450 = arith.constant 0 : i32
        %dma_wait3A_1451 = tpu.memref_slice %arg13[%dma_wait3A_1449, %dma_wait3A_1450] : memref<16x128xi32, #tpu.memory_space<vmem>> -> memref<1x128xi32, #tpu.memory_space<vmem>>
        %dma_wait3A_1452 = tpu.memref_squeeze %dma_wait3A_1451 : memref<1x128xi32, #tpu.memory_space<vmem>> -> memref<128xi32, #tpu.memory_space<vmem>>
        %dma_wait3A_1453 = arith.constant 0 : i32
        %dma_wait3A_1454 = arith.constant 0 : i32
        %dma_wait3A_1455 = tpu.memref_slice %arg17[%dma_wait3A_1453, %dma_wait3A_1454] : memref<10240x128xf32, #tpu.memory_space<vmem_shared>> -> memref<10240x128xf32, #tpu.memory_space<vmem_shared>>
        tpu.wait_indirect_dma semaphore(%arg20 : memref<!tpu.dma_semaphore, #tpu.memory_space<semaphore_mem>>) src(%arg14 : memref<128x128xf32, #tpu.memory_space<vmem>>) dst(%dma_wait3A_1455 : memref<10240x128xf32, #tpu.memory_space<vmem_shared>>)
        %dma_start3A_1456 = arith.constant 14 : i32
        %dma_start3A_1457 = arith.constant 0 : i32
        %dma_start3A_1458 = tpu.memref_slice %arg12[%dma_start3A_1456, %dma_start3A_1457] : memref<16x128xi32, #tpu.memory_space<vmem>> -> memref<1x128xi32, #tpu.memory_space<vmem>>
        %dma_start3A_1459 = tpu.memref_squeeze %dma_start3A_1458 : memref<1x128xi32, #tpu.memory_space<vmem>> -> memref<128xi32, #tpu.memory_space<vmem>>
        %dma_start3A_1460 = arith.constant 0 : i32
        %dma_start3A_1461 = arith.constant 0 : i32
        %dma_start3A_1462 = tpu.memref_slice %arg5[%dma_start3A_1460, %dma_start3A_1461] : memref<10240x128xf32, #tpu.memory_space<hbm>> -> memref<10240x128xf32, #tpu.memory_space<hbm>>
        tpu.enqueue_indirect_dma source(%dma_start3A_1462 : memref<10240x128xf32, #tpu.memory_space<hbm>>) target(%arg14 : memref<128x128xf32, #tpu.memory_space<vmem>>) offsets(%dma_start3A_1459 : memref<128xi32, #tpu.memory_space<vmem>>) semaphore(%arg18 : memref<!tpu.dma_semaphore, #tpu.memory_space<semaphore_mem>>)
        %dma_wait3A_1463 = arith.constant 13 : i32
        %dma_wait3A_1464 = arith.constant 0 : i32
        %dma_wait3A_1465 = tpu.memref_slice %arg12[%dma_wait3A_1463, %dma_wait3A_1464] : memref<16x128xi32, #tpu.memory_space<vmem>> -> memref<1x128xi32, #tpu.memory_space<vmem>>
        %dma_wait3A_1466 = tpu.memref_squeeze %dma_wait3A_1465 : memref<1x128xi32, #tpu.memory_space<vmem>> -> memref<128xi32, #tpu.memory_space<vmem>>
        %dma_wait3A_1467 = arith.constant 0 : i32
        %dma_wait3A_1468 = arith.constant 0 : i32
        %dma_wait3A_1469 = tpu.memref_slice %arg5[%dma_wait3A_1467, %dma_wait3A_1468] : memref<10240x128xf32, #tpu.memory_space<hbm>> -> memref<10240x128xf32, #tpu.memory_space<hbm>>
        tpu.wait_indirect_dma semaphore(%arg19 : memref<!tpu.dma_semaphore, #tpu.memory_space<semaphore_mem>>) src(%dma_wait3A_1469 : memref<10240x128xf32, #tpu.memory_space<hbm>>) dst(%arg15 : memref<128x128xf32, #tpu.memory_space<vmem>>)
        %dma_start3A_1470 = arith.constant 13 : i32
        %dma_start3A_1471 = arith.constant 0 : i32
        %dma_start3A_1472 = tpu.memref_slice %arg13[%dma_start3A_1470, %dma_start3A_1471] : memref<16x128xi32, #tpu.memory_space<vmem>> -> memref<1x128xi32, #tpu.memory_space<vmem>>
        %dma_start3A_1473 = tpu.memref_squeeze %dma_start3A_1472 : memref<1x128xi32, #tpu.memory_space<vmem>> -> memref<128xi32, #tpu.memory_space<vmem>>
        %dma_start3A_1474 = arith.constant 0 : i32
        %dma_start3A_1475 = arith.constant 0 : i32
        %dma_start3A_1476 = tpu.memref_slice %arg17[%dma_start3A_1474, %dma_start3A_1475] : memref<10240x128xf32, #tpu.memory_space<vmem_shared>> -> memref<10240x128xf32, #tpu.memory_space<vmem_shared>>
        tpu.enqueue_indirect_dma source(%arg15 : memref<128x128xf32, #tpu.memory_space<vmem>>) target(%dma_start3A_1476 : memref<10240x128xf32, #tpu.memory_space<vmem_shared>>) offsets(%dma_start3A_1473 : memref<128xi32, #tpu.memory_space<vmem>>) semaphore(%arg21 : memref<!tpu.dma_semaphore, #tpu.memory_space<semaphore_mem>>) {add = true}
        %get3A_1477 = arith.constant 13 : i32
        %get3A_1478 = arith.index_cast %get3A_1477 : i32 to index
        %get3A_1479 = arith.constant 0 : index
        %get3A_1480 = tpu.vector_load %arg13[%get3A_1478, %get3A_1479] {strides = array<i32>} : memref<16x128xi32, #tpu.memory_space<vmem>>, vector<16xi32>,
        %shift_right_logical3A_1481 = arith.constant 7 : i32
        %shift_right_logical3A_1482 = vector.broadcast %shift_right_logical3A_1481 : i32 to vector<16xi32>
        %shift_right_logical3A_1483 = arith.shrui %get3A_1480, %shift_right_logical3A_1482 : vector<16xi32>
        %and3A_1484 = arith.constant 127 : i32
        %and3A_1485 = vector.broadcast %and3A_1484 : i32 to vector<16xi32>
        %and3A_1486 = arith.andi %get3A_1480, %and3A_1485 : vector<16xi32>
        tpu.vector_store_idx %arg16[%shift_right_logical3A_1483, %and3A_1486], %broadcast_in_dim3A_8 {add = true} : memref<80x128xf32, #tpu.memory_space<vmem>>[vector<16xi32>, vector<16xi32>], vector<16xf32>,
        %get3A_1487 = arith.constant 13 : i32
        %get3A_1488 = arith.index_cast %get3A_1487 : i32 to index
        %get3A_1489 = arith.constant 16 : index
        %get3A_1490 = tpu.vector_load %arg13[%get3A_1488, %get3A_1489] {strides = array<i32>} : memref<16x128xi32, #tpu.memory_space<vmem>>, vector<16xi32>,
        %shift_right_logical3A_1491 = arith.constant 7 : i32
        %shift_right_logical3A_1492 = vector.broadcast %shift_right_logical3A_1491 : i32 to vector<16xi32>
        %shift_right_logical3A_1493 = arith.shrui %get3A_1490, %shift_right_logical3A_1492 : vector<16xi32>
        %and3A_1494 = arith.constant 127 : i32
        %and3A_1495 = vector.broadcast %and3A_1494 : i32 to vector<16xi32>
        %and3A_1496 = arith.andi %get3A_1490, %and3A_1495 : vector<16xi32>
        tpu.vector_store_idx %arg16[%shift_right_logical3A_1493, %and3A_1496], %broadcast_in_dim3A_8 {add = true} : memref<80x128xf32, #tpu.memory_space<vmem>>[vector<16xi32>, vector<16xi32>], vector<16xf32>,
        %get3A_1497 = arith.constant 13 : i32
        %get3A_1498 = arith.index_cast %get3A_1497 : i32 to index
        %get3A_1499 = arith.constant 32 : index
        %get3A_1500 = tpu.vector_load %arg13[%get3A_1498, %get3A_1499] {strides = array<i32>} : memref<16x128xi32, #tpu.memory_space<vmem>>, vector<16xi32>,
        %shift_right_logical3A_1501 = arith.constant 7 : i32
        %shift_right_logical3A_1502 = vector.broadcast %shift_right_logical3A_1501 : i32 to vector<16xi32>
        %shift_right_logical3A_1503 = arith.shrui %get3A_1500, %shift_right_logical3A_1502 : vector<16xi32>
        %and3A_1504 = arith.constant 127 : i32
        %and3A_1505 = vector.broadcast %and3A_1504 : i32 to vector<16xi32>
        %and3A_1506 = arith.andi %get3A_1500, %and3A_1505 : vector<16xi32>
        tpu.vector_store_idx %arg16[%shift_right_logical3A_1503, %and3A_1506], %broadcast_in_dim3A_8 {add = true} : memref<80x128xf32, #tpu.memory_space<vmem>>[vector<16xi32>, vector<16xi32>], vector<16xf32>,
        %get3A_1507 = arith.constant 13 : i32
        %get3A_1508 = arith.index_cast %get3A_1507 : i32 to index
        %get3A_1509 = arith.constant 48 : index
        %get3A_1510 = tpu.vector_load %arg13[%get3A_1508, %get3A_1509] {strides = array<i32>} : memref<16x128xi32, #tpu.memory_space<vmem>>, vector<16xi32>,
        %shift_right_logical3A_1511 = arith.constant 7 : i32
        %shift_right_logical3A_1512 = vector.broadcast %shift_right_logical3A_1511 : i32 to vector<16xi32>
        %shift_right_logical3A_1513 = arith.shrui %get3A_1510, %shift_right_logical3A_1512 : vector<16xi32>
        %and3A_1514 = arith.constant 127 : i32
        %and3A_1515 = vector.broadcast %and3A_1514 : i32 to vector<16xi32>
        %and3A_1516 = arith.andi %get3A_1510, %and3A_1515 : vector<16xi32>
        tpu.vector_store_idx %arg16[%shift_right_logical3A_1513, %and3A_1516], %broadcast_in_dim3A_8 {add = true} : memref<80x128xf32, #tpu.memory_space<vmem>>[vector<16xi32>, vector<16xi32>], vector<16xf32>,
        %get3A_1517 = arith.constant 13 : i32
        %get3A_1518 = arith.index_cast %get3A_1517 : i32 to index
        %get3A_1519 = arith.constant 64 : index
        %get3A_1520 = tpu.vector_load %arg13[%get3A_1518, %get3A_1519] {strides = array<i32>} : memref<16x128xi32, #tpu.memory_space<vmem>>, vector<16xi32>,
        %shift_right_logical3A_1521 = arith.constant 7 : i32
        %shift_right_logical3A_1522 = vector.broadcast %shift_right_logical3A_1521 : i32 to vector<16xi32>
        %shift_right_logical3A_1523 = arith.shrui %get3A_1520, %shift_right_logical3A_1522 : vector<16xi32>
        %and3A_1524 = arith.constant 127 : i32
        %and3A_1525 = vector.broadcast %and3A_1524 : i32 to vector<16xi32>
        %and3A_1526 = arith.andi %get3A_1520, %and3A_1525 : vector<16xi32>
        tpu.vector_store_idx %arg16[%shift_right_logical3A_1523, %and3A_1526], %broadcast_in_dim3A_8 {add = true} : memref<80x128xf32, #tpu.memory_space<vmem>>[vector<16xi32>, vector<16xi32>], vector<16xf32>,
        %get3A_1527 = arith.constant 13 : i32
        %get3A_1528 = arith.index_cast %get3A_1527 : i32 to index
        %get3A_1529 = arith.constant 80 : index
        %get3A_1530 = tpu.vector_load %arg13[%get3A_1528, %get3A_1529] {strides = array<i32>} : memref<16x128xi32, #tpu.memory_space<vmem>>, vector<16xi32>,
        %shift_right_logical3A_1531 = arith.constant 7 : i32
        %shift_right_logical3A_1532 = vector.broadcast %shift_right_logical3A_1531 : i32 to vector<16xi32>
        %shift_right_logical3A_1533 = arith.shrui %get3A_1530, %shift_right_logical3A_1532 : vector<16xi32>
        %and3A_1534 = arith.constant 127 : i32
        %and3A_1535 = vector.broadcast %and3A_1534 : i32 to vector<16xi32>
        %and3A_1536 = arith.andi %get3A_1530, %and3A_1535 : vector<16xi32>
        tpu.vector_store_idx %arg16[%shift_right_logical3A_1533, %and3A_1536], %broadcast_in_dim3A_8 {add = true} : memref<80x128xf32, #tpu.memory_space<vmem>>[vector<16xi32>, vector<16xi32>], vector<16xf32>,
        %get3A_1537 = arith.constant 13 : i32
        %get3A_1538 = arith.index_cast %get3A_1537 : i32 to index
        %get3A_1539 = arith.constant 96 : index
        %get3A_1540 = tpu.vector_load %arg13[%get3A_1538, %get3A_1539] {strides = array<i32>} : memref<16x128xi32, #tpu.memory_space<vmem>>, vector<16xi32>,
        %shift_right_logical3A_1541 = arith.constant 7 : i32
        %shift_right_logical3A_1542 = vector.broadcast %shift_right_logical3A_1541 : i32 to vector<16xi32>
        %shift_right_logical3A_1543 = arith.shrui %get3A_1540, %shift_right_logical3A_1542 : vector<16xi32>
        %and3A_1544 = arith.constant 127 : i32
        %and3A_1545 = vector.broadcast %and3A_1544 : i32 to vector<16xi32>
        %and3A_1546 = arith.andi %get3A_1540, %and3A_1545 : vector<16xi32>
        tpu.vector_store_idx %arg16[%shift_right_logical3A_1543, %and3A_1546], %broadcast_in_dim3A_8 {add = true} : memref<80x128xf32, #tpu.memory_space<vmem>>[vector<16xi32>, vector<16xi32>], vector<16xf32>,
        %get3A_1547 = arith.constant 13 : i32
        %get3A_1548 = arith.index_cast %get3A_1547 : i32 to index
        %get3A_1549 = arith.constant 112 : index
        %get3A_1550 = tpu.vector_load %arg13[%get3A_1548, %get3A_1549] {strides = array<i32>} : memref<16x128xi32, #tpu.memory_space<vmem>>, vector<16xi32>,
        %shift_right_logical3A_1551 = arith.constant 7 : i32
        %shift_right_logical3A_1552 = vector.broadcast %shift_right_logical3A_1551 : i32 to vector<16xi32>
        %shift_right_logical3A_1553 = arith.shrui %get3A_1550, %shift_right_logical3A_1552 : vector<16xi32>
        %and3A_1554 = arith.constant 127 : i32
        %and3A_1555 = vector.broadcast %and3A_1554 : i32 to vector<16xi32>
        %and3A_1556 = arith.andi %get3A_1550, %and3A_1555 : vector<16xi32>
        tpu.vector_store_idx %arg16[%shift_right_logical3A_1553, %and3A_1556], %broadcast_in_dim3A_8 {add = true} : memref<80x128xf32, #tpu.memory_space<vmem>>[vector<16xi32>, vector<16xi32>], vector<16xf32>,
        %dma_wait3A_1557 = arith.constant 13 : i32
        %dma_wait3A_1558 = arith.constant 0 : i32
        %dma_wait3A_1559 = tpu.memref_slice %arg13[%dma_wait3A_1557, %dma_wait3A_1558] : memref<16x128xi32, #tpu.memory_space<vmem>> -> memref<1x128xi32, #tpu.memory_space<vmem>>
        %dma_wait3A_1560 = tpu.memref_squeeze %dma_wait3A_1559 : memref<1x128xi32, #tpu.memory_space<vmem>> -> memref<128xi32, #tpu.memory_space<vmem>>
        %dma_wait3A_1561 = arith.constant 0 : i32
        %dma_wait3A_1562 = arith.constant 0 : i32
        %dma_wait3A_1563 = tpu.memref_slice %arg17[%dma_wait3A_1561, %dma_wait3A_1562] : memref<10240x128xf32, #tpu.memory_space<vmem_shared>> -> memref<10240x128xf32, #tpu.memory_space<vmem_shared>>
        tpu.wait_indirect_dma semaphore(%arg21 : memref<!tpu.dma_semaphore, #tpu.memory_space<semaphore_mem>>) src(%arg15 : memref<128x128xf32, #tpu.memory_space<vmem>>) dst(%dma_wait3A_1563 : memref<10240x128xf32, #tpu.memory_space<vmem_shared>>)
        %dma_start3A_1564 = arith.constant 15 : i32
        %dma_start3A_1565 = arith.constant 0 : i32
        %dma_start3A_1566 = tpu.memref_slice %arg12[%dma_start3A_1564, %dma_start3A_1565] : memref<16x128xi32, #tpu.memory_space<vmem>> -> memref<1x128xi32, #tpu.memory_space<vmem>>
        %dma_start3A_1567 = tpu.memref_squeeze %dma_start3A_1566 : memref<1x128xi32, #tpu.memory_space<vmem>> -> memref<128xi32, #tpu.memory_space<vmem>>
        %dma_start3A_1568 = arith.constant 0 : i32
        %dma_start3A_1569 = arith.constant 0 : i32
        %dma_start3A_1570 = tpu.memref_slice %arg5[%dma_start3A_1568, %dma_start3A_1569] : memref<10240x128xf32, #tpu.memory_space<hbm>> -> memref<10240x128xf32, #tpu.memory_space<hbm>>
        tpu.enqueue_indirect_dma source(%dma_start3A_1570 : memref<10240x128xf32, #tpu.memory_space<hbm>>) target(%arg15 : memref<128x128xf32, #tpu.memory_space<vmem>>) offsets(%dma_start3A_1567 : memref<128xi32, #tpu.memory_space<vmem>>) semaphore(%arg19 : memref<!tpu.dma_semaphore, #tpu.memory_space<semaphore_mem>>)
        %dma_wait3A_1571 = arith.constant 14 : i32
        %dma_wait3A_1572 = arith.constant 0 : i32
        %dma_wait3A_1573 = tpu.memref_slice %arg12[%dma_wait3A_1571, %dma_wait3A_1572] : memref<16x128xi32, #tpu.memory_space<vmem>> -> memref<1x128xi32, #tpu.memory_space<vmem>>
        %dma_wait3A_1574 = tpu.memref_squeeze %dma_wait3A_1573 : memref<1x128xi32, #tpu.memory_space<vmem>> -> memref<128xi32, #tpu.memory_space<vmem>>
        %dma_wait3A_1575 = arith.constant 0 : i32
        %dma_wait3A_1576 = arith.constant 0 : i32
        %dma_wait3A_1577 = tpu.memref_slice %arg5[%dma_wait3A_1575, %dma_wait3A_1576] : memref<10240x128xf32, #tpu.memory_space<hbm>> -> memref<10240x128xf32, #tpu.memory_space<hbm>>
        tpu.wait_indirect_dma semaphore(%arg18 : memref<!tpu.dma_semaphore, #tpu.memory_space<semaphore_mem>>) src(%dma_wait3A_1577 : memref<10240x128xf32, #tpu.memory_space<hbm>>) dst(%arg14 : memref<128x128xf32, #tpu.memory_space<vmem>>)
        %dma_start3A_1578 = arith.constant 14 : i32
        %dma_start3A_1579 = arith.constant 0 : i32
        %dma_start3A_1580 = tpu.memref_slice %arg13[%dma_start3A_1578, %dma_start3A_1579] : memref<16x128xi32, #tpu.memory_space<vmem>> -> memref<1x128xi32, #tpu.memory_space<vmem>>
        %dma_start3A_1581 = tpu.memref_squeeze %dma_start3A_1580 : memref<1x128xi32, #tpu.memory_space<vmem>> -> memref<128xi32, #tpu.memory_space<vmem>>
        %dma_start3A_1582 = arith.constant 0 : i32
        %dma_start3A_1583 = arith.constant 0 : i32
        %dma_start3A_1584 = tpu.memref_slice %arg17[%dma_start3A_1582, %dma_start3A_1583] : memref<10240x128xf32, #tpu.memory_space<vmem_shared>> -> memref<10240x128xf32, #tpu.memory_space<vmem_shared>>
        tpu.enqueue_indirect_dma source(%arg14 : memref<128x128xf32, #tpu.memory_space<vmem>>) target(%dma_start3A_1584 : memref<10240x128xf32, #tpu.memory_space<vmem_shared>>) offsets(%dma_start3A_1581 : memref<128xi32, #tpu.memory_space<vmem>>) semaphore(%arg20 : memref<!tpu.dma_semaphore, #tpu.memory_space<semaphore_mem>>) {add = true}
        %get3A_1585 = arith.constant 14 : i32
        %get3A_1586 = arith.index_cast %get3A_1585 : i32 to index
        %get3A_1587 = arith.constant 0 : index
        %get3A_1588 = tpu.vector_load %arg13[%get3A_1586, %get3A_1587] {strides = array<i32>} : memref<16x128xi32, #tpu.memory_space<vmem>>, vector<16xi32>,
        %shift_right_logical3A_1589 = arith.constant 7 : i32
        %shift_right_logical3A_1590 = vector.broadcast %shift_right_logical3A_1589 : i32 to vector<16xi32>
        %shift_right_logical3A_1591 = arith.shrui %get3A_1588, %shift_right_logical3A_1590 : vector<16xi32>
        %and3A_1592 = arith.constant 127 : i32
        %and3A_1593 = vector.broadcast %and3A_1592 : i32 to vector<16xi32>
        %and3A_1594 = arith.andi %get3A_1588, %and3A_1593 : vector<16xi32>
        tpu.vector_store_idx %arg16[%shift_right_logical3A_1591, %and3A_1594], %broadcast_in_dim3A_8 {add = true} : memref<80x128xf32, #tpu.memory_space<vmem>>[vector<16xi32>, vector<16xi32>], vector<16xf32>,
        %get3A_1595 = arith.constant 14 : i32
        %get3A_1596 = arith.index_cast %get3A_1595 : i32 to index
        %get3A_1597 = arith.constant 16 : index
        %get3A_1598 = tpu.vector_load %arg13[%get3A_1596, %get3A_1597] {strides = array<i32>} : memref<16x128xi32, #tpu.memory_space<vmem>>, vector<16xi32>,
        %shift_right_logical3A_1599 = arith.constant 7 : i32
        %shift_right_logical3A_1600 = vector.broadcast %shift_right_logical3A_1599 : i32 to vector<16xi32>
        %shift_right_logical3A_1601 = arith.shrui %get3A_1598, %shift_right_logical3A_1600 : vector<16xi32>
        %and3A_1602 = arith.constant 127 : i32
        %and3A_1603 = vector.broadcast %and3A_1602 : i32 to vector<16xi32>
        %and3A_1604 = arith.andi %get3A_1598, %and3A_1603 : vector<16xi32>
        tpu.vector_store_idx %arg16[%shift_right_logical3A_1601, %and3A_1604], %broadcast_in_dim3A_8 {add = true} : memref<80x128xf32, #tpu.memory_space<vmem>>[vector<16xi32>, vector<16xi32>], vector<16xf32>,
        %get3A_1605 = arith.constant 14 : i32
        %get3A_1606 = arith.index_cast %get3A_1605 : i32 to index
        %get3A_1607 = arith.constant 32 : index
        %get3A_1608 = tpu.vector_load %arg13[%get3A_1606, %get3A_1607] {strides = array<i32>} : memref<16x128xi32, #tpu.memory_space<vmem>>, vector<16xi32>,
        %shift_right_logical3A_1609 = arith.constant 7 : i32
        %shift_right_logical3A_1610 = vector.broadcast %shift_right_logical3A_1609 : i32 to vector<16xi32>
        %shift_right_logical3A_1611 = arith.shrui %get3A_1608, %shift_right_logical3A_1610 : vector<16xi32>
        %and3A_1612 = arith.constant 127 : i32
        %and3A_1613 = vector.broadcast %and3A_1612 : i32 to vector<16xi32>
        %and3A_1614 = arith.andi %get3A_1608, %and3A_1613 : vector<16xi32>
        tpu.vector_store_idx %arg16[%shift_right_logical3A_1611, %and3A_1614], %broadcast_in_dim3A_8 {add = true} : memref<80x128xf32, #tpu.memory_space<vmem>>[vector<16xi32>, vector<16xi32>], vector<16xf32>,
        %get3A_1615 = arith.constant 14 : i32
        %get3A_1616 = arith.index_cast %get3A_1615 : i32 to index
        %get3A_1617 = arith.constant 48 : index
        %get3A_1618 = tpu.vector_load %arg13[%get3A_1616, %get3A_1617] {strides = array<i32>} : memref<16x128xi32, #tpu.memory_space<vmem>>, vector<16xi32>,
        %shift_right_logical3A_1619 = arith.constant 7 : i32
        %shift_right_logical3A_1620 = vector.broadcast %shift_right_logical3A_1619 : i32 to vector<16xi32>
        %shift_right_logical3A_1621 = arith.shrui %get3A_1618, %shift_right_logical3A_1620 : vector<16xi32>
        %and3A_1622 = arith.constant 127 : i32
        %and3A_1623 = vector.broadcast %and3A_1622 : i32 to vector<16xi32>
        %and3A_1624 = arith.andi %get3A_1618, %and3A_1623 : vector<16xi32>
        tpu.vector_store_idx %arg16[%shift_right_logical3A_1621, %and3A_1624], %broadcast_in_dim3A_8 {add = true} : memref<80x128xf32, #tpu.memory_space<vmem>>[vector<16xi32>, vector<16xi32>], vector<16xf32>,
        %get3A_1625 = arith.constant 14 : i32
        %get3A_1626 = arith.index_cast %get3A_1625 : i32 to index
        %get3A_1627 = arith.constant 64 : index
        %get3A_1628 = tpu.vector_load %arg13[%get3A_1626, %get3A_1627] {strides = array<i32>} : memref<16x128xi32, #tpu.memory_space<vmem>>, vector<16xi32>,
        %shift_right_logical3A_1629 = arith.constant 7 : i32
        %shift_right_logical3A_1630 = vector.broadcast %shift_right_logical3A_1629 : i32 to vector<16xi32>
        %shift_right_logical3A_1631 = arith.shrui %get3A_1628, %shift_right_logical3A_1630 : vector<16xi32>
        %and3A_1632 = arith.constant 127 : i32
        %and3A_1633 = vector.broadcast %and3A_1632 : i32 to vector<16xi32>
        %and3A_1634 = arith.andi %get3A_1628, %and3A_1633 : vector<16xi32>
        tpu.vector_store_idx %arg16[%shift_right_logical3A_1631, %and3A_1634], %broadcast_in_dim3A_8 {add = true} : memref<80x128xf32, #tpu.memory_space<vmem>>[vector<16xi32>, vector<16xi32>], vector<16xf32>,
        %get3A_1635 = arith.constant 14 : i32
        %get3A_1636 = arith.index_cast %get3A_1635 : i32 to index
        %get3A_1637 = arith.constant 80 : index
        %get3A_1638 = tpu.vector_load %arg13[%get3A_1636, %get3A_1637] {strides = array<i32>} : memref<16x128xi32, #tpu.memory_space<vmem>>, vector<16xi32>,
        %shift_right_logical3A_1639 = arith.constant 7 : i32
        %shift_right_logical3A_1640 = vector.broadcast %shift_right_logical3A_1639 : i32 to vector<16xi32>
        %shift_right_logical3A_1641 = arith.shrui %get3A_1638, %shift_right_logical3A_1640 : vector<16xi32>
        %and3A_1642 = arith.constant 127 : i32
        %and3A_1643 = vector.broadcast %and3A_1642 : i32 to vector<16xi32>
        %and3A_1644 = arith.andi %get3A_1638, %and3A_1643 : vector<16xi32>
        tpu.vector_store_idx %arg16[%shift_right_logical3A_1641, %and3A_1644], %broadcast_in_dim3A_8 {add = true} : memref<80x128xf32, #tpu.memory_space<vmem>>[vector<16xi32>, vector<16xi32>], vector<16xf32>,
        %get3A_1645 = arith.constant 14 : i32
        %get3A_1646 = arith.index_cast %get3A_1645 : i32 to index
        %get3A_1647 = arith.constant 96 : index
        %get3A_1648 = tpu.vector_load %arg13[%get3A_1646, %get3A_1647] {strides = array<i32>} : memref<16x128xi32, #tpu.memory_space<vmem>>, vector<16xi32>,
        %shift_right_logical3A_1649 = arith.constant 7 : i32
        %shift_right_logical3A_1650 = vector.broadcast %shift_right_logical3A_1649 : i32 to vector<16xi32>
        %shift_right_logical3A_1651 = arith.shrui %get3A_1648, %shift_right_logical3A_1650 : vector<16xi32>
        %and3A_1652 = arith.constant 127 : i32
        %and3A_1653 = vector.broadcast %and3A_1652 : i32 to vector<16xi32>
        %and3A_1654 = arith.andi %get3A_1648, %and3A_1653 : vector<16xi32>
        tpu.vector_store_idx %arg16[%shift_right_logical3A_1651, %and3A_1654], %broadcast_in_dim3A_8 {add = true} : memref<80x128xf32, #tpu.memory_space<vmem>>[vector<16xi32>, vector<16xi32>], vector<16xf32>,
        %get3A_1655 = arith.constant 14 : i32
        %get3A_1656 = arith.index_cast %get3A_1655 : i32 to index
        %get3A_1657 = arith.constant 112 : index
        %get3A_1658 = tpu.vector_load %arg13[%get3A_1656, %get3A_1657] {strides = array<i32>} : memref<16x128xi32, #tpu.memory_space<vmem>>, vector<16xi32>,
        %shift_right_logical3A_1659 = arith.constant 7 : i32
        %shift_right_logical3A_1660 = vector.broadcast %shift_right_logical3A_1659 : i32 to vector<16xi32>
        %shift_right_logical3A_1661 = arith.shrui %get3A_1658, %shift_right_logical3A_1660 : vector<16xi32>
        %and3A_1662 = arith.constant 127 : i32
        %and3A_1663 = vector.broadcast %and3A_1662 : i32 to vector<16xi32>
        %and3A_1664 = arith.andi %get3A_1658, %and3A_1663 : vector<16xi32>
        tpu.vector_store_idx %arg16[%shift_right_logical3A_1661, %and3A_1664], %broadcast_in_dim3A_8 {add = true} : memref<80x128xf32, #tpu.memory_space<vmem>>[vector<16xi32>, vector<16xi32>], vector<16xf32>,
        %dma_wait3A_1665 = arith.constant 15 : i32
        %dma_wait3A_1666 = arith.constant 0 : i32
        %dma_wait3A_1667 = tpu.memref_slice %arg12[%dma_wait3A_1665, %dma_wait3A_1666] : memref<16x128xi32, #tpu.memory_space<vmem>> -> memref<1x128xi32, #tpu.memory_space<vmem>>
        %dma_wait3A_1668 = tpu.memref_squeeze %dma_wait3A_1667 : memref<1x128xi32, #tpu.memory_space<vmem>> -> memref<128xi32, #tpu.memory_space<vmem>>
        %dma_wait3A_1669 = arith.constant 0 : i32
        %dma_wait3A_1670 = arith.constant 0 : i32
        %dma_wait3A_1671 = tpu.memref_slice %arg5[%dma_wait3A_1669, %dma_wait3A_1670] : memref<10240x128xf32, #tpu.memory_space<hbm>> -> memref<10240x128xf32, #tpu.memory_space<hbm>>
        tpu.wait_indirect_dma semaphore(%arg19 : memref<!tpu.dma_semaphore, #tpu.memory_space<semaphore_mem>>) src(%dma_wait3A_1671 : memref<10240x128xf32, #tpu.memory_space<hbm>>) dst(%arg15 : memref<128x128xf32, #tpu.memory_space<vmem>>)
        %dma_start3A_1672 = arith.constant 15 : i32
        %dma_start3A_1673 = arith.constant 0 : i32
        %dma_start3A_1674 = tpu.memref_slice %arg13[%dma_start3A_1672, %dma_start3A_1673] : memref<16x128xi32, #tpu.memory_space<vmem>> -> memref<1x128xi32, #tpu.memory_space<vmem>>
        %dma_start3A_1675 = tpu.memref_squeeze %dma_start3A_1674 : memref<1x128xi32, #tpu.memory_space<vmem>> -> memref<128xi32, #tpu.memory_space<vmem>>
        %dma_start3A_1676 = arith.constant 0 : i32
        %dma_start3A_1677 = arith.constant 0 : i32
        %dma_start3A_1678 = tpu.memref_slice %arg17[%dma_start3A_1676, %dma_start3A_1677] : memref<10240x128xf32, #tpu.memory_space<vmem_shared>> -> memref<10240x128xf32, #tpu.memory_space<vmem_shared>>
        tpu.enqueue_indirect_dma source(%arg15 : memref<128x128xf32, #tpu.memory_space<vmem>>) target(%dma_start3A_1678 : memref<10240x128xf32, #tpu.memory_space<vmem_shared>>) offsets(%dma_start3A_1675 : memref<128xi32, #tpu.memory_space<vmem>>) semaphore(%arg21 : memref<!tpu.dma_semaphore, #tpu.memory_space<semaphore_mem>>) {add = true}
        %get3A_1679 = arith.constant 15 : i32
        %get3A_1680 = arith.index_cast %get3A_1679 : i32 to index
        %get3A_1681 = arith.constant 0 : index
        %get3A_1682 = tpu.vector_load %arg13[%get3A_1680, %get3A_1681] {strides = array<i32>} : memref<16x128xi32, #tpu.memory_space<vmem>>, vector<16xi32>,
        %shift_right_logical3A_1683 = arith.constant 7 : i32
        %shift_right_logical3A_1684 = vector.broadcast %shift_right_logical3A_1683 : i32 to vector<16xi32>
        %shift_right_logical3A_1685 = arith.shrui %get3A_1682, %shift_right_logical3A_1684 : vector<16xi32>
        %and3A_1686 = arith.constant 127 : i32
        %and3A_1687 = vector.broadcast %and3A_1686 : i32 to vector<16xi32>
        %and3A_1688 = arith.andi %get3A_1682, %and3A_1687 : vector<16xi32>
        tpu.vector_store_idx %arg16[%shift_right_logical3A_1685, %and3A_1688], %broadcast_in_dim3A_8 {add = true} : memref<80x128xf32, #tpu.memory_space<vmem>>[vector<16xi32>, vector<16xi32>], vector<16xf32>,
        %get3A_1689 = arith.constant 15 : i32
        %get3A_1690 = arith.index_cast %get3A_1689 : i32 to index
        %get3A_1691 = arith.constant 16 : index
        %get3A_1692 = tpu.vector_load %arg13[%get3A_1690, %get3A_1691] {strides = array<i32>} : memref<16x128xi32, #tpu.memory_space<vmem>>, vector<16xi32>,
        %shift_right_logical3A_1693 = arith.constant 7 : i32
        %shift_right_logical3A_1694 = vector.broadcast %shift_right_logical3A_1693 : i32 to vector<16xi32>
        %shift_right_logical3A_1695 = arith.shrui %get3A_1692, %shift_right_logical3A_1694 : vector<16xi32>
        %and3A_1696 = arith.constant 127 : i32
        %and3A_1697 = vector.broadcast %and3A_1696 : i32 to vector<16xi32>
        %and3A_1698 = arith.andi %get3A_1692, %and3A_1697 : vector<16xi32>
        tpu.vector_store_idx %arg16[%shift_right_logical3A_1695, %and3A_1698], %broadcast_in_dim3A_8 {add = true} : memref<80x128xf32, #tpu.memory_space<vmem>>[vector<16xi32>, vector<16xi32>], vector<16xf32>,
        %get3A_1699 = arith.constant 15 : i32
        %get3A_1700 = arith.index_cast %get3A_1699 : i32 to index
        %get3A_1701 = arith.constant 32 : index
        %get3A_1702 = tpu.vector_load %arg13[%get3A_1700, %get3A_1701] {strides = array<i32>} : memref<16x128xi32, #tpu.memory_space<vmem>>, vector<16xi32>,
        %shift_right_logical3A_1703 = arith.constant 7 : i32
        %shift_right_logical3A_1704 = vector.broadcast %shift_right_logical3A_1703 : i32 to vector<16xi32>
        %shift_right_logical3A_1705 = arith.shrui %get3A_1702, %shift_right_logical3A_1704 : vector<16xi32>
        %and3A_1706 = arith.constant 127 : i32
        %and3A_1707 = vector.broadcast %and3A_1706 : i32 to vector<16xi32>
        %and3A_1708 = arith.andi %get3A_1702, %and3A_1707 : vector<16xi32>
        tpu.vector_store_idx %arg16[%shift_right_logical3A_1705, %and3A_1708], %broadcast_in_dim3A_8 {add = true} : memref<80x128xf32, #tpu.memory_space<vmem>>[vector<16xi32>, vector<16xi32>], vector<16xf32>,
        %get3A_1709 = arith.constant 15 : i32
        %get3A_1710 = arith.index_cast %get3A_1709 : i32 to index
        %get3A_1711 = arith.constant 48 : index
        %get3A_1712 = tpu.vector_load %arg13[%get3A_1710, %get3A_1711] {strides = array<i32>} : memref<16x128xi32, #tpu.memory_space<vmem>>, vector<16xi32>,
        %shift_right_logical3A_1713 = arith.constant 7 : i32
        %shift_right_logical3A_1714 = vector.broadcast %shift_right_logical3A_1713 : i32 to vector<16xi32>
        %shift_right_logical3A_1715 = arith.shrui %get3A_1712, %shift_right_logical3A_1714 : vector<16xi32>
        %and3A_1716 = arith.constant 127 : i32
        %and3A_1717 = vector.broadcast %and3A_1716 : i32 to vector<16xi32>
        %and3A_1718 = arith.andi %get3A_1712, %and3A_1717 : vector<16xi32>
        tpu.vector_store_idx %arg16[%shift_right_logical3A_1715, %and3A_1718], %broadcast_in_dim3A_8 {add = true} : memref<80x128xf32, #tpu.memory_space<vmem>>[vector<16xi32>, vector<16xi32>], vector<16xf32>,
        %get3A_1719 = arith.constant 15 : i32
        %get3A_1720 = arith.index_cast %get3A_1719 : i32 to index
        %get3A_1721 = arith.constant 64 : index
        %get3A_1722 = tpu.vector_load %arg13[%get3A_1720, %get3A_1721] {strides = array<i32>} : memref<16x128xi32, #tpu.memory_space<vmem>>, vector<16xi32>,
        %shift_right_logical3A_1723 = arith.constant 7 : i32
        %shift_right_logical3A_1724 = vector.broadcast %shift_right_logical3A_1723 : i32 to vector<16xi32>
        %shift_right_logical3A_1725 = arith.shrui %get3A_1722, %shift_right_logical3A_1724 : vector<16xi32>
        %and3A_1726 = arith.constant 127 : i32
        %and3A_1727 = vector.broadcast %and3A_1726 : i32 to vector<16xi32>
        %and3A_1728 = arith.andi %get3A_1722, %and3A_1727 : vector<16xi32>
        tpu.vector_store_idx %arg16[%shift_right_logical3A_1725, %and3A_1728], %broadcast_in_dim3A_8 {add = true} : memref<80x128xf32, #tpu.memory_space<vmem>>[vector<16xi32>, vector<16xi32>], vector<16xf32>,
        %get3A_1729 = arith.constant 15 : i32
        %get3A_1730 = arith.index_cast %get3A_1729 : i32 to index
        %get3A_1731 = arith.constant 80 : index
        %get3A_1732 = tpu.vector_load %arg13[%get3A_1730, %get3A_1731] {strides = array<i32>} : memref<16x128xi32, #tpu.memory_space<vmem>>, vector<16xi32>,
        %shift_right_logical3A_1733 = arith.constant 7 : i32
        %shift_right_logical3A_1734 = vector.broadcast %shift_right_logical3A_1733 : i32 to vector<16xi32>
        %shift_right_logical3A_1735 = arith.shrui %get3A_1732, %shift_right_logical3A_1734 : vector<16xi32>
        %and3A_1736 = arith.constant 127 : i32
        %and3A_1737 = vector.broadcast %and3A_1736 : i32 to vector<16xi32>
        %and3A_1738 = arith.andi %get3A_1732, %and3A_1737 : vector<16xi32>
        tpu.vector_store_idx %arg16[%shift_right_logical3A_1735, %and3A_1738], %broadcast_in_dim3A_8 {add = true} : memref<80x128xf32, #tpu.memory_space<vmem>>[vector<16xi32>, vector<16xi32>], vector<16xf32>,
        %get3A_1739 = arith.constant 15 : i32
        %get3A_1740 = arith.index_cast %get3A_1739 : i32 to index
        %get3A_1741 = arith.constant 96 : index
        %get3A_1742 = tpu.vector_load %arg13[%get3A_1740, %get3A_1741] {strides = array<i32>} : memref<16x128xi32, #tpu.memory_space<vmem>>, vector<16xi32>,
        %shift_right_logical3A_1743 = arith.constant 7 : i32
        %shift_right_logical3A_1744 = vector.broadcast %shift_right_logical3A_1743 : i32 to vector<16xi32>
        %shift_right_logical3A_1745 = arith.shrui %get3A_1742, %shift_right_logical3A_1744 : vector<16xi32>
        %and3A_1746 = arith.constant 127 : i32
        %and3A_1747 = vector.broadcast %and3A_1746 : i32 to vector<16xi32>
        %and3A_1748 = arith.andi %get3A_1742, %and3A_1747 : vector<16xi32>
        tpu.vector_store_idx %arg16[%shift_right_logical3A_1745, %and3A_1748], %broadcast_in_dim3A_8 {add = true} : memref<80x128xf32, #tpu.memory_space<vmem>>[vector<16xi32>, vector<16xi32>], vector<16xf32>,
        %get3A_1749 = arith.constant 15 : i32
        %get3A_1750 = arith.index_cast %get3A_1749 : i32 to index
        %get3A_1751 = arith.constant 112 : index
        %get3A_1752 = tpu.vector_load %arg13[%get3A_1750, %get3A_1751] {strides = array<i32>} : memref<16x128xi32, #tpu.memory_space<vmem>>, vector<16xi32>,
        %shift_right_logical3A_1753 = arith.constant 7 : i32
        %shift_right_logical3A_1754 = vector.broadcast %shift_right_logical3A_1753 : i32 to vector<16xi32>
        %shift_right_logical3A_1755 = arith.shrui %get3A_1752, %shift_right_logical3A_1754 : vector<16xi32>
        %and3A_1756 = arith.constant 127 : i32
        %and3A_1757 = vector.broadcast %and3A_1756 : i32 to vector<16xi32>
        %and3A_1758 = arith.andi %get3A_1752, %and3A_1757 : vector<16xi32>
        tpu.vector_store_idx %arg16[%shift_right_logical3A_1755, %and3A_1758], %broadcast_in_dim3A_8 {add = true} : memref<80x128xf32, #tpu.memory_space<vmem>>[vector<16xi32>, vector<16xi32>], vector<16xf32>,
        %dma_wait3A_1759 = arith.constant 14 : i32
        %dma_wait3A_1760 = arith.constant 0 : i32
        %dma_wait3A_1761 = tpu.memref_slice %arg13[%dma_wait3A_1759, %dma_wait3A_1760] : memref<16x128xi32, #tpu.memory_space<vmem>> -> memref<1x128xi32, #tpu.memory_space<vmem>>
        %dma_wait3A_1762 = tpu.memref_squeeze %dma_wait3A_1761 : memref<1x128xi32, #tpu.memory_space<vmem>> -> memref<128xi32, #tpu.memory_space<vmem>>
        %dma_wait3A_1763 = arith.constant 0 : i32
        %dma_wait3A_1764 = arith.constant 0 : i32
        %dma_wait3A_1765 = tpu.memref_slice %arg17[%dma_wait3A_1763, %dma_wait3A_1764] : memref<10240x128xf32, #tpu.memory_space<vmem_shared>> -> memref<10240x128xf32, #tpu.memory_space<vmem_shared>>
        tpu.wait_indirect_dma semaphore(%arg20 : memref<!tpu.dma_semaphore, #tpu.memory_space<semaphore_mem>>) src(%arg14 : memref<128x128xf32, #tpu.memory_space<vmem>>) dst(%dma_wait3A_1765 : memref<10240x128xf32, #tpu.memory_space<vmem_shared>>)
        %dma_wait3A_1766 = arith.constant 15 : i32
        %dma_wait3A_1767 = arith.constant 0 : i32
        %dma_wait3A_1768 = tpu.memref_slice %arg13[%dma_wait3A_1766, %dma_wait3A_1767] : memref<16x128xi32, #tpu.memory_space<vmem>> -> memref<1x128xi32, #tpu.memory_space<vmem>>
        %dma_wait3A_1769 = tpu.memref_squeeze %dma_wait3A_1768 : memref<1x128xi32, #tpu.memory_space<vmem>> -> memref<128xi32, #tpu.memory_space<vmem>>
        %dma_wait3A_1770 = arith.constant 0 : i32
        %dma_wait3A_1771 = arith.constant 0 : i32
        %dma_wait3A_1772 = tpu.memref_slice %arg17[%dma_wait3A_1770, %dma_wait3A_1771] : memref<10240x128xf32, #tpu.memory_space<vmem_shared>> -> memref<10240x128xf32, #tpu.memory_space<vmem_shared>>
        tpu.wait_indirect_dma semaphore(%arg21 : memref<!tpu.dma_semaphore, #tpu.memory_space<semaphore_mem>>) src(%arg15 : memref<128x128xf32, #tpu.memory_space<vmem>>) dst(%dma_wait3A_1772 : memref<10240x128xf32, #tpu.memory_space<vmem_shared>>)
        %scan3A_1773 = arith.constant 0 : i32
        scf.yield %scan3A_1773 : i32
      }
      %scan3A_44 = arith.constant 10 : i32
    } else {
    }
    %eq3A_21 = arith.constant 1 : i32
    %eq3A_22 = arith.cmpi eq, %arg0, %eq3A_21 : i32
    %convert_element_type3A_23 = arith.extui %eq3A_22 : i1 to i32
    %cond3A_24 = arith.constant 0 : i32
    %cond3A_25 = arith.cmpi ne, %convert_element_type3A_23, %cond3A_24 : i32
    scf.if %cond3A_25 {
      %scan3A_38 = arith.constant 0 : i32
      %scan3A_39 = arith.constant 0 : i32
      %scan3A_40 = arith.constant 10 : i32
      %scan3A_41 = arith.addi %scan3A_39, %scan3A_40 : i32
      %scan3A_42 = arith.constant 1 : i32
      %scan3A_43 = scf.for %scan3A_45 = %scan3A_39 to %scan3A_41 step %scan3A_42 iter_args(%scan3A_46 = %scan3A_38) -> (i32)  : i32 {
        %mul3A = arith.constant 160 : i32
        %mul3A_47 = arith.muli %arg1, %mul3A : i32
        %mul3A_48 = arith.constant 16 : i32
        %mul3A_49 = arith.muli %scan3A_45, %mul3A_48 : i32
        %add3A = arith.addi %mul3A_47, %mul3A_49 : i32
        "tpu.region"() ({
          %run_scoped3A = tpu.sem_alloc : memref<!tpu.dma_semaphore, #tpu.memory_space<semaphore_mem>>
          %dma_start3A_1774 = arith.constant 0 : i32
          %dma_start3A_1775 = tpu.memref_slice %arg4[%add3A, %dma_start3A_1774] : memref<2560x128xi32, #tpu.memory_space<hbm>> -> memref<16x128xi32, #tpu.memory_space<hbm>>
          %dma_start3A_1776 = arith.constant 0 : i32
          %dma_start3A_1777 = tpu.memref_slice %arg4[%add3A, %dma_start3A_1776] : memref<2560x128xi32, #tpu.memory_space<hbm>> -> memref<16x128xi32, #tpu.memory_space<hbm>>
          tpu.enqueue_dma source(%dma_start3A_1777 : memref<16x128xi32, #tpu.memory_space<hbm>>) target(%arg13 : memref<16x128xi32, #tpu.memory_space<vmem>>) target_semaphore(%run_scoped3A : memref<!tpu.dma_semaphore, #tpu.memory_space<semaphore_mem>>)
          %dma_wait3A_1778 = arith.constant 0 : i32
          %dma_wait3A_1779 = tpu.memref_slice %arg4[%add3A, %dma_wait3A_1778] : memref<2560x128xi32, #tpu.memory_space<hbm>> -> memref<16x128xi32, #tpu.memory_space<hbm>>
          %dma_wait3A_1780 = arith.constant 0 : i32
          %dma_wait3A_1781 = tpu.memref_slice %arg4[%add3A, %dma_wait3A_1780] : memref<2560x128xi32, #tpu.memory_space<hbm>> -> memref<16x128xi32, #tpu.memory_space<hbm>>
          tpu.wait_dma2 semaphore(%run_scoped3A : memref<!tpu.dma_semaphore, #tpu.memory_space<semaphore_mem>>) src(%dma_wait3A_1781 : memref<16x128xi32, #tpu.memory_space<hbm>>) dst(%arg13 : memref<16x128xi32, #tpu.memory_space<vmem>>)
          tpu.yield
        }) : () -> ()
        "tpu.region"() ({
          %run_scoped3A = tpu.sem_alloc : memref<!tpu.dma_semaphore, #tpu.memory_space<semaphore_mem>>
          %dma_start3A_1774 = arith.constant 0 : i32
          %dma_start3A_1775 = tpu.memref_slice %arg2[%add3A, %dma_start3A_1774] : memref<2560x128xi32, #tpu.memory_space<hbm>> -> memref<16x128xi32, #tpu.memory_space<hbm>>
          %dma_start3A_1776 = arith.constant 0 : i32
          %dma_start3A_1777 = tpu.memref_slice %arg2[%add3A, %dma_start3A_1776] : memref<2560x128xi32, #tpu.memory_space<hbm>> -> memref<16x128xi32, #tpu.memory_space<hbm>>
          tpu.enqueue_dma source(%dma_start3A_1777 : memref<16x128xi32, #tpu.memory_space<hbm>>) target(%arg12 : memref<16x128xi32, #tpu.memory_space<vmem>>) target_semaphore(%run_scoped3A : memref<!tpu.dma_semaphore, #tpu.memory_space<semaphore_mem>>)
          %dma_wait3A_1778 = arith.constant 0 : i32
          %dma_wait3A_1779 = tpu.memref_slice %arg2[%add3A, %dma_wait3A_1778] : memref<2560x128xi32, #tpu.memory_space<hbm>> -> memref<16x128xi32, #tpu.memory_space<hbm>>
          %dma_wait3A_1780 = arith.constant 0 : i32
          %dma_wait3A_1781 = tpu.memref_slice %arg2[%add3A, %dma_wait3A_1780] : memref<2560x128xi32, #tpu.memory_space<hbm>> -> memref<16x128xi32, #tpu.memory_space<hbm>>
          tpu.wait_dma2 semaphore(%run_scoped3A : memref<!tpu.dma_semaphore, #tpu.memory_space<semaphore_mem>>) src(%dma_wait3A_1781 : memref<16x128xi32, #tpu.memory_space<hbm>>) dst(%arg12 : memref<16x128xi32, #tpu.memory_space<vmem>>)
          tpu.yield
        }) : () -> ()
        %dma_start3A = arith.constant 0 : i32
        %dma_start3A_50 = arith.constant 0 : i32
        %dma_start3A_51 = tpu.memref_slice %arg12[%dma_start3A, %dma_start3A_50] : memref<16x128xi32, #tpu.memory_space<vmem>> -> memref<1x128xi32, #tpu.memory_space<vmem>>
        %dma_start3A_52 = tpu.memref_squeeze %dma_start3A_51 : memref<1x128xi32, #tpu.memory_space<vmem>> -> memref<128xi32, #tpu.memory_space<vmem>>
        %dma_start3A_53 = arith.constant 0 : i32
        %dma_start3A_54 = arith.constant 0 : i32
        %dma_start3A_55 = tpu.memref_slice %arg6[%dma_start3A_53, %dma_start3A_54] : memref<10240x128xf32, #tpu.memory_space<hbm>> -> memref<10240x128xf32, #tpu.memory_space<hbm>>
        tpu.enqueue_indirect_dma source(%dma_start3A_55 : memref<10240x128xf32, #tpu.memory_space<hbm>>) target(%arg14 : memref<128x128xf32, #tpu.memory_space<vmem>>) offsets(%dma_start3A_52 : memref<128xi32, #tpu.memory_space<vmem>>) semaphore(%arg18 : memref<!tpu.dma_semaphore, #tpu.memory_space<semaphore_mem>>)
        %dma_start3A_56 = arith.constant 1 : i32
        %dma_start3A_57 = arith.constant 0 : i32
        %dma_start3A_58 = tpu.memref_slice %arg12[%dma_start3A_56, %dma_start3A_57] : memref<16x128xi32, #tpu.memory_space<vmem>> -> memref<1x128xi32, #tpu.memory_space<vmem>>
        %dma_start3A_59 = tpu.memref_squeeze %dma_start3A_58 : memref<1x128xi32, #tpu.memory_space<vmem>> -> memref<128xi32, #tpu.memory_space<vmem>>
        %dma_start3A_60 = arith.constant 0 : i32
        %dma_start3A_61 = arith.constant 0 : i32
        %dma_start3A_62 = tpu.memref_slice %arg6[%dma_start3A_60, %dma_start3A_61] : memref<10240x128xf32, #tpu.memory_space<hbm>> -> memref<10240x128xf32, #tpu.memory_space<hbm>>
        tpu.enqueue_indirect_dma source(%dma_start3A_62 : memref<10240x128xf32, #tpu.memory_space<hbm>>) target(%arg15 : memref<128x128xf32, #tpu.memory_space<vmem>>) offsets(%dma_start3A_59 : memref<128xi32, #tpu.memory_space<vmem>>) semaphore(%arg19 : memref<!tpu.dma_semaphore, #tpu.memory_space<semaphore_mem>>)
        %dma_wait3A = arith.constant 0 : i32
        %dma_wait3A_63 = arith.constant 0 : i32
        %dma_wait3A_64 = tpu.memref_slice %arg12[%dma_wait3A, %dma_wait3A_63] : memref<16x128xi32, #tpu.memory_space<vmem>> -> memref<1x128xi32, #tpu.memory_space<vmem>>
        %dma_wait3A_65 = tpu.memref_squeeze %dma_wait3A_64 : memref<1x128xi32, #tpu.memory_space<vmem>> -> memref<128xi32, #tpu.memory_space<vmem>>
        %dma_wait3A_66 = arith.constant 0 : i32
        %dma_wait3A_67 = arith.constant 0 : i32
        %dma_wait3A_68 = tpu.memref_slice %arg6[%dma_wait3A_66, %dma_wait3A_67] : memref<10240x128xf32, #tpu.memory_space<hbm>> -> memref<10240x128xf32, #tpu.memory_space<hbm>>
        tpu.wait_indirect_dma semaphore(%arg18 : memref<!tpu.dma_semaphore, #tpu.memory_space<semaphore_mem>>) src(%dma_wait3A_68 : memref<10240x128xf32, #tpu.memory_space<hbm>>) dst(%arg14 : memref<128x128xf32, #tpu.memory_space<vmem>>)
        %dma_start3A_69 = arith.constant 0 : i32
        %dma_start3A_70 = arith.constant 0 : i32
        %dma_start3A_71 = tpu.memref_slice %arg13[%dma_start3A_69, %dma_start3A_70] : memref<16x128xi32, #tpu.memory_space<vmem>> -> memref<1x128xi32, #tpu.memory_space<vmem>>
        %dma_start3A_72 = tpu.memref_squeeze %dma_start3A_71 : memref<1x128xi32, #tpu.memory_space<vmem>> -> memref<128xi32, #tpu.memory_space<vmem>>
        %dma_start3A_73 = arith.constant 0 : i32
        %dma_start3A_74 = arith.constant 0 : i32
        %dma_start3A_75 = tpu.memref_slice %arg17[%dma_start3A_73, %dma_start3A_74] : memref<10240x128xf32, #tpu.memory_space<vmem_shared>> -> memref<10240x128xf32, #tpu.memory_space<vmem_shared>>
        tpu.enqueue_indirect_dma source(%arg14 : memref<128x128xf32, #tpu.memory_space<vmem>>) target(%dma_start3A_75 : memref<10240x128xf32, #tpu.memory_space<vmem_shared>>) offsets(%dma_start3A_72 : memref<128xi32, #tpu.memory_space<vmem>>) semaphore(%arg20 : memref<!tpu.dma_semaphore, #tpu.memory_space<semaphore_mem>>) {add = true}
        %get3A = arith.constant 0 : i32
        %get3A_76 = arith.index_cast %get3A : i32 to index
        %get3A_77 = arith.constant 0 : index
        %get3A_78 = tpu.vector_load %arg13[%get3A_76, %get3A_77] {strides = array<i32>} : memref<16x128xi32, #tpu.memory_space<vmem>>, vector<16xi32>,
        %shift_right_logical3A = arith.constant 7 : i32
        %shift_right_logical3A_79 = vector.broadcast %shift_right_logical3A : i32 to vector<16xi32>
        %shift_right_logical3A_80 = arith.shrui %get3A_78, %shift_right_logical3A_79 : vector<16xi32>
        %and3A = arith.constant 127 : i32
        %and3A_81 = vector.broadcast %and3A : i32 to vector<16xi32>
        %and3A_82 = arith.andi %get3A_78, %and3A_81 : vector<16xi32>
        tpu.vector_store_idx %arg16[%shift_right_logical3A_80, %and3A_82], %broadcast_in_dim3A_8 {add = true} : memref<80x128xf32, #tpu.memory_space<vmem>>[vector<16xi32>, vector<16xi32>], vector<16xf32>,
        %get3A_83 = arith.constant 0 : i32
        %get3A_84 = arith.index_cast %get3A_83 : i32 to index
        %get3A_85 = arith.constant 16 : index
        %get3A_86 = tpu.vector_load %arg13[%get3A_84, %get3A_85] {strides = array<i32>} : memref<16x128xi32, #tpu.memory_space<vmem>>, vector<16xi32>,
        %shift_right_logical3A_87 = arith.constant 7 : i32
        %shift_right_logical3A_88 = vector.broadcast %shift_right_logical3A_87 : i32 to vector<16xi32>
        %shift_right_logical3A_89 = arith.shrui %get3A_86, %shift_right_logical3A_88 : vector<16xi32>
        %and3A_90 = arith.constant 127 : i32
        %and3A_91 = vector.broadcast %and3A_90 : i32 to vector<16xi32>
        %and3A_92 = arith.andi %get3A_86, %and3A_91 : vector<16xi32>
        tpu.vector_store_idx %arg16[%shift_right_logical3A_89, %and3A_92], %broadcast_in_dim3A_8 {add = true} : memref<80x128xf32, #tpu.memory_space<vmem>>[vector<16xi32>, vector<16xi32>], vector<16xf32>,
        %get3A_93 = arith.constant 0 : i32
        %get3A_94 = arith.index_cast %get3A_93 : i32 to index
        %get3A_95 = arith.constant 32 : index
        %get3A_96 = tpu.vector_load %arg13[%get3A_94, %get3A_95] {strides = array<i32>} : memref<16x128xi32, #tpu.memory_space<vmem>>, vector<16xi32>,
        %shift_right_logical3A_97 = arith.constant 7 : i32
        %shift_right_logical3A_98 = vector.broadcast %shift_right_logical3A_97 : i32 to vector<16xi32>
        %shift_right_logical3A_99 = arith.shrui %get3A_96, %shift_right_logical3A_98 : vector<16xi32>
        %and3A_100 = arith.constant 127 : i32
        %and3A_101 = vector.broadcast %and3A_100 : i32 to vector<16xi32>
        %and3A_102 = arith.andi %get3A_96, %and3A_101 : vector<16xi32>
        tpu.vector_store_idx %arg16[%shift_right_logical3A_99, %and3A_102], %broadcast_in_dim3A_8 {add = true} : memref<80x128xf32, #tpu.memory_space<vmem>>[vector<16xi32>, vector<16xi32>], vector<16xf32>,
        %get3A_103 = arith.constant 0 : i32
        %get3A_104 = arith.index_cast %get3A_103 : i32 to index
        %get3A_105 = arith.constant 48 : index
        %get3A_106 = tpu.vector_load %arg13[%get3A_104, %get3A_105] {strides = array<i32>} : memref<16x128xi32, #tpu.memory_space<vmem>>, vector<16xi32>,
        %shift_right_logical3A_107 = arith.constant 7 : i32
        %shift_right_logical3A_108 = vector.broadcast %shift_right_logical3A_107 : i32 to vector<16xi32>
        %shift_right_logical3A_109 = arith.shrui %get3A_106, %shift_right_logical3A_108 : vector<16xi32>
        %and3A_110 = arith.constant 127 : i32
        %and3A_111 = vector.broadcast %and3A_110 : i32 to vector<16xi32>
        %and3A_112 = arith.andi %get3A_106, %and3A_111 : vector<16xi32>
        tpu.vector_store_idx %arg16[%shift_right_logical3A_109, %and3A_112], %broadcast_in_dim3A_8 {add = true} : memref<80x128xf32, #tpu.memory_space<vmem>>[vector<16xi32>, vector<16xi32>], vector<16xf32>,
        %get3A_113 = arith.constant 0 : i32
        %get3A_114 = arith.index_cast %get3A_113 : i32 to index
        %get3A_115 = arith.constant 64 : index
        %get3A_116 = tpu.vector_load %arg13[%get3A_114, %get3A_115] {strides = array<i32>} : memref<16x128xi32, #tpu.memory_space<vmem>>, vector<16xi32>,
        %shift_right_logical3A_117 = arith.constant 7 : i32
        %shift_right_logical3A_118 = vector.broadcast %shift_right_logical3A_117 : i32 to vector<16xi32>
        %shift_right_logical3A_119 = arith.shrui %get3A_116, %shift_right_logical3A_118 : vector<16xi32>
        %and3A_120 = arith.constant 127 : i32
        %and3A_121 = vector.broadcast %and3A_120 : i32 to vector<16xi32>
        %and3A_122 = arith.andi %get3A_116, %and3A_121 : vector<16xi32>
        tpu.vector_store_idx %arg16[%shift_right_logical3A_119, %and3A_122], %broadcast_in_dim3A_8 {add = true} : memref<80x128xf32, #tpu.memory_space<vmem>>[vector<16xi32>, vector<16xi32>], vector<16xf32>,
        %get3A_123 = arith.constant 0 : i32
        %get3A_124 = arith.index_cast %get3A_123 : i32 to index
        %get3A_125 = arith.constant 80 : index
        %get3A_126 = tpu.vector_load %arg13[%get3A_124, %get3A_125] {strides = array<i32>} : memref<16x128xi32, #tpu.memory_space<vmem>>, vector<16xi32>,
        %shift_right_logical3A_127 = arith.constant 7 : i32
        %shift_right_logical3A_128 = vector.broadcast %shift_right_logical3A_127 : i32 to vector<16xi32>
        %shift_right_logical3A_129 = arith.shrui %get3A_126, %shift_right_logical3A_128 : vector<16xi32>
        %and3A_130 = arith.constant 127 : i32
        %and3A_131 = vector.broadcast %and3A_130 : i32 to vector<16xi32>
        %and3A_132 = arith.andi %get3A_126, %and3A_131 : vector<16xi32>
        tpu.vector_store_idx %arg16[%shift_right_logical3A_129, %and3A_132], %broadcast_in_dim3A_8 {add = true} : memref<80x128xf32, #tpu.memory_space<vmem>>[vector<16xi32>, vector<16xi32>], vector<16xf32>,
        %get3A_133 = arith.constant 0 : i32
        %get3A_134 = arith.index_cast %get3A_133 : i32 to index
        %get3A_135 = arith.constant 96 : index
        %get3A_136 = tpu.vector_load %arg13[%get3A_134, %get3A_135] {strides = array<i32>} : memref<16x128xi32, #tpu.memory_space<vmem>>, vector<16xi32>,
        %shift_right_logical3A_137 = arith.constant 7 : i32
        %shift_right_logical3A_138 = vector.broadcast %shift_right_logical3A_137 : i32 to vector<16xi32>
        %shift_right_logical3A_139 = arith.shrui %get3A_136, %shift_right_logical3A_138 : vector<16xi32>
        %and3A_140 = arith.constant 127 : i32
        %and3A_141 = vector.broadcast %and3A_140 : i32 to vector<16xi32>
        %and3A_142 = arith.andi %get3A_136, %and3A_141 : vector<16xi32>
        tpu.vector_store_idx %arg16[%shift_right_logical3A_139, %and3A_142], %broadcast_in_dim3A_8 {add = true} : memref<80x128xf32, #tpu.memory_space<vmem>>[vector<16xi32>, vector<16xi32>], vector<16xf32>,
        %get3A_143 = arith.constant 0 : i32
        %get3A_144 = arith.index_cast %get3A_143 : i32 to index
        %get3A_145 = arith.constant 112 : index
        %get3A_146 = tpu.vector_load %arg13[%get3A_144, %get3A_145] {strides = array<i32>} : memref<16x128xi32, #tpu.memory_space<vmem>>, vector<16xi32>,
        %shift_right_logical3A_147 = arith.constant 7 : i32
        %shift_right_logical3A_148 = vector.broadcast %shift_right_logical3A_147 : i32 to vector<16xi32>
        %shift_right_logical3A_149 = arith.shrui %get3A_146, %shift_right_logical3A_148 : vector<16xi32>
        %and3A_150 = arith.constant 127 : i32
        %and3A_151 = vector.broadcast %and3A_150 : i32 to vector<16xi32>
        %and3A_152 = arith.andi %get3A_146, %and3A_151 : vector<16xi32>
        tpu.vector_store_idx %arg16[%shift_right_logical3A_149, %and3A_152], %broadcast_in_dim3A_8 {add = true} : memref<80x128xf32, #tpu.memory_space<vmem>>[vector<16xi32>, vector<16xi32>], vector<16xf32>,
        %dma_wait3A_153 = arith.constant 0 : i32
        %dma_wait3A_154 = arith.constant 0 : i32
        %dma_wait3A_155 = tpu.memref_slice %arg13[%dma_wait3A_153, %dma_wait3A_154] : memref<16x128xi32, #tpu.memory_space<vmem>> -> memref<1x128xi32, #tpu.memory_space<vmem>>
        %dma_wait3A_156 = tpu.memref_squeeze %dma_wait3A_155 : memref<1x128xi32, #tpu.memory_space<vmem>> -> memref<128xi32, #tpu.memory_space<vmem>>
        %dma_wait3A_157 = arith.constant 0 : i32
        %dma_wait3A_158 = arith.constant 0 : i32
        %dma_wait3A_159 = tpu.memref_slice %arg17[%dma_wait3A_157, %dma_wait3A_158] : memref<10240x128xf32, #tpu.memory_space<vmem_shared>> -> memref<10240x128xf32, #tpu.memory_space<vmem_shared>>
        tpu.wait_indirect_dma semaphore(%arg20 : memref<!tpu.dma_semaphore, #tpu.memory_space<semaphore_mem>>) src(%arg14 : memref<128x128xf32, #tpu.memory_space<vmem>>) dst(%dma_wait3A_159 : memref<10240x128xf32, #tpu.memory_space<vmem_shared>>)
        %dma_start3A_160 = arith.constant 2 : i32
        %dma_start3A_161 = arith.constant 0 : i32
        %dma_start3A_162 = tpu.memref_slice %arg12[%dma_start3A_160, %dma_start3A_161] : memref<16x128xi32, #tpu.memory_space<vmem>> -> memref<1x128xi32, #tpu.memory_space<vmem>>
        %dma_start3A_163 = tpu.memref_squeeze %dma_start3A_162 : memref<1x128xi32, #tpu.memory_space<vmem>> -> memref<128xi32, #tpu.memory_space<vmem>>
        %dma_start3A_164 = arith.constant 0 : i32
        %dma_start3A_165 = arith.constant 0 : i32
        %dma_start3A_166 = tpu.memref_slice %arg6[%dma_start3A_164, %dma_start3A_165] : memref<10240x128xf32, #tpu.memory_space<hbm>> -> memref<10240x128xf32, #tpu.memory_space<hbm>>
        tpu.enqueue_indirect_dma source(%dma_start3A_166 : memref<10240x128xf32, #tpu.memory_space<hbm>>) target(%arg14 : memref<128x128xf32, #tpu.memory_space<vmem>>) offsets(%dma_start3A_163 : memref<128xi32, #tpu.memory_space<vmem>>) semaphore(%arg18 : memref<!tpu.dma_semaphore, #tpu.memory_space<semaphore_mem>>)
        %dma_wait3A_167 = arith.constant 1 : i32
        %dma_wait3A_168 = arith.constant 0 : i32
        %dma_wait3A_169 = tpu.memref_slice %arg12[%dma_wait3A_167, %dma_wait3A_168] : memref<16x128xi32, #tpu.memory_space<vmem>> -> memref<1x128xi32, #tpu.memory_space<vmem>>
        %dma_wait3A_170 = tpu.memref_squeeze %dma_wait3A_169 : memref<1x128xi32, #tpu.memory_space<vmem>> -> memref<128xi32, #tpu.memory_space<vmem>>
        %dma_wait3A_171 = arith.constant 0 : i32
        %dma_wait3A_172 = arith.constant 0 : i32
        %dma_wait3A_173 = tpu.memref_slice %arg6[%dma_wait3A_171, %dma_wait3A_172] : memref<10240x128xf32, #tpu.memory_space<hbm>> -> memref<10240x128xf32, #tpu.memory_space<hbm>>
        tpu.wait_indirect_dma semaphore(%arg19 : memref<!tpu.dma_semaphore, #tpu.memory_space<semaphore_mem>>) src(%dma_wait3A_173 : memref<10240x128xf32, #tpu.memory_space<hbm>>) dst(%arg15 : memref<128x128xf32, #tpu.memory_space<vmem>>)
        %dma_start3A_174 = arith.constant 1 : i32
        %dma_start3A_175 = arith.constant 0 : i32
        %dma_start3A_176 = tpu.memref_slice %arg13[%dma_start3A_174, %dma_start3A_175] : memref<16x128xi32, #tpu.memory_space<vmem>> -> memref<1x128xi32, #tpu.memory_space<vmem>>
        %dma_start3A_177 = tpu.memref_squeeze %dma_start3A_176 : memref<1x128xi32, #tpu.memory_space<vmem>> -> memref<128xi32, #tpu.memory_space<vmem>>
        %dma_start3A_178 = arith.constant 0 : i32
        %dma_start3A_179 = arith.constant 0 : i32
        %dma_start3A_180 = tpu.memref_slice %arg17[%dma_start3A_178, %dma_start3A_179] : memref<10240x128xf32, #tpu.memory_space<vmem_shared>> -> memref<10240x128xf32, #tpu.memory_space<vmem_shared>>
        tpu.enqueue_indirect_dma source(%arg15 : memref<128x128xf32, #tpu.memory_space<vmem>>) target(%dma_start3A_180 : memref<10240x128xf32, #tpu.memory_space<vmem_shared>>) offsets(%dma_start3A_177 : memref<128xi32, #tpu.memory_space<vmem>>) semaphore(%arg21 : memref<!tpu.dma_semaphore, #tpu.memory_space<semaphore_mem>>) {add = true}
        %get3A_181 = arith.constant 1 : i32
        %get3A_182 = arith.index_cast %get3A_181 : i32 to index
        %get3A_183 = arith.constant 0 : index
        %get3A_184 = tpu.vector_load %arg13[%get3A_182, %get3A_183] {strides = array<i32>} : memref<16x128xi32, #tpu.memory_space<vmem>>, vector<16xi32>,
        %shift_right_logical3A_185 = arith.constant 7 : i32
        %shift_right_logical3A_186 = vector.broadcast %shift_right_logical3A_185 : i32 to vector<16xi32>
        %shift_right_logical3A_187 = arith.shrui %get3A_184, %shift_right_logical3A_186 : vector<16xi32>
        %and3A_188 = arith.constant 127 : i32
        %and3A_189 = vector.broadcast %and3A_188 : i32 to vector<16xi32>
        %and3A_190 = arith.andi %get3A_184, %and3A_189 : vector<16xi32>
        tpu.vector_store_idx %arg16[%shift_right_logical3A_187, %and3A_190], %broadcast_in_dim3A_8 {add = true} : memref<80x128xf32, #tpu.memory_space<vmem>>[vector<16xi32>, vector<16xi32>], vector<16xf32>,
        %get3A_191 = arith.constant 1 : i32
        %get3A_192 = arith.index_cast %get3A_191 : i32 to index
        %get3A_193 = arith.constant 16 : index
        %get3A_194 = tpu.vector_load %arg13[%get3A_192, %get3A_193] {strides = array<i32>} : memref<16x128xi32, #tpu.memory_space<vmem>>, vector<16xi32>,
        %shift_right_logical3A_195 = arith.constant 7 : i32
        %shift_right_logical3A_196 = vector.broadcast %shift_right_logical3A_195 : i32 to vector<16xi32>
        %shift_right_logical3A_197 = arith.shrui %get3A_194, %shift_right_logical3A_196 : vector<16xi32>
        %and3A_198 = arith.constant 127 : i32
        %and3A_199 = vector.broadcast %and3A_198 : i32 to vector<16xi32>
        %and3A_200 = arith.andi %get3A_194, %and3A_199 : vector<16xi32>
        tpu.vector_store_idx %arg16[%shift_right_logical3A_197, %and3A_200], %broadcast_in_dim3A_8 {add = true} : memref<80x128xf32, #tpu.memory_space<vmem>>[vector<16xi32>, vector<16xi32>], vector<16xf32>,
        %get3A_201 = arith.constant 1 : i32
        %get3A_202 = arith.index_cast %get3A_201 : i32 to index
        %get3A_203 = arith.constant 32 : index
        %get3A_204 = tpu.vector_load %arg13[%get3A_202, %get3A_203] {strides = array<i32>} : memref<16x128xi32, #tpu.memory_space<vmem>>, vector<16xi32>,
        %shift_right_logical3A_205 = arith.constant 7 : i32
        %shift_right_logical3A_206 = vector.broadcast %shift_right_logical3A_205 : i32 to vector<16xi32>
        %shift_right_logical3A_207 = arith.shrui %get3A_204, %shift_right_logical3A_206 : vector<16xi32>
        %and3A_208 = arith.constant 127 : i32
        %and3A_209 = vector.broadcast %and3A_208 : i32 to vector<16xi32>
        %and3A_210 = arith.andi %get3A_204, %and3A_209 : vector<16xi32>
        tpu.vector_store_idx %arg16[%shift_right_logical3A_207, %and3A_210], %broadcast_in_dim3A_8 {add = true} : memref<80x128xf32, #tpu.memory_space<vmem>>[vector<16xi32>, vector<16xi32>], vector<16xf32>,
        %get3A_211 = arith.constant 1 : i32
        %get3A_212 = arith.index_cast %get3A_211 : i32 to index
        %get3A_213 = arith.constant 48 : index
        %get3A_214 = tpu.vector_load %arg13[%get3A_212, %get3A_213] {strides = array<i32>} : memref<16x128xi32, #tpu.memory_space<vmem>>, vector<16xi32>,
        %shift_right_logical3A_215 = arith.constant 7 : i32
        %shift_right_logical3A_216 = vector.broadcast %shift_right_logical3A_215 : i32 to vector<16xi32>
        %shift_right_logical3A_217 = arith.shrui %get3A_214, %shift_right_logical3A_216 : vector<16xi32>
        %and3A_218 = arith.constant 127 : i32
        %and3A_219 = vector.broadcast %and3A_218 : i32 to vector<16xi32>
        %and3A_220 = arith.andi %get3A_214, %and3A_219 : vector<16xi32>
        tpu.vector_store_idx %arg16[%shift_right_logical3A_217, %and3A_220], %broadcast_in_dim3A_8 {add = true} : memref<80x128xf32, #tpu.memory_space<vmem>>[vector<16xi32>, vector<16xi32>], vector<16xf32>,
        %get3A_221 = arith.constant 1 : i32
        %get3A_222 = arith.index_cast %get3A_221 : i32 to index
        %get3A_223 = arith.constant 64 : index
        %get3A_224 = tpu.vector_load %arg13[%get3A_222, %get3A_223] {strides = array<i32>} : memref<16x128xi32, #tpu.memory_space<vmem>>, vector<16xi32>,
        %shift_right_logical3A_225 = arith.constant 7 : i32
        %shift_right_logical3A_226 = vector.broadcast %shift_right_logical3A_225 : i32 to vector<16xi32>
        %shift_right_logical3A_227 = arith.shrui %get3A_224, %shift_right_logical3A_226 : vector<16xi32>
        %and3A_228 = arith.constant 127 : i32
        %and3A_229 = vector.broadcast %and3A_228 : i32 to vector<16xi32>
        %and3A_230 = arith.andi %get3A_224, %and3A_229 : vector<16xi32>
        tpu.vector_store_idx %arg16[%shift_right_logical3A_227, %and3A_230], %broadcast_in_dim3A_8 {add = true} : memref<80x128xf32, #tpu.memory_space<vmem>>[vector<16xi32>, vector<16xi32>], vector<16xf32>,
        %get3A_231 = arith.constant 1 : i32
        %get3A_232 = arith.index_cast %get3A_231 : i32 to index
        %get3A_233 = arith.constant 80 : index
        %get3A_234 = tpu.vector_load %arg13[%get3A_232, %get3A_233] {strides = array<i32>} : memref<16x128xi32, #tpu.memory_space<vmem>>, vector<16xi32>,
        %shift_right_logical3A_235 = arith.constant 7 : i32
        %shift_right_logical3A_236 = vector.broadcast %shift_right_logical3A_235 : i32 to vector<16xi32>
        %shift_right_logical3A_237 = arith.shrui %get3A_234, %shift_right_logical3A_236 : vector<16xi32>
        %and3A_238 = arith.constant 127 : i32
        %and3A_239 = vector.broadcast %and3A_238 : i32 to vector<16xi32>
        %and3A_240 = arith.andi %get3A_234, %and3A_239 : vector<16xi32>
        tpu.vector_store_idx %arg16[%shift_right_logical3A_237, %and3A_240], %broadcast_in_dim3A_8 {add = true} : memref<80x128xf32, #tpu.memory_space<vmem>>[vector<16xi32>, vector<16xi32>], vector<16xf32>,
        %get3A_241 = arith.constant 1 : i32
        %get3A_242 = arith.index_cast %get3A_241 : i32 to index
        %get3A_243 = arith.constant 96 : index
        %get3A_244 = tpu.vector_load %arg13[%get3A_242, %get3A_243] {strides = array<i32>} : memref<16x128xi32, #tpu.memory_space<vmem>>, vector<16xi32>,
        %shift_right_logical3A_245 = arith.constant 7 : i32
        %shift_right_logical3A_246 = vector.broadcast %shift_right_logical3A_245 : i32 to vector<16xi32>
        %shift_right_logical3A_247 = arith.shrui %get3A_244, %shift_right_logical3A_246 : vector<16xi32>
        %and3A_248 = arith.constant 127 : i32
        %and3A_249 = vector.broadcast %and3A_248 : i32 to vector<16xi32>
        %and3A_250 = arith.andi %get3A_244, %and3A_249 : vector<16xi32>
        tpu.vector_store_idx %arg16[%shift_right_logical3A_247, %and3A_250], %broadcast_in_dim3A_8 {add = true} : memref<80x128xf32, #tpu.memory_space<vmem>>[vector<16xi32>, vector<16xi32>], vector<16xf32>,
        %get3A_251 = arith.constant 1 : i32
        %get3A_252 = arith.index_cast %get3A_251 : i32 to index
        %get3A_253 = arith.constant 112 : index
        %get3A_254 = tpu.vector_load %arg13[%get3A_252, %get3A_253] {strides = array<i32>} : memref<16x128xi32, #tpu.memory_space<vmem>>, vector<16xi32>,
        %shift_right_logical3A_255 = arith.constant 7 : i32
        %shift_right_logical3A_256 = vector.broadcast %shift_right_logical3A_255 : i32 to vector<16xi32>
        %shift_right_logical3A_257 = arith.shrui %get3A_254, %shift_right_logical3A_256 : vector<16xi32>
        %and3A_258 = arith.constant 127 : i32
        %and3A_259 = vector.broadcast %and3A_258 : i32 to vector<16xi32>
        %and3A_260 = arith.andi %get3A_254, %and3A_259 : vector<16xi32>
        tpu.vector_store_idx %arg16[%shift_right_logical3A_257, %and3A_260], %broadcast_in_dim3A_8 {add = true} : memref<80x128xf32, #tpu.memory_space<vmem>>[vector<16xi32>, vector<16xi32>], vector<16xf32>,
        %dma_wait3A_261 = arith.constant 1 : i32
        %dma_wait3A_262 = arith.constant 0 : i32
        %dma_wait3A_263 = tpu.memref_slice %arg13[%dma_wait3A_261, %dma_wait3A_262] : memref<16x128xi32, #tpu.memory_space<vmem>> -> memref<1x128xi32, #tpu.memory_space<vmem>>
        %dma_wait3A_264 = tpu.memref_squeeze %dma_wait3A_263 : memref<1x128xi32, #tpu.memory_space<vmem>> -> memref<128xi32, #tpu.memory_space<vmem>>
        %dma_wait3A_265 = arith.constant 0 : i32
        %dma_wait3A_266 = arith.constant 0 : i32
        %dma_wait3A_267 = tpu.memref_slice %arg17[%dma_wait3A_265, %dma_wait3A_266] : memref<10240x128xf32, #tpu.memory_space<vmem_shared>> -> memref<10240x128xf32, #tpu.memory_space<vmem_shared>>
        tpu.wait_indirect_dma semaphore(%arg21 : memref<!tpu.dma_semaphore, #tpu.memory_space<semaphore_mem>>) src(%arg15 : memref<128x128xf32, #tpu.memory_space<vmem>>) dst(%dma_wait3A_267 : memref<10240x128xf32, #tpu.memory_space<vmem_shared>>)
        %dma_start3A_268 = arith.constant 3 : i32
        %dma_start3A_269 = arith.constant 0 : i32
        %dma_start3A_270 = tpu.memref_slice %arg12[%dma_start3A_268, %dma_start3A_269] : memref<16x128xi32, #tpu.memory_space<vmem>> -> memref<1x128xi32, #tpu.memory_space<vmem>>
        %dma_start3A_271 = tpu.memref_squeeze %dma_start3A_270 : memref<1x128xi32, #tpu.memory_space<vmem>> -> memref<128xi32, #tpu.memory_space<vmem>>
        %dma_start3A_272 = arith.constant 0 : i32
        %dma_start3A_273 = arith.constant 0 : i32
        %dma_start3A_274 = tpu.memref_slice %arg6[%dma_start3A_272, %dma_start3A_273] : memref<10240x128xf32, #tpu.memory_space<hbm>> -> memref<10240x128xf32, #tpu.memory_space<hbm>>
        tpu.enqueue_indirect_dma source(%dma_start3A_274 : memref<10240x128xf32, #tpu.memory_space<hbm>>) target(%arg15 : memref<128x128xf32, #tpu.memory_space<vmem>>) offsets(%dma_start3A_271 : memref<128xi32, #tpu.memory_space<vmem>>) semaphore(%arg19 : memref<!tpu.dma_semaphore, #tpu.memory_space<semaphore_mem>>)
        %dma_wait3A_275 = arith.constant 2 : i32
        %dma_wait3A_276 = arith.constant 0 : i32
        %dma_wait3A_277 = tpu.memref_slice %arg12[%dma_wait3A_275, %dma_wait3A_276] : memref<16x128xi32, #tpu.memory_space<vmem>> -> memref<1x128xi32, #tpu.memory_space<vmem>>
        %dma_wait3A_278 = tpu.memref_squeeze %dma_wait3A_277 : memref<1x128xi32, #tpu.memory_space<vmem>> -> memref<128xi32, #tpu.memory_space<vmem>>
        %dma_wait3A_279 = arith.constant 0 : i32
        %dma_wait3A_280 = arith.constant 0 : i32
        %dma_wait3A_281 = tpu.memref_slice %arg6[%dma_wait3A_279, %dma_wait3A_280] : memref<10240x128xf32, #tpu.memory_space<hbm>> -> memref<10240x128xf32, #tpu.memory_space<hbm>>
        tpu.wait_indirect_dma semaphore(%arg18 : memref<!tpu.dma_semaphore, #tpu.memory_space<semaphore_mem>>) src(%dma_wait3A_281 : memref<10240x128xf32, #tpu.memory_space<hbm>>) dst(%arg14 : memref<128x128xf32, #tpu.memory_space<vmem>>)
        %dma_start3A_282 = arith.constant 2 : i32
        %dma_start3A_283 = arith.constant 0 : i32
        %dma_start3A_284 = tpu.memref_slice %arg13[%dma_start3A_282, %dma_start3A_283] : memref<16x128xi32, #tpu.memory_space<vmem>> -> memref<1x128xi32, #tpu.memory_space<vmem>>
        %dma_start3A_285 = tpu.memref_squeeze %dma_start3A_284 : memref<1x128xi32, #tpu.memory_space<vmem>> -> memref<128xi32, #tpu.memory_space<vmem>>
        %dma_start3A_286 = arith.constant 0 : i32
        %dma_start3A_287 = arith.constant 0 : i32
        %dma_start3A_288 = tpu.memref_slice %arg17[%dma_start3A_286, %dma_start3A_287] : memref<10240x128xf32, #tpu.memory_space<vmem_shared>> -> memref<10240x128xf32, #tpu.memory_space<vmem_shared>>
        tpu.enqueue_indirect_dma source(%arg14 : memref<128x128xf32, #tpu.memory_space<vmem>>) target(%dma_start3A_288 : memref<10240x128xf32, #tpu.memory_space<vmem_shared>>) offsets(%dma_start3A_285 : memref<128xi32, #tpu.memory_space<vmem>>) semaphore(%arg20 : memref<!tpu.dma_semaphore, #tpu.memory_space<semaphore_mem>>) {add = true}
        %get3A_289 = arith.constant 2 : i32
        %get3A_290 = arith.index_cast %get3A_289 : i32 to index
        %get3A_291 = arith.constant 0 : index
        %get3A_292 = tpu.vector_load %arg13[%get3A_290, %get3A_291] {strides = array<i32>} : memref<16x128xi32, #tpu.memory_space<vmem>>, vector<16xi32>,
        %shift_right_logical3A_293 = arith.constant 7 : i32
        %shift_right_logical3A_294 = vector.broadcast %shift_right_logical3A_293 : i32 to vector<16xi32>
        %shift_right_logical3A_295 = arith.shrui %get3A_292, %shift_right_logical3A_294 : vector<16xi32>
        %and3A_296 = arith.constant 127 : i32
        %and3A_297 = vector.broadcast %and3A_296 : i32 to vector<16xi32>
        %and3A_298 = arith.andi %get3A_292, %and3A_297 : vector<16xi32>
        tpu.vector_store_idx %arg16[%shift_right_logical3A_295, %and3A_298], %broadcast_in_dim3A_8 {add = true} : memref<80x128xf32, #tpu.memory_space<vmem>>[vector<16xi32>, vector<16xi32>], vector<16xf32>,
        %get3A_299 = arith.constant 2 : i32
        %get3A_300 = arith.index_cast %get3A_299 : i32 to index
        %get3A_301 = arith.constant 16 : index
        %get3A_302 = tpu.vector_load %arg13[%get3A_300, %get3A_301] {strides = array<i32>} : memref<16x128xi32, #tpu.memory_space<vmem>>, vector<16xi32>,
        %shift_right_logical3A_303 = arith.constant 7 : i32
        %shift_right_logical3A_304 = vector.broadcast %shift_right_logical3A_303 : i32 to vector<16xi32>
        %shift_right_logical3A_305 = arith.shrui %get3A_302, %shift_right_logical3A_304 : vector<16xi32>
        %and3A_306 = arith.constant 127 : i32
        %and3A_307 = vector.broadcast %and3A_306 : i32 to vector<16xi32>
        %and3A_308 = arith.andi %get3A_302, %and3A_307 : vector<16xi32>
        tpu.vector_store_idx %arg16[%shift_right_logical3A_305, %and3A_308], %broadcast_in_dim3A_8 {add = true} : memref<80x128xf32, #tpu.memory_space<vmem>>[vector<16xi32>, vector<16xi32>], vector<16xf32>,
        %get3A_309 = arith.constant 2 : i32
        %get3A_310 = arith.index_cast %get3A_309 : i32 to index
        %get3A_311 = arith.constant 32 : index
        %get3A_312 = tpu.vector_load %arg13[%get3A_310, %get3A_311] {strides = array<i32>} : memref<16x128xi32, #tpu.memory_space<vmem>>, vector<16xi32>,
        %shift_right_logical3A_313 = arith.constant 7 : i32
        %shift_right_logical3A_314 = vector.broadcast %shift_right_logical3A_313 : i32 to vector<16xi32>
        %shift_right_logical3A_315 = arith.shrui %get3A_312, %shift_right_logical3A_314 : vector<16xi32>
        %and3A_316 = arith.constant 127 : i32
        %and3A_317 = vector.broadcast %and3A_316 : i32 to vector<16xi32>
        %and3A_318 = arith.andi %get3A_312, %and3A_317 : vector<16xi32>
        tpu.vector_store_idx %arg16[%shift_right_logical3A_315, %and3A_318], %broadcast_in_dim3A_8 {add = true} : memref<80x128xf32, #tpu.memory_space<vmem>>[vector<16xi32>, vector<16xi32>], vector<16xf32>,
        %get3A_319 = arith.constant 2 : i32
        %get3A_320 = arith.index_cast %get3A_319 : i32 to index
        %get3A_321 = arith.constant 48 : index
        %get3A_322 = tpu.vector_load %arg13[%get3A_320, %get3A_321] {strides = array<i32>} : memref<16x128xi32, #tpu.memory_space<vmem>>, vector<16xi32>,
        %shift_right_logical3A_323 = arith.constant 7 : i32
        %shift_right_logical3A_324 = vector.broadcast %shift_right_logical3A_323 : i32 to vector<16xi32>
        %shift_right_logical3A_325 = arith.shrui %get3A_322, %shift_right_logical3A_324 : vector<16xi32>
        %and3A_326 = arith.constant 127 : i32
        %and3A_327 = vector.broadcast %and3A_326 : i32 to vector<16xi32>
        %and3A_328 = arith.andi %get3A_322, %and3A_327 : vector<16xi32>
        tpu.vector_store_idx %arg16[%shift_right_logical3A_325, %and3A_328], %broadcast_in_dim3A_8 {add = true} : memref<80x128xf32, #tpu.memory_space<vmem>>[vector<16xi32>, vector<16xi32>], vector<16xf32>,
        %get3A_329 = arith.constant 2 : i32
        %get3A_330 = arith.index_cast %get3A_329 : i32 to index
        %get3A_331 = arith.constant 64 : index
        %get3A_332 = tpu.vector_load %arg13[%get3A_330, %get3A_331] {strides = array<i32>} : memref<16x128xi32, #tpu.memory_space<vmem>>, vector<16xi32>,
        %shift_right_logical3A_333 = arith.constant 7 : i32
        %shift_right_logical3A_334 = vector.broadcast %shift_right_logical3A_333 : i32 to vector<16xi32>
        %shift_right_logical3A_335 = arith.shrui %get3A_332, %shift_right_logical3A_334 : vector<16xi32>
        %and3A_336 = arith.constant 127 : i32
        %and3A_337 = vector.broadcast %and3A_336 : i32 to vector<16xi32>
        %and3A_338 = arith.andi %get3A_332, %and3A_337 : vector<16xi32>
        tpu.vector_store_idx %arg16[%shift_right_logical3A_335, %and3A_338], %broadcast_in_dim3A_8 {add = true} : memref<80x128xf32, #tpu.memory_space<vmem>>[vector<16xi32>, vector<16xi32>], vector<16xf32>,
        %get3A_339 = arith.constant 2 : i32
        %get3A_340 = arith.index_cast %get3A_339 : i32 to index
        %get3A_341 = arith.constant 80 : index
        %get3A_342 = tpu.vector_load %arg13[%get3A_340, %get3A_341] {strides = array<i32>} : memref<16x128xi32, #tpu.memory_space<vmem>>, vector<16xi32>,
        %shift_right_logical3A_343 = arith.constant 7 : i32
        %shift_right_logical3A_344 = vector.broadcast %shift_right_logical3A_343 : i32 to vector<16xi32>
        %shift_right_logical3A_345 = arith.shrui %get3A_342, %shift_right_logical3A_344 : vector<16xi32>
        %and3A_346 = arith.constant 127 : i32
        %and3A_347 = vector.broadcast %and3A_346 : i32 to vector<16xi32>
        %and3A_348 = arith.andi %get3A_342, %and3A_347 : vector<16xi32>
        tpu.vector_store_idx %arg16[%shift_right_logical3A_345, %and3A_348], %broadcast_in_dim3A_8 {add = true} : memref<80x128xf32, #tpu.memory_space<vmem>>[vector<16xi32>, vector<16xi32>], vector<16xf32>,
        %get3A_349 = arith.constant 2 : i32
        %get3A_350 = arith.index_cast %get3A_349 : i32 to index
        %get3A_351 = arith.constant 96 : index
        %get3A_352 = tpu.vector_load %arg13[%get3A_350, %get3A_351] {strides = array<i32>} : memref<16x128xi32, #tpu.memory_space<vmem>>, vector<16xi32>,
        %shift_right_logical3A_353 = arith.constant 7 : i32
        %shift_right_logical3A_354 = vector.broadcast %shift_right_logical3A_353 : i32 to vector<16xi32>
        %shift_right_logical3A_355 = arith.shrui %get3A_352, %shift_right_logical3A_354 : vector<16xi32>
        %and3A_356 = arith.constant 127 : i32
        %and3A_357 = vector.broadcast %and3A_356 : i32 to vector<16xi32>
        %and3A_358 = arith.andi %get3A_352, %and3A_357 : vector<16xi32>
        tpu.vector_store_idx %arg16[%shift_right_logical3A_355, %and3A_358], %broadcast_in_dim3A_8 {add = true} : memref<80x128xf32, #tpu.memory_space<vmem>>[vector<16xi32>, vector<16xi32>], vector<16xf32>,
        %get3A_359 = arith.constant 2 : i32
        %get3A_360 = arith.index_cast %get3A_359 : i32 to index
        %get3A_361 = arith.constant 112 : index
        %get3A_362 = tpu.vector_load %arg13[%get3A_360, %get3A_361] {strides = array<i32>} : memref<16x128xi32, #tpu.memory_space<vmem>>, vector<16xi32>,
        %shift_right_logical3A_363 = arith.constant 7 : i32
        %shift_right_logical3A_364 = vector.broadcast %shift_right_logical3A_363 : i32 to vector<16xi32>
        %shift_right_logical3A_365 = arith.shrui %get3A_362, %shift_right_logical3A_364 : vector<16xi32>
        %and3A_366 = arith.constant 127 : i32
        %and3A_367 = vector.broadcast %and3A_366 : i32 to vector<16xi32>
        %and3A_368 = arith.andi %get3A_362, %and3A_367 : vector<16xi32>
        tpu.vector_store_idx %arg16[%shift_right_logical3A_365, %and3A_368], %broadcast_in_dim3A_8 {add = true} : memref<80x128xf32, #tpu.memory_space<vmem>>[vector<16xi32>, vector<16xi32>], vector<16xf32>,
        %dma_wait3A_369 = arith.constant 2 : i32
        %dma_wait3A_370 = arith.constant 0 : i32
        %dma_wait3A_371 = tpu.memref_slice %arg13[%dma_wait3A_369, %dma_wait3A_370] : memref<16x128xi32, #tpu.memory_space<vmem>> -> memref<1x128xi32, #tpu.memory_space<vmem>>
        %dma_wait3A_372 = tpu.memref_squeeze %dma_wait3A_371 : memref<1x128xi32, #tpu.memory_space<vmem>> -> memref<128xi32, #tpu.memory_space<vmem>>
        %dma_wait3A_373 = arith.constant 0 : i32
        %dma_wait3A_374 = arith.constant 0 : i32
        %dma_wait3A_375 = tpu.memref_slice %arg17[%dma_wait3A_373, %dma_wait3A_374] : memref<10240x128xf32, #tpu.memory_space<vmem_shared>> -> memref<10240x128xf32, #tpu.memory_space<vmem_shared>>
        tpu.wait_indirect_dma semaphore(%arg20 : memref<!tpu.dma_semaphore, #tpu.memory_space<semaphore_mem>>) src(%arg14 : memref<128x128xf32, #tpu.memory_space<vmem>>) dst(%dma_wait3A_375 : memref<10240x128xf32, #tpu.memory_space<vmem_shared>>)
        %dma_start3A_376 = arith.constant 4 : i32
        %dma_start3A_377 = arith.constant 0 : i32
        %dma_start3A_378 = tpu.memref_slice %arg12[%dma_start3A_376, %dma_start3A_377] : memref<16x128xi32, #tpu.memory_space<vmem>> -> memref<1x128xi32, #tpu.memory_space<vmem>>
        %dma_start3A_379 = tpu.memref_squeeze %dma_start3A_378 : memref<1x128xi32, #tpu.memory_space<vmem>> -> memref<128xi32, #tpu.memory_space<vmem>>
        %dma_start3A_380 = arith.constant 0 : i32
        %dma_start3A_381 = arith.constant 0 : i32
        %dma_start3A_382 = tpu.memref_slice %arg6[%dma_start3A_380, %dma_start3A_381] : memref<10240x128xf32, #tpu.memory_space<hbm>> -> memref<10240x128xf32, #tpu.memory_space<hbm>>
        tpu.enqueue_indirect_dma source(%dma_start3A_382 : memref<10240x128xf32, #tpu.memory_space<hbm>>) target(%arg14 : memref<128x128xf32, #tpu.memory_space<vmem>>) offsets(%dma_start3A_379 : memref<128xi32, #tpu.memory_space<vmem>>) semaphore(%arg18 : memref<!tpu.dma_semaphore, #tpu.memory_space<semaphore_mem>>)
        %dma_wait3A_383 = arith.constant 3 : i32
        %dma_wait3A_384 = arith.constant 0 : i32
        %dma_wait3A_385 = tpu.memref_slice %arg12[%dma_wait3A_383, %dma_wait3A_384] : memref<16x128xi32, #tpu.memory_space<vmem>> -> memref<1x128xi32, #tpu.memory_space<vmem>>
        %dma_wait3A_386 = tpu.memref_squeeze %dma_wait3A_385 : memref<1x128xi32, #tpu.memory_space<vmem>> -> memref<128xi32, #tpu.memory_space<vmem>>
        %dma_wait3A_387 = arith.constant 0 : i32
        %dma_wait3A_388 = arith.constant 0 : i32
        %dma_wait3A_389 = tpu.memref_slice %arg6[%dma_wait3A_387, %dma_wait3A_388] : memref<10240x128xf32, #tpu.memory_space<hbm>> -> memref<10240x128xf32, #tpu.memory_space<hbm>>
        tpu.wait_indirect_dma semaphore(%arg19 : memref<!tpu.dma_semaphore, #tpu.memory_space<semaphore_mem>>) src(%dma_wait3A_389 : memref<10240x128xf32, #tpu.memory_space<hbm>>) dst(%arg15 : memref<128x128xf32, #tpu.memory_space<vmem>>)
        %dma_start3A_390 = arith.constant 3 : i32
        %dma_start3A_391 = arith.constant 0 : i32
        %dma_start3A_392 = tpu.memref_slice %arg13[%dma_start3A_390, %dma_start3A_391] : memref<16x128xi32, #tpu.memory_space<vmem>> -> memref<1x128xi32, #tpu.memory_space<vmem>>
        %dma_start3A_393 = tpu.memref_squeeze %dma_start3A_392 : memref<1x128xi32, #tpu.memory_space<vmem>> -> memref<128xi32, #tpu.memory_space<vmem>>
        %dma_start3A_394 = arith.constant 0 : i32
        %dma_start3A_395 = arith.constant 0 : i32
        %dma_start3A_396 = tpu.memref_slice %arg17[%dma_start3A_394, %dma_start3A_395] : memref<10240x128xf32, #tpu.memory_space<vmem_shared>> -> memref<10240x128xf32, #tpu.memory_space<vmem_shared>>
        tpu.enqueue_indirect_dma source(%arg15 : memref<128x128xf32, #tpu.memory_space<vmem>>) target(%dma_start3A_396 : memref<10240x128xf32, #tpu.memory_space<vmem_shared>>) offsets(%dma_start3A_393 : memref<128xi32, #tpu.memory_space<vmem>>) semaphore(%arg21 : memref<!tpu.dma_semaphore, #tpu.memory_space<semaphore_mem>>) {add = true}
        %get3A_397 = arith.constant 3 : i32
        %get3A_398 = arith.index_cast %get3A_397 : i32 to index
        %get3A_399 = arith.constant 0 : index
        %get3A_400 = tpu.vector_load %arg13[%get3A_398, %get3A_399] {strides = array<i32>} : memref<16x128xi32, #tpu.memory_space<vmem>>, vector<16xi32>,
        %shift_right_logical3A_401 = arith.constant 7 : i32
        %shift_right_logical3A_402 = vector.broadcast %shift_right_logical3A_401 : i32 to vector<16xi32>
        %shift_right_logical3A_403 = arith.shrui %get3A_400, %shift_right_logical3A_402 : vector<16xi32>
        %and3A_404 = arith.constant 127 : i32
        %and3A_405 = vector.broadcast %and3A_404 : i32 to vector<16xi32>
        %and3A_406 = arith.andi %get3A_400, %and3A_405 : vector<16xi32>
        tpu.vector_store_idx %arg16[%shift_right_logical3A_403, %and3A_406], %broadcast_in_dim3A_8 {add = true} : memref<80x128xf32, #tpu.memory_space<vmem>>[vector<16xi32>, vector<16xi32>], vector<16xf32>,
        %get3A_407 = arith.constant 3 : i32
        %get3A_408 = arith.index_cast %get3A_407 : i32 to index
        %get3A_409 = arith.constant 16 : index
        %get3A_410 = tpu.vector_load %arg13[%get3A_408, %get3A_409] {strides = array<i32>} : memref<16x128xi32, #tpu.memory_space<vmem>>, vector<16xi32>,
        %shift_right_logical3A_411 = arith.constant 7 : i32
        %shift_right_logical3A_412 = vector.broadcast %shift_right_logical3A_411 : i32 to vector<16xi32>
        %shift_right_logical3A_413 = arith.shrui %get3A_410, %shift_right_logical3A_412 : vector<16xi32>
        %and3A_414 = arith.constant 127 : i32
        %and3A_415 = vector.broadcast %and3A_414 : i32 to vector<16xi32>
        %and3A_416 = arith.andi %get3A_410, %and3A_415 : vector<16xi32>
        tpu.vector_store_idx %arg16[%shift_right_logical3A_413, %and3A_416], %broadcast_in_dim3A_8 {add = true} : memref<80x128xf32, #tpu.memory_space<vmem>>[vector<16xi32>, vector<16xi32>], vector<16xf32>,
        %get3A_417 = arith.constant 3 : i32
        %get3A_418 = arith.index_cast %get3A_417 : i32 to index
        %get3A_419 = arith.constant 32 : index
        %get3A_420 = tpu.vector_load %arg13[%get3A_418, %get3A_419] {strides = array<i32>} : memref<16x128xi32, #tpu.memory_space<vmem>>, vector<16xi32>,
        %shift_right_logical3A_421 = arith.constant 7 : i32
        %shift_right_logical3A_422 = vector.broadcast %shift_right_logical3A_421 : i32 to vector<16xi32>
        %shift_right_logical3A_423 = arith.shrui %get3A_420, %shift_right_logical3A_422 : vector<16xi32>
        %and3A_424 = arith.constant 127 : i32
        %and3A_425 = vector.broadcast %and3A_424 : i32 to vector<16xi32>
        %and3A_426 = arith.andi %get3A_420, %and3A_425 : vector<16xi32>
        tpu.vector_store_idx %arg16[%shift_right_logical3A_423, %and3A_426], %broadcast_in_dim3A_8 {add = true} : memref<80x128xf32, #tpu.memory_space<vmem>>[vector<16xi32>, vector<16xi32>], vector<16xf32>,
        %get3A_427 = arith.constant 3 : i32
        %get3A_428 = arith.index_cast %get3A_427 : i32 to index
        %get3A_429 = arith.constant 48 : index
        %get3A_430 = tpu.vector_load %arg13[%get3A_428, %get3A_429] {strides = array<i32>} : memref<16x128xi32, #tpu.memory_space<vmem>>, vector<16xi32>,
        %shift_right_logical3A_431 = arith.constant 7 : i32
        %shift_right_logical3A_432 = vector.broadcast %shift_right_logical3A_431 : i32 to vector<16xi32>
        %shift_right_logical3A_433 = arith.shrui %get3A_430, %shift_right_logical3A_432 : vector<16xi32>
        %and3A_434 = arith.constant 127 : i32
        %and3A_435 = vector.broadcast %and3A_434 : i32 to vector<16xi32>
        %and3A_436 = arith.andi %get3A_430, %and3A_435 : vector<16xi32>
        tpu.vector_store_idx %arg16[%shift_right_logical3A_433, %and3A_436], %broadcast_in_dim3A_8 {add = true} : memref<80x128xf32, #tpu.memory_space<vmem>>[vector<16xi32>, vector<16xi32>], vector<16xf32>,
        %get3A_437 = arith.constant 3 : i32
        %get3A_438 = arith.index_cast %get3A_437 : i32 to index
        %get3A_439 = arith.constant 64 : index
        %get3A_440 = tpu.vector_load %arg13[%get3A_438, %get3A_439] {strides = array<i32>} : memref<16x128xi32, #tpu.memory_space<vmem>>, vector<16xi32>,
        %shift_right_logical3A_441 = arith.constant 7 : i32
        %shift_right_logical3A_442 = vector.broadcast %shift_right_logical3A_441 : i32 to vector<16xi32>
        %shift_right_logical3A_443 = arith.shrui %get3A_440, %shift_right_logical3A_442 : vector<16xi32>
        %and3A_444 = arith.constant 127 : i32
        %and3A_445 = vector.broadcast %and3A_444 : i32 to vector<16xi32>
        %and3A_446 = arith.andi %get3A_440, %and3A_445 : vector<16xi32>
        tpu.vector_store_idx %arg16[%shift_right_logical3A_443, %and3A_446], %broadcast_in_dim3A_8 {add = true} : memref<80x128xf32, #tpu.memory_space<vmem>>[vector<16xi32>, vector<16xi32>], vector<16xf32>,
        %get3A_447 = arith.constant 3 : i32
        %get3A_448 = arith.index_cast %get3A_447 : i32 to index
        %get3A_449 = arith.constant 80 : index
        %get3A_450 = tpu.vector_load %arg13[%get3A_448, %get3A_449] {strides = array<i32>} : memref<16x128xi32, #tpu.memory_space<vmem>>, vector<16xi32>,
        %shift_right_logical3A_451 = arith.constant 7 : i32
        %shift_right_logical3A_452 = vector.broadcast %shift_right_logical3A_451 : i32 to vector<16xi32>
        %shift_right_logical3A_453 = arith.shrui %get3A_450, %shift_right_logical3A_452 : vector<16xi32>
        %and3A_454 = arith.constant 127 : i32
        %and3A_455 = vector.broadcast %and3A_454 : i32 to vector<16xi32>
        %and3A_456 = arith.andi %get3A_450, %and3A_455 : vector<16xi32>
        tpu.vector_store_idx %arg16[%shift_right_logical3A_453, %and3A_456], %broadcast_in_dim3A_8 {add = true} : memref<80x128xf32, #tpu.memory_space<vmem>>[vector<16xi32>, vector<16xi32>], vector<16xf32>,
        %get3A_457 = arith.constant 3 : i32
        %get3A_458 = arith.index_cast %get3A_457 : i32 to index
        %get3A_459 = arith.constant 96 : index
        %get3A_460 = tpu.vector_load %arg13[%get3A_458, %get3A_459] {strides = array<i32>} : memref<16x128xi32, #tpu.memory_space<vmem>>, vector<16xi32>,
        %shift_right_logical3A_461 = arith.constant 7 : i32
        %shift_right_logical3A_462 = vector.broadcast %shift_right_logical3A_461 : i32 to vector<16xi32>
        %shift_right_logical3A_463 = arith.shrui %get3A_460, %shift_right_logical3A_462 : vector<16xi32>
        %and3A_464 = arith.constant 127 : i32
        %and3A_465 = vector.broadcast %and3A_464 : i32 to vector<16xi32>
        %and3A_466 = arith.andi %get3A_460, %and3A_465 : vector<16xi32>
        tpu.vector_store_idx %arg16[%shift_right_logical3A_463, %and3A_466], %broadcast_in_dim3A_8 {add = true} : memref<80x128xf32, #tpu.memory_space<vmem>>[vector<16xi32>, vector<16xi32>], vector<16xf32>,
        %get3A_467 = arith.constant 3 : i32
        %get3A_468 = arith.index_cast %get3A_467 : i32 to index
        %get3A_469 = arith.constant 112 : index
        %get3A_470 = tpu.vector_load %arg13[%get3A_468, %get3A_469] {strides = array<i32>} : memref<16x128xi32, #tpu.memory_space<vmem>>, vector<16xi32>,
        %shift_right_logical3A_471 = arith.constant 7 : i32
        %shift_right_logical3A_472 = vector.broadcast %shift_right_logical3A_471 : i32 to vector<16xi32>
        %shift_right_logical3A_473 = arith.shrui %get3A_470, %shift_right_logical3A_472 : vector<16xi32>
        %and3A_474 = arith.constant 127 : i32
        %and3A_475 = vector.broadcast %and3A_474 : i32 to vector<16xi32>
        %and3A_476 = arith.andi %get3A_470, %and3A_475 : vector<16xi32>
        tpu.vector_store_idx %arg16[%shift_right_logical3A_473, %and3A_476], %broadcast_in_dim3A_8 {add = true} : memref<80x128xf32, #tpu.memory_space<vmem>>[vector<16xi32>, vector<16xi32>], vector<16xf32>,
        %dma_wait3A_477 = arith.constant 3 : i32
        %dma_wait3A_478 = arith.constant 0 : i32
        %dma_wait3A_479 = tpu.memref_slice %arg13[%dma_wait3A_477, %dma_wait3A_478] : memref<16x128xi32, #tpu.memory_space<vmem>> -> memref<1x128xi32, #tpu.memory_space<vmem>>
        %dma_wait3A_480 = tpu.memref_squeeze %dma_wait3A_479 : memref<1x128xi32, #tpu.memory_space<vmem>> -> memref<128xi32, #tpu.memory_space<vmem>>
        %dma_wait3A_481 = arith.constant 0 : i32
        %dma_wait3A_482 = arith.constant 0 : i32
        %dma_wait3A_483 = tpu.memref_slice %arg17[%dma_wait3A_481, %dma_wait3A_482] : memref<10240x128xf32, #tpu.memory_space<vmem_shared>> -> memref<10240x128xf32, #tpu.memory_space<vmem_shared>>
        tpu.wait_indirect_dma semaphore(%arg21 : memref<!tpu.dma_semaphore, #tpu.memory_space<semaphore_mem>>) src(%arg15 : memref<128x128xf32, #tpu.memory_space<vmem>>) dst(%dma_wait3A_483 : memref<10240x128xf32, #tpu.memory_space<vmem_shared>>)
        %dma_start3A_484 = arith.constant 5 : i32
        %dma_start3A_485 = arith.constant 0 : i32
        %dma_start3A_486 = tpu.memref_slice %arg12[%dma_start3A_484, %dma_start3A_485] : memref<16x128xi32, #tpu.memory_space<vmem>> -> memref<1x128xi32, #tpu.memory_space<vmem>>
        %dma_start3A_487 = tpu.memref_squeeze %dma_start3A_486 : memref<1x128xi32, #tpu.memory_space<vmem>> -> memref<128xi32, #tpu.memory_space<vmem>>
        %dma_start3A_488 = arith.constant 0 : i32
        %dma_start3A_489 = arith.constant 0 : i32
        %dma_start3A_490 = tpu.memref_slice %arg6[%dma_start3A_488, %dma_start3A_489] : memref<10240x128xf32, #tpu.memory_space<hbm>> -> memref<10240x128xf32, #tpu.memory_space<hbm>>
        tpu.enqueue_indirect_dma source(%dma_start3A_490 : memref<10240x128xf32, #tpu.memory_space<hbm>>) target(%arg15 : memref<128x128xf32, #tpu.memory_space<vmem>>) offsets(%dma_start3A_487 : memref<128xi32, #tpu.memory_space<vmem>>) semaphore(%arg19 : memref<!tpu.dma_semaphore, #tpu.memory_space<semaphore_mem>>)
        %dma_wait3A_491 = arith.constant 4 : i32
        %dma_wait3A_492 = arith.constant 0 : i32
        %dma_wait3A_493 = tpu.memref_slice %arg12[%dma_wait3A_491, %dma_wait3A_492] : memref<16x128xi32, #tpu.memory_space<vmem>> -> memref<1x128xi32, #tpu.memory_space<vmem>>
        %dma_wait3A_494 = tpu.memref_squeeze %dma_wait3A_493 : memref<1x128xi32, #tpu.memory_space<vmem>> -> memref<128xi32, #tpu.memory_space<vmem>>
        %dma_wait3A_495 = arith.constant 0 : i32
        %dma_wait3A_496 = arith.constant 0 : i32
        %dma_wait3A_497 = tpu.memref_slice %arg6[%dma_wait3A_495, %dma_wait3A_496] : memref<10240x128xf32, #tpu.memory_space<hbm>> -> memref<10240x128xf32, #tpu.memory_space<hbm>>
        tpu.wait_indirect_dma semaphore(%arg18 : memref<!tpu.dma_semaphore, #tpu.memory_space<semaphore_mem>>) src(%dma_wait3A_497 : memref<10240x128xf32, #tpu.memory_space<hbm>>) dst(%arg14 : memref<128x128xf32, #tpu.memory_space<vmem>>)
        %dma_start3A_498 = arith.constant 4 : i32
        %dma_start3A_499 = arith.constant 0 : i32
        %dma_start3A_500 = tpu.memref_slice %arg13[%dma_start3A_498, %dma_start3A_499] : memref<16x128xi32, #tpu.memory_space<vmem>> -> memref<1x128xi32, #tpu.memory_space<vmem>>
        %dma_start3A_501 = tpu.memref_squeeze %dma_start3A_500 : memref<1x128xi32, #tpu.memory_space<vmem>> -> memref<128xi32, #tpu.memory_space<vmem>>
        %dma_start3A_502 = arith.constant 0 : i32
        %dma_start3A_503 = arith.constant 0 : i32
        %dma_start3A_504 = tpu.memref_slice %arg17[%dma_start3A_502, %dma_start3A_503] : memref<10240x128xf32, #tpu.memory_space<vmem_shared>> -> memref<10240x128xf32, #tpu.memory_space<vmem_shared>>
        tpu.enqueue_indirect_dma source(%arg14 : memref<128x128xf32, #tpu.memory_space<vmem>>) target(%dma_start3A_504 : memref<10240x128xf32, #tpu.memory_space<vmem_shared>>) offsets(%dma_start3A_501 : memref<128xi32, #tpu.memory_space<vmem>>) semaphore(%arg20 : memref<!tpu.dma_semaphore, #tpu.memory_space<semaphore_mem>>) {add = true}
        %get3A_505 = arith.constant 4 : i32
        %get3A_506 = arith.index_cast %get3A_505 : i32 to index
        %get3A_507 = arith.constant 0 : index
        %get3A_508 = tpu.vector_load %arg13[%get3A_506, %get3A_507] {strides = array<i32>} : memref<16x128xi32, #tpu.memory_space<vmem>>, vector<16xi32>,
        %shift_right_logical3A_509 = arith.constant 7 : i32
        %shift_right_logical3A_510 = vector.broadcast %shift_right_logical3A_509 : i32 to vector<16xi32>
        %shift_right_logical3A_511 = arith.shrui %get3A_508, %shift_right_logical3A_510 : vector<16xi32>
        %and3A_512 = arith.constant 127 : i32
        %and3A_513 = vector.broadcast %and3A_512 : i32 to vector<16xi32>
        %and3A_514 = arith.andi %get3A_508, %and3A_513 : vector<16xi32>
        tpu.vector_store_idx %arg16[%shift_right_logical3A_511, %and3A_514], %broadcast_in_dim3A_8 {add = true} : memref<80x128xf32, #tpu.memory_space<vmem>>[vector<16xi32>, vector<16xi32>], vector<16xf32>,
        %get3A_515 = arith.constant 4 : i32
        %get3A_516 = arith.index_cast %get3A_515 : i32 to index
        %get3A_517 = arith.constant 16 : index
        %get3A_518 = tpu.vector_load %arg13[%get3A_516, %get3A_517] {strides = array<i32>} : memref<16x128xi32, #tpu.memory_space<vmem>>, vector<16xi32>,
        %shift_right_logical3A_519 = arith.constant 7 : i32
        %shift_right_logical3A_520 = vector.broadcast %shift_right_logical3A_519 : i32 to vector<16xi32>
        %shift_right_logical3A_521 = arith.shrui %get3A_518, %shift_right_logical3A_520 : vector<16xi32>
        %and3A_522 = arith.constant 127 : i32
        %and3A_523 = vector.broadcast %and3A_522 : i32 to vector<16xi32>
        %and3A_524 = arith.andi %get3A_518, %and3A_523 : vector<16xi32>
        tpu.vector_store_idx %arg16[%shift_right_logical3A_521, %and3A_524], %broadcast_in_dim3A_8 {add = true} : memref<80x128xf32, #tpu.memory_space<vmem>>[vector<16xi32>, vector<16xi32>], vector<16xf32>,
        %get3A_525 = arith.constant 4 : i32
        %get3A_526 = arith.index_cast %get3A_525 : i32 to index
        %get3A_527 = arith.constant 32 : index
        %get3A_528 = tpu.vector_load %arg13[%get3A_526, %get3A_527] {strides = array<i32>} : memref<16x128xi32, #tpu.memory_space<vmem>>, vector<16xi32>,
        %shift_right_logical3A_529 = arith.constant 7 : i32
        %shift_right_logical3A_530 = vector.broadcast %shift_right_logical3A_529 : i32 to vector<16xi32>
        %shift_right_logical3A_531 = arith.shrui %get3A_528, %shift_right_logical3A_530 : vector<16xi32>
        %and3A_532 = arith.constant 127 : i32
        %and3A_533 = vector.broadcast %and3A_532 : i32 to vector<16xi32>
        %and3A_534 = arith.andi %get3A_528, %and3A_533 : vector<16xi32>
        tpu.vector_store_idx %arg16[%shift_right_logical3A_531, %and3A_534], %broadcast_in_dim3A_8 {add = true} : memref<80x128xf32, #tpu.memory_space<vmem>>[vector<16xi32>, vector<16xi32>], vector<16xf32>,
        %get3A_535 = arith.constant 4 : i32
        %get3A_536 = arith.index_cast %get3A_535 : i32 to index
        %get3A_537 = arith.constant 48 : index
        %get3A_538 = tpu.vector_load %arg13[%get3A_536, %get3A_537] {strides = array<i32>} : memref<16x128xi32, #tpu.memory_space<vmem>>, vector<16xi32>,
        %shift_right_logical3A_539 = arith.constant 7 : i32
        %shift_right_logical3A_540 = vector.broadcast %shift_right_logical3A_539 : i32 to vector<16xi32>
        %shift_right_logical3A_541 = arith.shrui %get3A_538, %shift_right_logical3A_540 : vector<16xi32>
        %and3A_542 = arith.constant 127 : i32
        %and3A_543 = vector.broadcast %and3A_542 : i32 to vector<16xi32>
        %and3A_544 = arith.andi %get3A_538, %and3A_543 : vector<16xi32>
        tpu.vector_store_idx %arg16[%shift_right_logical3A_541, %and3A_544], %broadcast_in_dim3A_8 {add = true} : memref<80x128xf32, #tpu.memory_space<vmem>>[vector<16xi32>, vector<16xi32>], vector<16xf32>,
        %get3A_545 = arith.constant 4 : i32
        %get3A_546 = arith.index_cast %get3A_545 : i32 to index
        %get3A_547 = arith.constant 64 : index
        %get3A_548 = tpu.vector_load %arg13[%get3A_546, %get3A_547] {strides = array<i32>} : memref<16x128xi32, #tpu.memory_space<vmem>>, vector<16xi32>,
        %shift_right_logical3A_549 = arith.constant 7 : i32
        %shift_right_logical3A_550 = vector.broadcast %shift_right_logical3A_549 : i32 to vector<16xi32>
        %shift_right_logical3A_551 = arith.shrui %get3A_548, %shift_right_logical3A_550 : vector<16xi32>
        %and3A_552 = arith.constant 127 : i32
        %and3A_553 = vector.broadcast %and3A_552 : i32 to vector<16xi32>
        %and3A_554 = arith.andi %get3A_548, %and3A_553 : vector<16xi32>
        tpu.vector_store_idx %arg16[%shift_right_logical3A_551, %and3A_554], %broadcast_in_dim3A_8 {add = true} : memref<80x128xf32, #tpu.memory_space<vmem>>[vector<16xi32>, vector<16xi32>], vector<16xf32>,
        %get3A_555 = arith.constant 4 : i32
        %get3A_556 = arith.index_cast %get3A_555 : i32 to index
        %get3A_557 = arith.constant 80 : index
        %get3A_558 = tpu.vector_load %arg13[%get3A_556, %get3A_557] {strides = array<i32>} : memref<16x128xi32, #tpu.memory_space<vmem>>, vector<16xi32>,
        %shift_right_logical3A_559 = arith.constant 7 : i32
        %shift_right_logical3A_560 = vector.broadcast %shift_right_logical3A_559 : i32 to vector<16xi32>
        %shift_right_logical3A_561 = arith.shrui %get3A_558, %shift_right_logical3A_560 : vector<16xi32>
        %and3A_562 = arith.constant 127 : i32
        %and3A_563 = vector.broadcast %and3A_562 : i32 to vector<16xi32>
        %and3A_564 = arith.andi %get3A_558, %and3A_563 : vector<16xi32>
        tpu.vector_store_idx %arg16[%shift_right_logical3A_561, %and3A_564], %broadcast_in_dim3A_8 {add = true} : memref<80x128xf32, #tpu.memory_space<vmem>>[vector<16xi32>, vector<16xi32>], vector<16xf32>,
        %get3A_565 = arith.constant 4 : i32
        %get3A_566 = arith.index_cast %get3A_565 : i32 to index
        %get3A_567 = arith.constant 96 : index
        %get3A_568 = tpu.vector_load %arg13[%get3A_566, %get3A_567] {strides = array<i32>} : memref<16x128xi32, #tpu.memory_space<vmem>>, vector<16xi32>,
        %shift_right_logical3A_569 = arith.constant 7 : i32
        %shift_right_logical3A_570 = vector.broadcast %shift_right_logical3A_569 : i32 to vector<16xi32>
        %shift_right_logical3A_571 = arith.shrui %get3A_568, %shift_right_logical3A_570 : vector<16xi32>
        %and3A_572 = arith.constant 127 : i32
        %and3A_573 = vector.broadcast %and3A_572 : i32 to vector<16xi32>
        %and3A_574 = arith.andi %get3A_568, %and3A_573 : vector<16xi32>
        tpu.vector_store_idx %arg16[%shift_right_logical3A_571, %and3A_574], %broadcast_in_dim3A_8 {add = true} : memref<80x128xf32, #tpu.memory_space<vmem>>[vector<16xi32>, vector<16xi32>], vector<16xf32>,
        %get3A_575 = arith.constant 4 : i32
        %get3A_576 = arith.index_cast %get3A_575 : i32 to index
        %get3A_577 = arith.constant 112 : index
        %get3A_578 = tpu.vector_load %arg13[%get3A_576, %get3A_577] {strides = array<i32>} : memref<16x128xi32, #tpu.memory_space<vmem>>, vector<16xi32>,
        %shift_right_logical3A_579 = arith.constant 7 : i32
        %shift_right_logical3A_580 = vector.broadcast %shift_right_logical3A_579 : i32 to vector<16xi32>
        %shift_right_logical3A_581 = arith.shrui %get3A_578, %shift_right_logical3A_580 : vector<16xi32>
        %and3A_582 = arith.constant 127 : i32
        %and3A_583 = vector.broadcast %and3A_582 : i32 to vector<16xi32>
        %and3A_584 = arith.andi %get3A_578, %and3A_583 : vector<16xi32>
        tpu.vector_store_idx %arg16[%shift_right_logical3A_581, %and3A_584], %broadcast_in_dim3A_8 {add = true} : memref<80x128xf32, #tpu.memory_space<vmem>>[vector<16xi32>, vector<16xi32>], vector<16xf32>,
        %dma_wait3A_585 = arith.constant 4 : i32
        %dma_wait3A_586 = arith.constant 0 : i32
        %dma_wait3A_587 = tpu.memref_slice %arg13[%dma_wait3A_585, %dma_wait3A_586] : memref<16x128xi32, #tpu.memory_space<vmem>> -> memref<1x128xi32, #tpu.memory_space<vmem>>
        %dma_wait3A_588 = tpu.memref_squeeze %dma_wait3A_587 : memref<1x128xi32, #tpu.memory_space<vmem>> -> memref<128xi32, #tpu.memory_space<vmem>>
        %dma_wait3A_589 = arith.constant 0 : i32
        %dma_wait3A_590 = arith.constant 0 : i32
        %dma_wait3A_591 = tpu.memref_slice %arg17[%dma_wait3A_589, %dma_wait3A_590] : memref<10240x128xf32, #tpu.memory_space<vmem_shared>> -> memref<10240x128xf32, #tpu.memory_space<vmem_shared>>
        tpu.wait_indirect_dma semaphore(%arg20 : memref<!tpu.dma_semaphore, #tpu.memory_space<semaphore_mem>>) src(%arg14 : memref<128x128xf32, #tpu.memory_space<vmem>>) dst(%dma_wait3A_591 : memref<10240x128xf32, #tpu.memory_space<vmem_shared>>)
        %dma_start3A_592 = arith.constant 6 : i32
        %dma_start3A_593 = arith.constant 0 : i32
        %dma_start3A_594 = tpu.memref_slice %arg12[%dma_start3A_592, %dma_start3A_593] : memref<16x128xi32, #tpu.memory_space<vmem>> -> memref<1x128xi32, #tpu.memory_space<vmem>>
        %dma_start3A_595 = tpu.memref_squeeze %dma_start3A_594 : memref<1x128xi32, #tpu.memory_space<vmem>> -> memref<128xi32, #tpu.memory_space<vmem>>
        %dma_start3A_596 = arith.constant 0 : i32
        %dma_start3A_597 = arith.constant 0 : i32
        %dma_start3A_598 = tpu.memref_slice %arg6[%dma_start3A_596, %dma_start3A_597] : memref<10240x128xf32, #tpu.memory_space<hbm>> -> memref<10240x128xf32, #tpu.memory_space<hbm>>
        tpu.enqueue_indirect_dma source(%dma_start3A_598 : memref<10240x128xf32, #tpu.memory_space<hbm>>) target(%arg14 : memref<128x128xf32, #tpu.memory_space<vmem>>) offsets(%dma_start3A_595 : memref<128xi32, #tpu.memory_space<vmem>>) semaphore(%arg18 : memref<!tpu.dma_semaphore, #tpu.memory_space<semaphore_mem>>)
        %dma_wait3A_599 = arith.constant 5 : i32
        %dma_wait3A_600 = arith.constant 0 : i32
        %dma_wait3A_601 = tpu.memref_slice %arg12[%dma_wait3A_599, %dma_wait3A_600] : memref<16x128xi32, #tpu.memory_space<vmem>> -> memref<1x128xi32, #tpu.memory_space<vmem>>
        %dma_wait3A_602 = tpu.memref_squeeze %dma_wait3A_601 : memref<1x128xi32, #tpu.memory_space<vmem>> -> memref<128xi32, #tpu.memory_space<vmem>>
        %dma_wait3A_603 = arith.constant 0 : i32
        %dma_wait3A_604 = arith.constant 0 : i32
        %dma_wait3A_605 = tpu.memref_slice %arg6[%dma_wait3A_603, %dma_wait3A_604] : memref<10240x128xf32, #tpu.memory_space<hbm>> -> memref<10240x128xf32, #tpu.memory_space<hbm>>
        tpu.wait_indirect_dma semaphore(%arg19 : memref<!tpu.dma_semaphore, #tpu.memory_space<semaphore_mem>>) src(%dma_wait3A_605 : memref<10240x128xf32, #tpu.memory_space<hbm>>) dst(%arg15 : memref<128x128xf32, #tpu.memory_space<vmem>>)
        %dma_start3A_606 = arith.constant 5 : i32
        %dma_start3A_607 = arith.constant 0 : i32
        %dma_start3A_608 = tpu.memref_slice %arg13[%dma_start3A_606, %dma_start3A_607] : memref<16x128xi32, #tpu.memory_space<vmem>> -> memref<1x128xi32, #tpu.memory_space<vmem>>
        %dma_start3A_609 = tpu.memref_squeeze %dma_start3A_608 : memref<1x128xi32, #tpu.memory_space<vmem>> -> memref<128xi32, #tpu.memory_space<vmem>>
        %dma_start3A_610 = arith.constant 0 : i32
        %dma_start3A_611 = arith.constant 0 : i32
        %dma_start3A_612 = tpu.memref_slice %arg17[%dma_start3A_610, %dma_start3A_611] : memref<10240x128xf32, #tpu.memory_space<vmem_shared>> -> memref<10240x128xf32, #tpu.memory_space<vmem_shared>>
        tpu.enqueue_indirect_dma source(%arg15 : memref<128x128xf32, #tpu.memory_space<vmem>>) target(%dma_start3A_612 : memref<10240x128xf32, #tpu.memory_space<vmem_shared>>) offsets(%dma_start3A_609 : memref<128xi32, #tpu.memory_space<vmem>>) semaphore(%arg21 : memref<!tpu.dma_semaphore, #tpu.memory_space<semaphore_mem>>) {add = true}
        %get3A_613 = arith.constant 5 : i32
        %get3A_614 = arith.index_cast %get3A_613 : i32 to index
        %get3A_615 = arith.constant 0 : index
        %get3A_616 = tpu.vector_load %arg13[%get3A_614, %get3A_615] {strides = array<i32>} : memref<16x128xi32, #tpu.memory_space<vmem>>, vector<16xi32>,
        %shift_right_logical3A_617 = arith.constant 7 : i32
        %shift_right_logical3A_618 = vector.broadcast %shift_right_logical3A_617 : i32 to vector<16xi32>
        %shift_right_logical3A_619 = arith.shrui %get3A_616, %shift_right_logical3A_618 : vector<16xi32>
        %and3A_620 = arith.constant 127 : i32
        %and3A_621 = vector.broadcast %and3A_620 : i32 to vector<16xi32>
        %and3A_622 = arith.andi %get3A_616, %and3A_621 : vector<16xi32>
        tpu.vector_store_idx %arg16[%shift_right_logical3A_619, %and3A_622], %broadcast_in_dim3A_8 {add = true} : memref<80x128xf32, #tpu.memory_space<vmem>>[vector<16xi32>, vector<16xi32>], vector<16xf32>,
        %get3A_623 = arith.constant 5 : i32
        %get3A_624 = arith.index_cast %get3A_623 : i32 to index
        %get3A_625 = arith.constant 16 : index
        %get3A_626 = tpu.vector_load %arg13[%get3A_624, %get3A_625] {strides = array<i32>} : memref<16x128xi32, #tpu.memory_space<vmem>>, vector<16xi32>,
        %shift_right_logical3A_627 = arith.constant 7 : i32
        %shift_right_logical3A_628 = vector.broadcast %shift_right_logical3A_627 : i32 to vector<16xi32>
        %shift_right_logical3A_629 = arith.shrui %get3A_626, %shift_right_logical3A_628 : vector<16xi32>
        %and3A_630 = arith.constant 127 : i32
        %and3A_631 = vector.broadcast %and3A_630 : i32 to vector<16xi32>
        %and3A_632 = arith.andi %get3A_626, %and3A_631 : vector<16xi32>
        tpu.vector_store_idx %arg16[%shift_right_logical3A_629, %and3A_632], %broadcast_in_dim3A_8 {add = true} : memref<80x128xf32, #tpu.memory_space<vmem>>[vector<16xi32>, vector<16xi32>], vector<16xf32>,
        %get3A_633 = arith.constant 5 : i32
        %get3A_634 = arith.index_cast %get3A_633 : i32 to index
        %get3A_635 = arith.constant 32 : index
        %get3A_636 = tpu.vector_load %arg13[%get3A_634, %get3A_635] {strides = array<i32>} : memref<16x128xi32, #tpu.memory_space<vmem>>, vector<16xi32>,
        %shift_right_logical3A_637 = arith.constant 7 : i32
        %shift_right_logical3A_638 = vector.broadcast %shift_right_logical3A_637 : i32 to vector<16xi32>
        %shift_right_logical3A_639 = arith.shrui %get3A_636, %shift_right_logical3A_638 : vector<16xi32>
        %and3A_640 = arith.constant 127 : i32
        %and3A_641 = vector.broadcast %and3A_640 : i32 to vector<16xi32>
        %and3A_642 = arith.andi %get3A_636, %and3A_641 : vector<16xi32>
        tpu.vector_store_idx %arg16[%shift_right_logical3A_639, %and3A_642], %broadcast_in_dim3A_8 {add = true} : memref<80x128xf32, #tpu.memory_space<vmem>>[vector<16xi32>, vector<16xi32>], vector<16xf32>,
        %get3A_643 = arith.constant 5 : i32
        %get3A_644 = arith.index_cast %get3A_643 : i32 to index
        %get3A_645 = arith.constant 48 : index
        %get3A_646 = tpu.vector_load %arg13[%get3A_644, %get3A_645] {strides = array<i32>} : memref<16x128xi32, #tpu.memory_space<vmem>>, vector<16xi32>,
        %shift_right_logical3A_647 = arith.constant 7 : i32
        %shift_right_logical3A_648 = vector.broadcast %shift_right_logical3A_647 : i32 to vector<16xi32>
        %shift_right_logical3A_649 = arith.shrui %get3A_646, %shift_right_logical3A_648 : vector<16xi32>
        %and3A_650 = arith.constant 127 : i32
        %and3A_651 = vector.broadcast %and3A_650 : i32 to vector<16xi32>
        %and3A_652 = arith.andi %get3A_646, %and3A_651 : vector<16xi32>
        tpu.vector_store_idx %arg16[%shift_right_logical3A_649, %and3A_652], %broadcast_in_dim3A_8 {add = true} : memref<80x128xf32, #tpu.memory_space<vmem>>[vector<16xi32>, vector<16xi32>], vector<16xf32>,
        %get3A_653 = arith.constant 5 : i32
        %get3A_654 = arith.index_cast %get3A_653 : i32 to index
        %get3A_655 = arith.constant 64 : index
        %get3A_656 = tpu.vector_load %arg13[%get3A_654, %get3A_655] {strides = array<i32>} : memref<16x128xi32, #tpu.memory_space<vmem>>, vector<16xi32>,
        %shift_right_logical3A_657 = arith.constant 7 : i32
        %shift_right_logical3A_658 = vector.broadcast %shift_right_logical3A_657 : i32 to vector<16xi32>
        %shift_right_logical3A_659 = arith.shrui %get3A_656, %shift_right_logical3A_658 : vector<16xi32>
        %and3A_660 = arith.constant 127 : i32
        %and3A_661 = vector.broadcast %and3A_660 : i32 to vector<16xi32>
        %and3A_662 = arith.andi %get3A_656, %and3A_661 : vector<16xi32>
        tpu.vector_store_idx %arg16[%shift_right_logical3A_659, %and3A_662], %broadcast_in_dim3A_8 {add = true} : memref<80x128xf32, #tpu.memory_space<vmem>>[vector<16xi32>, vector<16xi32>], vector<16xf32>,
        %get3A_663 = arith.constant 5 : i32
        %get3A_664 = arith.index_cast %get3A_663 : i32 to index
        %get3A_665 = arith.constant 80 : index
        %get3A_666 = tpu.vector_load %arg13[%get3A_664, %get3A_665] {strides = array<i32>} : memref<16x128xi32, #tpu.memory_space<vmem>>, vector<16xi32>,
        %shift_right_logical3A_667 = arith.constant 7 : i32
        %shift_right_logical3A_668 = vector.broadcast %shift_right_logical3A_667 : i32 to vector<16xi32>
        %shift_right_logical3A_669 = arith.shrui %get3A_666, %shift_right_logical3A_668 : vector<16xi32>
        %and3A_670 = arith.constant 127 : i32
        %and3A_671 = vector.broadcast %and3A_670 : i32 to vector<16xi32>
        %and3A_672 = arith.andi %get3A_666, %and3A_671 : vector<16xi32>
        tpu.vector_store_idx %arg16[%shift_right_logical3A_669, %and3A_672], %broadcast_in_dim3A_8 {add = true} : memref<80x128xf32, #tpu.memory_space<vmem>>[vector<16xi32>, vector<16xi32>], vector<16xf32>,
        %get3A_673 = arith.constant 5 : i32
        %get3A_674 = arith.index_cast %get3A_673 : i32 to index
        %get3A_675 = arith.constant 96 : index
        %get3A_676 = tpu.vector_load %arg13[%get3A_674, %get3A_675] {strides = array<i32>} : memref<16x128xi32, #tpu.memory_space<vmem>>, vector<16xi32>,
        %shift_right_logical3A_677 = arith.constant 7 : i32
        %shift_right_logical3A_678 = vector.broadcast %shift_right_logical3A_677 : i32 to vector<16xi32>
        %shift_right_logical3A_679 = arith.shrui %get3A_676, %shift_right_logical3A_678 : vector<16xi32>
        %and3A_680 = arith.constant 127 : i32
        %and3A_681 = vector.broadcast %and3A_680 : i32 to vector<16xi32>
        %and3A_682 = arith.andi %get3A_676, %and3A_681 : vector<16xi32>
        tpu.vector_store_idx %arg16[%shift_right_logical3A_679, %and3A_682], %broadcast_in_dim3A_8 {add = true} : memref<80x128xf32, #tpu.memory_space<vmem>>[vector<16xi32>, vector<16xi32>], vector<16xf32>,
        %get3A_683 = arith.constant 5 : i32
        %get3A_684 = arith.index_cast %get3A_683 : i32 to index
        %get3A_685 = arith.constant 112 : index
        %get3A_686 = tpu.vector_load %arg13[%get3A_684, %get3A_685] {strides = array<i32>} : memref<16x128xi32, #tpu.memory_space<vmem>>, vector<16xi32>,
        %shift_right_logical3A_687 = arith.constant 7 : i32
        %shift_right_logical3A_688 = vector.broadcast %shift_right_logical3A_687 : i32 to vector<16xi32>
        %shift_right_logical3A_689 = arith.shrui %get3A_686, %shift_right_logical3A_688 : vector<16xi32>
        %and3A_690 = arith.constant 127 : i32
        %and3A_691 = vector.broadcast %and3A_690 : i32 to vector<16xi32>
        %and3A_692 = arith.andi %get3A_686, %and3A_691 : vector<16xi32>
        tpu.vector_store_idx %arg16[%shift_right_logical3A_689, %and3A_692], %broadcast_in_dim3A_8 {add = true} : memref<80x128xf32, #tpu.memory_space<vmem>>[vector<16xi32>, vector<16xi32>], vector<16xf32>,
        %dma_wait3A_693 = arith.constant 5 : i32
        %dma_wait3A_694 = arith.constant 0 : i32
        %dma_wait3A_695 = tpu.memref_slice %arg13[%dma_wait3A_693, %dma_wait3A_694] : memref<16x128xi32, #tpu.memory_space<vmem>> -> memref<1x128xi32, #tpu.memory_space<vmem>>
        %dma_wait3A_696 = tpu.memref_squeeze %dma_wait3A_695 : memref<1x128xi32, #tpu.memory_space<vmem>> -> memref<128xi32, #tpu.memory_space<vmem>>
        %dma_wait3A_697 = arith.constant 0 : i32
        %dma_wait3A_698 = arith.constant 0 : i32
        %dma_wait3A_699 = tpu.memref_slice %arg17[%dma_wait3A_697, %dma_wait3A_698] : memref<10240x128xf32, #tpu.memory_space<vmem_shared>> -> memref<10240x128xf32, #tpu.memory_space<vmem_shared>>
        tpu.wait_indirect_dma semaphore(%arg21 : memref<!tpu.dma_semaphore, #tpu.memory_space<semaphore_mem>>) src(%arg15 : memref<128x128xf32, #tpu.memory_space<vmem>>) dst(%dma_wait3A_699 : memref<10240x128xf32, #tpu.memory_space<vmem_shared>>)
        %dma_start3A_700 = arith.constant 7 : i32
        %dma_start3A_701 = arith.constant 0 : i32
        %dma_start3A_702 = tpu.memref_slice %arg12[%dma_start3A_700, %dma_start3A_701] : memref<16x128xi32, #tpu.memory_space<vmem>> -> memref<1x128xi32, #tpu.memory_space<vmem>>
        %dma_start3A_703 = tpu.memref_squeeze %dma_start3A_702 : memref<1x128xi32, #tpu.memory_space<vmem>> -> memref<128xi32, #tpu.memory_space<vmem>>
        %dma_start3A_704 = arith.constant 0 : i32
        %dma_start3A_705 = arith.constant 0 : i32
        %dma_start3A_706 = tpu.memref_slice %arg6[%dma_start3A_704, %dma_start3A_705] : memref<10240x128xf32, #tpu.memory_space<hbm>> -> memref<10240x128xf32, #tpu.memory_space<hbm>>
        tpu.enqueue_indirect_dma source(%dma_start3A_706 : memref<10240x128xf32, #tpu.memory_space<hbm>>) target(%arg15 : memref<128x128xf32, #tpu.memory_space<vmem>>) offsets(%dma_start3A_703 : memref<128xi32, #tpu.memory_space<vmem>>) semaphore(%arg19 : memref<!tpu.dma_semaphore, #tpu.memory_space<semaphore_mem>>)
        %dma_wait3A_707 = arith.constant 6 : i32
        %dma_wait3A_708 = arith.constant 0 : i32
        %dma_wait3A_709 = tpu.memref_slice %arg12[%dma_wait3A_707, %dma_wait3A_708] : memref<16x128xi32, #tpu.memory_space<vmem>> -> memref<1x128xi32, #tpu.memory_space<vmem>>
        %dma_wait3A_710 = tpu.memref_squeeze %dma_wait3A_709 : memref<1x128xi32, #tpu.memory_space<vmem>> -> memref<128xi32, #tpu.memory_space<vmem>>
        %dma_wait3A_711 = arith.constant 0 : i32
        %dma_wait3A_712 = arith.constant 0 : i32
        %dma_wait3A_713 = tpu.memref_slice %arg6[%dma_wait3A_711, %dma_wait3A_712] : memref<10240x128xf32, #tpu.memory_space<hbm>> -> memref<10240x128xf32, #tpu.memory_space<hbm>>
        tpu.wait_indirect_dma semaphore(%arg18 : memref<!tpu.dma_semaphore, #tpu.memory_space<semaphore_mem>>) src(%dma_wait3A_713 : memref<10240x128xf32, #tpu.memory_space<hbm>>) dst(%arg14 : memref<128x128xf32, #tpu.memory_space<vmem>>)
        %dma_start3A_714 = arith.constant 6 : i32
        %dma_start3A_715 = arith.constant 0 : i32
        %dma_start3A_716 = tpu.memref_slice %arg13[%dma_start3A_714, %dma_start3A_715] : memref<16x128xi32, #tpu.memory_space<vmem>> -> memref<1x128xi32, #tpu.memory_space<vmem>>
        %dma_start3A_717 = tpu.memref_squeeze %dma_start3A_716 : memref<1x128xi32, #tpu.memory_space<vmem>> -> memref<128xi32, #tpu.memory_space<vmem>>
        %dma_start3A_718 = arith.constant 0 : i32
        %dma_start3A_719 = arith.constant 0 : i32
        %dma_start3A_720 = tpu.memref_slice %arg17[%dma_start3A_718, %dma_start3A_719] : memref<10240x128xf32, #tpu.memory_space<vmem_shared>> -> memref<10240x128xf32, #tpu.memory_space<vmem_shared>>
        tpu.enqueue_indirect_dma source(%arg14 : memref<128x128xf32, #tpu.memory_space<vmem>>) target(%dma_start3A_720 : memref<10240x128xf32, #tpu.memory_space<vmem_shared>>) offsets(%dma_start3A_717 : memref<128xi32, #tpu.memory_space<vmem>>) semaphore(%arg20 : memref<!tpu.dma_semaphore, #tpu.memory_space<semaphore_mem>>) {add = true}
        %get3A_721 = arith.constant 6 : i32
        %get3A_722 = arith.index_cast %get3A_721 : i32 to index
        %get3A_723 = arith.constant 0 : index
        %get3A_724 = tpu.vector_load %arg13[%get3A_722, %get3A_723] {strides = array<i32>} : memref<16x128xi32, #tpu.memory_space<vmem>>, vector<16xi32>,
        %shift_right_logical3A_725 = arith.constant 7 : i32
        %shift_right_logical3A_726 = vector.broadcast %shift_right_logical3A_725 : i32 to vector<16xi32>
        %shift_right_logical3A_727 = arith.shrui %get3A_724, %shift_right_logical3A_726 : vector<16xi32>
        %and3A_728 = arith.constant 127 : i32
        %and3A_729 = vector.broadcast %and3A_728 : i32 to vector<16xi32>
        %and3A_730 = arith.andi %get3A_724, %and3A_729 : vector<16xi32>
        tpu.vector_store_idx %arg16[%shift_right_logical3A_727, %and3A_730], %broadcast_in_dim3A_8 {add = true} : memref<80x128xf32, #tpu.memory_space<vmem>>[vector<16xi32>, vector<16xi32>], vector<16xf32>,
        %get3A_731 = arith.constant 6 : i32
        %get3A_732 = arith.index_cast %get3A_731 : i32 to index
        %get3A_733 = arith.constant 16 : index
        %get3A_734 = tpu.vector_load %arg13[%get3A_732, %get3A_733] {strides = array<i32>} : memref<16x128xi32, #tpu.memory_space<vmem>>, vector<16xi32>,
        %shift_right_logical3A_735 = arith.constant 7 : i32
        %shift_right_logical3A_736 = vector.broadcast %shift_right_logical3A_735 : i32 to vector<16xi32>
        %shift_right_logical3A_737 = arith.shrui %get3A_734, %shift_right_logical3A_736 : vector<16xi32>
        %and3A_738 = arith.constant 127 : i32
        %and3A_739 = vector.broadcast %and3A_738 : i32 to vector<16xi32>
        %and3A_740 = arith.andi %get3A_734, %and3A_739 : vector<16xi32>
        tpu.vector_store_idx %arg16[%shift_right_logical3A_737, %and3A_740], %broadcast_in_dim3A_8 {add = true} : memref<80x128xf32, #tpu.memory_space<vmem>>[vector<16xi32>, vector<16xi32>], vector<16xf32>,
        %get3A_741 = arith.constant 6 : i32
        %get3A_742 = arith.index_cast %get3A_741 : i32 to index
        %get3A_743 = arith.constant 32 : index
        %get3A_744 = tpu.vector_load %arg13[%get3A_742, %get3A_743] {strides = array<i32>} : memref<16x128xi32, #tpu.memory_space<vmem>>, vector<16xi32>,
        %shift_right_logical3A_745 = arith.constant 7 : i32
        %shift_right_logical3A_746 = vector.broadcast %shift_right_logical3A_745 : i32 to vector<16xi32>
        %shift_right_logical3A_747 = arith.shrui %get3A_744, %shift_right_logical3A_746 : vector<16xi32>
        %and3A_748 = arith.constant 127 : i32
        %and3A_749 = vector.broadcast %and3A_748 : i32 to vector<16xi32>
        %and3A_750 = arith.andi %get3A_744, %and3A_749 : vector<16xi32>
        tpu.vector_store_idx %arg16[%shift_right_logical3A_747, %and3A_750], %broadcast_in_dim3A_8 {add = true} : memref<80x128xf32, #tpu.memory_space<vmem>>[vector<16xi32>, vector<16xi32>], vector<16xf32>,
        %get3A_751 = arith.constant 6 : i32
        %get3A_752 = arith.index_cast %get3A_751 : i32 to index
        %get3A_753 = arith.constant 48 : index
        %get3A_754 = tpu.vector_load %arg13[%get3A_752, %get3A_753] {strides = array<i32>} : memref<16x128xi32, #tpu.memory_space<vmem>>, vector<16xi32>,
        %shift_right_logical3A_755 = arith.constant 7 : i32
        %shift_right_logical3A_756 = vector.broadcast %shift_right_logical3A_755 : i32 to vector<16xi32>
        %shift_right_logical3A_757 = arith.shrui %get3A_754, %shift_right_logical3A_756 : vector<16xi32>
        %and3A_758 = arith.constant 127 : i32
        %and3A_759 = vector.broadcast %and3A_758 : i32 to vector<16xi32>
        %and3A_760 = arith.andi %get3A_754, %and3A_759 : vector<16xi32>
        tpu.vector_store_idx %arg16[%shift_right_logical3A_757, %and3A_760], %broadcast_in_dim3A_8 {add = true} : memref<80x128xf32, #tpu.memory_space<vmem>>[vector<16xi32>, vector<16xi32>], vector<16xf32>,
        %get3A_761 = arith.constant 6 : i32
        %get3A_762 = arith.index_cast %get3A_761 : i32 to index
        %get3A_763 = arith.constant 64 : index
        %get3A_764 = tpu.vector_load %arg13[%get3A_762, %get3A_763] {strides = array<i32>} : memref<16x128xi32, #tpu.memory_space<vmem>>, vector<16xi32>,
        %shift_right_logical3A_765 = arith.constant 7 : i32
        %shift_right_logical3A_766 = vector.broadcast %shift_right_logical3A_765 : i32 to vector<16xi32>
        %shift_right_logical3A_767 = arith.shrui %get3A_764, %shift_right_logical3A_766 : vector<16xi32>
        %and3A_768 = arith.constant 127 : i32
        %and3A_769 = vector.broadcast %and3A_768 : i32 to vector<16xi32>
        %and3A_770 = arith.andi %get3A_764, %and3A_769 : vector<16xi32>
        tpu.vector_store_idx %arg16[%shift_right_logical3A_767, %and3A_770], %broadcast_in_dim3A_8 {add = true} : memref<80x128xf32, #tpu.memory_space<vmem>>[vector<16xi32>, vector<16xi32>], vector<16xf32>,
        %get3A_771 = arith.constant 6 : i32
        %get3A_772 = arith.index_cast %get3A_771 : i32 to index
        %get3A_773 = arith.constant 80 : index
        %get3A_774 = tpu.vector_load %arg13[%get3A_772, %get3A_773] {strides = array<i32>} : memref<16x128xi32, #tpu.memory_space<vmem>>, vector<16xi32>,
        %shift_right_logical3A_775 = arith.constant 7 : i32
        %shift_right_logical3A_776 = vector.broadcast %shift_right_logical3A_775 : i32 to vector<16xi32>
        %shift_right_logical3A_777 = arith.shrui %get3A_774, %shift_right_logical3A_776 : vector<16xi32>
        %and3A_778 = arith.constant 127 : i32
        %and3A_779 = vector.broadcast %and3A_778 : i32 to vector<16xi32>
        %and3A_780 = arith.andi %get3A_774, %and3A_779 : vector<16xi32>
        tpu.vector_store_idx %arg16[%shift_right_logical3A_777, %and3A_780], %broadcast_in_dim3A_8 {add = true} : memref<80x128xf32, #tpu.memory_space<vmem>>[vector<16xi32>, vector<16xi32>], vector<16xf32>,
        %get3A_781 = arith.constant 6 : i32
        %get3A_782 = arith.index_cast %get3A_781 : i32 to index
        %get3A_783 = arith.constant 96 : index
        %get3A_784 = tpu.vector_load %arg13[%get3A_782, %get3A_783] {strides = array<i32>} : memref<16x128xi32, #tpu.memory_space<vmem>>, vector<16xi32>,
        %shift_right_logical3A_785 = arith.constant 7 : i32
        %shift_right_logical3A_786 = vector.broadcast %shift_right_logical3A_785 : i32 to vector<16xi32>
        %shift_right_logical3A_787 = arith.shrui %get3A_784, %shift_right_logical3A_786 : vector<16xi32>
        %and3A_788 = arith.constant 127 : i32
        %and3A_789 = vector.broadcast %and3A_788 : i32 to vector<16xi32>
        %and3A_790 = arith.andi %get3A_784, %and3A_789 : vector<16xi32>
        tpu.vector_store_idx %arg16[%shift_right_logical3A_787, %and3A_790], %broadcast_in_dim3A_8 {add = true} : memref<80x128xf32, #tpu.memory_space<vmem>>[vector<16xi32>, vector<16xi32>], vector<16xf32>,
        %get3A_791 = arith.constant 6 : i32
        %get3A_792 = arith.index_cast %get3A_791 : i32 to index
        %get3A_793 = arith.constant 112 : index
        %get3A_794 = tpu.vector_load %arg13[%get3A_792, %get3A_793] {strides = array<i32>} : memref<16x128xi32, #tpu.memory_space<vmem>>, vector<16xi32>,
        %shift_right_logical3A_795 = arith.constant 7 : i32
        %shift_right_logical3A_796 = vector.broadcast %shift_right_logical3A_795 : i32 to vector<16xi32>
        %shift_right_logical3A_797 = arith.shrui %get3A_794, %shift_right_logical3A_796 : vector<16xi32>
        %and3A_798 = arith.constant 127 : i32
        %and3A_799 = vector.broadcast %and3A_798 : i32 to vector<16xi32>
        %and3A_800 = arith.andi %get3A_794, %and3A_799 : vector<16xi32>
        tpu.vector_store_idx %arg16[%shift_right_logical3A_797, %and3A_800], %broadcast_in_dim3A_8 {add = true} : memref<80x128xf32, #tpu.memory_space<vmem>>[vector<16xi32>, vector<16xi32>], vector<16xf32>,
        %dma_wait3A_801 = arith.constant 6 : i32
        %dma_wait3A_802 = arith.constant 0 : i32
        %dma_wait3A_803 = tpu.memref_slice %arg13[%dma_wait3A_801, %dma_wait3A_802] : memref<16x128xi32, #tpu.memory_space<vmem>> -> memref<1x128xi32, #tpu.memory_space<vmem>>
        %dma_wait3A_804 = tpu.memref_squeeze %dma_wait3A_803 : memref<1x128xi32, #tpu.memory_space<vmem>> -> memref<128xi32, #tpu.memory_space<vmem>>
        %dma_wait3A_805 = arith.constant 0 : i32
        %dma_wait3A_806 = arith.constant 0 : i32
        %dma_wait3A_807 = tpu.memref_slice %arg17[%dma_wait3A_805, %dma_wait3A_806] : memref<10240x128xf32, #tpu.memory_space<vmem_shared>> -> memref<10240x128xf32, #tpu.memory_space<vmem_shared>>
        tpu.wait_indirect_dma semaphore(%arg20 : memref<!tpu.dma_semaphore, #tpu.memory_space<semaphore_mem>>) src(%arg14 : memref<128x128xf32, #tpu.memory_space<vmem>>) dst(%dma_wait3A_807 : memref<10240x128xf32, #tpu.memory_space<vmem_shared>>)
        %dma_start3A_808 = arith.constant 8 : i32
        %dma_start3A_809 = arith.constant 0 : i32
        %dma_start3A_810 = tpu.memref_slice %arg12[%dma_start3A_808, %dma_start3A_809] : memref<16x128xi32, #tpu.memory_space<vmem>> -> memref<1x128xi32, #tpu.memory_space<vmem>>
        %dma_start3A_811 = tpu.memref_squeeze %dma_start3A_810 : memref<1x128xi32, #tpu.memory_space<vmem>> -> memref<128xi32, #tpu.memory_space<vmem>>
        %dma_start3A_812 = arith.constant 0 : i32
        %dma_start3A_813 = arith.constant 0 : i32
        %dma_start3A_814 = tpu.memref_slice %arg6[%dma_start3A_812, %dma_start3A_813] : memref<10240x128xf32, #tpu.memory_space<hbm>> -> memref<10240x128xf32, #tpu.memory_space<hbm>>
        tpu.enqueue_indirect_dma source(%dma_start3A_814 : memref<10240x128xf32, #tpu.memory_space<hbm>>) target(%arg14 : memref<128x128xf32, #tpu.memory_space<vmem>>) offsets(%dma_start3A_811 : memref<128xi32, #tpu.memory_space<vmem>>) semaphore(%arg18 : memref<!tpu.dma_semaphore, #tpu.memory_space<semaphore_mem>>)
        %dma_wait3A_815 = arith.constant 7 : i32
        %dma_wait3A_816 = arith.constant 0 : i32
        %dma_wait3A_817 = tpu.memref_slice %arg12[%dma_wait3A_815, %dma_wait3A_816] : memref<16x128xi32, #tpu.memory_space<vmem>> -> memref<1x128xi32, #tpu.memory_space<vmem>>
        %dma_wait3A_818 = tpu.memref_squeeze %dma_wait3A_817 : memref<1x128xi32, #tpu.memory_space<vmem>> -> memref<128xi32, #tpu.memory_space<vmem>>
        %dma_wait3A_819 = arith.constant 0 : i32
        %dma_wait3A_820 = arith.constant 0 : i32
        %dma_wait3A_821 = tpu.memref_slice %arg6[%dma_wait3A_819, %dma_wait3A_820] : memref<10240x128xf32, #tpu.memory_space<hbm>> -> memref<10240x128xf32, #tpu.memory_space<hbm>>
        tpu.wait_indirect_dma semaphore(%arg19 : memref<!tpu.dma_semaphore, #tpu.memory_space<semaphore_mem>>) src(%dma_wait3A_821 : memref<10240x128xf32, #tpu.memory_space<hbm>>) dst(%arg15 : memref<128x128xf32, #tpu.memory_space<vmem>>)
        %dma_start3A_822 = arith.constant 7 : i32
        %dma_start3A_823 = arith.constant 0 : i32
        %dma_start3A_824 = tpu.memref_slice %arg13[%dma_start3A_822, %dma_start3A_823] : memref<16x128xi32, #tpu.memory_space<vmem>> -> memref<1x128xi32, #tpu.memory_space<vmem>>
        %dma_start3A_825 = tpu.memref_squeeze %dma_start3A_824 : memref<1x128xi32, #tpu.memory_space<vmem>> -> memref<128xi32, #tpu.memory_space<vmem>>
        %dma_start3A_826 = arith.constant 0 : i32
        %dma_start3A_827 = arith.constant 0 : i32
        %dma_start3A_828 = tpu.memref_slice %arg17[%dma_start3A_826, %dma_start3A_827] : memref<10240x128xf32, #tpu.memory_space<vmem_shared>> -> memref<10240x128xf32, #tpu.memory_space<vmem_shared>>
        tpu.enqueue_indirect_dma source(%arg15 : memref<128x128xf32, #tpu.memory_space<vmem>>) target(%dma_start3A_828 : memref<10240x128xf32, #tpu.memory_space<vmem_shared>>) offsets(%dma_start3A_825 : memref<128xi32, #tpu.memory_space<vmem>>) semaphore(%arg21 : memref<!tpu.dma_semaphore, #tpu.memory_space<semaphore_mem>>) {add = true}
        %get3A_829 = arith.constant 7 : i32
        %get3A_830 = arith.index_cast %get3A_829 : i32 to index
        %get3A_831 = arith.constant 0 : index
        %get3A_832 = tpu.vector_load %arg13[%get3A_830, %get3A_831] {strides = array<i32>} : memref<16x128xi32, #tpu.memory_space<vmem>>, vector<16xi32>,
        %shift_right_logical3A_833 = arith.constant 7 : i32
        %shift_right_logical3A_834 = vector.broadcast %shift_right_logical3A_833 : i32 to vector<16xi32>
        %shift_right_logical3A_835 = arith.shrui %get3A_832, %shift_right_logical3A_834 : vector<16xi32>
        %and3A_836 = arith.constant 127 : i32
        %and3A_837 = vector.broadcast %and3A_836 : i32 to vector<16xi32>
        %and3A_838 = arith.andi %get3A_832, %and3A_837 : vector<16xi32>
        tpu.vector_store_idx %arg16[%shift_right_logical3A_835, %and3A_838], %broadcast_in_dim3A_8 {add = true} : memref<80x128xf32, #tpu.memory_space<vmem>>[vector<16xi32>, vector<16xi32>], vector<16xf32>,
        %get3A_839 = arith.constant 7 : i32
        %get3A_840 = arith.index_cast %get3A_839 : i32 to index
        %get3A_841 = arith.constant 16 : index
        %get3A_842 = tpu.vector_load %arg13[%get3A_840, %get3A_841] {strides = array<i32>} : memref<16x128xi32, #tpu.memory_space<vmem>>, vector<16xi32>,
        %shift_right_logical3A_843 = arith.constant 7 : i32
        %shift_right_logical3A_844 = vector.broadcast %shift_right_logical3A_843 : i32 to vector<16xi32>
        %shift_right_logical3A_845 = arith.shrui %get3A_842, %shift_right_logical3A_844 : vector<16xi32>
        %and3A_846 = arith.constant 127 : i32
        %and3A_847 = vector.broadcast %and3A_846 : i32 to vector<16xi32>
        %and3A_848 = arith.andi %get3A_842, %and3A_847 : vector<16xi32>
        tpu.vector_store_idx %arg16[%shift_right_logical3A_845, %and3A_848], %broadcast_in_dim3A_8 {add = true} : memref<80x128xf32, #tpu.memory_space<vmem>>[vector<16xi32>, vector<16xi32>], vector<16xf32>,
        %get3A_849 = arith.constant 7 : i32
        %get3A_850 = arith.index_cast %get3A_849 : i32 to index
        %get3A_851 = arith.constant 32 : index
        %get3A_852 = tpu.vector_load %arg13[%get3A_850, %get3A_851] {strides = array<i32>} : memref<16x128xi32, #tpu.memory_space<vmem>>, vector<16xi32>,
        %shift_right_logical3A_853 = arith.constant 7 : i32
        %shift_right_logical3A_854 = vector.broadcast %shift_right_logical3A_853 : i32 to vector<16xi32>
        %shift_right_logical3A_855 = arith.shrui %get3A_852, %shift_right_logical3A_854 : vector<16xi32>
        %and3A_856 = arith.constant 127 : i32
        %and3A_857 = vector.broadcast %and3A_856 : i32 to vector<16xi32>
        %and3A_858 = arith.andi %get3A_852, %and3A_857 : vector<16xi32>
        tpu.vector_store_idx %arg16[%shift_right_logical3A_855, %and3A_858], %broadcast_in_dim3A_8 {add = true} : memref<80x128xf32, #tpu.memory_space<vmem>>[vector<16xi32>, vector<16xi32>], vector<16xf32>,
        %get3A_859 = arith.constant 7 : i32
        %get3A_860 = arith.index_cast %get3A_859 : i32 to index
        %get3A_861 = arith.constant 48 : index
        %get3A_862 = tpu.vector_load %arg13[%get3A_860, %get3A_861] {strides = array<i32>} : memref<16x128xi32, #tpu.memory_space<vmem>>, vector<16xi32>,
        %shift_right_logical3A_863 = arith.constant 7 : i32
        %shift_right_logical3A_864 = vector.broadcast %shift_right_logical3A_863 : i32 to vector<16xi32>
        %shift_right_logical3A_865 = arith.shrui %get3A_862, %shift_right_logical3A_864 : vector<16xi32>
        %and3A_866 = arith.constant 127 : i32
        %and3A_867 = vector.broadcast %and3A_866 : i32 to vector<16xi32>
        %and3A_868 = arith.andi %get3A_862, %and3A_867 : vector<16xi32>
        tpu.vector_store_idx %arg16[%shift_right_logical3A_865, %and3A_868], %broadcast_in_dim3A_8 {add = true} : memref<80x128xf32, #tpu.memory_space<vmem>>[vector<16xi32>, vector<16xi32>], vector<16xf32>,
        %get3A_869 = arith.constant 7 : i32
        %get3A_870 = arith.index_cast %get3A_869 : i32 to index
        %get3A_871 = arith.constant 64 : index
        %get3A_872 = tpu.vector_load %arg13[%get3A_870, %get3A_871] {strides = array<i32>} : memref<16x128xi32, #tpu.memory_space<vmem>>, vector<16xi32>,
        %shift_right_logical3A_873 = arith.constant 7 : i32
        %shift_right_logical3A_874 = vector.broadcast %shift_right_logical3A_873 : i32 to vector<16xi32>
        %shift_right_logical3A_875 = arith.shrui %get3A_872, %shift_right_logical3A_874 : vector<16xi32>
        %and3A_876 = arith.constant 127 : i32
        %and3A_877 = vector.broadcast %and3A_876 : i32 to vector<16xi32>
        %and3A_878 = arith.andi %get3A_872, %and3A_877 : vector<16xi32>
        tpu.vector_store_idx %arg16[%shift_right_logical3A_875, %and3A_878], %broadcast_in_dim3A_8 {add = true} : memref<80x128xf32, #tpu.memory_space<vmem>>[vector<16xi32>, vector<16xi32>], vector<16xf32>,
        %get3A_879 = arith.constant 7 : i32
        %get3A_880 = arith.index_cast %get3A_879 : i32 to index
        %get3A_881 = arith.constant 80 : index
        %get3A_882 = tpu.vector_load %arg13[%get3A_880, %get3A_881] {strides = array<i32>} : memref<16x128xi32, #tpu.memory_space<vmem>>, vector<16xi32>,
        %shift_right_logical3A_883 = arith.constant 7 : i32
        %shift_right_logical3A_884 = vector.broadcast %shift_right_logical3A_883 : i32 to vector<16xi32>
        %shift_right_logical3A_885 = arith.shrui %get3A_882, %shift_right_logical3A_884 : vector<16xi32>
        %and3A_886 = arith.constant 127 : i32
        %and3A_887 = vector.broadcast %and3A_886 : i32 to vector<16xi32>
        %and3A_888 = arith.andi %get3A_882, %and3A_887 : vector<16xi32>
        tpu.vector_store_idx %arg16[%shift_right_logical3A_885, %and3A_888], %broadcast_in_dim3A_8 {add = true} : memref<80x128xf32, #tpu.memory_space<vmem>>[vector<16xi32>, vector<16xi32>], vector<16xf32>,
        %get3A_889 = arith.constant 7 : i32
        %get3A_890 = arith.index_cast %get3A_889 : i32 to index
        %get3A_891 = arith.constant 96 : index
        %get3A_892 = tpu.vector_load %arg13[%get3A_890, %get3A_891] {strides = array<i32>} : memref<16x128xi32, #tpu.memory_space<vmem>>, vector<16xi32>,
        %shift_right_logical3A_893 = arith.constant 7 : i32
        %shift_right_logical3A_894 = vector.broadcast %shift_right_logical3A_893 : i32 to vector<16xi32>
        %shift_right_logical3A_895 = arith.shrui %get3A_892, %shift_right_logical3A_894 : vector<16xi32>
        %and3A_896 = arith.constant 127 : i32
        %and3A_897 = vector.broadcast %and3A_896 : i32 to vector<16xi32>
        %and3A_898 = arith.andi %get3A_892, %and3A_897 : vector<16xi32>
        tpu.vector_store_idx %arg16[%shift_right_logical3A_895, %and3A_898], %broadcast_in_dim3A_8 {add = true} : memref<80x128xf32, #tpu.memory_space<vmem>>[vector<16xi32>, vector<16xi32>], vector<16xf32>,
        %get3A_899 = arith.constant 7 : i32
        %get3A_900 = arith.index_cast %get3A_899 : i32 to index
        %get3A_901 = arith.constant 112 : index
        %get3A_902 = tpu.vector_load %arg13[%get3A_900, %get3A_901] {strides = array<i32>} : memref<16x128xi32, #tpu.memory_space<vmem>>, vector<16xi32>,
        %shift_right_logical3A_903 = arith.constant 7 : i32
        %shift_right_logical3A_904 = vector.broadcast %shift_right_logical3A_903 : i32 to vector<16xi32>
        %shift_right_logical3A_905 = arith.shrui %get3A_902, %shift_right_logical3A_904 : vector<16xi32>
        %and3A_906 = arith.constant 127 : i32
        %and3A_907 = vector.broadcast %and3A_906 : i32 to vector<16xi32>
        %and3A_908 = arith.andi %get3A_902, %and3A_907 : vector<16xi32>
        tpu.vector_store_idx %arg16[%shift_right_logical3A_905, %and3A_908], %broadcast_in_dim3A_8 {add = true} : memref<80x128xf32, #tpu.memory_space<vmem>>[vector<16xi32>, vector<16xi32>], vector<16xf32>,
        %dma_wait3A_909 = arith.constant 7 : i32
        %dma_wait3A_910 = arith.constant 0 : i32
        %dma_wait3A_911 = tpu.memref_slice %arg13[%dma_wait3A_909, %dma_wait3A_910] : memref<16x128xi32, #tpu.memory_space<vmem>> -> memref<1x128xi32, #tpu.memory_space<vmem>>
        %dma_wait3A_912 = tpu.memref_squeeze %dma_wait3A_911 : memref<1x128xi32, #tpu.memory_space<vmem>> -> memref<128xi32, #tpu.memory_space<vmem>>
        %dma_wait3A_913 = arith.constant 0 : i32
        %dma_wait3A_914 = arith.constant 0 : i32
        %dma_wait3A_915 = tpu.memref_slice %arg17[%dma_wait3A_913, %dma_wait3A_914] : memref<10240x128xf32, #tpu.memory_space<vmem_shared>> -> memref<10240x128xf32, #tpu.memory_space<vmem_shared>>
        tpu.wait_indirect_dma semaphore(%arg21 : memref<!tpu.dma_semaphore, #tpu.memory_space<semaphore_mem>>) src(%arg15 : memref<128x128xf32, #tpu.memory_space<vmem>>) dst(%dma_wait3A_915 : memref<10240x128xf32, #tpu.memory_space<vmem_shared>>)
        %dma_start3A_916 = arith.constant 9 : i32
        %dma_start3A_917 = arith.constant 0 : i32
        %dma_start3A_918 = tpu.memref_slice %arg12[%dma_start3A_916, %dma_start3A_917] : memref<16x128xi32, #tpu.memory_space<vmem>> -> memref<1x128xi32, #tpu.memory_space<vmem>>
        %dma_start3A_919 = tpu.memref_squeeze %dma_start3A_918 : memref<1x128xi32, #tpu.memory_space<vmem>> -> memref<128xi32, #tpu.memory_space<vmem>>
        %dma_start3A_920 = arith.constant 0 : i32
        %dma_start3A_921 = arith.constant 0 : i32
        %dma_start3A_922 = tpu.memref_slice %arg6[%dma_start3A_920, %dma_start3A_921] : memref<10240x128xf32, #tpu.memory_space<hbm>> -> memref<10240x128xf32, #tpu.memory_space<hbm>>
        tpu.enqueue_indirect_dma source(%dma_start3A_922 : memref<10240x128xf32, #tpu.memory_space<hbm>>) target(%arg15 : memref<128x128xf32, #tpu.memory_space<vmem>>) offsets(%dma_start3A_919 : memref<128xi32, #tpu.memory_space<vmem>>) semaphore(%arg19 : memref<!tpu.dma_semaphore, #tpu.memory_space<semaphore_mem>>)
        %dma_wait3A_923 = arith.constant 8 : i32
        %dma_wait3A_924 = arith.constant 0 : i32
        %dma_wait3A_925 = tpu.memref_slice %arg12[%dma_wait3A_923, %dma_wait3A_924] : memref<16x128xi32, #tpu.memory_space<vmem>> -> memref<1x128xi32, #tpu.memory_space<vmem>>
        %dma_wait3A_926 = tpu.memref_squeeze %dma_wait3A_925 : memref<1x128xi32, #tpu.memory_space<vmem>> -> memref<128xi32, #tpu.memory_space<vmem>>
        %dma_wait3A_927 = arith.constant 0 : i32
        %dma_wait3A_928 = arith.constant 0 : i32
        %dma_wait3A_929 = tpu.memref_slice %arg6[%dma_wait3A_927, %dma_wait3A_928] : memref<10240x128xf32, #tpu.memory_space<hbm>> -> memref<10240x128xf32, #tpu.memory_space<hbm>>
        tpu.wait_indirect_dma semaphore(%arg18 : memref<!tpu.dma_semaphore, #tpu.memory_space<semaphore_mem>>) src(%dma_wait3A_929 : memref<10240x128xf32, #tpu.memory_space<hbm>>) dst(%arg14 : memref<128x128xf32, #tpu.memory_space<vmem>>)
        %dma_start3A_930 = arith.constant 8 : i32
        %dma_start3A_931 = arith.constant 0 : i32
        %dma_start3A_932 = tpu.memref_slice %arg13[%dma_start3A_930, %dma_start3A_931] : memref<16x128xi32, #tpu.memory_space<vmem>> -> memref<1x128xi32, #tpu.memory_space<vmem>>
        %dma_start3A_933 = tpu.memref_squeeze %dma_start3A_932 : memref<1x128xi32, #tpu.memory_space<vmem>> -> memref<128xi32, #tpu.memory_space<vmem>>
        %dma_start3A_934 = arith.constant 0 : i32
        %dma_start3A_935 = arith.constant 0 : i32
        %dma_start3A_936 = tpu.memref_slice %arg17[%dma_start3A_934, %dma_start3A_935] : memref<10240x128xf32, #tpu.memory_space<vmem_shared>> -> memref<10240x128xf32, #tpu.memory_space<vmem_shared>>
        tpu.enqueue_indirect_dma source(%arg14 : memref<128x128xf32, #tpu.memory_space<vmem>>) target(%dma_start3A_936 : memref<10240x128xf32, #tpu.memory_space<vmem_shared>>) offsets(%dma_start3A_933 : memref<128xi32, #tpu.memory_space<vmem>>) semaphore(%arg20 : memref<!tpu.dma_semaphore, #tpu.memory_space<semaphore_mem>>) {add = true}
        %get3A_937 = arith.constant 8 : i32
        %get3A_938 = arith.index_cast %get3A_937 : i32 to index
        %get3A_939 = arith.constant 0 : index
        %get3A_940 = tpu.vector_load %arg13[%get3A_938, %get3A_939] {strides = array<i32>} : memref<16x128xi32, #tpu.memory_space<vmem>>, vector<16xi32>,
        %shift_right_logical3A_941 = arith.constant 7 : i32
        %shift_right_logical3A_942 = vector.broadcast %shift_right_logical3A_941 : i32 to vector<16xi32>
        %shift_right_logical3A_943 = arith.shrui %get3A_940, %shift_right_logical3A_942 : vector<16xi32>
        %and3A_944 = arith.constant 127 : i32
        %and3A_945 = vector.broadcast %and3A_944 : i32 to vector<16xi32>
        %and3A_946 = arith.andi %get3A_940, %and3A_945 : vector<16xi32>
        tpu.vector_store_idx %arg16[%shift_right_logical3A_943, %and3A_946], %broadcast_in_dim3A_8 {add = true} : memref<80x128xf32, #tpu.memory_space<vmem>>[vector<16xi32>, vector<16xi32>], vector<16xf32>,
        %get3A_947 = arith.constant 8 : i32
        %get3A_948 = arith.index_cast %get3A_947 : i32 to index
        %get3A_949 = arith.constant 16 : index
        %get3A_950 = tpu.vector_load %arg13[%get3A_948, %get3A_949] {strides = array<i32>} : memref<16x128xi32, #tpu.memory_space<vmem>>, vector<16xi32>,
        %shift_right_logical3A_951 = arith.constant 7 : i32
        %shift_right_logical3A_952 = vector.broadcast %shift_right_logical3A_951 : i32 to vector<16xi32>
        %shift_right_logical3A_953 = arith.shrui %get3A_950, %shift_right_logical3A_952 : vector<16xi32>
        %and3A_954 = arith.constant 127 : i32
        %and3A_955 = vector.broadcast %and3A_954 : i32 to vector<16xi32>
        %and3A_956 = arith.andi %get3A_950, %and3A_955 : vector<16xi32>
        tpu.vector_store_idx %arg16[%shift_right_logical3A_953, %and3A_956], %broadcast_in_dim3A_8 {add = true} : memref<80x128xf32, #tpu.memory_space<vmem>>[vector<16xi32>, vector<16xi32>], vector<16xf32>,
        %get3A_957 = arith.constant 8 : i32
        %get3A_958 = arith.index_cast %get3A_957 : i32 to index
        %get3A_959 = arith.constant 32 : index
        %get3A_960 = tpu.vector_load %arg13[%get3A_958, %get3A_959] {strides = array<i32>} : memref<16x128xi32, #tpu.memory_space<vmem>>, vector<16xi32>,
        %shift_right_logical3A_961 = arith.constant 7 : i32
        %shift_right_logical3A_962 = vector.broadcast %shift_right_logical3A_961 : i32 to vector<16xi32>
        %shift_right_logical3A_963 = arith.shrui %get3A_960, %shift_right_logical3A_962 : vector<16xi32>
        %and3A_964 = arith.constant 127 : i32
        %and3A_965 = vector.broadcast %and3A_964 : i32 to vector<16xi32>
        %and3A_966 = arith.andi %get3A_960, %and3A_965 : vector<16xi32>
        tpu.vector_store_idx %arg16[%shift_right_logical3A_963, %and3A_966], %broadcast_in_dim3A_8 {add = true} : memref<80x128xf32, #tpu.memory_space<vmem>>[vector<16xi32>, vector<16xi32>], vector<16xf32>,
        %get3A_967 = arith.constant 8 : i32
        %get3A_968 = arith.index_cast %get3A_967 : i32 to index
        %get3A_969 = arith.constant 48 : index
        %get3A_970 = tpu.vector_load %arg13[%get3A_968, %get3A_969] {strides = array<i32>} : memref<16x128xi32, #tpu.memory_space<vmem>>, vector<16xi32>,
        %shift_right_logical3A_971 = arith.constant 7 : i32
        %shift_right_logical3A_972 = vector.broadcast %shift_right_logical3A_971 : i32 to vector<16xi32>
        %shift_right_logical3A_973 = arith.shrui %get3A_970, %shift_right_logical3A_972 : vector<16xi32>
        %and3A_974 = arith.constant 127 : i32
        %and3A_975 = vector.broadcast %and3A_974 : i32 to vector<16xi32>
        %and3A_976 = arith.andi %get3A_970, %and3A_975 : vector<16xi32>
        tpu.vector_store_idx %arg16[%shift_right_logical3A_973, %and3A_976], %broadcast_in_dim3A_8 {add = true} : memref<80x128xf32, #tpu.memory_space<vmem>>[vector<16xi32>, vector<16xi32>], vector<16xf32>,
        %get3A_977 = arith.constant 8 : i32
        %get3A_978 = arith.index_cast %get3A_977 : i32 to index
        %get3A_979 = arith.constant 64 : index
        %get3A_980 = tpu.vector_load %arg13[%get3A_978, %get3A_979] {strides = array<i32>} : memref<16x128xi32, #tpu.memory_space<vmem>>, vector<16xi32>,
        %shift_right_logical3A_981 = arith.constant 7 : i32
        %shift_right_logical3A_982 = vector.broadcast %shift_right_logical3A_981 : i32 to vector<16xi32>
        %shift_right_logical3A_983 = arith.shrui %get3A_980, %shift_right_logical3A_982 : vector<16xi32>
        %and3A_984 = arith.constant 127 : i32
        %and3A_985 = vector.broadcast %and3A_984 : i32 to vector<16xi32>
        %and3A_986 = arith.andi %get3A_980, %and3A_985 : vector<16xi32>
        tpu.vector_store_idx %arg16[%shift_right_logical3A_983, %and3A_986], %broadcast_in_dim3A_8 {add = true} : memref<80x128xf32, #tpu.memory_space<vmem>>[vector<16xi32>, vector<16xi32>], vector<16xf32>,
        %get3A_987 = arith.constant 8 : i32
        %get3A_988 = arith.index_cast %get3A_987 : i32 to index
        %get3A_989 = arith.constant 80 : index
        %get3A_990 = tpu.vector_load %arg13[%get3A_988, %get3A_989] {strides = array<i32>} : memref<16x128xi32, #tpu.memory_space<vmem>>, vector<16xi32>,
        %shift_right_logical3A_991 = arith.constant 7 : i32
        %shift_right_logical3A_992 = vector.broadcast %shift_right_logical3A_991 : i32 to vector<16xi32>
        %shift_right_logical3A_993 = arith.shrui %get3A_990, %shift_right_logical3A_992 : vector<16xi32>
        %and3A_994 = arith.constant 127 : i32
        %and3A_995 = vector.broadcast %and3A_994 : i32 to vector<16xi32>
        %and3A_996 = arith.andi %get3A_990, %and3A_995 : vector<16xi32>
        tpu.vector_store_idx %arg16[%shift_right_logical3A_993, %and3A_996], %broadcast_in_dim3A_8 {add = true} : memref<80x128xf32, #tpu.memory_space<vmem>>[vector<16xi32>, vector<16xi32>], vector<16xf32>,
        %get3A_997 = arith.constant 8 : i32
        %get3A_998 = arith.index_cast %get3A_997 : i32 to index
        %get3A_999 = arith.constant 96 : index
        %get3A_1000 = tpu.vector_load %arg13[%get3A_998, %get3A_999] {strides = array<i32>} : memref<16x128xi32, #tpu.memory_space<vmem>>, vector<16xi32>,
        %shift_right_logical3A_1001 = arith.constant 7 : i32
        %shift_right_logical3A_1002 = vector.broadcast %shift_right_logical3A_1001 : i32 to vector<16xi32>
        %shift_right_logical3A_1003 = arith.shrui %get3A_1000, %shift_right_logical3A_1002 : vector<16xi32>
        %and3A_1004 = arith.constant 127 : i32
        %and3A_1005 = vector.broadcast %and3A_1004 : i32 to vector<16xi32>
        %and3A_1006 = arith.andi %get3A_1000, %and3A_1005 : vector<16xi32>
        tpu.vector_store_idx %arg16[%shift_right_logical3A_1003, %and3A_1006], %broadcast_in_dim3A_8 {add = true} : memref<80x128xf32, #tpu.memory_space<vmem>>[vector<16xi32>, vector<16xi32>], vector<16xf32>,
        %get3A_1007 = arith.constant 8 : i32
        %get3A_1008 = arith.index_cast %get3A_1007 : i32 to index
        %get3A_1009 = arith.constant 112 : index
        %get3A_1010 = tpu.vector_load %arg13[%get3A_1008, %get3A_1009] {strides = array<i32>} : memref<16x128xi32, #tpu.memory_space<vmem>>, vector<16xi32>,
        %shift_right_logical3A_1011 = arith.constant 7 : i32
        %shift_right_logical3A_1012 = vector.broadcast %shift_right_logical3A_1011 : i32 to vector<16xi32>
        %shift_right_logical3A_1013 = arith.shrui %get3A_1010, %shift_right_logical3A_1012 : vector<16xi32>
        %and3A_1014 = arith.constant 127 : i32
        %and3A_1015 = vector.broadcast %and3A_1014 : i32 to vector<16xi32>
        %and3A_1016 = arith.andi %get3A_1010, %and3A_1015 : vector<16xi32>
        tpu.vector_store_idx %arg16[%shift_right_logical3A_1013, %and3A_1016], %broadcast_in_dim3A_8 {add = true} : memref<80x128xf32, #tpu.memory_space<vmem>>[vector<16xi32>, vector<16xi32>], vector<16xf32>,
        %dma_wait3A_1017 = arith.constant 8 : i32
        %dma_wait3A_1018 = arith.constant 0 : i32
        %dma_wait3A_1019 = tpu.memref_slice %arg13[%dma_wait3A_1017, %dma_wait3A_1018] : memref<16x128xi32, #tpu.memory_space<vmem>> -> memref<1x128xi32, #tpu.memory_space<vmem>>
        %dma_wait3A_1020 = tpu.memref_squeeze %dma_wait3A_1019 : memref<1x128xi32, #tpu.memory_space<vmem>> -> memref<128xi32, #tpu.memory_space<vmem>>
        %dma_wait3A_1021 = arith.constant 0 : i32
        %dma_wait3A_1022 = arith.constant 0 : i32
        %dma_wait3A_1023 = tpu.memref_slice %arg17[%dma_wait3A_1021, %dma_wait3A_1022] : memref<10240x128xf32, #tpu.memory_space<vmem_shared>> -> memref<10240x128xf32, #tpu.memory_space<vmem_shared>>
        tpu.wait_indirect_dma semaphore(%arg20 : memref<!tpu.dma_semaphore, #tpu.memory_space<semaphore_mem>>) src(%arg14 : memref<128x128xf32, #tpu.memory_space<vmem>>) dst(%dma_wait3A_1023 : memref<10240x128xf32, #tpu.memory_space<vmem_shared>>)
        %dma_start3A_1024 = arith.constant 10 : i32
        %dma_start3A_1025 = arith.constant 0 : i32
        %dma_start3A_1026 = tpu.memref_slice %arg12[%dma_start3A_1024, %dma_start3A_1025] : memref<16x128xi32, #tpu.memory_space<vmem>> -> memref<1x128xi32, #tpu.memory_space<vmem>>
        %dma_start3A_1027 = tpu.memref_squeeze %dma_start3A_1026 : memref<1x128xi32, #tpu.memory_space<vmem>> -> memref<128xi32, #tpu.memory_space<vmem>>
        %dma_start3A_1028 = arith.constant 0 : i32
        %dma_start3A_1029 = arith.constant 0 : i32
        %dma_start3A_1030 = tpu.memref_slice %arg6[%dma_start3A_1028, %dma_start3A_1029] : memref<10240x128xf32, #tpu.memory_space<hbm>> -> memref<10240x128xf32, #tpu.memory_space<hbm>>
        tpu.enqueue_indirect_dma source(%dma_start3A_1030 : memref<10240x128xf32, #tpu.memory_space<hbm>>) target(%arg14 : memref<128x128xf32, #tpu.memory_space<vmem>>) offsets(%dma_start3A_1027 : memref<128xi32, #tpu.memory_space<vmem>>) semaphore(%arg18 : memref<!tpu.dma_semaphore, #tpu.memory_space<semaphore_mem>>)
        %dma_wait3A_1031 = arith.constant 9 : i32
        %dma_wait3A_1032 = arith.constant 0 : i32
        %dma_wait3A_1033 = tpu.memref_slice %arg12[%dma_wait3A_1031, %dma_wait3A_1032] : memref<16x128xi32, #tpu.memory_space<vmem>> -> memref<1x128xi32, #tpu.memory_space<vmem>>
        %dma_wait3A_1034 = tpu.memref_squeeze %dma_wait3A_1033 : memref<1x128xi32, #tpu.memory_space<vmem>> -> memref<128xi32, #tpu.memory_space<vmem>>
        %dma_wait3A_1035 = arith.constant 0 : i32
        %dma_wait3A_1036 = arith.constant 0 : i32
        %dma_wait3A_1037 = tpu.memref_slice %arg6[%dma_wait3A_1035, %dma_wait3A_1036] : memref<10240x128xf32, #tpu.memory_space<hbm>> -> memref<10240x128xf32, #tpu.memory_space<hbm>>
        tpu.wait_indirect_dma semaphore(%arg19 : memref<!tpu.dma_semaphore, #tpu.memory_space<semaphore_mem>>) src(%dma_wait3A_1037 : memref<10240x128xf32, #tpu.memory_space<hbm>>) dst(%arg15 : memref<128x128xf32, #tpu.memory_space<vmem>>)
        %dma_start3A_1038 = arith.constant 9 : i32
        %dma_start3A_1039 = arith.constant 0 : i32
        %dma_start3A_1040 = tpu.memref_slice %arg13[%dma_start3A_1038, %dma_start3A_1039] : memref<16x128xi32, #tpu.memory_space<vmem>> -> memref<1x128xi32, #tpu.memory_space<vmem>>
        %dma_start3A_1041 = tpu.memref_squeeze %dma_start3A_1040 : memref<1x128xi32, #tpu.memory_space<vmem>> -> memref<128xi32, #tpu.memory_space<vmem>>
        %dma_start3A_1042 = arith.constant 0 : i32
        %dma_start3A_1043 = arith.constant 0 : i32
        %dma_start3A_1044 = tpu.memref_slice %arg17[%dma_start3A_1042, %dma_start3A_1043] : memref<10240x128xf32, #tpu.memory_space<vmem_shared>> -> memref<10240x128xf32, #tpu.memory_space<vmem_shared>>
        tpu.enqueue_indirect_dma source(%arg15 : memref<128x128xf32, #tpu.memory_space<vmem>>) target(%dma_start3A_1044 : memref<10240x128xf32, #tpu.memory_space<vmem_shared>>) offsets(%dma_start3A_1041 : memref<128xi32, #tpu.memory_space<vmem>>) semaphore(%arg21 : memref<!tpu.dma_semaphore, #tpu.memory_space<semaphore_mem>>) {add = true}
        %get3A_1045 = arith.constant 9 : i32
        %get3A_1046 = arith.index_cast %get3A_1045 : i32 to index
        %get3A_1047 = arith.constant 0 : index
        %get3A_1048 = tpu.vector_load %arg13[%get3A_1046, %get3A_1047] {strides = array<i32>} : memref<16x128xi32, #tpu.memory_space<vmem>>, vector<16xi32>,
        %shift_right_logical3A_1049 = arith.constant 7 : i32
        %shift_right_logical3A_1050 = vector.broadcast %shift_right_logical3A_1049 : i32 to vector<16xi32>
        %shift_right_logical3A_1051 = arith.shrui %get3A_1048, %shift_right_logical3A_1050 : vector<16xi32>
        %and3A_1052 = arith.constant 127 : i32
        %and3A_1053 = vector.broadcast %and3A_1052 : i32 to vector<16xi32>
        %and3A_1054 = arith.andi %get3A_1048, %and3A_1053 : vector<16xi32>
        tpu.vector_store_idx %arg16[%shift_right_logical3A_1051, %and3A_1054], %broadcast_in_dim3A_8 {add = true} : memref<80x128xf32, #tpu.memory_space<vmem>>[vector<16xi32>, vector<16xi32>], vector<16xf32>,
        %get3A_1055 = arith.constant 9 : i32
        %get3A_1056 = arith.index_cast %get3A_1055 : i32 to index
        %get3A_1057 = arith.constant 16 : index
        %get3A_1058 = tpu.vector_load %arg13[%get3A_1056, %get3A_1057] {strides = array<i32>} : memref<16x128xi32, #tpu.memory_space<vmem>>, vector<16xi32>,
        %shift_right_logical3A_1059 = arith.constant 7 : i32
        %shift_right_logical3A_1060 = vector.broadcast %shift_right_logical3A_1059 : i32 to vector<16xi32>
        %shift_right_logical3A_1061 = arith.shrui %get3A_1058, %shift_right_logical3A_1060 : vector<16xi32>
        %and3A_1062 = arith.constant 127 : i32
        %and3A_1063 = vector.broadcast %and3A_1062 : i32 to vector<16xi32>
        %and3A_1064 = arith.andi %get3A_1058, %and3A_1063 : vector<16xi32>
        tpu.vector_store_idx %arg16[%shift_right_logical3A_1061, %and3A_1064], %broadcast_in_dim3A_8 {add = true} : memref<80x128xf32, #tpu.memory_space<vmem>>[vector<16xi32>, vector<16xi32>], vector<16xf32>,
        %get3A_1065 = arith.constant 9 : i32
        %get3A_1066 = arith.index_cast %get3A_1065 : i32 to index
        %get3A_1067 = arith.constant 32 : index
        %get3A_1068 = tpu.vector_load %arg13[%get3A_1066, %get3A_1067] {strides = array<i32>} : memref<16x128xi32, #tpu.memory_space<vmem>>, vector<16xi32>,
        %shift_right_logical3A_1069 = arith.constant 7 : i32
        %shift_right_logical3A_1070 = vector.broadcast %shift_right_logical3A_1069 : i32 to vector<16xi32>
        %shift_right_logical3A_1071 = arith.shrui %get3A_1068, %shift_right_logical3A_1070 : vector<16xi32>
        %and3A_1072 = arith.constant 127 : i32
        %and3A_1073 = vector.broadcast %and3A_1072 : i32 to vector<16xi32>
        %and3A_1074 = arith.andi %get3A_1068, %and3A_1073 : vector<16xi32>
        tpu.vector_store_idx %arg16[%shift_right_logical3A_1071, %and3A_1074], %broadcast_in_dim3A_8 {add = true} : memref<80x128xf32, #tpu.memory_space<vmem>>[vector<16xi32>, vector<16xi32>], vector<16xf32>,
        %get3A_1075 = arith.constant 9 : i32
        %get3A_1076 = arith.index_cast %get3A_1075 : i32 to index
        %get3A_1077 = arith.constant 48 : index
        %get3A_1078 = tpu.vector_load %arg13[%get3A_1076, %get3A_1077] {strides = array<i32>} : memref<16x128xi32, #tpu.memory_space<vmem>>, vector<16xi32>,
        %shift_right_logical3A_1079 = arith.constant 7 : i32
        %shift_right_logical3A_1080 = vector.broadcast %shift_right_logical3A_1079 : i32 to vector<16xi32>
        %shift_right_logical3A_1081 = arith.shrui %get3A_1078, %shift_right_logical3A_1080 : vector<16xi32>
        %and3A_1082 = arith.constant 127 : i32
        %and3A_1083 = vector.broadcast %and3A_1082 : i32 to vector<16xi32>
        %and3A_1084 = arith.andi %get3A_1078, %and3A_1083 : vector<16xi32>
        tpu.vector_store_idx %arg16[%shift_right_logical3A_1081, %and3A_1084], %broadcast_in_dim3A_8 {add = true} : memref<80x128xf32, #tpu.memory_space<vmem>>[vector<16xi32>, vector<16xi32>], vector<16xf32>,
        %get3A_1085 = arith.constant 9 : i32
        %get3A_1086 = arith.index_cast %get3A_1085 : i32 to index
        %get3A_1087 = arith.constant 64 : index
        %get3A_1088 = tpu.vector_load %arg13[%get3A_1086, %get3A_1087] {strides = array<i32>} : memref<16x128xi32, #tpu.memory_space<vmem>>, vector<16xi32>,
        %shift_right_logical3A_1089 = arith.constant 7 : i32
        %shift_right_logical3A_1090 = vector.broadcast %shift_right_logical3A_1089 : i32 to vector<16xi32>
        %shift_right_logical3A_1091 = arith.shrui %get3A_1088, %shift_right_logical3A_1090 : vector<16xi32>
        %and3A_1092 = arith.constant 127 : i32
        %and3A_1093 = vector.broadcast %and3A_1092 : i32 to vector<16xi32>
        %and3A_1094 = arith.andi %get3A_1088, %and3A_1093 : vector<16xi32>
        tpu.vector_store_idx %arg16[%shift_right_logical3A_1091, %and3A_1094], %broadcast_in_dim3A_8 {add = true} : memref<80x128xf32, #tpu.memory_space<vmem>>[vector<16xi32>, vector<16xi32>], vector<16xf32>,
        %get3A_1095 = arith.constant 9 : i32
        %get3A_1096 = arith.index_cast %get3A_1095 : i32 to index
        %get3A_1097 = arith.constant 80 : index
        %get3A_1098 = tpu.vector_load %arg13[%get3A_1096, %get3A_1097] {strides = array<i32>} : memref<16x128xi32, #tpu.memory_space<vmem>>, vector<16xi32>,
        %shift_right_logical3A_1099 = arith.constant 7 : i32
        %shift_right_logical3A_1100 = vector.broadcast %shift_right_logical3A_1099 : i32 to vector<16xi32>
        %shift_right_logical3A_1101 = arith.shrui %get3A_1098, %shift_right_logical3A_1100 : vector<16xi32>
        %and3A_1102 = arith.constant 127 : i32
        %and3A_1103 = vector.broadcast %and3A_1102 : i32 to vector<16xi32>
        %and3A_1104 = arith.andi %get3A_1098, %and3A_1103 : vector<16xi32>
        tpu.vector_store_idx %arg16[%shift_right_logical3A_1101, %and3A_1104], %broadcast_in_dim3A_8 {add = true} : memref<80x128xf32, #tpu.memory_space<vmem>>[vector<16xi32>, vector<16xi32>], vector<16xf32>,
        %get3A_1105 = arith.constant 9 : i32
        %get3A_1106 = arith.index_cast %get3A_1105 : i32 to index
        %get3A_1107 = arith.constant 96 : index
        %get3A_1108 = tpu.vector_load %arg13[%get3A_1106, %get3A_1107] {strides = array<i32>} : memref<16x128xi32, #tpu.memory_space<vmem>>, vector<16xi32>,
        %shift_right_logical3A_1109 = arith.constant 7 : i32
        %shift_right_logical3A_1110 = vector.broadcast %shift_right_logical3A_1109 : i32 to vector<16xi32>
        %shift_right_logical3A_1111 = arith.shrui %get3A_1108, %shift_right_logical3A_1110 : vector<16xi32>
        %and3A_1112 = arith.constant 127 : i32
        %and3A_1113 = vector.broadcast %and3A_1112 : i32 to vector<16xi32>
        %and3A_1114 = arith.andi %get3A_1108, %and3A_1113 : vector<16xi32>
        tpu.vector_store_idx %arg16[%shift_right_logical3A_1111, %and3A_1114], %broadcast_in_dim3A_8 {add = true} : memref<80x128xf32, #tpu.memory_space<vmem>>[vector<16xi32>, vector<16xi32>], vector<16xf32>,
        %get3A_1115 = arith.constant 9 : i32
        %get3A_1116 = arith.index_cast %get3A_1115 : i32 to index
        %get3A_1117 = arith.constant 112 : index
        %get3A_1118 = tpu.vector_load %arg13[%get3A_1116, %get3A_1117] {strides = array<i32>} : memref<16x128xi32, #tpu.memory_space<vmem>>, vector<16xi32>,
        %shift_right_logical3A_1119 = arith.constant 7 : i32
        %shift_right_logical3A_1120 = vector.broadcast %shift_right_logical3A_1119 : i32 to vector<16xi32>
        %shift_right_logical3A_1121 = arith.shrui %get3A_1118, %shift_right_logical3A_1120 : vector<16xi32>
        %and3A_1122 = arith.constant 127 : i32
        %and3A_1123 = vector.broadcast %and3A_1122 : i32 to vector<16xi32>
        %and3A_1124 = arith.andi %get3A_1118, %and3A_1123 : vector<16xi32>
        tpu.vector_store_idx %arg16[%shift_right_logical3A_1121, %and3A_1124], %broadcast_in_dim3A_8 {add = true} : memref<80x128xf32, #tpu.memory_space<vmem>>[vector<16xi32>, vector<16xi32>], vector<16xf32>,
        %dma_wait3A_1125 = arith.constant 9 : i32
        %dma_wait3A_1126 = arith.constant 0 : i32
        %dma_wait3A_1127 = tpu.memref_slice %arg13[%dma_wait3A_1125, %dma_wait3A_1126] : memref<16x128xi32, #tpu.memory_space<vmem>> -> memref<1x128xi32, #tpu.memory_space<vmem>>
        %dma_wait3A_1128 = tpu.memref_squeeze %dma_wait3A_1127 : memref<1x128xi32, #tpu.memory_space<vmem>> -> memref<128xi32, #tpu.memory_space<vmem>>
        %dma_wait3A_1129 = arith.constant 0 : i32
        %dma_wait3A_1130 = arith.constant 0 : i32
        %dma_wait3A_1131 = tpu.memref_slice %arg17[%dma_wait3A_1129, %dma_wait3A_1130] : memref<10240x128xf32, #tpu.memory_space<vmem_shared>> -> memref<10240x128xf32, #tpu.memory_space<vmem_shared>>
        tpu.wait_indirect_dma semaphore(%arg21 : memref<!tpu.dma_semaphore, #tpu.memory_space<semaphore_mem>>) src(%arg15 : memref<128x128xf32, #tpu.memory_space<vmem>>) dst(%dma_wait3A_1131 : memref<10240x128xf32, #tpu.memory_space<vmem_shared>>)
        %dma_start3A_1132 = arith.constant 11 : i32
        %dma_start3A_1133 = arith.constant 0 : i32
        %dma_start3A_1134 = tpu.memref_slice %arg12[%dma_start3A_1132, %dma_start3A_1133] : memref<16x128xi32, #tpu.memory_space<vmem>> -> memref<1x128xi32, #tpu.memory_space<vmem>>
        %dma_start3A_1135 = tpu.memref_squeeze %dma_start3A_1134 : memref<1x128xi32, #tpu.memory_space<vmem>> -> memref<128xi32, #tpu.memory_space<vmem>>
        %dma_start3A_1136 = arith.constant 0 : i32
        %dma_start3A_1137 = arith.constant 0 : i32
        %dma_start3A_1138 = tpu.memref_slice %arg6[%dma_start3A_1136, %dma_start3A_1137] : memref<10240x128xf32, #tpu.memory_space<hbm>> -> memref<10240x128xf32, #tpu.memory_space<hbm>>
        tpu.enqueue_indirect_dma source(%dma_start3A_1138 : memref<10240x128xf32, #tpu.memory_space<hbm>>) target(%arg15 : memref<128x128xf32, #tpu.memory_space<vmem>>) offsets(%dma_start3A_1135 : memref<128xi32, #tpu.memory_space<vmem>>) semaphore(%arg19 : memref<!tpu.dma_semaphore, #tpu.memory_space<semaphore_mem>>)
        %dma_wait3A_1139 = arith.constant 10 : i32
        %dma_wait3A_1140 = arith.constant 0 : i32
        %dma_wait3A_1141 = tpu.memref_slice %arg12[%dma_wait3A_1139, %dma_wait3A_1140] : memref<16x128xi32, #tpu.memory_space<vmem>> -> memref<1x128xi32, #tpu.memory_space<vmem>>
        %dma_wait3A_1142 = tpu.memref_squeeze %dma_wait3A_1141 : memref<1x128xi32, #tpu.memory_space<vmem>> -> memref<128xi32, #tpu.memory_space<vmem>>
        %dma_wait3A_1143 = arith.constant 0 : i32
        %dma_wait3A_1144 = arith.constant 0 : i32
        %dma_wait3A_1145 = tpu.memref_slice %arg6[%dma_wait3A_1143, %dma_wait3A_1144] : memref<10240x128xf32, #tpu.memory_space<hbm>> -> memref<10240x128xf32, #tpu.memory_space<hbm>>
        tpu.wait_indirect_dma semaphore(%arg18 : memref<!tpu.dma_semaphore, #tpu.memory_space<semaphore_mem>>) src(%dma_wait3A_1145 : memref<10240x128xf32, #tpu.memory_space<hbm>>) dst(%arg14 : memref<128x128xf32, #tpu.memory_space<vmem>>)
        %dma_start3A_1146 = arith.constant 10 : i32
        %dma_start3A_1147 = arith.constant 0 : i32
        %dma_start3A_1148 = tpu.memref_slice %arg13[%dma_start3A_1146, %dma_start3A_1147] : memref<16x128xi32, #tpu.memory_space<vmem>> -> memref<1x128xi32, #tpu.memory_space<vmem>>
        %dma_start3A_1149 = tpu.memref_squeeze %dma_start3A_1148 : memref<1x128xi32, #tpu.memory_space<vmem>> -> memref<128xi32, #tpu.memory_space<vmem>>
        %dma_start3A_1150 = arith.constant 0 : i32
        %dma_start3A_1151 = arith.constant 0 : i32
        %dma_start3A_1152 = tpu.memref_slice %arg17[%dma_start3A_1150, %dma_start3A_1151] : memref<10240x128xf32, #tpu.memory_space<vmem_shared>> -> memref<10240x128xf32, #tpu.memory_space<vmem_shared>>
        tpu.enqueue_indirect_dma source(%arg14 : memref<128x128xf32, #tpu.memory_space<vmem>>) target(%dma_start3A_1152 : memref<10240x128xf32, #tpu.memory_space<vmem_shared>>) offsets(%dma_start3A_1149 : memref<128xi32, #tpu.memory_space<vmem>>) semaphore(%arg20 : memref<!tpu.dma_semaphore, #tpu.memory_space<semaphore_mem>>) {add = true}
        %get3A_1153 = arith.constant 10 : i32
        %get3A_1154 = arith.index_cast %get3A_1153 : i32 to index
        %get3A_1155 = arith.constant 0 : index
        %get3A_1156 = tpu.vector_load %arg13[%get3A_1154, %get3A_1155] {strides = array<i32>} : memref<16x128xi32, #tpu.memory_space<vmem>>, vector<16xi32>,
        %shift_right_logical3A_1157 = arith.constant 7 : i32
        %shift_right_logical3A_1158 = vector.broadcast %shift_right_logical3A_1157 : i32 to vector<16xi32>
        %shift_right_logical3A_1159 = arith.shrui %get3A_1156, %shift_right_logical3A_1158 : vector<16xi32>
        %and3A_1160 = arith.constant 127 : i32
        %and3A_1161 = vector.broadcast %and3A_1160 : i32 to vector<16xi32>
        %and3A_1162 = arith.andi %get3A_1156, %and3A_1161 : vector<16xi32>
        tpu.vector_store_idx %arg16[%shift_right_logical3A_1159, %and3A_1162], %broadcast_in_dim3A_8 {add = true} : memref<80x128xf32, #tpu.memory_space<vmem>>[vector<16xi32>, vector<16xi32>], vector<16xf32>,
        %get3A_1163 = arith.constant 10 : i32
        %get3A_1164 = arith.index_cast %get3A_1163 : i32 to index
        %get3A_1165 = arith.constant 16 : index
        %get3A_1166 = tpu.vector_load %arg13[%get3A_1164, %get3A_1165] {strides = array<i32>} : memref<16x128xi32, #tpu.memory_space<vmem>>, vector<16xi32>,
        %shift_right_logical3A_1167 = arith.constant 7 : i32
        %shift_right_logical3A_1168 = vector.broadcast %shift_right_logical3A_1167 : i32 to vector<16xi32>
        %shift_right_logical3A_1169 = arith.shrui %get3A_1166, %shift_right_logical3A_1168 : vector<16xi32>
        %and3A_1170 = arith.constant 127 : i32
        %and3A_1171 = vector.broadcast %and3A_1170 : i32 to vector<16xi32>
        %and3A_1172 = arith.andi %get3A_1166, %and3A_1171 : vector<16xi32>
        tpu.vector_store_idx %arg16[%shift_right_logical3A_1169, %and3A_1172], %broadcast_in_dim3A_8 {add = true} : memref<80x128xf32, #tpu.memory_space<vmem>>[vector<16xi32>, vector<16xi32>], vector<16xf32>,
        %get3A_1173 = arith.constant 10 : i32
        %get3A_1174 = arith.index_cast %get3A_1173 : i32 to index
        %get3A_1175 = arith.constant 32 : index
        %get3A_1176 = tpu.vector_load %arg13[%get3A_1174, %get3A_1175] {strides = array<i32>} : memref<16x128xi32, #tpu.memory_space<vmem>>, vector<16xi32>,
        %shift_right_logical3A_1177 = arith.constant 7 : i32
        %shift_right_logical3A_1178 = vector.broadcast %shift_right_logical3A_1177 : i32 to vector<16xi32>
        %shift_right_logical3A_1179 = arith.shrui %get3A_1176, %shift_right_logical3A_1178 : vector<16xi32>
        %and3A_1180 = arith.constant 127 : i32
        %and3A_1181 = vector.broadcast %and3A_1180 : i32 to vector<16xi32>
        %and3A_1182 = arith.andi %get3A_1176, %and3A_1181 : vector<16xi32>
        tpu.vector_store_idx %arg16[%shift_right_logical3A_1179, %and3A_1182], %broadcast_in_dim3A_8 {add = true} : memref<80x128xf32, #tpu.memory_space<vmem>>[vector<16xi32>, vector<16xi32>], vector<16xf32>,
        %get3A_1183 = arith.constant 10 : i32
        %get3A_1184 = arith.index_cast %get3A_1183 : i32 to index
        %get3A_1185 = arith.constant 48 : index
        %get3A_1186 = tpu.vector_load %arg13[%get3A_1184, %get3A_1185] {strides = array<i32>} : memref<16x128xi32, #tpu.memory_space<vmem>>, vector<16xi32>,
        %shift_right_logical3A_1187 = arith.constant 7 : i32
        %shift_right_logical3A_1188 = vector.broadcast %shift_right_logical3A_1187 : i32 to vector<16xi32>
        %shift_right_logical3A_1189 = arith.shrui %get3A_1186, %shift_right_logical3A_1188 : vector<16xi32>
        %and3A_1190 = arith.constant 127 : i32
        %and3A_1191 = vector.broadcast %and3A_1190 : i32 to vector<16xi32>
        %and3A_1192 = arith.andi %get3A_1186, %and3A_1191 : vector<16xi32>
        tpu.vector_store_idx %arg16[%shift_right_logical3A_1189, %and3A_1192], %broadcast_in_dim3A_8 {add = true} : memref<80x128xf32, #tpu.memory_space<vmem>>[vector<16xi32>, vector<16xi32>], vector<16xf32>,
        %get3A_1193 = arith.constant 10 : i32
        %get3A_1194 = arith.index_cast %get3A_1193 : i32 to index
        %get3A_1195 = arith.constant 64 : index
        %get3A_1196 = tpu.vector_load %arg13[%get3A_1194, %get3A_1195] {strides = array<i32>} : memref<16x128xi32, #tpu.memory_space<vmem>>, vector<16xi32>,
        %shift_right_logical3A_1197 = arith.constant 7 : i32
        %shift_right_logical3A_1198 = vector.broadcast %shift_right_logical3A_1197 : i32 to vector<16xi32>
        %shift_right_logical3A_1199 = arith.shrui %get3A_1196, %shift_right_logical3A_1198 : vector<16xi32>
        %and3A_1200 = arith.constant 127 : i32
        %and3A_1201 = vector.broadcast %and3A_1200 : i32 to vector<16xi32>
        %and3A_1202 = arith.andi %get3A_1196, %and3A_1201 : vector<16xi32>
        tpu.vector_store_idx %arg16[%shift_right_logical3A_1199, %and3A_1202], %broadcast_in_dim3A_8 {add = true} : memref<80x128xf32, #tpu.memory_space<vmem>>[vector<16xi32>, vector<16xi32>], vector<16xf32>,
        %get3A_1203 = arith.constant 10 : i32
        %get3A_1204 = arith.index_cast %get3A_1203 : i32 to index
        %get3A_1205 = arith.constant 80 : index
        %get3A_1206 = tpu.vector_load %arg13[%get3A_1204, %get3A_1205] {strides = array<i32>} : memref<16x128xi32, #tpu.memory_space<vmem>>, vector<16xi32>,
        %shift_right_logical3A_1207 = arith.constant 7 : i32
        %shift_right_logical3A_1208 = vector.broadcast %shift_right_logical3A_1207 : i32 to vector<16xi32>
        %shift_right_logical3A_1209 = arith.shrui %get3A_1206, %shift_right_logical3A_1208 : vector<16xi32>
        %and3A_1210 = arith.constant 127 : i32
        %and3A_1211 = vector.broadcast %and3A_1210 : i32 to vector<16xi32>
        %and3A_1212 = arith.andi %get3A_1206, %and3A_1211 : vector<16xi32>
        tpu.vector_store_idx %arg16[%shift_right_logical3A_1209, %and3A_1212], %broadcast_in_dim3A_8 {add = true} : memref<80x128xf32, #tpu.memory_space<vmem>>[vector<16xi32>, vector<16xi32>], vector<16xf32>,
        %get3A_1213 = arith.constant 10 : i32
        %get3A_1214 = arith.index_cast %get3A_1213 : i32 to index
        %get3A_1215 = arith.constant 96 : index
        %get3A_1216 = tpu.vector_load %arg13[%get3A_1214, %get3A_1215] {strides = array<i32>} : memref<16x128xi32, #tpu.memory_space<vmem>>, vector<16xi32>,
        %shift_right_logical3A_1217 = arith.constant 7 : i32
        %shift_right_logical3A_1218 = vector.broadcast %shift_right_logical3A_1217 : i32 to vector<16xi32>
        %shift_right_logical3A_1219 = arith.shrui %get3A_1216, %shift_right_logical3A_1218 : vector<16xi32>
        %and3A_1220 = arith.constant 127 : i32
        %and3A_1221 = vector.broadcast %and3A_1220 : i32 to vector<16xi32>
        %and3A_1222 = arith.andi %get3A_1216, %and3A_1221 : vector<16xi32>
        tpu.vector_store_idx %arg16[%shift_right_logical3A_1219, %and3A_1222], %broadcast_in_dim3A_8 {add = true} : memref<80x128xf32, #tpu.memory_space<vmem>>[vector<16xi32>, vector<16xi32>], vector<16xf32>,
        %get3A_1223 = arith.constant 10 : i32
        %get3A_1224 = arith.index_cast %get3A_1223 : i32 to index
        %get3A_1225 = arith.constant 112 : index
        %get3A_1226 = tpu.vector_load %arg13[%get3A_1224, %get3A_1225] {strides = array<i32>} : memref<16x128xi32, #tpu.memory_space<vmem>>, vector<16xi32>,
        %shift_right_logical3A_1227 = arith.constant 7 : i32
        %shift_right_logical3A_1228 = vector.broadcast %shift_right_logical3A_1227 : i32 to vector<16xi32>
        %shift_right_logical3A_1229 = arith.shrui %get3A_1226, %shift_right_logical3A_1228 : vector<16xi32>
        %and3A_1230 = arith.constant 127 : i32
        %and3A_1231 = vector.broadcast %and3A_1230 : i32 to vector<16xi32>
        %and3A_1232 = arith.andi %get3A_1226, %and3A_1231 : vector<16xi32>
        tpu.vector_store_idx %arg16[%shift_right_logical3A_1229, %and3A_1232], %broadcast_in_dim3A_8 {add = true} : memref<80x128xf32, #tpu.memory_space<vmem>>[vector<16xi32>, vector<16xi32>], vector<16xf32>,
        %dma_wait3A_1233 = arith.constant 10 : i32
        %dma_wait3A_1234 = arith.constant 0 : i32
        %dma_wait3A_1235 = tpu.memref_slice %arg13[%dma_wait3A_1233, %dma_wait3A_1234] : memref<16x128xi32, #tpu.memory_space<vmem>> -> memref<1x128xi32, #tpu.memory_space<vmem>>
        %dma_wait3A_1236 = tpu.memref_squeeze %dma_wait3A_1235 : memref<1x128xi32, #tpu.memory_space<vmem>> -> memref<128xi32, #tpu.memory_space<vmem>>
        %dma_wait3A_1237 = arith.constant 0 : i32
        %dma_wait3A_1238 = arith.constant 0 : i32
        %dma_wait3A_1239 = tpu.memref_slice %arg17[%dma_wait3A_1237, %dma_wait3A_1238] : memref<10240x128xf32, #tpu.memory_space<vmem_shared>> -> memref<10240x128xf32, #tpu.memory_space<vmem_shared>>
        tpu.wait_indirect_dma semaphore(%arg20 : memref<!tpu.dma_semaphore, #tpu.memory_space<semaphore_mem>>) src(%arg14 : memref<128x128xf32, #tpu.memory_space<vmem>>) dst(%dma_wait3A_1239 : memref<10240x128xf32, #tpu.memory_space<vmem_shared>>)
        %dma_start3A_1240 = arith.constant 12 : i32
        %dma_start3A_1241 = arith.constant 0 : i32
        %dma_start3A_1242 = tpu.memref_slice %arg12[%dma_start3A_1240, %dma_start3A_1241] : memref<16x128xi32, #tpu.memory_space<vmem>> -> memref<1x128xi32, #tpu.memory_space<vmem>>
        %dma_start3A_1243 = tpu.memref_squeeze %dma_start3A_1242 : memref<1x128xi32, #tpu.memory_space<vmem>> -> memref<128xi32, #tpu.memory_space<vmem>>
        %dma_start3A_1244 = arith.constant 0 : i32
        %dma_start3A_1245 = arith.constant 0 : i32
        %dma_start3A_1246 = tpu.memref_slice %arg6[%dma_start3A_1244, %dma_start3A_1245] : memref<10240x128xf32, #tpu.memory_space<hbm>> -> memref<10240x128xf32, #tpu.memory_space<hbm>>
        tpu.enqueue_indirect_dma source(%dma_start3A_1246 : memref<10240x128xf32, #tpu.memory_space<hbm>>) target(%arg14 : memref<128x128xf32, #tpu.memory_space<vmem>>) offsets(%dma_start3A_1243 : memref<128xi32, #tpu.memory_space<vmem>>) semaphore(%arg18 : memref<!tpu.dma_semaphore, #tpu.memory_space<semaphore_mem>>)
        %dma_wait3A_1247 = arith.constant 11 : i32
        %dma_wait3A_1248 = arith.constant 0 : i32
        %dma_wait3A_1249 = tpu.memref_slice %arg12[%dma_wait3A_1247, %dma_wait3A_1248] : memref<16x128xi32, #tpu.memory_space<vmem>> -> memref<1x128xi32, #tpu.memory_space<vmem>>
        %dma_wait3A_1250 = tpu.memref_squeeze %dma_wait3A_1249 : memref<1x128xi32, #tpu.memory_space<vmem>> -> memref<128xi32, #tpu.memory_space<vmem>>
        %dma_wait3A_1251 = arith.constant 0 : i32
        %dma_wait3A_1252 = arith.constant 0 : i32
        %dma_wait3A_1253 = tpu.memref_slice %arg6[%dma_wait3A_1251, %dma_wait3A_1252] : memref<10240x128xf32, #tpu.memory_space<hbm>> -> memref<10240x128xf32, #tpu.memory_space<hbm>>
        tpu.wait_indirect_dma semaphore(%arg19 : memref<!tpu.dma_semaphore, #tpu.memory_space<semaphore_mem>>) src(%dma_wait3A_1253 : memref<10240x128xf32, #tpu.memory_space<hbm>>) dst(%arg15 : memref<128x128xf32, #tpu.memory_space<vmem>>)
        %dma_start3A_1254 = arith.constant 11 : i32
        %dma_start3A_1255 = arith.constant 0 : i32
        %dma_start3A_1256 = tpu.memref_slice %arg13[%dma_start3A_1254, %dma_start3A_1255] : memref<16x128xi32, #tpu.memory_space<vmem>> -> memref<1x128xi32, #tpu.memory_space<vmem>>
        %dma_start3A_1257 = tpu.memref_squeeze %dma_start3A_1256 : memref<1x128xi32, #tpu.memory_space<vmem>> -> memref<128xi32, #tpu.memory_space<vmem>>
        %dma_start3A_1258 = arith.constant 0 : i32
        %dma_start3A_1259 = arith.constant 0 : i32
        %dma_start3A_1260 = tpu.memref_slice %arg17[%dma_start3A_1258, %dma_start3A_1259] : memref<10240x128xf32, #tpu.memory_space<vmem_shared>> -> memref<10240x128xf32, #tpu.memory_space<vmem_shared>>
        tpu.enqueue_indirect_dma source(%arg15 : memref<128x128xf32, #tpu.memory_space<vmem>>) target(%dma_start3A_1260 : memref<10240x128xf32, #tpu.memory_space<vmem_shared>>) offsets(%dma_start3A_1257 : memref<128xi32, #tpu.memory_space<vmem>>) semaphore(%arg21 : memref<!tpu.dma_semaphore, #tpu.memory_space<semaphore_mem>>) {add = true}
        %get3A_1261 = arith.constant 11 : i32
        %get3A_1262 = arith.index_cast %get3A_1261 : i32 to index
        %get3A_1263 = arith.constant 0 : index
        %get3A_1264 = tpu.vector_load %arg13[%get3A_1262, %get3A_1263] {strides = array<i32>} : memref<16x128xi32, #tpu.memory_space<vmem>>, vector<16xi32>,
        %shift_right_logical3A_1265 = arith.constant 7 : i32
        %shift_right_logical3A_1266 = vector.broadcast %shift_right_logical3A_1265 : i32 to vector<16xi32>
        %shift_right_logical3A_1267 = arith.shrui %get3A_1264, %shift_right_logical3A_1266 : vector<16xi32>
        %and3A_1268 = arith.constant 127 : i32
        %and3A_1269 = vector.broadcast %and3A_1268 : i32 to vector<16xi32>
        %and3A_1270 = arith.andi %get3A_1264, %and3A_1269 : vector<16xi32>
        tpu.vector_store_idx %arg16[%shift_right_logical3A_1267, %and3A_1270], %broadcast_in_dim3A_8 {add = true} : memref<80x128xf32, #tpu.memory_space<vmem>>[vector<16xi32>, vector<16xi32>], vector<16xf32>,
        %get3A_1271 = arith.constant 11 : i32
        %get3A_1272 = arith.index_cast %get3A_1271 : i32 to index
        %get3A_1273 = arith.constant 16 : index
        %get3A_1274 = tpu.vector_load %arg13[%get3A_1272, %get3A_1273] {strides = array<i32>} : memref<16x128xi32, #tpu.memory_space<vmem>>, vector<16xi32>,
        %shift_right_logical3A_1275 = arith.constant 7 : i32
        %shift_right_logical3A_1276 = vector.broadcast %shift_right_logical3A_1275 : i32 to vector<16xi32>
        %shift_right_logical3A_1277 = arith.shrui %get3A_1274, %shift_right_logical3A_1276 : vector<16xi32>
        %and3A_1278 = arith.constant 127 : i32
        %and3A_1279 = vector.broadcast %and3A_1278 : i32 to vector<16xi32>
        %and3A_1280 = arith.andi %get3A_1274, %and3A_1279 : vector<16xi32>
        tpu.vector_store_idx %arg16[%shift_right_logical3A_1277, %and3A_1280], %broadcast_in_dim3A_8 {add = true} : memref<80x128xf32, #tpu.memory_space<vmem>>[vector<16xi32>, vector<16xi32>], vector<16xf32>,
        %get3A_1281 = arith.constant 11 : i32
        %get3A_1282 = arith.index_cast %get3A_1281 : i32 to index
        %get3A_1283 = arith.constant 32 : index
        %get3A_1284 = tpu.vector_load %arg13[%get3A_1282, %get3A_1283] {strides = array<i32>} : memref<16x128xi32, #tpu.memory_space<vmem>>, vector<16xi32>,
        %shift_right_logical3A_1285 = arith.constant 7 : i32
        %shift_right_logical3A_1286 = vector.broadcast %shift_right_logical3A_1285 : i32 to vector<16xi32>
        %shift_right_logical3A_1287 = arith.shrui %get3A_1284, %shift_right_logical3A_1286 : vector<16xi32>
        %and3A_1288 = arith.constant 127 : i32
        %and3A_1289 = vector.broadcast %and3A_1288 : i32 to vector<16xi32>
        %and3A_1290 = arith.andi %get3A_1284, %and3A_1289 : vector<16xi32>
        tpu.vector_store_idx %arg16[%shift_right_logical3A_1287, %and3A_1290], %broadcast_in_dim3A_8 {add = true} : memref<80x128xf32, #tpu.memory_space<vmem>>[vector<16xi32>, vector<16xi32>], vector<16xf32>,
        %get3A_1291 = arith.constant 11 : i32
        %get3A_1292 = arith.index_cast %get3A_1291 : i32 to index
        %get3A_1293 = arith.constant 48 : index
        %get3A_1294 = tpu.vector_load %arg13[%get3A_1292, %get3A_1293] {strides = array<i32>} : memref<16x128xi32, #tpu.memory_space<vmem>>, vector<16xi32>,
        %shift_right_logical3A_1295 = arith.constant 7 : i32
        %shift_right_logical3A_1296 = vector.broadcast %shift_right_logical3A_1295 : i32 to vector<16xi32>
        %shift_right_logical3A_1297 = arith.shrui %get3A_1294, %shift_right_logical3A_1296 : vector<16xi32>
        %and3A_1298 = arith.constant 127 : i32
        %and3A_1299 = vector.broadcast %and3A_1298 : i32 to vector<16xi32>
        %and3A_1300 = arith.andi %get3A_1294, %and3A_1299 : vector<16xi32>
        tpu.vector_store_idx %arg16[%shift_right_logical3A_1297, %and3A_1300], %broadcast_in_dim3A_8 {add = true} : memref<80x128xf32, #tpu.memory_space<vmem>>[vector<16xi32>, vector<16xi32>], vector<16xf32>,
        %get3A_1301 = arith.constant 11 : i32
        %get3A_1302 = arith.index_cast %get3A_1301 : i32 to index
        %get3A_1303 = arith.constant 64 : index
        %get3A_1304 = tpu.vector_load %arg13[%get3A_1302, %get3A_1303] {strides = array<i32>} : memref<16x128xi32, #tpu.memory_space<vmem>>, vector<16xi32>,
        %shift_right_logical3A_1305 = arith.constant 7 : i32
        %shift_right_logical3A_1306 = vector.broadcast %shift_right_logical3A_1305 : i32 to vector<16xi32>
        %shift_right_logical3A_1307 = arith.shrui %get3A_1304, %shift_right_logical3A_1306 : vector<16xi32>
        %and3A_1308 = arith.constant 127 : i32
        %and3A_1309 = vector.broadcast %and3A_1308 : i32 to vector<16xi32>
        %and3A_1310 = arith.andi %get3A_1304, %and3A_1309 : vector<16xi32>
        tpu.vector_store_idx %arg16[%shift_right_logical3A_1307, %and3A_1310], %broadcast_in_dim3A_8 {add = true} : memref<80x128xf32, #tpu.memory_space<vmem>>[vector<16xi32>, vector<16xi32>], vector<16xf32>,
        %get3A_1311 = arith.constant 11 : i32
        %get3A_1312 = arith.index_cast %get3A_1311 : i32 to index
        %get3A_1313 = arith.constant 80 : index
        %get3A_1314 = tpu.vector_load %arg13[%get3A_1312, %get3A_1313] {strides = array<i32>} : memref<16x128xi32, #tpu.memory_space<vmem>>, vector<16xi32>,
        %shift_right_logical3A_1315 = arith.constant 7 : i32
        %shift_right_logical3A_1316 = vector.broadcast %shift_right_logical3A_1315 : i32 to vector<16xi32>
        %shift_right_logical3A_1317 = arith.shrui %get3A_1314, %shift_right_logical3A_1316 : vector<16xi32>
        %and3A_1318 = arith.constant 127 : i32
        %and3A_1319 = vector.broadcast %and3A_1318 : i32 to vector<16xi32>
        %and3A_1320 = arith.andi %get3A_1314, %and3A_1319 : vector<16xi32>
        tpu.vector_store_idx %arg16[%shift_right_logical3A_1317, %and3A_1320], %broadcast_in_dim3A_8 {add = true} : memref<80x128xf32, #tpu.memory_space<vmem>>[vector<16xi32>, vector<16xi32>], vector<16xf32>,
        %get3A_1321 = arith.constant 11 : i32
        %get3A_1322 = arith.index_cast %get3A_1321 : i32 to index
        %get3A_1323 = arith.constant 96 : index
        %get3A_1324 = tpu.vector_load %arg13[%get3A_1322, %get3A_1323] {strides = array<i32>} : memref<16x128xi32, #tpu.memory_space<vmem>>, vector<16xi32>,
        %shift_right_logical3A_1325 = arith.constant 7 : i32
        %shift_right_logical3A_1326 = vector.broadcast %shift_right_logical3A_1325 : i32 to vector<16xi32>
        %shift_right_logical3A_1327 = arith.shrui %get3A_1324, %shift_right_logical3A_1326 : vector<16xi32>
        %and3A_1328 = arith.constant 127 : i32
        %and3A_1329 = vector.broadcast %and3A_1328 : i32 to vector<16xi32>
        %and3A_1330 = arith.andi %get3A_1324, %and3A_1329 : vector<16xi32>
        tpu.vector_store_idx %arg16[%shift_right_logical3A_1327, %and3A_1330], %broadcast_in_dim3A_8 {add = true} : memref<80x128xf32, #tpu.memory_space<vmem>>[vector<16xi32>, vector<16xi32>], vector<16xf32>,
        %get3A_1331 = arith.constant 11 : i32
        %get3A_1332 = arith.index_cast %get3A_1331 : i32 to index
        %get3A_1333 = arith.constant 112 : index
        %get3A_1334 = tpu.vector_load %arg13[%get3A_1332, %get3A_1333] {strides = array<i32>} : memref<16x128xi32, #tpu.memory_space<vmem>>, vector<16xi32>,
        %shift_right_logical3A_1335 = arith.constant 7 : i32
        %shift_right_logical3A_1336 = vector.broadcast %shift_right_logical3A_1335 : i32 to vector<16xi32>
        %shift_right_logical3A_1337 = arith.shrui %get3A_1334, %shift_right_logical3A_1336 : vector<16xi32>
        %and3A_1338 = arith.constant 127 : i32
        %and3A_1339 = vector.broadcast %and3A_1338 : i32 to vector<16xi32>
        %and3A_1340 = arith.andi %get3A_1334, %and3A_1339 : vector<16xi32>
        tpu.vector_store_idx %arg16[%shift_right_logical3A_1337, %and3A_1340], %broadcast_in_dim3A_8 {add = true} : memref<80x128xf32, #tpu.memory_space<vmem>>[vector<16xi32>, vector<16xi32>], vector<16xf32>,
        %dma_wait3A_1341 = arith.constant 11 : i32
        %dma_wait3A_1342 = arith.constant 0 : i32
        %dma_wait3A_1343 = tpu.memref_slice %arg13[%dma_wait3A_1341, %dma_wait3A_1342] : memref<16x128xi32, #tpu.memory_space<vmem>> -> memref<1x128xi32, #tpu.memory_space<vmem>>
        %dma_wait3A_1344 = tpu.memref_squeeze %dma_wait3A_1343 : memref<1x128xi32, #tpu.memory_space<vmem>> -> memref<128xi32, #tpu.memory_space<vmem>>
        %dma_wait3A_1345 = arith.constant 0 : i32
        %dma_wait3A_1346 = arith.constant 0 : i32
        %dma_wait3A_1347 = tpu.memref_slice %arg17[%dma_wait3A_1345, %dma_wait3A_1346] : memref<10240x128xf32, #tpu.memory_space<vmem_shared>> -> memref<10240x128xf32, #tpu.memory_space<vmem_shared>>
        tpu.wait_indirect_dma semaphore(%arg21 : memref<!tpu.dma_semaphore, #tpu.memory_space<semaphore_mem>>) src(%arg15 : memref<128x128xf32, #tpu.memory_space<vmem>>) dst(%dma_wait3A_1347 : memref<10240x128xf32, #tpu.memory_space<vmem_shared>>)
        %dma_start3A_1348 = arith.constant 13 : i32
        %dma_start3A_1349 = arith.constant 0 : i32
        %dma_start3A_1350 = tpu.memref_slice %arg12[%dma_start3A_1348, %dma_start3A_1349] : memref<16x128xi32, #tpu.memory_space<vmem>> -> memref<1x128xi32, #tpu.memory_space<vmem>>
        %dma_start3A_1351 = tpu.memref_squeeze %dma_start3A_1350 : memref<1x128xi32, #tpu.memory_space<vmem>> -> memref<128xi32, #tpu.memory_space<vmem>>
        %dma_start3A_1352 = arith.constant 0 : i32
        %dma_start3A_1353 = arith.constant 0 : i32
        %dma_start3A_1354 = tpu.memref_slice %arg6[%dma_start3A_1352, %dma_start3A_1353] : memref<10240x128xf32, #tpu.memory_space<hbm>> -> memref<10240x128xf32, #tpu.memory_space<hbm>>
        tpu.enqueue_indirect_dma source(%dma_start3A_1354 : memref<10240x128xf32, #tpu.memory_space<hbm>>) target(%arg15 : memref<128x128xf32, #tpu.memory_space<vmem>>) offsets(%dma_start3A_1351 : memref<128xi32, #tpu.memory_space<vmem>>) semaphore(%arg19 : memref<!tpu.dma_semaphore, #tpu.memory_space<semaphore_mem>>)
        %dma_wait3A_1355 = arith.constant 12 : i32
        %dma_wait3A_1356 = arith.constant 0 : i32
        %dma_wait3A_1357 = tpu.memref_slice %arg12[%dma_wait3A_1355, %dma_wait3A_1356] : memref<16x128xi32, #tpu.memory_space<vmem>> -> memref<1x128xi32, #tpu.memory_space<vmem>>
        %dma_wait3A_1358 = tpu.memref_squeeze %dma_wait3A_1357 : memref<1x128xi32, #tpu.memory_space<vmem>> -> memref<128xi32, #tpu.memory_space<vmem>>
        %dma_wait3A_1359 = arith.constant 0 : i32
        %dma_wait3A_1360 = arith.constant 0 : i32
        %dma_wait3A_1361 = tpu.memref_slice %arg6[%dma_wait3A_1359, %dma_wait3A_1360] : memref<10240x128xf32, #tpu.memory_space<hbm>> -> memref<10240x128xf32, #tpu.memory_space<hbm>>
        tpu.wait_indirect_dma semaphore(%arg18 : memref<!tpu.dma_semaphore, #tpu.memory_space<semaphore_mem>>) src(%dma_wait3A_1361 : memref<10240x128xf32, #tpu.memory_space<hbm>>) dst(%arg14 : memref<128x128xf32, #tpu.memory_space<vmem>>)
        %dma_start3A_1362 = arith.constant 12 : i32
        %dma_start3A_1363 = arith.constant 0 : i32
        %dma_start3A_1364 = tpu.memref_slice %arg13[%dma_start3A_1362, %dma_start3A_1363] : memref<16x128xi32, #tpu.memory_space<vmem>> -> memref<1x128xi32, #tpu.memory_space<vmem>>
        %dma_start3A_1365 = tpu.memref_squeeze %dma_start3A_1364 : memref<1x128xi32, #tpu.memory_space<vmem>> -> memref<128xi32, #tpu.memory_space<vmem>>
        %dma_start3A_1366 = arith.constant 0 : i32
        %dma_start3A_1367 = arith.constant 0 : i32
        %dma_start3A_1368 = tpu.memref_slice %arg17[%dma_start3A_1366, %dma_start3A_1367] : memref<10240x128xf32, #tpu.memory_space<vmem_shared>> -> memref<10240x128xf32, #tpu.memory_space<vmem_shared>>
        tpu.enqueue_indirect_dma source(%arg14 : memref<128x128xf32, #tpu.memory_space<vmem>>) target(%dma_start3A_1368 : memref<10240x128xf32, #tpu.memory_space<vmem_shared>>) offsets(%dma_start3A_1365 : memref<128xi32, #tpu.memory_space<vmem>>) semaphore(%arg20 : memref<!tpu.dma_semaphore, #tpu.memory_space<semaphore_mem>>) {add = true}
        %get3A_1369 = arith.constant 12 : i32
        %get3A_1370 = arith.index_cast %get3A_1369 : i32 to index
        %get3A_1371 = arith.constant 0 : index
        %get3A_1372 = tpu.vector_load %arg13[%get3A_1370, %get3A_1371] {strides = array<i32>} : memref<16x128xi32, #tpu.memory_space<vmem>>, vector<16xi32>,
        %shift_right_logical3A_1373 = arith.constant 7 : i32
        %shift_right_logical3A_1374 = vector.broadcast %shift_right_logical3A_1373 : i32 to vector<16xi32>
        %shift_right_logical3A_1375 = arith.shrui %get3A_1372, %shift_right_logical3A_1374 : vector<16xi32>
        %and3A_1376 = arith.constant 127 : i32
        %and3A_1377 = vector.broadcast %and3A_1376 : i32 to vector<16xi32>
        %and3A_1378 = arith.andi %get3A_1372, %and3A_1377 : vector<16xi32>
        tpu.vector_store_idx %arg16[%shift_right_logical3A_1375, %and3A_1378], %broadcast_in_dim3A_8 {add = true} : memref<80x128xf32, #tpu.memory_space<vmem>>[vector<16xi32>, vector<16xi32>], vector<16xf32>,
        %get3A_1379 = arith.constant 12 : i32
        %get3A_1380 = arith.index_cast %get3A_1379 : i32 to index
        %get3A_1381 = arith.constant 16 : index
        %get3A_1382 = tpu.vector_load %arg13[%get3A_1380, %get3A_1381] {strides = array<i32>} : memref<16x128xi32, #tpu.memory_space<vmem>>, vector<16xi32>,
        %shift_right_logical3A_1383 = arith.constant 7 : i32
        %shift_right_logical3A_1384 = vector.broadcast %shift_right_logical3A_1383 : i32 to vector<16xi32>
        %shift_right_logical3A_1385 = arith.shrui %get3A_1382, %shift_right_logical3A_1384 : vector<16xi32>
        %and3A_1386 = arith.constant 127 : i32
        %and3A_1387 = vector.broadcast %and3A_1386 : i32 to vector<16xi32>
        %and3A_1388 = arith.andi %get3A_1382, %and3A_1387 : vector<16xi32>
        tpu.vector_store_idx %arg16[%shift_right_logical3A_1385, %and3A_1388], %broadcast_in_dim3A_8 {add = true} : memref<80x128xf32, #tpu.memory_space<vmem>>[vector<16xi32>, vector<16xi32>], vector<16xf32>,
        %get3A_1389 = arith.constant 12 : i32
        %get3A_1390 = arith.index_cast %get3A_1389 : i32 to index
        %get3A_1391 = arith.constant 32 : index
        %get3A_1392 = tpu.vector_load %arg13[%get3A_1390, %get3A_1391] {strides = array<i32>} : memref<16x128xi32, #tpu.memory_space<vmem>>, vector<16xi32>,
        %shift_right_logical3A_1393 = arith.constant 7 : i32
        %shift_right_logical3A_1394 = vector.broadcast %shift_right_logical3A_1393 : i32 to vector<16xi32>
        %shift_right_logical3A_1395 = arith.shrui %get3A_1392, %shift_right_logical3A_1394 : vector<16xi32>
        %and3A_1396 = arith.constant 127 : i32
        %and3A_1397 = vector.broadcast %and3A_1396 : i32 to vector<16xi32>
        %and3A_1398 = arith.andi %get3A_1392, %and3A_1397 : vector<16xi32>
        tpu.vector_store_idx %arg16[%shift_right_logical3A_1395, %and3A_1398], %broadcast_in_dim3A_8 {add = true} : memref<80x128xf32, #tpu.memory_space<vmem>>[vector<16xi32>, vector<16xi32>], vector<16xf32>,
        %get3A_1399 = arith.constant 12 : i32
        %get3A_1400 = arith.index_cast %get3A_1399 : i32 to index
        %get3A_1401 = arith.constant 48 : index
        %get3A_1402 = tpu.vector_load %arg13[%get3A_1400, %get3A_1401] {strides = array<i32>} : memref<16x128xi32, #tpu.memory_space<vmem>>, vector<16xi32>,
        %shift_right_logical3A_1403 = arith.constant 7 : i32
        %shift_right_logical3A_1404 = vector.broadcast %shift_right_logical3A_1403 : i32 to vector<16xi32>
        %shift_right_logical3A_1405 = arith.shrui %get3A_1402, %shift_right_logical3A_1404 : vector<16xi32>
        %and3A_1406 = arith.constant 127 : i32
        %and3A_1407 = vector.broadcast %and3A_1406 : i32 to vector<16xi32>
        %and3A_1408 = arith.andi %get3A_1402, %and3A_1407 : vector<16xi32>
        tpu.vector_store_idx %arg16[%shift_right_logical3A_1405, %and3A_1408], %broadcast_in_dim3A_8 {add = true} : memref<80x128xf32, #tpu.memory_space<vmem>>[vector<16xi32>, vector<16xi32>], vector<16xf32>,
        %get3A_1409 = arith.constant 12 : i32
        %get3A_1410 = arith.index_cast %get3A_1409 : i32 to index
        %get3A_1411 = arith.constant 64 : index
        %get3A_1412 = tpu.vector_load %arg13[%get3A_1410, %get3A_1411] {strides = array<i32>} : memref<16x128xi32, #tpu.memory_space<vmem>>, vector<16xi32>,
        %shift_right_logical3A_1413 = arith.constant 7 : i32
        %shift_right_logical3A_1414 = vector.broadcast %shift_right_logical3A_1413 : i32 to vector<16xi32>
        %shift_right_logical3A_1415 = arith.shrui %get3A_1412, %shift_right_logical3A_1414 : vector<16xi32>
        %and3A_1416 = arith.constant 127 : i32
        %and3A_1417 = vector.broadcast %and3A_1416 : i32 to vector<16xi32>
        %and3A_1418 = arith.andi %get3A_1412, %and3A_1417 : vector<16xi32>
        tpu.vector_store_idx %arg16[%shift_right_logical3A_1415, %and3A_1418], %broadcast_in_dim3A_8 {add = true} : memref<80x128xf32, #tpu.memory_space<vmem>>[vector<16xi32>, vector<16xi32>], vector<16xf32>,
        %get3A_1419 = arith.constant 12 : i32
        %get3A_1420 = arith.index_cast %get3A_1419 : i32 to index
        %get3A_1421 = arith.constant 80 : index
        %get3A_1422 = tpu.vector_load %arg13[%get3A_1420, %get3A_1421] {strides = array<i32>} : memref<16x128xi32, #tpu.memory_space<vmem>>, vector<16xi32>,
        %shift_right_logical3A_1423 = arith.constant 7 : i32
        %shift_right_logical3A_1424 = vector.broadcast %shift_right_logical3A_1423 : i32 to vector<16xi32>
        %shift_right_logical3A_1425 = arith.shrui %get3A_1422, %shift_right_logical3A_1424 : vector<16xi32>
        %and3A_1426 = arith.constant 127 : i32
        %and3A_1427 = vector.broadcast %and3A_1426 : i32 to vector<16xi32>
        %and3A_1428 = arith.andi %get3A_1422, %and3A_1427 : vector<16xi32>
        tpu.vector_store_idx %arg16[%shift_right_logical3A_1425, %and3A_1428], %broadcast_in_dim3A_8 {add = true} : memref<80x128xf32, #tpu.memory_space<vmem>>[vector<16xi32>, vector<16xi32>], vector<16xf32>,
        %get3A_1429 = arith.constant 12 : i32
        %get3A_1430 = arith.index_cast %get3A_1429 : i32 to index
        %get3A_1431 = arith.constant 96 : index
        %get3A_1432 = tpu.vector_load %arg13[%get3A_1430, %get3A_1431] {strides = array<i32>} : memref<16x128xi32, #tpu.memory_space<vmem>>, vector<16xi32>,
        %shift_right_logical3A_1433 = arith.constant 7 : i32
        %shift_right_logical3A_1434 = vector.broadcast %shift_right_logical3A_1433 : i32 to vector<16xi32>
        %shift_right_logical3A_1435 = arith.shrui %get3A_1432, %shift_right_logical3A_1434 : vector<16xi32>
        %and3A_1436 = arith.constant 127 : i32
        %and3A_1437 = vector.broadcast %and3A_1436 : i32 to vector<16xi32>
        %and3A_1438 = arith.andi %get3A_1432, %and3A_1437 : vector<16xi32>
        tpu.vector_store_idx %arg16[%shift_right_logical3A_1435, %and3A_1438], %broadcast_in_dim3A_8 {add = true} : memref<80x128xf32, #tpu.memory_space<vmem>>[vector<16xi32>, vector<16xi32>], vector<16xf32>,
        %get3A_1439 = arith.constant 12 : i32
        %get3A_1440 = arith.index_cast %get3A_1439 : i32 to index
        %get3A_1441 = arith.constant 112 : index
        %get3A_1442 = tpu.vector_load %arg13[%get3A_1440, %get3A_1441] {strides = array<i32>} : memref<16x128xi32, #tpu.memory_space<vmem>>, vector<16xi32>,
        %shift_right_logical3A_1443 = arith.constant 7 : i32
        %shift_right_logical3A_1444 = vector.broadcast %shift_right_logical3A_1443 : i32 to vector<16xi32>
        %shift_right_logical3A_1445 = arith.shrui %get3A_1442, %shift_right_logical3A_1444 : vector<16xi32>
        %and3A_1446 = arith.constant 127 : i32
        %and3A_1447 = vector.broadcast %and3A_1446 : i32 to vector<16xi32>
        %and3A_1448 = arith.andi %get3A_1442, %and3A_1447 : vector<16xi32>
        tpu.vector_store_idx %arg16[%shift_right_logical3A_1445, %and3A_1448], %broadcast_in_dim3A_8 {add = true} : memref<80x128xf32, #tpu.memory_space<vmem>>[vector<16xi32>, vector<16xi32>], vector<16xf32>,
        %dma_wait3A_1449 = arith.constant 12 : i32
        %dma_wait3A_1450 = arith.constant 0 : i32
        %dma_wait3A_1451 = tpu.memref_slice %arg13[%dma_wait3A_1449, %dma_wait3A_1450] : memref<16x128xi32, #tpu.memory_space<vmem>> -> memref<1x128xi32, #tpu.memory_space<vmem>>
        %dma_wait3A_1452 = tpu.memref_squeeze %dma_wait3A_1451 : memref<1x128xi32, #tpu.memory_space<vmem>> -> memref<128xi32, #tpu.memory_space<vmem>>
        %dma_wait3A_1453 = arith.constant 0 : i32
        %dma_wait3A_1454 = arith.constant 0 : i32
        %dma_wait3A_1455 = tpu.memref_slice %arg17[%dma_wait3A_1453, %dma_wait3A_1454] : memref<10240x128xf32, #tpu.memory_space<vmem_shared>> -> memref<10240x128xf32, #tpu.memory_space<vmem_shared>>
        tpu.wait_indirect_dma semaphore(%arg20 : memref<!tpu.dma_semaphore, #tpu.memory_space<semaphore_mem>>) src(%arg14 : memref<128x128xf32, #tpu.memory_space<vmem>>) dst(%dma_wait3A_1455 : memref<10240x128xf32, #tpu.memory_space<vmem_shared>>)
        %dma_start3A_1456 = arith.constant 14 : i32
        %dma_start3A_1457 = arith.constant 0 : i32
        %dma_start3A_1458 = tpu.memref_slice %arg12[%dma_start3A_1456, %dma_start3A_1457] : memref<16x128xi32, #tpu.memory_space<vmem>> -> memref<1x128xi32, #tpu.memory_space<vmem>>
        %dma_start3A_1459 = tpu.memref_squeeze %dma_start3A_1458 : memref<1x128xi32, #tpu.memory_space<vmem>> -> memref<128xi32, #tpu.memory_space<vmem>>
        %dma_start3A_1460 = arith.constant 0 : i32
        %dma_start3A_1461 = arith.constant 0 : i32
        %dma_start3A_1462 = tpu.memref_slice %arg6[%dma_start3A_1460, %dma_start3A_1461] : memref<10240x128xf32, #tpu.memory_space<hbm>> -> memref<10240x128xf32, #tpu.memory_space<hbm>>
        tpu.enqueue_indirect_dma source(%dma_start3A_1462 : memref<10240x128xf32, #tpu.memory_space<hbm>>) target(%arg14 : memref<128x128xf32, #tpu.memory_space<vmem>>) offsets(%dma_start3A_1459 : memref<128xi32, #tpu.memory_space<vmem>>) semaphore(%arg18 : memref<!tpu.dma_semaphore, #tpu.memory_space<semaphore_mem>>)
        %dma_wait3A_1463 = arith.constant 13 : i32
        %dma_wait3A_1464 = arith.constant 0 : i32
        %dma_wait3A_1465 = tpu.memref_slice %arg12[%dma_wait3A_1463, %dma_wait3A_1464] : memref<16x128xi32, #tpu.memory_space<vmem>> -> memref<1x128xi32, #tpu.memory_space<vmem>>
        %dma_wait3A_1466 = tpu.memref_squeeze %dma_wait3A_1465 : memref<1x128xi32, #tpu.memory_space<vmem>> -> memref<128xi32, #tpu.memory_space<vmem>>
        %dma_wait3A_1467 = arith.constant 0 : i32
        %dma_wait3A_1468 = arith.constant 0 : i32
        %dma_wait3A_1469 = tpu.memref_slice %arg6[%dma_wait3A_1467, %dma_wait3A_1468] : memref<10240x128xf32, #tpu.memory_space<hbm>> -> memref<10240x128xf32, #tpu.memory_space<hbm>>
        tpu.wait_indirect_dma semaphore(%arg19 : memref<!tpu.dma_semaphore, #tpu.memory_space<semaphore_mem>>) src(%dma_wait3A_1469 : memref<10240x128xf32, #tpu.memory_space<hbm>>) dst(%arg15 : memref<128x128xf32, #tpu.memory_space<vmem>>)
        %dma_start3A_1470 = arith.constant 13 : i32
        %dma_start3A_1471 = arith.constant 0 : i32
        %dma_start3A_1472 = tpu.memref_slice %arg13[%dma_start3A_1470, %dma_start3A_1471] : memref<16x128xi32, #tpu.memory_space<vmem>> -> memref<1x128xi32, #tpu.memory_space<vmem>>
        %dma_start3A_1473 = tpu.memref_squeeze %dma_start3A_1472 : memref<1x128xi32, #tpu.memory_space<vmem>> -> memref<128xi32, #tpu.memory_space<vmem>>
        %dma_start3A_1474 = arith.constant 0 : i32
        %dma_start3A_1475 = arith.constant 0 : i32
        %dma_start3A_1476 = tpu.memref_slice %arg17[%dma_start3A_1474, %dma_start3A_1475] : memref<10240x128xf32, #tpu.memory_space<vmem_shared>> -> memref<10240x128xf32, #tpu.memory_space<vmem_shared>>
        tpu.enqueue_indirect_dma source(%arg15 : memref<128x128xf32, #tpu.memory_space<vmem>>) target(%dma_start3A_1476 : memref<10240x128xf32, #tpu.memory_space<vmem_shared>>) offsets(%dma_start3A_1473 : memref<128xi32, #tpu.memory_space<vmem>>) semaphore(%arg21 : memref<!tpu.dma_semaphore, #tpu.memory_space<semaphore_mem>>) {add = true}
        %get3A_1477 = arith.constant 13 : i32
        %get3A_1478 = arith.index_cast %get3A_1477 : i32 to index
        %get3A_1479 = arith.constant 0 : index
        %get3A_1480 = tpu.vector_load %arg13[%get3A_1478, %get3A_1479] {strides = array<i32>} : memref<16x128xi32, #tpu.memory_space<vmem>>, vector<16xi32>,
        %shift_right_logical3A_1481 = arith.constant 7 : i32
        %shift_right_logical3A_1482 = vector.broadcast %shift_right_logical3A_1481 : i32 to vector<16xi32>
        %shift_right_logical3A_1483 = arith.shrui %get3A_1480, %shift_right_logical3A_1482 : vector<16xi32>
        %and3A_1484 = arith.constant 127 : i32
        %and3A_1485 = vector.broadcast %and3A_1484 : i32 to vector<16xi32>
        %and3A_1486 = arith.andi %get3A_1480, %and3A_1485 : vector<16xi32>
        tpu.vector_store_idx %arg16[%shift_right_logical3A_1483, %and3A_1486], %broadcast_in_dim3A_8 {add = true} : memref<80x128xf32, #tpu.memory_space<vmem>>[vector<16xi32>, vector<16xi32>], vector<16xf32>,
        %get3A_1487 = arith.constant 13 : i32
        %get3A_1488 = arith.index_cast %get3A_1487 : i32 to index
        %get3A_1489 = arith.constant 16 : index
        %get3A_1490 = tpu.vector_load %arg13[%get3A_1488, %get3A_1489] {strides = array<i32>} : memref<16x128xi32, #tpu.memory_space<vmem>>, vector<16xi32>,
        %shift_right_logical3A_1491 = arith.constant 7 : i32
        %shift_right_logical3A_1492 = vector.broadcast %shift_right_logical3A_1491 : i32 to vector<16xi32>
        %shift_right_logical3A_1493 = arith.shrui %get3A_1490, %shift_right_logical3A_1492 : vector<16xi32>
        %and3A_1494 = arith.constant 127 : i32
        %and3A_1495 = vector.broadcast %and3A_1494 : i32 to vector<16xi32>
        %and3A_1496 = arith.andi %get3A_1490, %and3A_1495 : vector<16xi32>
        tpu.vector_store_idx %arg16[%shift_right_logical3A_1493, %and3A_1496], %broadcast_in_dim3A_8 {add = true} : memref<80x128xf32, #tpu.memory_space<vmem>>[vector<16xi32>, vector<16xi32>], vector<16xf32>,
        %get3A_1497 = arith.constant 13 : i32
        %get3A_1498 = arith.index_cast %get3A_1497 : i32 to index
        %get3A_1499 = arith.constant 32 : index
        %get3A_1500 = tpu.vector_load %arg13[%get3A_1498, %get3A_1499] {strides = array<i32>} : memref<16x128xi32, #tpu.memory_space<vmem>>, vector<16xi32>,
        %shift_right_logical3A_1501 = arith.constant 7 : i32
        %shift_right_logical3A_1502 = vector.broadcast %shift_right_logical3A_1501 : i32 to vector<16xi32>
        %shift_right_logical3A_1503 = arith.shrui %get3A_1500, %shift_right_logical3A_1502 : vector<16xi32>
        %and3A_1504 = arith.constant 127 : i32
        %and3A_1505 = vector.broadcast %and3A_1504 : i32 to vector<16xi32>
        %and3A_1506 = arith.andi %get3A_1500, %and3A_1505 : vector<16xi32>
        tpu.vector_store_idx %arg16[%shift_right_logical3A_1503, %and3A_1506], %broadcast_in_dim3A_8 {add = true} : memref<80x128xf32, #tpu.memory_space<vmem>>[vector<16xi32>, vector<16xi32>], vector<16xf32>,
        %get3A_1507 = arith.constant 13 : i32
        %get3A_1508 = arith.index_cast %get3A_1507 : i32 to index
        %get3A_1509 = arith.constant 48 : index
        %get3A_1510 = tpu.vector_load %arg13[%get3A_1508, %get3A_1509] {strides = array<i32>} : memref<16x128xi32, #tpu.memory_space<vmem>>, vector<16xi32>,
        %shift_right_logical3A_1511 = arith.constant 7 : i32
        %shift_right_logical3A_1512 = vector.broadcast %shift_right_logical3A_1511 : i32 to vector<16xi32>
        %shift_right_logical3A_1513 = arith.shrui %get3A_1510, %shift_right_logical3A_1512 : vector<16xi32>
        %and3A_1514 = arith.constant 127 : i32
        %and3A_1515 = vector.broadcast %and3A_1514 : i32 to vector<16xi32>
        %and3A_1516 = arith.andi %get3A_1510, %and3A_1515 : vector<16xi32>
        tpu.vector_store_idx %arg16[%shift_right_logical3A_1513, %and3A_1516], %broadcast_in_dim3A_8 {add = true} : memref<80x128xf32, #tpu.memory_space<vmem>>[vector<16xi32>, vector<16xi32>], vector<16xf32>,
        %get3A_1517 = arith.constant 13 : i32
        %get3A_1518 = arith.index_cast %get3A_1517 : i32 to index
        %get3A_1519 = arith.constant 64 : index
        %get3A_1520 = tpu.vector_load %arg13[%get3A_1518, %get3A_1519] {strides = array<i32>} : memref<16x128xi32, #tpu.memory_space<vmem>>, vector<16xi32>,
        %shift_right_logical3A_1521 = arith.constant 7 : i32
        %shift_right_logical3A_1522 = vector.broadcast %shift_right_logical3A_1521 : i32 to vector<16xi32>
        %shift_right_logical3A_1523 = arith.shrui %get3A_1520, %shift_right_logical3A_1522 : vector<16xi32>
        %and3A_1524 = arith.constant 127 : i32
        %and3A_1525 = vector.broadcast %and3A_1524 : i32 to vector<16xi32>
        %and3A_1526 = arith.andi %get3A_1520, %and3A_1525 : vector<16xi32>
        tpu.vector_store_idx %arg16[%shift_right_logical3A_1523, %and3A_1526], %broadcast_in_dim3A_8 {add = true} : memref<80x128xf32, #tpu.memory_space<vmem>>[vector<16xi32>, vector<16xi32>], vector<16xf32>,
        %get3A_1527 = arith.constant 13 : i32
        %get3A_1528 = arith.index_cast %get3A_1527 : i32 to index
        %get3A_1529 = arith.constant 80 : index
        %get3A_1530 = tpu.vector_load %arg13[%get3A_1528, %get3A_1529] {strides = array<i32>} : memref<16x128xi32, #tpu.memory_space<vmem>>, vector<16xi32>,
        %shift_right_logical3A_1531 = arith.constant 7 : i32
        %shift_right_logical3A_1532 = vector.broadcast %shift_right_logical3A_1531 : i32 to vector<16xi32>
        %shift_right_logical3A_1533 = arith.shrui %get3A_1530, %shift_right_logical3A_1532 : vector<16xi32>
        %and3A_1534 = arith.constant 127 : i32
        %and3A_1535 = vector.broadcast %and3A_1534 : i32 to vector<16xi32>
        %and3A_1536 = arith.andi %get3A_1530, %and3A_1535 : vector<16xi32>
        tpu.vector_store_idx %arg16[%shift_right_logical3A_1533, %and3A_1536], %broadcast_in_dim3A_8 {add = true} : memref<80x128xf32, #tpu.memory_space<vmem>>[vector<16xi32>, vector<16xi32>], vector<16xf32>,
        %get3A_1537 = arith.constant 13 : i32
        %get3A_1538 = arith.index_cast %get3A_1537 : i32 to index
        %get3A_1539 = arith.constant 96 : index
        %get3A_1540 = tpu.vector_load %arg13[%get3A_1538, %get3A_1539] {strides = array<i32>} : memref<16x128xi32, #tpu.memory_space<vmem>>, vector<16xi32>,
        %shift_right_logical3A_1541 = arith.constant 7 : i32
        %shift_right_logical3A_1542 = vector.broadcast %shift_right_logical3A_1541 : i32 to vector<16xi32>
        %shift_right_logical3A_1543 = arith.shrui %get3A_1540, %shift_right_logical3A_1542 : vector<16xi32>
        %and3A_1544 = arith.constant 127 : i32
        %and3A_1545 = vector.broadcast %and3A_1544 : i32 to vector<16xi32>
        %and3A_1546 = arith.andi %get3A_1540, %and3A_1545 : vector<16xi32>
        tpu.vector_store_idx %arg16[%shift_right_logical3A_1543, %and3A_1546], %broadcast_in_dim3A_8 {add = true} : memref<80x128xf32, #tpu.memory_space<vmem>>[vector<16xi32>, vector<16xi32>], vector<16xf32>,
        %get3A_1547 = arith.constant 13 : i32
        %get3A_1548 = arith.index_cast %get3A_1547 : i32 to index
        %get3A_1549 = arith.constant 112 : index
        %get3A_1550 = tpu.vector_load %arg13[%get3A_1548, %get3A_1549] {strides = array<i32>} : memref<16x128xi32, #tpu.memory_space<vmem>>, vector<16xi32>,
        %shift_right_logical3A_1551 = arith.constant 7 : i32
        %shift_right_logical3A_1552 = vector.broadcast %shift_right_logical3A_1551 : i32 to vector<16xi32>
        %shift_right_logical3A_1553 = arith.shrui %get3A_1550, %shift_right_logical3A_1552 : vector<16xi32>
        %and3A_1554 = arith.constant 127 : i32
        %and3A_1555 = vector.broadcast %and3A_1554 : i32 to vector<16xi32>
        %and3A_1556 = arith.andi %get3A_1550, %and3A_1555 : vector<16xi32>
        tpu.vector_store_idx %arg16[%shift_right_logical3A_1553, %and3A_1556], %broadcast_in_dim3A_8 {add = true} : memref<80x128xf32, #tpu.memory_space<vmem>>[vector<16xi32>, vector<16xi32>], vector<16xf32>,
        %dma_wait3A_1557 = arith.constant 13 : i32
        %dma_wait3A_1558 = arith.constant 0 : i32
        %dma_wait3A_1559 = tpu.memref_slice %arg13[%dma_wait3A_1557, %dma_wait3A_1558] : memref<16x128xi32, #tpu.memory_space<vmem>> -> memref<1x128xi32, #tpu.memory_space<vmem>>
        %dma_wait3A_1560 = tpu.memref_squeeze %dma_wait3A_1559 : memref<1x128xi32, #tpu.memory_space<vmem>> -> memref<128xi32, #tpu.memory_space<vmem>>
        %dma_wait3A_1561 = arith.constant 0 : i32
        %dma_wait3A_1562 = arith.constant 0 : i32
        %dma_wait3A_1563 = tpu.memref_slice %arg17[%dma_wait3A_1561, %dma_wait3A_1562] : memref<10240x128xf32, #tpu.memory_space<vmem_shared>> -> memref<10240x128xf32, #tpu.memory_space<vmem_shared>>
        tpu.wait_indirect_dma semaphore(%arg21 : memref<!tpu.dma_semaphore, #tpu.memory_space<semaphore_mem>>) src(%arg15 : memref<128x128xf32, #tpu.memory_space<vmem>>) dst(%dma_wait3A_1563 : memref<10240x128xf32, #tpu.memory_space<vmem_shared>>)
        %dma_start3A_1564 = arith.constant 15 : i32
        %dma_start3A_1565 = arith.constant 0 : i32
        %dma_start3A_1566 = tpu.memref_slice %arg12[%dma_start3A_1564, %dma_start3A_1565] : memref<16x128xi32, #tpu.memory_space<vmem>> -> memref<1x128xi32, #tpu.memory_space<vmem>>
        %dma_start3A_1567 = tpu.memref_squeeze %dma_start3A_1566 : memref<1x128xi32, #tpu.memory_space<vmem>> -> memref<128xi32, #tpu.memory_space<vmem>>
        %dma_start3A_1568 = arith.constant 0 : i32
        %dma_start3A_1569 = arith.constant 0 : i32
        %dma_start3A_1570 = tpu.memref_slice %arg6[%dma_start3A_1568, %dma_start3A_1569] : memref<10240x128xf32, #tpu.memory_space<hbm>> -> memref<10240x128xf32, #tpu.memory_space<hbm>>
        tpu.enqueue_indirect_dma source(%dma_start3A_1570 : memref<10240x128xf32, #tpu.memory_space<hbm>>) target(%arg15 : memref<128x128xf32, #tpu.memory_space<vmem>>) offsets(%dma_start3A_1567 : memref<128xi32, #tpu.memory_space<vmem>>) semaphore(%arg19 : memref<!tpu.dma_semaphore, #tpu.memory_space<semaphore_mem>>)
        %dma_wait3A_1571 = arith.constant 14 : i32
        %dma_wait3A_1572 = arith.constant 0 : i32
        %dma_wait3A_1573 = tpu.memref_slice %arg12[%dma_wait3A_1571, %dma_wait3A_1572] : memref<16x128xi32, #tpu.memory_space<vmem>> -> memref<1x128xi32, #tpu.memory_space<vmem>>
        %dma_wait3A_1574 = tpu.memref_squeeze %dma_wait3A_1573 : memref<1x128xi32, #tpu.memory_space<vmem>> -> memref<128xi32, #tpu.memory_space<vmem>>
        %dma_wait3A_1575 = arith.constant 0 : i32
        %dma_wait3A_1576 = arith.constant 0 : i32
        %dma_wait3A_1577 = tpu.memref_slice %arg6[%dma_wait3A_1575, %dma_wait3A_1576] : memref<10240x128xf32, #tpu.memory_space<hbm>> -> memref<10240x128xf32, #tpu.memory_space<hbm>>
        tpu.wait_indirect_dma semaphore(%arg18 : memref<!tpu.dma_semaphore, #tpu.memory_space<semaphore_mem>>) src(%dma_wait3A_1577 : memref<10240x128xf32, #tpu.memory_space<hbm>>) dst(%arg14 : memref<128x128xf32, #tpu.memory_space<vmem>>)
        %dma_start3A_1578 = arith.constant 14 : i32
        %dma_start3A_1579 = arith.constant 0 : i32
        %dma_start3A_1580 = tpu.memref_slice %arg13[%dma_start3A_1578, %dma_start3A_1579] : memref<16x128xi32, #tpu.memory_space<vmem>> -> memref<1x128xi32, #tpu.memory_space<vmem>>
        %dma_start3A_1581 = tpu.memref_squeeze %dma_start3A_1580 : memref<1x128xi32, #tpu.memory_space<vmem>> -> memref<128xi32, #tpu.memory_space<vmem>>
        %dma_start3A_1582 = arith.constant 0 : i32
        %dma_start3A_1583 = arith.constant 0 : i32
        %dma_start3A_1584 = tpu.memref_slice %arg17[%dma_start3A_1582, %dma_start3A_1583] : memref<10240x128xf32, #tpu.memory_space<vmem_shared>> -> memref<10240x128xf32, #tpu.memory_space<vmem_shared>>
        tpu.enqueue_indirect_dma source(%arg14 : memref<128x128xf32, #tpu.memory_space<vmem>>) target(%dma_start3A_1584 : memref<10240x128xf32, #tpu.memory_space<vmem_shared>>) offsets(%dma_start3A_1581 : memref<128xi32, #tpu.memory_space<vmem>>) semaphore(%arg20 : memref<!tpu.dma_semaphore, #tpu.memory_space<semaphore_mem>>) {add = true}
        %get3A_1585 = arith.constant 14 : i32
        %get3A_1586 = arith.index_cast %get3A_1585 : i32 to index
        %get3A_1587 = arith.constant 0 : index
        %get3A_1588 = tpu.vector_load %arg13[%get3A_1586, %get3A_1587] {strides = array<i32>} : memref<16x128xi32, #tpu.memory_space<vmem>>, vector<16xi32>,
        %shift_right_logical3A_1589 = arith.constant 7 : i32
        %shift_right_logical3A_1590 = vector.broadcast %shift_right_logical3A_1589 : i32 to vector<16xi32>
        %shift_right_logical3A_1591 = arith.shrui %get3A_1588, %shift_right_logical3A_1590 : vector<16xi32>
        %and3A_1592 = arith.constant 127 : i32
        %and3A_1593 = vector.broadcast %and3A_1592 : i32 to vector<16xi32>
        %and3A_1594 = arith.andi %get3A_1588, %and3A_1593 : vector<16xi32>
        tpu.vector_store_idx %arg16[%shift_right_logical3A_1591, %and3A_1594], %broadcast_in_dim3A_8 {add = true} : memref<80x128xf32, #tpu.memory_space<vmem>>[vector<16xi32>, vector<16xi32>], vector<16xf32>,
        %get3A_1595 = arith.constant 14 : i32
        %get3A_1596 = arith.index_cast %get3A_1595 : i32 to index
        %get3A_1597 = arith.constant 16 : index
        %get3A_1598 = tpu.vector_load %arg13[%get3A_1596, %get3A_1597] {strides = array<i32>} : memref<16x128xi32, #tpu.memory_space<vmem>>, vector<16xi32>,
        %shift_right_logical3A_1599 = arith.constant 7 : i32
        %shift_right_logical3A_1600 = vector.broadcast %shift_right_logical3A_1599 : i32 to vector<16xi32>
        %shift_right_logical3A_1601 = arith.shrui %get3A_1598, %shift_right_logical3A_1600 : vector<16xi32>
        %and3A_1602 = arith.constant 127 : i32
        %and3A_1603 = vector.broadcast %and3A_1602 : i32 to vector<16xi32>
        %and3A_1604 = arith.andi %get3A_1598, %and3A_1603 : vector<16xi32>
        tpu.vector_store_idx %arg16[%shift_right_logical3A_1601, %and3A_1604], %broadcast_in_dim3A_8 {add = true} : memref<80x128xf32, #tpu.memory_space<vmem>>[vector<16xi32>, vector<16xi32>], vector<16xf32>,
        %get3A_1605 = arith.constant 14 : i32
        %get3A_1606 = arith.index_cast %get3A_1605 : i32 to index
        %get3A_1607 = arith.constant 32 : index
        %get3A_1608 = tpu.vector_load %arg13[%get3A_1606, %get3A_1607] {strides = array<i32>} : memref<16x128xi32, #tpu.memory_space<vmem>>, vector<16xi32>,
        %shift_right_logical3A_1609 = arith.constant 7 : i32
        %shift_right_logical3A_1610 = vector.broadcast %shift_right_logical3A_1609 : i32 to vector<16xi32>
        %shift_right_logical3A_1611 = arith.shrui %get3A_1608, %shift_right_logical3A_1610 : vector<16xi32>
        %and3A_1612 = arith.constant 127 : i32
        %and3A_1613 = vector.broadcast %and3A_1612 : i32 to vector<16xi32>
        %and3A_1614 = arith.andi %get3A_1608, %and3A_1613 : vector<16xi32>
        tpu.vector_store_idx %arg16[%shift_right_logical3A_1611, %and3A_1614], %broadcast_in_dim3A_8 {add = true} : memref<80x128xf32, #tpu.memory_space<vmem>>[vector<16xi32>, vector<16xi32>], vector<16xf32>,
        %get3A_1615 = arith.constant 14 : i32
        %get3A_1616 = arith.index_cast %get3A_1615 : i32 to index
        %get3A_1617 = arith.constant 48 : index
        %get3A_1618 = tpu.vector_load %arg13[%get3A_1616, %get3A_1617] {strides = array<i32>} : memref<16x128xi32, #tpu.memory_space<vmem>>, vector<16xi32>,
        %shift_right_logical3A_1619 = arith.constant 7 : i32
        %shift_right_logical3A_1620 = vector.broadcast %shift_right_logical3A_1619 : i32 to vector<16xi32>
        %shift_right_logical3A_1621 = arith.shrui %get3A_1618, %shift_right_logical3A_1620 : vector<16xi32>
        %and3A_1622 = arith.constant 127 : i32
        %and3A_1623 = vector.broadcast %and3A_1622 : i32 to vector<16xi32>
        %and3A_1624 = arith.andi %get3A_1618, %and3A_1623 : vector<16xi32>
        tpu.vector_store_idx %arg16[%shift_right_logical3A_1621, %and3A_1624], %broadcast_in_dim3A_8 {add = true} : memref<80x128xf32, #tpu.memory_space<vmem>>[vector<16xi32>, vector<16xi32>], vector<16xf32>,
        %get3A_1625 = arith.constant 14 : i32
        %get3A_1626 = arith.index_cast %get3A_1625 : i32 to index
        %get3A_1627 = arith.constant 64 : index
        %get3A_1628 = tpu.vector_load %arg13[%get3A_1626, %get3A_1627] {strides = array<i32>} : memref<16x128xi32, #tpu.memory_space<vmem>>, vector<16xi32>,
        %shift_right_logical3A_1629 = arith.constant 7 : i32
        %shift_right_logical3A_1630 = vector.broadcast %shift_right_logical3A_1629 : i32 to vector<16xi32>
        %shift_right_logical3A_1631 = arith.shrui %get3A_1628, %shift_right_logical3A_1630 : vector<16xi32>
        %and3A_1632 = arith.constant 127 : i32
        %and3A_1633 = vector.broadcast %and3A_1632 : i32 to vector<16xi32>
        %and3A_1634 = arith.andi %get3A_1628, %and3A_1633 : vector<16xi32>
        tpu.vector_store_idx %arg16[%shift_right_logical3A_1631, %and3A_1634], %broadcast_in_dim3A_8 {add = true} : memref<80x128xf32, #tpu.memory_space<vmem>>[vector<16xi32>, vector<16xi32>], vector<16xf32>,
        %get3A_1635 = arith.constant 14 : i32
        %get3A_1636 = arith.index_cast %get3A_1635 : i32 to index
        %get3A_1637 = arith.constant 80 : index
        %get3A_1638 = tpu.vector_load %arg13[%get3A_1636, %get3A_1637] {strides = array<i32>} : memref<16x128xi32, #tpu.memory_space<vmem>>, vector<16xi32>,
        %shift_right_logical3A_1639 = arith.constant 7 : i32
        %shift_right_logical3A_1640 = vector.broadcast %shift_right_logical3A_1639 : i32 to vector<16xi32>
        %shift_right_logical3A_1641 = arith.shrui %get3A_1638, %shift_right_logical3A_1640 : vector<16xi32>
        %and3A_1642 = arith.constant 127 : i32
        %and3A_1643 = vector.broadcast %and3A_1642 : i32 to vector<16xi32>
        %and3A_1644 = arith.andi %get3A_1638, %and3A_1643 : vector<16xi32>
        tpu.vector_store_idx %arg16[%shift_right_logical3A_1641, %and3A_1644], %broadcast_in_dim3A_8 {add = true} : memref<80x128xf32, #tpu.memory_space<vmem>>[vector<16xi32>, vector<16xi32>], vector<16xf32>,
        %get3A_1645 = arith.constant 14 : i32
        %get3A_1646 = arith.index_cast %get3A_1645 : i32 to index
        %get3A_1647 = arith.constant 96 : index
        %get3A_1648 = tpu.vector_load %arg13[%get3A_1646, %get3A_1647] {strides = array<i32>} : memref<16x128xi32, #tpu.memory_space<vmem>>, vector<16xi32>,
        %shift_right_logical3A_1649 = arith.constant 7 : i32
        %shift_right_logical3A_1650 = vector.broadcast %shift_right_logical3A_1649 : i32 to vector<16xi32>
        %shift_right_logical3A_1651 = arith.shrui %get3A_1648, %shift_right_logical3A_1650 : vector<16xi32>
        %and3A_1652 = arith.constant 127 : i32
        %and3A_1653 = vector.broadcast %and3A_1652 : i32 to vector<16xi32>
        %and3A_1654 = arith.andi %get3A_1648, %and3A_1653 : vector<16xi32>
        tpu.vector_store_idx %arg16[%shift_right_logical3A_1651, %and3A_1654], %broadcast_in_dim3A_8 {add = true} : memref<80x128xf32, #tpu.memory_space<vmem>>[vector<16xi32>, vector<16xi32>], vector<16xf32>,
        %get3A_1655 = arith.constant 14 : i32
        %get3A_1656 = arith.index_cast %get3A_1655 : i32 to index
        %get3A_1657 = arith.constant 112 : index
        %get3A_1658 = tpu.vector_load %arg13[%get3A_1656, %get3A_1657] {strides = array<i32>} : memref<16x128xi32, #tpu.memory_space<vmem>>, vector<16xi32>,
        %shift_right_logical3A_1659 = arith.constant 7 : i32
        %shift_right_logical3A_1660 = vector.broadcast %shift_right_logical3A_1659 : i32 to vector<16xi32>
        %shift_right_logical3A_1661 = arith.shrui %get3A_1658, %shift_right_logical3A_1660 : vector<16xi32>
        %and3A_1662 = arith.constant 127 : i32
        %and3A_1663 = vector.broadcast %and3A_1662 : i32 to vector<16xi32>
        %and3A_1664 = arith.andi %get3A_1658, %and3A_1663 : vector<16xi32>
        tpu.vector_store_idx %arg16[%shift_right_logical3A_1661, %and3A_1664], %broadcast_in_dim3A_8 {add = true} : memref<80x128xf32, #tpu.memory_space<vmem>>[vector<16xi32>, vector<16xi32>], vector<16xf32>,
        %dma_wait3A_1665 = arith.constant 15 : i32
        %dma_wait3A_1666 = arith.constant 0 : i32
        %dma_wait3A_1667 = tpu.memref_slice %arg12[%dma_wait3A_1665, %dma_wait3A_1666] : memref<16x128xi32, #tpu.memory_space<vmem>> -> memref<1x128xi32, #tpu.memory_space<vmem>>
        %dma_wait3A_1668 = tpu.memref_squeeze %dma_wait3A_1667 : memref<1x128xi32, #tpu.memory_space<vmem>> -> memref<128xi32, #tpu.memory_space<vmem>>
        %dma_wait3A_1669 = arith.constant 0 : i32
        %dma_wait3A_1670 = arith.constant 0 : i32
        %dma_wait3A_1671 = tpu.memref_slice %arg6[%dma_wait3A_1669, %dma_wait3A_1670] : memref<10240x128xf32, #tpu.memory_space<hbm>> -> memref<10240x128xf32, #tpu.memory_space<hbm>>
        tpu.wait_indirect_dma semaphore(%arg19 : memref<!tpu.dma_semaphore, #tpu.memory_space<semaphore_mem>>) src(%dma_wait3A_1671 : memref<10240x128xf32, #tpu.memory_space<hbm>>) dst(%arg15 : memref<128x128xf32, #tpu.memory_space<vmem>>)
        %dma_start3A_1672 = arith.constant 15 : i32
        %dma_start3A_1673 = arith.constant 0 : i32
        %dma_start3A_1674 = tpu.memref_slice %arg13[%dma_start3A_1672, %dma_start3A_1673] : memref<16x128xi32, #tpu.memory_space<vmem>> -> memref<1x128xi32, #tpu.memory_space<vmem>>
        %dma_start3A_1675 = tpu.memref_squeeze %dma_start3A_1674 : memref<1x128xi32, #tpu.memory_space<vmem>> -> memref<128xi32, #tpu.memory_space<vmem>>
        %dma_start3A_1676 = arith.constant 0 : i32
        %dma_start3A_1677 = arith.constant 0 : i32
        %dma_start3A_1678 = tpu.memref_slice %arg17[%dma_start3A_1676, %dma_start3A_1677] : memref<10240x128xf32, #tpu.memory_space<vmem_shared>> -> memref<10240x128xf32, #tpu.memory_space<vmem_shared>>
        tpu.enqueue_indirect_dma source(%arg15 : memref<128x128xf32, #tpu.memory_space<vmem>>) target(%dma_start3A_1678 : memref<10240x128xf32, #tpu.memory_space<vmem_shared>>) offsets(%dma_start3A_1675 : memref<128xi32, #tpu.memory_space<vmem>>) semaphore(%arg21 : memref<!tpu.dma_semaphore, #tpu.memory_space<semaphore_mem>>) {add = true}
        %get3A_1679 = arith.constant 15 : i32
        %get3A_1680 = arith.index_cast %get3A_1679 : i32 to index
        %get3A_1681 = arith.constant 0 : index
        %get3A_1682 = tpu.vector_load %arg13[%get3A_1680, %get3A_1681] {strides = array<i32>} : memref<16x128xi32, #tpu.memory_space<vmem>>, vector<16xi32>,
        %shift_right_logical3A_1683 = arith.constant 7 : i32
        %shift_right_logical3A_1684 = vector.broadcast %shift_right_logical3A_1683 : i32 to vector<16xi32>
        %shift_right_logical3A_1685 = arith.shrui %get3A_1682, %shift_right_logical3A_1684 : vector<16xi32>
        %and3A_1686 = arith.constant 127 : i32
        %and3A_1687 = vector.broadcast %and3A_1686 : i32 to vector<16xi32>
        %and3A_1688 = arith.andi %get3A_1682, %and3A_1687 : vector<16xi32>
        tpu.vector_store_idx %arg16[%shift_right_logical3A_1685, %and3A_1688], %broadcast_in_dim3A_8 {add = true} : memref<80x128xf32, #tpu.memory_space<vmem>>[vector<16xi32>, vector<16xi32>], vector<16xf32>,
        %get3A_1689 = arith.constant 15 : i32
        %get3A_1690 = arith.index_cast %get3A_1689 : i32 to index
        %get3A_1691 = arith.constant 16 : index
        %get3A_1692 = tpu.vector_load %arg13[%get3A_1690, %get3A_1691] {strides = array<i32>} : memref<16x128xi32, #tpu.memory_space<vmem>>, vector<16xi32>,
        %shift_right_logical3A_1693 = arith.constant 7 : i32
        %shift_right_logical3A_1694 = vector.broadcast %shift_right_logical3A_1693 : i32 to vector<16xi32>
        %shift_right_logical3A_1695 = arith.shrui %get3A_1692, %shift_right_logical3A_1694 : vector<16xi32>
        %and3A_1696 = arith.constant 127 : i32
        %and3A_1697 = vector.broadcast %and3A_1696 : i32 to vector<16xi32>
        %and3A_1698 = arith.andi %get3A_1692, %and3A_1697 : vector<16xi32>
        tpu.vector_store_idx %arg16[%shift_right_logical3A_1695, %and3A_1698], %broadcast_in_dim3A_8 {add = true} : memref<80x128xf32, #tpu.memory_space<vmem>>[vector<16xi32>, vector<16xi32>], vector<16xf32>,
        %get3A_1699 = arith.constant 15 : i32
        %get3A_1700 = arith.index_cast %get3A_1699 : i32 to index
        %get3A_1701 = arith.constant 32 : index
        %get3A_1702 = tpu.vector_load %arg13[%get3A_1700, %get3A_1701] {strides = array<i32>} : memref<16x128xi32, #tpu.memory_space<vmem>>, vector<16xi32>,
        %shift_right_logical3A_1703 = arith.constant 7 : i32
        %shift_right_logical3A_1704 = vector.broadcast %shift_right_logical3A_1703 : i32 to vector<16xi32>
        %shift_right_logical3A_1705 = arith.shrui %get3A_1702, %shift_right_logical3A_1704 : vector<16xi32>
        %and3A_1706 = arith.constant 127 : i32
        %and3A_1707 = vector.broadcast %and3A_1706 : i32 to vector<16xi32>
        %and3A_1708 = arith.andi %get3A_1702, %and3A_1707 : vector<16xi32>
        tpu.vector_store_idx %arg16[%shift_right_logical3A_1705, %and3A_1708], %broadcast_in_dim3A_8 {add = true} : memref<80x128xf32, #tpu.memory_space<vmem>>[vector<16xi32>, vector<16xi32>], vector<16xf32>,
        %get3A_1709 = arith.constant 15 : i32
        %get3A_1710 = arith.index_cast %get3A_1709 : i32 to index
        %get3A_1711 = arith.constant 48 : index
        %get3A_1712 = tpu.vector_load %arg13[%get3A_1710, %get3A_1711] {strides = array<i32>} : memref<16x128xi32, #tpu.memory_space<vmem>>, vector<16xi32>,
        %shift_right_logical3A_1713 = arith.constant 7 : i32
        %shift_right_logical3A_1714 = vector.broadcast %shift_right_logical3A_1713 : i32 to vector<16xi32>
        %shift_right_logical3A_1715 = arith.shrui %get3A_1712, %shift_right_logical3A_1714 : vector<16xi32>
        %and3A_1716 = arith.constant 127 : i32
        %and3A_1717 = vector.broadcast %and3A_1716 : i32 to vector<16xi32>
        %and3A_1718 = arith.andi %get3A_1712, %and3A_1717 : vector<16xi32>
        tpu.vector_store_idx %arg16[%shift_right_logical3A_1715, %and3A_1718], %broadcast_in_dim3A_8 {add = true} : memref<80x128xf32, #tpu.memory_space<vmem>>[vector<16xi32>, vector<16xi32>], vector<16xf32>,
        %get3A_1719 = arith.constant 15 : i32
        %get3A_1720 = arith.index_cast %get3A_1719 : i32 to index
        %get3A_1721 = arith.constant 64 : index
        %get3A_1722 = tpu.vector_load %arg13[%get3A_1720, %get3A_1721] {strides = array<i32>} : memref<16x128xi32, #tpu.memory_space<vmem>>, vector<16xi32>,
        %shift_right_logical3A_1723 = arith.constant 7 : i32
        %shift_right_logical3A_1724 = vector.broadcast %shift_right_logical3A_1723 : i32 to vector<16xi32>
        %shift_right_logical3A_1725 = arith.shrui %get3A_1722, %shift_right_logical3A_1724 : vector<16xi32>
        %and3A_1726 = arith.constant 127 : i32
        %and3A_1727 = vector.broadcast %and3A_1726 : i32 to vector<16xi32>
        %and3A_1728 = arith.andi %get3A_1722, %and3A_1727 : vector<16xi32>
        tpu.vector_store_idx %arg16[%shift_right_logical3A_1725, %and3A_1728], %broadcast_in_dim3A_8 {add = true} : memref<80x128xf32, #tpu.memory_space<vmem>>[vector<16xi32>, vector<16xi32>], vector<16xf32>,
        %get3A_1729 = arith.constant 15 : i32
        %get3A_1730 = arith.index_cast %get3A_1729 : i32 to index
        %get3A_1731 = arith.constant 80 : index
        %get3A_1732 = tpu.vector_load %arg13[%get3A_1730, %get3A_1731] {strides = array<i32>} : memref<16x128xi32, #tpu.memory_space<vmem>>, vector<16xi32>,
        %shift_right_logical3A_1733 = arith.constant 7 : i32
        %shift_right_logical3A_1734 = vector.broadcast %shift_right_logical3A_1733 : i32 to vector<16xi32>
        %shift_right_logical3A_1735 = arith.shrui %get3A_1732, %shift_right_logical3A_1734 : vector<16xi32>
        %and3A_1736 = arith.constant 127 : i32
        %and3A_1737 = vector.broadcast %and3A_1736 : i32 to vector<16xi32>
        %and3A_1738 = arith.andi %get3A_1732, %and3A_1737 : vector<16xi32>
        tpu.vector_store_idx %arg16[%shift_right_logical3A_1735, %and3A_1738], %broadcast_in_dim3A_8 {add = true} : memref<80x128xf32, #tpu.memory_space<vmem>>[vector<16xi32>, vector<16xi32>], vector<16xf32>,
        %get3A_1739 = arith.constant 15 : i32
        %get3A_1740 = arith.index_cast %get3A_1739 : i32 to index
        %get3A_1741 = arith.constant 96 : index
        %get3A_1742 = tpu.vector_load %arg13[%get3A_1740, %get3A_1741] {strides = array<i32>} : memref<16x128xi32, #tpu.memory_space<vmem>>, vector<16xi32>,
        %shift_right_logical3A_1743 = arith.constant 7 : i32
        %shift_right_logical3A_1744 = vector.broadcast %shift_right_logical3A_1743 : i32 to vector<16xi32>
        %shift_right_logical3A_1745 = arith.shrui %get3A_1742, %shift_right_logical3A_1744 : vector<16xi32>
        %and3A_1746 = arith.constant 127 : i32
        %and3A_1747 = vector.broadcast %and3A_1746 : i32 to vector<16xi32>
        %and3A_1748 = arith.andi %get3A_1742, %and3A_1747 : vector<16xi32>
        tpu.vector_store_idx %arg16[%shift_right_logical3A_1745, %and3A_1748], %broadcast_in_dim3A_8 {add = true} : memref<80x128xf32, #tpu.memory_space<vmem>>[vector<16xi32>, vector<16xi32>], vector<16xf32>,
        %get3A_1749 = arith.constant 15 : i32
        %get3A_1750 = arith.index_cast %get3A_1749 : i32 to index
        %get3A_1751 = arith.constant 112 : index
        %get3A_1752 = tpu.vector_load %arg13[%get3A_1750, %get3A_1751] {strides = array<i32>} : memref<16x128xi32, #tpu.memory_space<vmem>>, vector<16xi32>,
        %shift_right_logical3A_1753 = arith.constant 7 : i32
        %shift_right_logical3A_1754 = vector.broadcast %shift_right_logical3A_1753 : i32 to vector<16xi32>
        %shift_right_logical3A_1755 = arith.shrui %get3A_1752, %shift_right_logical3A_1754 : vector<16xi32>
        %and3A_1756 = arith.constant 127 : i32
        %and3A_1757 = vector.broadcast %and3A_1756 : i32 to vector<16xi32>
        %and3A_1758 = arith.andi %get3A_1752, %and3A_1757 : vector<16xi32>
        tpu.vector_store_idx %arg16[%shift_right_logical3A_1755, %and3A_1758], %broadcast_in_dim3A_8 {add = true} : memref<80x128xf32, #tpu.memory_space<vmem>>[vector<16xi32>, vector<16xi32>], vector<16xf32>,
        %dma_wait3A_1759 = arith.constant 14 : i32
        %dma_wait3A_1760 = arith.constant 0 : i32
        %dma_wait3A_1761 = tpu.memref_slice %arg13[%dma_wait3A_1759, %dma_wait3A_1760] : memref<16x128xi32, #tpu.memory_space<vmem>> -> memref<1x128xi32, #tpu.memory_space<vmem>>
        %dma_wait3A_1762 = tpu.memref_squeeze %dma_wait3A_1761 : memref<1x128xi32, #tpu.memory_space<vmem>> -> memref<128xi32, #tpu.memory_space<vmem>>
        %dma_wait3A_1763 = arith.constant 0 : i32
        %dma_wait3A_1764 = arith.constant 0 : i32
        %dma_wait3A_1765 = tpu.memref_slice %arg17[%dma_wait3A_1763, %dma_wait3A_1764] : memref<10240x128xf32, #tpu.memory_space<vmem_shared>> -> memref<10240x128xf32, #tpu.memory_space<vmem_shared>>
        tpu.wait_indirect_dma semaphore(%arg20 : memref<!tpu.dma_semaphore, #tpu.memory_space<semaphore_mem>>) src(%arg14 : memref<128x128xf32, #tpu.memory_space<vmem>>) dst(%dma_wait3A_1765 : memref<10240x128xf32, #tpu.memory_space<vmem_shared>>)
        %dma_wait3A_1766 = arith.constant 15 : i32
        %dma_wait3A_1767 = arith.constant 0 : i32
        %dma_wait3A_1768 = tpu.memref_slice %arg13[%dma_wait3A_1766, %dma_wait3A_1767] : memref<16x128xi32, #tpu.memory_space<vmem>> -> memref<1x128xi32, #tpu.memory_space<vmem>>
        %dma_wait3A_1769 = tpu.memref_squeeze %dma_wait3A_1768 : memref<1x128xi32, #tpu.memory_space<vmem>> -> memref<128xi32, #tpu.memory_space<vmem>>
        %dma_wait3A_1770 = arith.constant 0 : i32
        %dma_wait3A_1771 = arith.constant 0 : i32
        %dma_wait3A_1772 = tpu.memref_slice %arg17[%dma_wait3A_1770, %dma_wait3A_1771] : memref<10240x128xf32, #tpu.memory_space<vmem_shared>> -> memref<10240x128xf32, #tpu.memory_space<vmem_shared>>
        tpu.wait_indirect_dma semaphore(%arg21 : memref<!tpu.dma_semaphore, #tpu.memory_space<semaphore_mem>>) src(%arg15 : memref<128x128xf32, #tpu.memory_space<vmem>>) dst(%dma_wait3A_1772 : memref<10240x128xf32, #tpu.memory_space<vmem_shared>>)
        %scan3A_1773 = arith.constant 0 : i32
        scf.yield %scan3A_1773 : i32
      }
      %scan3A_44 = arith.constant 10 : i32
    } else {
    }
    %barrier3A_26 = arith.constant 0 : index
    tpu.barrier barrier_id(%barrier3A_26)
    %eq3A_27 = arith.constant 0 : i32
    %eq3A_28 = arith.cmpi eq, %arg0, %eq3A_27 : i32
    %convert_element_type3A_29 = arith.extui %eq3A_28 : i1 to i32
    %cond3A_30 = arith.constant 0 : i32
    %cond3A_31 = arith.cmpi ne, %convert_element_type3A_29, %cond3A_30 : i32
    scf.if %cond3A_31 {
      %mul3A = arith.constant 640 : i32
      %mul3A_38 = arith.muli %arg1, %mul3A : i32
      %mul3A_39 = arith.constant 640 : i32
      %mul3A_40 = arith.muli %arg1, %mul3A_39 : i32
      "tpu.region"() ({
        %run_scoped3A = tpu.sem_alloc : memref<!tpu.dma_semaphore, #tpu.memory_space<semaphore_mem>>
        %dma_start3A = arith.constant 0 : i32
        %dma_start3A_41 = tpu.memref_slice %arg8[%mul3A_40, %dma_start3A] : memref<10240x128xf32, #tpu.memory_space<hbm>> -> memref<640x128xf32, #tpu.memory_space<hbm>>
        %dma_start3A_42 = arith.constant 0 : i32
        %dma_start3A_43 = tpu.memref_slice %arg17[%mul3A_38, %dma_start3A_42] : memref<10240x128xf32, #tpu.memory_space<vmem_shared>> -> memref<640x128xf32, #tpu.memory_space<vmem_shared>>
        tpu.enqueue_dma source(%dma_start3A_43 : memref<640x128xf32, #tpu.memory_space<vmem_shared>>) target(%dma_start3A_41 : memref<640x128xf32, #tpu.memory_space<hbm>>) target_semaphore(%run_scoped3A : memref<!tpu.dma_semaphore, #tpu.memory_space<semaphore_mem>>)
        %dma_wait3A = arith.constant 0 : i32
        %dma_wait3A_44 = tpu.memref_slice %arg8[%mul3A_40, %dma_wait3A] : memref<10240x128xf32, #tpu.memory_space<hbm>> -> memref<640x128xf32, #tpu.memory_space<hbm>>
        %dma_wait3A_45 = arith.constant 0 : i32
        %dma_wait3A_46 = tpu.memref_slice %arg17[%mul3A_38, %dma_wait3A_45] : memref<10240x128xf32, #tpu.memory_space<vmem_shared>> -> memref<640x128xf32, #tpu.memory_space<vmem_shared>>
        tpu.wait_dma2 semaphore(%run_scoped3A : memref<!tpu.dma_semaphore, #tpu.memory_space<semaphore_mem>>) src(%dma_wait3A_46 : memref<640x128xf32, #tpu.memory_space<vmem_shared>>) dst(%dma_wait3A_44 : memref<640x128xf32, #tpu.memory_space<hbm>>)
        tpu.yield
      }) : () -> ()
      "tpu.region"() ({
        %run_scoped3A = tpu.sem_alloc : memref<!tpu.dma_semaphore, #tpu.memory_space<semaphore_mem>>
        %dma_start3A = arith.constant 0 : i32
        %dma_start3A_41 = arith.constant 0 : i32
        %dma_start3A_42 = tpu.memref_slice %arg9[%arg1, %dma_start3A, %dma_start3A_41] : memref<16x80x128xf32, #tpu.memory_space<hbm>> -> memref<1x80x128xf32, #tpu.memory_space<hbm>>
        %dma_start3A_43 = tpu.memref_squeeze %dma_start3A_42 : memref<1x80x128xf32, #tpu.memory_space<hbm>> -> memref<80x128xf32, #tpu.memory_space<hbm>>
        %dma_start3A_44 = arith.constant 0 : i32
        %dma_start3A_45 = arith.constant 0 : i32
        %dma_start3A_46 = tpu.memref_slice %arg9[%arg1, %dma_start3A_44, %dma_start3A_45] : memref<16x80x128xf32, #tpu.memory_space<hbm>> -> memref<1x80x128xf32, #tpu.memory_space<hbm>>
        %dma_start3A_47 = tpu.memref_squeeze %dma_start3A_46 : memref<1x80x128xf32, #tpu.memory_space<hbm>> -> memref<80x128xf32, #tpu.memory_space<hbm>>
        tpu.enqueue_dma source(%arg16 : memref<80x128xf32, #tpu.memory_space<vmem>>) target(%dma_start3A_47 : memref<80x128xf32, #tpu.memory_space<hbm>>) target_semaphore(%run_scoped3A : memref<!tpu.dma_semaphore, #tpu.memory_space<semaphore_mem>>)
        %dma_wait3A = arith.constant 0 : i32
        %dma_wait3A_48 = arith.constant 0 : i32
        %dma_wait3A_49 = tpu.memref_slice %arg9[%arg1, %dma_wait3A, %dma_wait3A_48] : memref<16x80x128xf32, #tpu.memory_space<hbm>> -> memref<1x80x128xf32, #tpu.memory_space<hbm>>
        %dma_wait3A_50 = tpu.memref_squeeze %dma_wait3A_49 : memref<1x80x128xf32, #tpu.memory_space<hbm>> -> memref<80x128xf32, #tpu.memory_space<hbm>>
        %dma_wait3A_51 = arith.constant 0 : i32
        %dma_wait3A_52 = arith.constant 0 : i32
        %dma_wait3A_53 = tpu.memref_slice %arg9[%arg1, %dma_wait3A_51, %dma_wait3A_52] : memref<16x80x128xf32, #tpu.memory_space<hbm>> -> memref<1x80x128xf32, #tpu.memory_space<hbm>>
        %dma_wait3A_54 = tpu.memref_squeeze %dma_wait3A_53 : memref<1x80x128xf32, #tpu.memory_space<hbm>> -> memref<80x128xf32, #tpu.memory_space<hbm>>
        tpu.wait_dma2 semaphore(%run_scoped3A : memref<!tpu.dma_semaphore, #tpu.memory_space<semaphore_mem>>) src(%arg16 : memref<80x128xf32, #tpu.memory_space<vmem>>) dst(%dma_wait3A_54 : memref<80x128xf32, #tpu.memory_space<hbm>>)
        tpu.yield
      }) : () -> ()
    } else {
    }
    %eq3A_32 = arith.constant 1 : i32
    %eq3A_33 = arith.cmpi eq, %arg0, %eq3A_32 : i32
    %convert_element_type3A_34 = arith.extui %eq3A_33 : i1 to i32
    %cond3A_35 = arith.constant 0 : i32
    %cond3A_36 = arith.cmpi ne, %convert_element_type3A_34, %cond3A_35 : i32
    scf.if %cond3A_36 {
      %mul3A = arith.constant 640 : i32
      %mul3A_38 = arith.muli %arg1, %mul3A : i32
      %mul3A_39 = arith.constant 640 : i32
      %mul3A_40 = arith.muli %arg1, %mul3A_39 : i32
      "tpu.region"() ({
        %run_scoped3A = tpu.sem_alloc : memref<!tpu.dma_semaphore, #tpu.memory_space<semaphore_mem>>
        %dma_start3A = arith.constant 0 : i32
        %dma_start3A_41 = tpu.memref_slice %arg10[%mul3A_40, %dma_start3A] : memref<10240x128xf32, #tpu.memory_space<hbm>> -> memref<640x128xf32, #tpu.memory_space<hbm>>
        %dma_start3A_42 = arith.constant 0 : i32
        %dma_start3A_43 = tpu.memref_slice %arg17[%mul3A_38, %dma_start3A_42] : memref<10240x128xf32, #tpu.memory_space<vmem_shared>> -> memref<640x128xf32, #tpu.memory_space<vmem_shared>>
        tpu.enqueue_dma source(%dma_start3A_43 : memref<640x128xf32, #tpu.memory_space<vmem_shared>>) target(%dma_start3A_41 : memref<640x128xf32, #tpu.memory_space<hbm>>) target_semaphore(%run_scoped3A : memref<!tpu.dma_semaphore, #tpu.memory_space<semaphore_mem>>)
        %dma_wait3A = arith.constant 0 : i32
        %dma_wait3A_44 = tpu.memref_slice %arg10[%mul3A_40, %dma_wait3A] : memref<10240x128xf32, #tpu.memory_space<hbm>> -> memref<640x128xf32, #tpu.memory_space<hbm>>
        %dma_wait3A_45 = arith.constant 0 : i32
        %dma_wait3A_46 = tpu.memref_slice %arg17[%mul3A_38, %dma_wait3A_45] : memref<10240x128xf32, #tpu.memory_space<vmem_shared>> -> memref<640x128xf32, #tpu.memory_space<vmem_shared>>
        tpu.wait_dma2 semaphore(%run_scoped3A : memref<!tpu.dma_semaphore, #tpu.memory_space<semaphore_mem>>) src(%dma_wait3A_46 : memref<640x128xf32, #tpu.memory_space<vmem_shared>>) dst(%dma_wait3A_44 : memref<640x128xf32, #tpu.memory_space<hbm>>)
        tpu.yield
      }) : () -> ()
      "tpu.region"() ({
        %run_scoped3A = tpu.sem_alloc : memref<!tpu.dma_semaphore, #tpu.memory_space<semaphore_mem>>
        %dma_start3A = arith.constant 0 : i32
        %dma_start3A_41 = arith.constant 0 : i32
        %dma_start3A_42 = tpu.memref_slice %arg11[%arg1, %dma_start3A, %dma_start3A_41] : memref<16x80x128xf32, #tpu.memory_space<hbm>> -> memref<1x80x128xf32, #tpu.memory_space<hbm>>
        %dma_start3A_43 = tpu.memref_squeeze %dma_start3A_42 : memref<1x80x128xf32, #tpu.memory_space<hbm>> -> memref<80x128xf32, #tpu.memory_space<hbm>>
        %dma_start3A_44 = arith.constant 0 : i32
        %dma_start3A_45 = arith.constant 0 : i32
        %dma_start3A_46 = tpu.memref_slice %arg11[%arg1, %dma_start3A_44, %dma_start3A_45] : memref<16x80x128xf32, #tpu.memory_space<hbm>> -> memref<1x80x128xf32, #tpu.memory_space<hbm>>
        %dma_start3A_47 = tpu.memref_squeeze %dma_start3A_46 : memref<1x80x128xf32, #tpu.memory_space<hbm>> -> memref<80x128xf32, #tpu.memory_space<hbm>>
        tpu.enqueue_dma source(%arg16 : memref<80x128xf32, #tpu.memory_space<vmem>>) target(%dma_start3A_47 : memref<80x128xf32, #tpu.memory_space<hbm>>) target_semaphore(%run_scoped3A : memref<!tpu.dma_semaphore, #tpu.memory_space<semaphore_mem>>)
        %dma_wait3A = arith.constant 0 : i32
        %dma_wait3A_48 = arith.constant 0 : i32
        %dma_wait3A_49 = tpu.memref_slice %arg11[%arg1, %dma_wait3A, %dma_wait3A_48] : memref<16x80x128xf32, #tpu.memory_space<hbm>> -> memref<1x80x128xf32, #tpu.memory_space<hbm>>
        %dma_wait3A_50 = tpu.memref_squeeze %dma_wait3A_49 : memref<1x80x128xf32, #tpu.memory_space<hbm>> -> memref<80x128xf32, #tpu.memory_space<hbm>>
        %dma_wait3A_51 = arith.constant 0 : i32
        %dma_wait3A_52 = arith.constant 0 : i32
        %dma_wait3A_53 = tpu.memref_slice %arg11[%arg1, %dma_wait3A_51, %dma_wait3A_52] : memref<16x80x128xf32, #tpu.memory_space<hbm>> -> memref<1x80x128xf32, #tpu.memory_space<hbm>>
        %dma_wait3A_54 = tpu.memref_squeeze %dma_wait3A_53 : memref<1x80x128xf32, #tpu.memory_space<hbm>> -> memref<80x128xf32, #tpu.memory_space<hbm>>
        tpu.wait_dma2 semaphore(%run_scoped3A : memref<!tpu.dma_semaphore, #tpu.memory_space<semaphore_mem>>) src(%arg16 : memref<80x128xf32, #tpu.memory_space<vmem>>) dst(%dma_wait3A_54 : memref<80x128xf32, #tpu.memory_space<hbm>>)
        tpu.yield
      }) : () -> ()
    } else {
    }
    %barrier3A_37 = arith.constant 0 : index
    tpu.barrier barrier_id(%barrier3A_37)
    return
  }
}

module attributes {stable_mosaic.version = 14 : i64} {
  func.func @_prologue_body(%arg0: memref<10000x128xf32, #tpu.memory_space<vmem>>, %arg1: memref<10000x128xf32, #tpu.memory_space<vmem>>, %arg2: memref<10000x128xf32, #tpu.memory_space<vmem>>, %arg3: memref<2500x128xf32, #tpu.memory_space<vmem>>, %arg4: memref<2500x128xf32, #tpu.memory_space<vmem>>, %arg5: memref<2500x128xi32, #tpu.memory_space<vmem>>, %arg6: memref<10240x128xf32, #tpu.memory_space<vmem>>, %arg7: memref<10240x128xf32, #tpu.memory_space<vmem>>, %arg8: memref<2560x128xi32, #tpu.memory_space<vmem>>, %arg9: memref<2560x128xi32, #tpu.memory_space<vmem>>) attributes {dimension_semantics = [], scalar_prefetch = 0 : i64, scratch_operands = 0 : i64, tpu.core_type = #tpu.core_type<tc>} {
    %get3A = arith.constant 0 : index
    %get3A_0 = arith.constant 0 : index
    %get3A_1 = vector.load %arg0[%get3A, %get3A_0] : memref<10000x128xf32, #tpu.memory_space<vmem>>, vector<10000x128xf32>
    %broadcast_in_dim3A = arith.constant 0.000000e+00 : f32
    %broadcast_in_dim3A_2 = vector.broadcast %broadcast_in_dim3A : f32 to vector<240x128xf32>
    %get3A_3 = arith.constant 0 : index
    %get3A_4 = arith.constant 0 : index
    %get3A_5 = vector.load %arg1[%get3A_3, %get3A_4] : memref<10000x128xf32, #tpu.memory_space<vmem>>, vector<10000x128xf32>
    %gt3A = arith.constant 2.000000e-01 : f32
    %gt3A_6 = vector.broadcast %gt3A : f32 to vector<10000x128xf32>
    %gt3A_7 = arith.cmpf ogt, %get3A_5, %gt3A_6 : vector<10000x128xf32>
    %convert_element_type3A = arith.extui %gt3A_7 : vector<10000x128xi1> to vector<10000x128xi32>
    %convert_element_type3A_8 = arith.sitofp %convert_element_type3A : vector<10000x128xi32> to vector<10000x128xf32>
    %mul3A = arith.mulf %get3A_1, %convert_element_type3A_8 : vector<10000x128xf32>
    %get3A_9 = arith.constant 0 : index
    %get3A_10 = arith.constant 0 : index
    %get3A_11 = vector.load %arg2[%get3A_9, %get3A_10] : memref<10000x128xf32, #tpu.memory_space<vmem>>, vector<10000x128xf32>
    %gt3A_12 = arith.constant 2.000000e-01 : f32
    %gt3A_13 = vector.broadcast %gt3A_12 : f32 to vector<10000x128xf32>
    %gt3A_14 = arith.cmpf ogt, %get3A_11, %gt3A_13 : vector<10000x128xf32>
    %convert_element_type3A_15 = arith.extui %gt3A_14 : vector<10000x128xi1> to vector<10000x128xi32>
    %convert_element_type3A_16 = arith.sitofp %convert_element_type3A_15 : vector<10000x128xi32> to vector<10000x128xf32>
    %mul3A_17 = arith.mulf %get3A_1, %convert_element_type3A_16 : vector<10000x128xf32>
    %concatenate3A = tpu.concatenate %mul3A, %broadcast_in_dim3A_2 in 0 : vector<10000x128xf32>, vector<240x128xf32> -> vector<10240x128xf32>
    %swap3A = arith.constant 0 : index
    %swap3A_18 = arith.constant 0 : index
    %swap3A_19 = vector.load %arg6[%swap3A, %swap3A_18] : memref<10240x128xf32, #tpu.memory_space<vmem>>, vector<10240x128xf32>
    tpu.vector_store %arg6[%swap3A, %swap3A_18], %concatenate3A {strides = array<i32>} : memref<10240x128xf32, #tpu.memory_space<vmem>>, vector<10240x128xf32>,
    %concatenate3A_20 = tpu.concatenate %mul3A_17, %broadcast_in_dim3A_2 in 0 : vector<10000x128xf32>, vector<240x128xf32> -> vector<10240x128xf32>
    %swap3A_21 = arith.constant 0 : index
    %swap3A_22 = arith.constant 0 : index
    %swap3A_23 = vector.load %arg7[%swap3A_21, %swap3A_22] : memref<10240x128xf32, #tpu.memory_space<vmem>>, vector<10240x128xf32>
    tpu.vector_store %arg7[%swap3A_21, %swap3A_22], %concatenate3A_20 {strides = array<i32>} : memref<10240x128xf32, #tpu.memory_space<vmem>>, vector<10240x128xf32>,
    %get3A_24 = arith.constant 0 : index
    %get3A_25 = arith.constant 0 : index
    %get3A_26 = vector.load %arg5[%get3A_24, %get3A_25] : memref<2500x128xi32, #tpu.memory_space<vmem>>, vector<2500x128xi32>
    %broadcast_in_dim3A_27 = arith.constant 10000 : i32
    %broadcast_in_dim3A_28 = vector.broadcast %broadcast_in_dim3A_27 : i32 to vector<60x128xi32>
    %get3A_29 = arith.constant 0 : index
    %get3A_30 = arith.constant 0 : index
    %get3A_31 = vector.load %arg3[%get3A_29, %get3A_30] : memref<2500x128xf32, #tpu.memory_space<vmem>>, vector<2500x128xf32>
    %gt3A_32 = arith.constant 2.000000e-01 : f32
    %gt3A_33 = vector.broadcast %gt3A_32 : f32 to vector<2500x128xf32>
    %gt3A_34 = arith.cmpf ogt, %get3A_31, %gt3A_33 : vector<2500x128xf32>
    %jit3A = arith.constant 10000 : i32
    %broadcast_in_dim3A_35 = vector.broadcast %jit3A : i32 to vector<2500x128xi32>
    %select_n3A = arith.select %gt3A_34, %get3A_26, %broadcast_in_dim3A_35 : vector<2500x128xi1>, vector<2500x128xi32>
    %get3A_36 = arith.constant 0 : index
    %get3A_37 = arith.constant 0 : index
    %get3A_38 = vector.load %arg4[%get3A_36, %get3A_37] : memref<2500x128xf32, #tpu.memory_space<vmem>>, vector<2500x128xf32>
    %gt3A_39 = arith.constant 2.000000e-01 : f32
    %gt3A_40 = vector.broadcast %gt3A_39 : f32 to vector<2500x128xf32>
    %gt3A_41 = arith.cmpf ogt, %get3A_38, %gt3A_40 : vector<2500x128xf32>
    %jit3A_42 = arith.constant 10000 : i32
    %broadcast_in_dim3A_43 = vector.broadcast %jit3A_42 : i32 to vector<2500x128xi32>
    %select_n3A_44 = arith.select %gt3A_41, %get3A_26, %broadcast_in_dim3A_43 : vector<2500x128xi1>, vector<2500x128xi32>
    %concatenate3A_45 = tpu.concatenate %select_n3A, %broadcast_in_dim3A_28 in 0 : vector<2500x128xi32>, vector<60x128xi32> -> vector<2560x128xi32>
    %swap3A_46 = arith.constant 0 : index
    %swap3A_47 = arith.constant 0 : index
    %swap3A_48 = vector.load %arg8[%swap3A_46, %swap3A_47] : memref<2560x128xi32, #tpu.memory_space<vmem>>, vector<2560x128xi32>
    tpu.vector_store %arg8[%swap3A_46, %swap3A_47], %concatenate3A_45 {strides = array<i32>} : memref<2560x128xi32, #tpu.memory_space<vmem>>, vector<2560x128xi32>,
    %concatenate3A_49 = tpu.concatenate %select_n3A_44, %broadcast_in_dim3A_28 in 0 : vector<2500x128xi32>, vector<60x128xi32> -> vector<2560x128xi32>
    %swap3A_50 = arith.constant 0 : index
    %swap3A_51 = arith.constant 0 : index
    %swap3A_52 = vector.load %arg9[%swap3A_50, %swap3A_51] : memref<2560x128xi32, #tpu.memory_space<vmem>>, vector<2560x128xi32>
    tpu.vector_store %arg9[%swap3A_50, %swap3A_51], %concatenate3A_49 {strides = array<i32>} : memref<2560x128xi32, #tpu.memory_space<vmem>>, vector<2560x128xi32>,
    return
  }
}

module attributes {stable_mosaic.version = 14 : i64} {
  func.func @_epilogue_body(%arg0: i32, %arg1: memref<1024x128xf32, #tpu.memory_space<vmem>>, %arg2: memref<16x8x128xf32, #tpu.memory_space<vmem>>, %arg3: memref<1024x128xf32, #tpu.memory_space<vmem>>, %arg4: memref<1024x128xf32, #tpu.memory_space<vmem>>, %arg5: memref<16x8x128xf32, #tpu.memory_space<vmem>>, %arg6: memref<1024x128xf32, #tpu.memory_space<vmem>>, %arg7: memref<128x128xf32, #tpu.memory_space<vmem>>, %arg8: memref<1x128xf32, #tpu.memory_space<vmem>>, %arg9: memref<1024x128xf32, #tpu.memory_space<vmem>>, %arg10: memref<1024x128xf32, #tpu.memory_space<vmem>>) attributes {dimension_semantics = [#tpu.dimension_semantics<arbitrary>], iteration_bounds = array<i64: 10>, scalar_prefetch = 0 : i64, scratch_operands = 0 : i64, tpu.core_type = #tpu.core_type<tc>, window_params = [{transform_indices = @transform_0, window_bounds = array<i64: 1024, 128>}, {transform_indices = @transform_1, window_bounds = array<i64: 16, 8, 128>}, {transform_indices = @transform_2, window_bounds = array<i64: 1024, 128>}, {transform_indices = @transform_3, window_bounds = array<i64: 1024, 128>}, {transform_indices = @transform_4, window_bounds = array<i64: 16, 8, 128>}, {transform_indices = @transform_5, window_bounds = array<i64: 1024, 128>}, {pipeline_mode = #tpu.pipeline_mode<synchronous>, transform_indices = @transform_6, window_bounds = array<i64: 128, 128>}, {pipeline_mode = #tpu.pipeline_mode<synchronous>, transform_indices = @transform_7, window_bounds = array<i64: 1, 128>}, {transform_indices = @transform_8, window_bounds = array<i64: 1024, 128>}, {transform_indices = @transform_9, window_bounds = array<i64: 1024, 128>}]} {
    %get3A = arith.constant 0 : index
    %get3A_0 = arith.constant 0 : index
    %get3A_1 = vector.load %arg7[%get3A, %get3A_0] : memref<128x128xf32, #tpu.memory_space<vmem>>, vector<128x128xf32>
    %get3A_2 = arith.constant 0 : index
    %get3A_3 = arith.constant 0 : index
    %get3A_4 = vector.load %arg8[%get3A_2, %get3A_3] : memref<1x128xf32, #tpu.memory_space<vmem>>, vector<1x128xf32>
    %iota3A = tpu.iota {dimensions = array<i32: 0>} : vector<1024x8xi32>
    %jit3A = arith.constant 128 : i32
    %div3A = vector.broadcast %jit3A : i32 to vector<1024x8xi32>
    %div3A_5 = arith.divsi %iota3A, %div3A : vector<1024x8xi32>
    %sign3A = arith.constant 0 : i32
    %sign3A_6 = vector.broadcast %sign3A : i32 to vector<1024x8xi32>
    %sign3A_7 = arith.cmpi sgt, %iota3A, %sign3A_6 : vector<1024x8xi32>
    %sign3A_8 = arith.extui %sign3A_7 : vector<1024x8xi1> to vector<1024x8xi32>
    %sign3A_9 = arith.constant 0 : i32
    %sign3A_10 = vector.broadcast %sign3A_9 : i32 to vector<1024x8xi32>
    %sign3A_11 = arith.cmpi slt, %iota3A, %sign3A_10 : vector<1024x8xi32>
    %sign3A_12 = arith.extui %sign3A_11 : vector<1024x8xi1> to vector<1024x8xi32>
    %sign3A_13 = arith.subi %sign3A_8, %sign3A_12 : vector<1024x8xi32>
    %sign3A_14 = arith.constant 0 : i32
    %sign3A_15 = arith.cmpi sgt, %jit3A, %sign3A_14 : i32
    %sign3A_16 = arith.extui %sign3A_15 : i1 to i32
    %sign3A_17 = arith.constant 0 : i32
    %sign3A_18 = arith.cmpi slt, %jit3A, %sign3A_17 : i32
    %sign3A_19 = arith.extui %sign3A_18 : i1 to i32
    %sign3A_20 = arith.subi %sign3A_16, %sign3A_19 : i32
    %ne3A = vector.broadcast %sign3A_20 : i32 to vector<1024x8xi32>
    %ne3A_21 = arith.cmpi ne, %sign3A_13, %ne3A : vector<1024x8xi32>
    %rem3A = vector.broadcast %jit3A : i32 to vector<1024x8xi32>
    %rem3A_22 = arith.remsi %iota3A, %rem3A : vector<1024x8xi32>
    %ne3A_23 = arith.constant 0 : i32
    %ne3A_24 = vector.broadcast %ne3A_23 : i32 to vector<1024x8xi32>
    %ne3A_25 = arith.cmpi ne, %rem3A_22, %ne3A_24 : vector<1024x8xi32>
    %and3A = arith.andi %ne3A_21, %ne3A_25 : vector<1024x8xi1>
    %sub3A = arith.constant 1 : i32
    %sub3A_26 = vector.broadcast %sub3A : i32 to vector<1024x8xi32>
    %sub3A_27 = arith.subi %div3A_5, %sub3A_26 : vector<1024x8xi32>
    %select_n3A = arith.select %and3A, %sub3A_27, %div3A_5 : vector<1024x8xi1>, vector<1024x8xi32>
    %iota3A_28 = tpu.iota {dimensions = array<i32: 1>} : vector<1024x8xi32>
    %eq3A = arith.cmpi eq, %select_n3A, %iota3A_28 : vector<1024x8xi32>
    %convert_element_type3A = arith.extui %eq3A : vector<1024x8xi1> to vector<1024x8xi32>
    %convert_element_type3A_29 = arith.sitofp %convert_element_type3A : vector<1024x8xi32> to vector<1024x8xf32>
    %iota3A_30 = tpu.iota {dimensions = array<i32: 0>} : vector<1024x128xi32>
    %jit3A_31 = arith.constant 128 : i32
    %eq3A_32 = arith.constant 0 : i32
    %eq3A_33 = arith.cmpi eq, %jit3A_31, %eq3A_32 : i32
    %jit3A_34 = arith.constant 1 : i32
    %select_n3A_35 = arith.select %eq3A_33, %jit3A_34, %jit3A_31 : i32
    %rem3A_36 = vector.broadcast %select_n3A_35 : i32 to vector<1024x128xi32>
    %rem3A_37 = arith.remsi %iota3A_30, %rem3A_36 : vector<1024x128xi32>
    %ne3A_38 = arith.constant 0 : i32
    %ne3A_39 = vector.broadcast %ne3A_38 : i32 to vector<1024x128xi32>
    %ne3A_40 = arith.cmpi ne, %rem3A_37, %ne3A_39 : vector<1024x128xi32>
    %lt3A = arith.constant 0 : i32
    %lt3A_41 = vector.broadcast %lt3A : i32 to vector<1024x128xi32>
    %lt3A_42 = arith.cmpi slt, %rem3A_37, %lt3A_41 : vector<1024x128xi32>
    %lt3A_43 = arith.constant 0 : i32
    %lt3A_44 = arith.cmpi slt, %select_n3A_35, %lt3A_43 : i32
    %ne3A_45 = vector.broadcast %lt3A_44 : i1 to vector<1024x128xi1>
    %ne3A_46 = vector.broadcast %ne3A_45 : vector<1024x128xi1> to vector<1024x128xi1>
    %ne3A_47 = arith.xori %lt3A_42, %ne3A_46 : vector<1024x128xi1>
    %and3A_48 = arith.andi %ne3A_47, %ne3A_40 : vector<1024x128xi1>
    %add3A = vector.broadcast %select_n3A_35 : i32 to vector<1024x128xi32>
    %add3A_49 = arith.addi %rem3A_37, %add3A : vector<1024x128xi32>
    %select_n3A_50 = arith.select %and3A_48, %add3A_49, %rem3A_37 : vector<1024x128xi1>, vector<1024x128xi32>
    %iota3A_51 = tpu.iota {dimensions = array<i32: 1>} : vector<1024x128xi32>
    %eq3A_52 = arith.cmpi eq, %select_n3A_50, %iota3A_51 : vector<1024x128xi32>
    %convert_element_type3A_53 = arith.extui %eq3A_52 : vector<1024x128xi1> to vector<1024x128xi32>
    %convert_element_type3A_54 = arith.sitofp %convert_element_type3A_53 : vector<1024x128xi32> to vector<1024x128xf32>
    %get3A_55 = arith.constant 0 : index
    %get3A_56 = arith.constant 0 : index
    %get3A_57 = arith.constant 0 : index
    %get3A_58 = vector.load %arg2[%get3A_55, %get3A_56, %get3A_57] : memref<16x8x128xf32, #tpu.memory_space<vmem>>, vector<16x8x128xf32>
    %reduce_sum3A = arith.constant dense<0.000000e+00> : vector<8x128xf32>
    %reduce_sum3A_59 = vector.multi_reduction <add>, %get3A_58, %reduce_sum3A [0] : vector<16x8x128xf32> to vector<8x128xf32>
    %dot_general3A = arith.constant dense<0.000000e+00> : vector<1024x128xf32>
    %dot_general3A_60 = tpu.matmul %convert_element_type3A_29, %reduce_sum3A_59, %dot_general3A {dimension_numbers = #tpu.dot_dimension_numbers<[1], [0], [0], [1], [0, 0, 1, 1], [], []>, precision = #tpu.contract_precision<fp32>, transpose_lhs_hint = false} : vector<1024x8xf32>, vector<8x128xf32>, vector<1024x128xf32> -> vector<1024x128xf32>
    %mul3A = arith.mulf %dot_general3A_60, %convert_element_type3A_54 : vector<1024x128xf32>
    %reduce_sum3A_61 = arith.constant dense<0.000000e+00> : vector<1024xf32>
    %reduce_sum3A_62 = vector.multi_reduction <add>, %mul3A, %reduce_sum3A_61 [1] : vector<1024x128xf32> to vector<1024xf32>
    %broadcast_in_dim3A = vector.shape_cast %reduce_sum3A_62 : vector<1024xf32> to vector<1024x1xf32>
    %max3A = arith.constant 1.000000e+00 : f32
    %max3A_63 = vector.broadcast %max3A : f32 to vector<1024x1xf32>
    %max3A_64 = arith.maximumf %broadcast_in_dim3A, %max3A_63 : vector<1024x1xf32>
    %get3A_65 = arith.constant 0 : index
    %get3A_66 = arith.constant 0 : index
    %get3A_67 = vector.load %arg1[%get3A_65, %get3A_66] : memref<1024x128xf32, #tpu.memory_space<vmem>>, vector<1024x128xf32>
    %div3A_68 = vector.broadcast %max3A_64 : vector<1024x1xf32> to vector<1024x128xf32>
    %div3A_69 = arith.divf %get3A_67, %div3A_68 : vector<1024x128xf32>
    %get3A_70 = arith.constant 0 : index
    %get3A_71 = arith.constant 0 : index
    %get3A_72 = vector.load %arg3[%get3A_70, %get3A_71] : memref<1024x128xf32, #tpu.memory_space<vmem>>, vector<1024x128xf32>
    %add3A_73 = arith.addf %div3A_69, %get3A_72 : vector<1024x128xf32>
    %dot_general3A_74 = arith.constant dense<0.000000e+00> : vector<1024x128xf32>
    %dot_general3A_75 = tpu.matmul %add3A_73, %get3A_1, %dot_general3A_74 {dimension_numbers = #tpu.dot_dimension_numbers<[1], [0], [0], [1], [0, 0, 1, 1], [], []>, precision = #tpu.contract_precision<fp32>, transpose_lhs_hint = false} : vector<1024x128xf32>, vector<128x128xf32>, vector<1024x128xf32> -> vector<1024x128xf32>
    %add3A_76 = vector.broadcast %get3A_4 : vector<1x128xf32> to vector<1024x128xf32>
    %add3A_77 = arith.addf %dot_general3A_75, %add3A_76 : vector<1024x128xf32>
    %swap3A = arith.constant 0 : index
    %swap3A_78 = arith.constant 0 : index
    %swap3A_79 = vector.load %arg9[%swap3A, %swap3A_78] : memref<1024x128xf32, #tpu.memory_space<vmem>>, vector<1024x128xf32>
    tpu.vector_store %arg9[%swap3A, %swap3A_78], %add3A_77 {strides = array<i32>} : memref<1024x128xf32, #tpu.memory_space<vmem>>, vector<1024x128xf32>,
    %get3A_80 = arith.constant 0 : index
    %get3A_81 = arith.constant 0 : index
    %get3A_82 = arith.constant 0 : index
    %get3A_83 = vector.load %arg5[%get3A_80, %get3A_81, %get3A_82] : memref<16x8x128xf32, #tpu.memory_space<vmem>>, vector<16x8x128xf32>
    %reduce_sum3A_84 = arith.constant dense<0.000000e+00> : vector<8x128xf32>
    %reduce_sum3A_85 = vector.multi_reduction <add>, %get3A_83, %reduce_sum3A_84 [0] : vector<16x8x128xf32> to vector<8x128xf32>
    %dot_general3A_86 = arith.constant dense<0.000000e+00> : vector<1024x128xf32>
    %dot_general3A_87 = tpu.matmul %convert_element_type3A_29, %reduce_sum3A_85, %dot_general3A_86 {dimension_numbers = #tpu.dot_dimension_numbers<[1], [0], [0], [1], [0, 0, 1, 1], [], []>, precision = #tpu.contract_precision<fp32>, transpose_lhs_hint = false} : vector<1024x8xf32>, vector<8x128xf32>, vector<1024x128xf32> -> vector<1024x128xf32>
    %mul3A_88 = arith.mulf %dot_general3A_87, %convert_element_type3A_54 : vector<1024x128xf32>
    %reduce_sum3A_89 = arith.constant dense<0.000000e+00> : vector<1024xf32>
    %reduce_sum3A_90 = vector.multi_reduction <add>, %mul3A_88, %reduce_sum3A_89 [1] : vector<1024x128xf32> to vector<1024xf32>
    %broadcast_in_dim3A_91 = vector.shape_cast %reduce_sum3A_90 : vector<1024xf32> to vector<1024x1xf32>
    %max3A_92 = arith.constant 1.000000e+00 : f32
    %max3A_93 = vector.broadcast %max3A_92 : f32 to vector<1024x1xf32>
    %max3A_94 = arith.maximumf %broadcast_in_dim3A_91, %max3A_93 : vector<1024x1xf32>
    %get3A_95 = arith.constant 0 : index
    %get3A_96 = arith.constant 0 : index
    %get3A_97 = vector.load %arg4[%get3A_95, %get3A_96] : memref<1024x128xf32, #tpu.memory_space<vmem>>, vector<1024x128xf32>
    %div3A_98 = vector.broadcast %max3A_94 : vector<1024x1xf32> to vector<1024x128xf32>
    %div3A_99 = arith.divf %get3A_97, %div3A_98 : vector<1024x128xf32>
    %get3A_100 = arith.constant 0 : index
    %get3A_101 = arith.constant 0 : index
    %get3A_102 = vector.load %arg6[%get3A_100, %get3A_101] : memref<1024x128xf32, #tpu.memory_space<vmem>>, vector<1024x128xf32>
    %add3A_103 = arith.addf %div3A_99, %get3A_102 : vector<1024x128xf32>
    %dot_general3A_104 = arith.constant dense<0.000000e+00> : vector<1024x128xf32>
    %dot_general3A_105 = tpu.matmul %add3A_103, %get3A_1, %dot_general3A_104 {dimension_numbers = #tpu.dot_dimension_numbers<[1], [0], [0], [1], [0, 0, 1, 1], [], []>, precision = #tpu.contract_precision<fp32>, transpose_lhs_hint = false} : vector<1024x128xf32>, vector<128x128xf32>, vector<1024x128xf32> -> vector<1024x128xf32>
    %add3A_106 = vector.broadcast %get3A_4 : vector<1x128xf32> to vector<1024x128xf32>
    %add3A_107 = arith.addf %dot_general3A_105, %add3A_106 : vector<1024x128xf32>
    %swap3A_108 = arith.constant 0 : index
    %swap3A_109 = arith.constant 0 : index
    %swap3A_110 = vector.load %arg10[%swap3A_108, %swap3A_109] : memref<1024x128xf32, #tpu.memory_space<vmem>>, vector<1024x128xf32>
    tpu.vector_store %arg10[%swap3A_108, %swap3A_109], %add3A_107 {strides = array<i32>} : memref<1024x128xf32, #tpu.memory_space<vmem>>, vector<1024x128xf32>,
    return
  }
  func.func @transform_0(%arg0: i32) -> (i32, i32) {
    %c0_i32 = arith.constant 0 : i32
    %c0_i32_0 = arith.constant 0 : i32
    return %arg0, %c0_i32 : i32, i32
  }
  func.func @transform_1(%arg0: i32) -> (i32, i32, i32) {
    %c0_i32 = arith.constant 0 : i32
    %c0_i32_0 = arith.constant 0 : i32
    %c0_i32_1 = arith.constant 0 : i32
    return %c0_i32, %arg0, %c0_i32_0 : i32, i32, i32
  }
  func.func @transform_2(%arg0: i32) -> (i32, i32) {
    %c0_i32 = arith.constant 0 : i32
    %c0_i32_0 = arith.constant 0 : i32
    return %arg0, %c0_i32 : i32, i32
  }
  func.func @transform_3(%arg0: i32) -> (i32, i32) {
    %c0_i32 = arith.constant 0 : i32
    %c0_i32_0 = arith.constant 0 : i32
    return %arg0, %c0_i32 : i32, i32
  }
  func.func @transform_4(%arg0: i32) -> (i32, i32, i32) {
    %c0_i32 = arith.constant 0 : i32
    %c0_i32_0 = arith.constant 0 : i32
    %c0_i32_1 = arith.constant 0 : i32
    return %c0_i32, %arg0, %c0_i32_0 : i32, i32, i32
  }
  func.func @transform_5(%arg0: i32) -> (i32, i32) {
    %c0_i32 = arith.constant 0 : i32
    %c0_i32_0 = arith.constant 0 : i32
    return %arg0, %c0_i32 : i32, i32
  }
  func.func @transform_6(%arg0: i32) -> (i32, i32) {
    %c0_i32 = arith.constant 0 : i32
    %c0_i32_0 = arith.constant 0 : i32
    %c0_i32_1 = arith.constant 0 : i32
    return %c0_i32, %c0_i32_0 : i32, i32
  }
  func.func @transform_7(%arg0: i32) -> (i32, i32) {
    %c0_i32 = arith.constant 0 : i32
    %c0_i32_0 = arith.constant 0 : i32
    %c0_i32_1 = arith.constant 0 : i32
    return %c0_i32, %c0_i32_0 : i32, i32
  }
  func.func @transform_8(%arg0: i32) -> (i32, i32) {
    %c0_i32 = arith.constant 0 : i32
    %c0_i32_0 = arith.constant 0 : i32
    return %arg0, %c0_i32 : i32, i32
  }
  func.func @transform_9(%arg0: i32) -> (i32, i32) {
    %c0_i32 = arith.constant 0 : i32
    %c0_i32_0 = arith.constant 0 : i32
    return %arg0, %c0_i32 : i32, i32
  }
}

</mosaic_0001>

<sc_bundles>
// kernel: kernel.5.cloned.1.call-start
scs
__scs_entry_jumppad:
0x0: {  	(pc) =	sbr.rel $0x88, $3  }
0x1: {  	(tag) =	ssettag $0x0;
	lr =	simm.s32 $0x1  }
0x2: {  	[smem:$0x3F9D] =	sst lr;
	_ =	strace $0xD0000000  }
0x3: {  	_ = 	snop  }
0x4: {  	_ = 	snop  }
0x5: {  	_ = 	snop  }
0x6: {  	_ = 	snop  }
0x7: {  	_ = 	snop  }
__scs_overlays_trampoline_lowered:
0x8: {  	[smem:$0x3FAC] =	sst s0  }
0x9: {  	[smem:$0x3FAD] =	sst s1  }
0xa: {  	[smem:$0x3FAE] =	sst s2  }
0xb: {  	[smem:$0x3FAF] =	sst s3  }
0xc: {  	[smem:$0x3FB0] =	sst s4  }
0xd: {  	[smem:$0x3FB1] =	sst s5  }
0xe: {  	[smem:$0x3FB2] =	sst s6  }
0xf: {  	[smem:$0x3FB3] =	sst s7  }
0x10: {  	[smem:$0x3FB4] =	sst s8  }
0x11: {  	[smem:$0x3FB5] =	sst s9;
	s0 =	simm.s32 @!p0 $0x0  }
0x12: {  	s1 =	sld [smem:$0x3F9B];
	s0 =	simm.s32 @p0 $0x1  }
0x13: {  	[smem:$0x3FB6] =	sst s0;
	s0 =	simm.s32 @!p1 $0x0  }
0x14: {  	s2 =	sld [smem:$0x3F9A];
	s0 =	simm.s32 @p1 $0x1  }
0x15: {  	[smem:$0x3FB7] =	sst s0;
	s0 =	simm.s32 @!p2 $0x0  }
0x16: {  	s3 =	sld [smem:$0x3FDB];
	s0 =	simm.s32 @p2 $0x1  }
0x17: {  	s4 =	simm.s32 $0x1BF5;
	[smem:$0x3FB9] =	sst s0  }
0x18: {  	s0 =	sld [smem:$0x3F9C];
	_ =	swait.ge [sflag:s4], $0x0  }
0x19: {  	s7 =	sld [smem:$0x3F9D]  }
0x1a: {  	s8 =	sadd.s32 $0xFFFFE003, lr  }
0x1b: {  	s9 =	sadd.s32 $0xFFFFFEF7, lr;
	s5 =	simm.s32 $0xFFFFFFFF;
	p2 =	slt.u32 s8, $0xFFFFF086  }
0x1c: {  	p1 =	slt.u32 s9, $0xF7A;
	s5 =	simm.s32 @!p2 $0x0  }
0x1d: {  	s5 =	simm.s32 @p1 $0x1;
	p0 =	seq.s32 s7, s2  }
0x1e: {  	s7 =	smul.u32 @!p0 $0xF7A, s2;
	p2 =	seq.s32 @!p0 s5, $0x0  }
0x1f: {  	s9 =	smul.u32 $0xF7A, s1;
	s8 =	simm.s32 @!p0 $0x1BF5;
	p2 =	por !p2, p0  }
0x20: {  	[sflag:s8] =	ssyncset.s32 @!p0 $0xFFFFF086;
	s6 =	sadd.s32 @!p0 s3, s7;
	s7 =	simm.s32 @!p0 $0x108  }
0x21: {  	s3 =	sadd.s32 s3, s9;
	s6 =	sadd.s32 @!p0 $0x88, s6;
	s7 =	simm.s32 @p2 $0x1082  }
0x22: {  	[simem:s7], [sflag:s8] =	dma.local @!p0 [hbm:s6], $0xF7A  }
0x23: {  	s9 =	sor.u32 $0xD0000000, s2;
	s6 =	simm.s32 $0x108;
	_ =	swait.ge @!p0 [sflag:s8], $0x0  }
0x24: {  	s3 =	sadd.s32 $0x88, s3;
	s6 =	simm.s32 @!p1 $0x1082;
	[sflag:s4] =	ssyncset.s32 $0xFFFFF086  }
0x25: {  	[simem:s6], [sflag:s4] =	dma.local [hbm:s3], $0xF7A  }
0x26: {  	[smem:$0x3F9D] =	sst s1;
	(tag) =	ssettag s2;
	_ =	strace s9  }
0x27: {  	s1 =	sld [smem:$0x3FAD]  }
0x28: {  	s2 =	sld [smem:$0x3FAE]  }
0x29: {  	s4 =	sld [smem:$0x3FB0]  }
0x2a: {  	p0 =	seq.s32 s5, $0x0;
	s5 =	sld [smem:$0x3FB1]  }
0x2b: {  	s6 =	sld [smem:$0x3FB2]  }
0x2c: {  	s7 =	sld [smem:$0x3FB3]  }
0x2d: {  	s3 =	simm.s32 $0x108;
	s8 =	sld [smem:$0x3FB4]  }
0x2e: {  	s3 =	simm.s32 @!p0 $0x1082;
	s9 =	sld [smem:$0x3FB5]  }
0x2f: {  	lr =	sadd.s32 s0, s3;
	s0 =	sld [smem:$0x3FAC]  }
0x30: {  	s3 =	sld [smem:$0x3FAF]  }
0x31: {  	[smem:$0x3FB8] =	sst s10  }
0x32: {  	s10 =	sld [smem:$0x3FB6];
	_ =	sdelay $0x3  }
0x33: {  	p0 =	seq.s32 s10, $0x1;
	s10 =	sld [smem:$0x3FB8];
	_ =	sdelay $0x3  }
0x34: {  	[smem:$0x3FB8] =	sst s10  }
0x35: {  	s10 =	sld [smem:$0x3FB7];
	_ =	sdelay $0x3  }
0x36: {  	p1 =	seq.s32 s10, $0x1;
	s10 =	sld [smem:$0x3FB8];
	_ =	sdelay $0x3  }
0x37: {  	[smem:$0x3FB8] =	sst s10  }
0x38: {  	s10 =	sld [smem:$0x3FB9]  }
0x39: {  	_ = 	snop;
	(pc) =	sbr.ind lr, $3  }
0x3a: {  	_ = 	snop  }
0x3b: {  	_ = 	snop  }
0x3c: {  	p2 =	seq.s32 s10, $0x1;
	s10 =	sld [smem:$0x3FB8]  }
0x3d: {  	_ =	shalt  }
0x3e: {  	_ =	shalt  }
0x3f: {  	_ =	shalt  }
0x40: {  	_ =	shalt  }
0x41: {  	_ =	shalt  }
0x42: {  	_ =	shalt  }
0x43: {  	_ =	shalt  }
0x44: {  	_ =	shalt  }
0x45: {  	_ =	shalt  }
0x46: {  	_ =	shalt  }
0x47: {  	_ =	shalt  }
0x48: {  	_ =	shalt  }
0x49: {  	_ =	shalt  }
0x4a: {  	_ =	shalt  }
0x4b: {  	_ =	shalt  }
0x4c: {  	_ =	shalt  }
0x4d: {  	_ =	shalt  }
0x4e: {  	_ =	shalt  }
0x4f: {  	_ =	shalt  }
0x50: {  	_ =	shalt  }
0x51: {  	_ =	shalt  }
0x52: {  	_ =	shalt  }
0x53: {  	_ =	shalt  }
0x54: {  	_ =	shalt  }
0x55: {  	_ =	shalt  }
0x56: {  	_ =	shalt  }
0x57: {  	_ =	shalt  }
0x58: {  	_ =	shalt  }
0x59: {  	_ =	shalt  }
0x5a: {  	_ =	shalt  }
0x5b: {  	_ =	shalt  }
0x5c: {  	_ =	shalt  }
0x5d: {  	_ =	shalt  }
0x5e: {  	_ =	shalt  }
0x5f: {  	_ =	shalt  }
0x60: {  	_ =	shalt  }
0x61: {  	_ =	shalt  }
0x62: {  	_ =	shalt  }
0x63: {  	_ =	shalt  }
0x64: {  	_ =	shalt  }
0x65: {  	_ =	shalt  }
0x66: {  	_ =	shalt  }
0x67: {  	_ =	shalt  }
0x68: {  	_ =	shalt  }
0x69: {  	_ =	shalt  }
0x6a: {  	_ =	shalt  }
0x6b: {  	_ =	shalt  }
0x6c: {  	_ =	shalt  }
0x6d: {  	_ =	shalt  }
0x6e: {  	_ =	shalt  }
0x6f: {  	_ =	shalt  }
0x70: {  	_ =	shalt  }
0x71: {  	_ =	shalt  }
0x72: {  	_ =	shalt  }
0x73: {  	_ =	shalt  }
0x74: {  	_ =	shalt  }
0x75: {  	_ =	shalt  }
0x76: {  	_ =	shalt  }
0x77: {  	_ =	shalt  }
0x78: {  	_ =	shalt  }
0x79: {  	_ =	shalt  }
0x7a: {  	_ =	shalt  }
0x7b: {  	_ =	shalt  }
0x7c: {  	_ =	shalt  }
0x7d: {  	_ =	shalt  }
0x7e: {  	_ =	shalt  }
0x7f: {  	_ =	shalt  }
0x80: {  	_ =	shalt  }
0x81: {  	_ =	shalt  }
0x82: {  	_ =	shalt  }
0x83: {  	_ =	shalt  }
0x84: {  	_ =	shalt  }
0x85: {  	_ =	shalt  }
0x86: {  	_ =	shalt  }
0x87: {  	_ =	shalt  }
.Lfunc_end0:
.L_simem_size_0:
called_computation_lowered:
.L_overlay_start_0:
0x88: {  	s2 =	sld [smem:$0x3FD9]  }
0x89: {  	s3 =	sld [smem:$0x3FFE];
	_ =	sdelay $0x1  }
0x8a: {  	s1 =	srdreg.scid  }
0x8b: {  	s0 =	sand.u32 $0x1, s1  }
0x8c: {  	s14 =	sshll.u32 s0, $0xA;
	s2 =	sadd.s32 s3, s2  }
0x8d: {  	s2 =	sadd.s32 s2, s14  }
0x8e: {  	[smem:$0x3FC4] =	sst s2  }
0x8f: {  	_ = 	snop  }
0x90: {  	s2 =	sld [smem:$0x3FD0];
	_ =	sdelay $0x2  }
0x91: {  	s15 =	simm.s32 $0xA;
	s4 =	simm.s32 $0x10  }
0x92: {  	[smem:s4], [sflag:s15] =	dma.local [hbm:s2], $0x1  }
0x93: {  	_ =	swait.eq [sflag:s15], $0x1  }
0x94: {  	[sflag:s15] =	ssyncset.done $0x0  }
0x95: {  	s16 =	sld [smem:$0x10];
	[sflag:s15] =	ssyncadd.s32 $0xFFFFFFFF  }
0x96: {  	s17 =	sld [smem:$0x11];
	(tm) =	ssettm $0x1  }
0x97: {  	s18 =	sld [smem:$0x3FFB];
	_ =	sdelay $0x3  }
0x98: {  	_ =	strace s18  }
0x99: {  	s4 =	sld [smem:$0x3FFC];
	_ =	sdelay $0x3  }
0x9a: {  	_ =	strace s4  }
0x9b: {  	s4 =	sld [smem:$0x3FFD];
	_ =	sdelay $0x3  }
0x9c: {  	_ =	strace s4  }
0x9d: {  	_ =	strace $0x8FFFFFFF  }
0x9e: {  	s19 =	sld [smem:$0x3FDB];
	_ =	sdelay $0x1  }
0x9f: {  	s5 =	simm.s32 $_scs_section_size  }
0xa0: {  	s6 =	simm.s32 $_size__tile_overlayer_lowered;
	s7 =	simm.s32 $_tile_overlayer_lowered  }
0xa1: {  	s22 =	simm.s32 $0x1BFF;
	s21 =	sshll.u32 s7, $0x1;
	s4 =	sadd.s32 s5, s19  }
0xa2: {  	s8 =	simm.s32 $0x0;
	s20 =	sshll.u32 s6, $0x1;
	s6 =	sadd.s32 s21, s4  }
0xa3: {  	[timem:s8], [sflag:s22] =	dma.local [hbm:s6], s20  }
0xa4: {  	_ =	swait.ge [sflag:s22], s20  }
0xa5: {  	s5 =	ssub.s32 $0x0, s20;
	[sflag:s22] =	ssyncset.done $0x0  }
0xa6: {  	[sflag:s22] =	ssyncadd.s32 s5;
	_ =	sdelay $0x1  }
0xa7: {  	s23 =	simm.s32 $0x1B8B  }
0xa8: {  	_ =	swait.ge [sflag:s23], $0x1  }
0xa9: {  	[sflag:s23] =	ssyncset.done $0x0  }
0xaa: {  	s25 =	simm.s32 $0x1B8E;
	s24 =	sld [smem:$0x3FFE];
	[sflag:s23] =	ssyncadd.s32 $0xFFFFFFFF  }
0xab: {  	s26 =	simm.s32 $execute0_lowered;
	[smem:$0x3FD2] =	sst s25  }
0xac: {  	s6 =	sshll.u32 s26, $0x1;
	_ =	strace $0x80000046;
	[dreg:$0x1] =	wrdreg $0xFFFFFFFF  }
0xad: {  	s28 =	simm.s32 $_size_execute0_lowered;
	s4 =	sadd.s32 s4, s6;
	[dreg:$0x0] =	wrdreg $0x0  }
0xae: {  	s6 =	sshll.u32 s28, $0x1;
	[dreg:$0x2] =	wrdreg s4  }
0xaf: {  	[dreg:$0x3] =	wrdreg s6  }
0xb0: {  	[dreg:$0x4] =	wrdreg $0xC0  }
0xb1: {  	_ =	task [dreg:s8], $0x5FFFF  }
0xb2: {  	[dreg:$0x1] =	wrdreg $0xFFFFFFFF  }
0xb3: {  	[dreg:$0x0] =	wrdreg $0x60  }
0xb4: {  	[dreg:$0x2] =	wrdreg s17  }
0xb5: {  	[dreg:$0x3] =	wrdreg s16  }
0xb6: {  	[dreg:$0x4] =	wrdreg s24  }
0xb7: {  	[dreg:$0x5] =	wrdreg $0xB8000  }
0xb8: {  	[dreg:$0x6] =	wrdreg $0x9  }
0xb9: {  	_ =	task.clear_ibuf [dreg:s8], $0x7FFFF;
	_ =	strace $0x90000046  }
0xba: {  	s29 =	simm.s32 $0x9;
	_ =	strace $0x80000048  }
0xbb: {  	_ =	swait.ge [sflag:s29], $0x1  }
0xbc: {  	[sflag:s29] =	ssyncadd.s32 $0xFFFFFFFF  }
0xbd: {  	_ =	strace $0x90000048  }
0xbe: {  	_ =	sfence  }
0xbf: {  	s30 =	sld [smem:$0x0];
	_ =	sdelay $0x2  }
0xc0: {  	s31 =	sshll.u32 s1, $0xD;
	s1 =	sshrl.u32 s1, $0x2  }
0xc1: {  	s3 =	sand.u32 $0x4000, s31;
	s1 =	sadd.s32 s1, s30  }
0xc2: {  	s0 =	sor.u32 s3, s0;
	s1 =	sshll.u32 s1, $0x11  }
0xc3: {  	s0 =	sor.u32 s1, s0  }
0xc4: {  	s0 =	sadd.s32 $0x8F2B, s0  }
0xc5: {  	[sflag:s0] =	ssyncadd.remote.s32 $0x1  }
0xc6: {  	_ =	sfence.sel $0xFFFF  }
0xc7: {  	[dreg:$0x0] =	wrdreg $0xFFFFFFFF;
	(pc) =	sbr.abs _section_cstart, $3  }
0xc8: {  	[dreg:$0x1] =	wrdreg $0xFFFFFFFF  }
0xc9: {  	_ =	task.clear_ibuf [dreg:s8], $0x2FFFF;
	_ =	strace $0x9FFFFFFF  }
0xca: {  	(tm) =	ssettm $0x7FFFFFFF  }
0xcb: {  	_ =	shalt  }
tec
execute0_lowered:
.L_overlay_start_1:
0x0: {  	(tag) =	ssettag $0x1  }
0x1: {  	s0 =	rddreg [dreg:$0x0]  }
0x2: {  	s1 =	rddreg [dreg:$0x1]  }
0x3: {  	s4 =	rddreg [dreg:$0x2]  }
0x4: {  	s2 =	rddreg [dreg:$0x3];
	s13 =	stileid.u32;
	s3 =	simm.s32 $0x0  }
0x5: {  	s10 =	srdreg.scid;
	s17 =	simm.s32 $0x5;
	s18 =	simm.s32 $0x800  }
0x6: {  	s29 =	simm.s32 $0x4;
	s30 =	simm.s32 $0x500;
	s31 =	simm.s32 $0xC80  }
0x7: {  	s28 =	simm.s32 $0xF00;
	s7 =	smul.u32 $0xA00, s13;
	[smem:$0x7FF] =	sst s3  }
0x8: {  	s9 =	smul.u32 $0x2800, s13;
	s5 =	sadd.s32 $0x3E00, s4;
	s6 =	sadd.s32 $0x2BE00, s4  }
0x9: {  	s11 =	sadd.s32 $0x85E00, s4;
	s10 =	sand.u32 $0x1, s10;
	s19 =	smul.u32 $0x50000, s13  }
0xa: {  	s12 =	sadd.s32 $0xADE00, s4;
	_ =	strace $0x80000047;
	[dreg:$0x8] =	wrdreg s11  }
0xb: {  	s20 =	sadd.s32 $0xB7E00, s4;
	s23 =	smul.u32 $0x500, s13;
	[dreg:$0x9] =	wrdreg s12  }
0xc: {  	s25 =	sshll.u32 s13, $0x6;
	s13 =	simm.s32 $0xE80;
	[dreg:$0xa] =	wrdreg s20  }
0xd: {  	s21 =	ssub.s32 $0x2, s10;
	s16 =	sor.u32 $0x1C05, s25;
	p0 =	sne.s32 s10, $0x0  }
0xe: {  	s20 =	simm.s32 $0x1000;
	s25 =	simm.s32 $0x100;
	s10 =	simm.s32 $0xE00  }
0xf: {  	s12 =	simm.s32 $0x700;
	s8 =	sadd.s32 s7, s4;
	[dreg:$0x7] =	wrdreg s9  }
0x10: {  	s9 =	sadd.s32 s9, s4;
	s4 =	sadd.s32 $0xB2E00, s4;
	s22 =	sshrl.u32 s21, $0x1  }
0x11: {  	s11 =	sshrl.u32 s19, $0x2;
	[dreg:$0xd] =	wrdreg s23;
	s1 =	sadd.s32 s7, s1  }
0x12: {  	s15 =	sadd.s32 s7, s0;
	s19 =	simm.s32 $0x80;
	s23 =	simm.s32 $0x9000  }
0x13: {  	s0 =	simm.s32 $0x0;
	[dreg:$0xf] =	wrdreg s16;
	s7 =	simm.s32 $0x600  }
0x14: {  	[dreg:$0xb] =	wrdreg s4;
	s4 =	ssub.s32 s21, s22;
	s11 =	sadd.s32 s11, s2  }
0x15: {  	s9 =	sadd.s32 $0x5DE00, s9;
	s24 =	sadd.s32 $0x53E00, s8;
	[dreg:$0x6] =	wrdreg s1  }
.Ltmp0:
0x16: {  	s21 =	simm.s32 $0x5000;
	s22 =	simm.s32 $0x1;
	(pc) =	sbr.rel .LBB2_1-.Ltmp0, $4  }
0x17: {  	s1 =	simm.s32 $0xD00;
	s8 =	simm.s32 $0xD80;
	[dreg:$0xc] =	wrdreg s9  }
0x18: {  	s4 =	smax.u32 s4, $0x1;
	[dreg:$0x5] =	wrdreg s24;
	s26 =	sshrl.u32 s11, $0x3  }
0x19: {  	s24 =	simm.s32 $0x3;
	s9 =	simm.s32 $0x680;
	[dreg:$0xe] =	wrdreg s4  }
0x1a: {  	v0 =	vimm.f32 $0.0e+00;
	v1 =	vimm.f32 $1.000000000e+00;
	s11 =	simm.s32 $0x780;
	[dreg:$0x10] =	wrdreg s26;
	s26 =	simm.s32 $0x2  }
.LBB2_8:
0x1b: {  	s16 =	rddreg [dreg:$0x7]  }
0x1c: {  	s25 =	rddreg [dreg:$0x10]  }
0x1d: {  	s14 =	sadd.s32 s14, s16;
	s16 =	rddreg [dreg:$0xf]  }
0x1e: {  	[hbm:s14], [sflag:s16] =	dma.local [spmem:s25], $0x2800  }
0x1f: {  	_ =	swait.ge [sflag:s17], $0x2800  }
0x20: {  	[sflag:s17] =	ssyncset.done $0x0;
	s25 =	rddreg [dreg:$0xd]  }
0x21: {  	s4 =	sadd.s32 s4, s25;
	[sflag:s17] =	ssyncadd.s32 $0xFFFFD800  }
0x22: {  	[hbm4b:s4+s3] =	stream.linear.scatter [tilespmem:s23], [sflag:$0x5], $0x2800, $0x38;
	[tilespmem:$0x1F800] =	vst v63  }
0x23: {  	_ =	swait.ge [sflag:s17], $0x2800  }
0x24: {  	s0 =	sadd.s32 $0x1, s0;
	s25 =	rddreg [dreg:$0xe]  }
0x25: {  	p1 =	sne.s32 s0, s25  }
.Ltmp1:
0x26: {  	_ = 	snop;
	(pc) =	sbr.rel @!p1 .LBB2_9-.Ltmp1, $4  }
0x27: {  	[sflag:s17] =	ssyncset.done $0x0  }
0x28: {  	[sflag:s17] =	ssyncadd.s32 $0xFFFFD800  }
0x29: {  	[bflag:$0x0] =	sbarrier.arrive $0xFFFF  }
0x2a: {  	s25 =	simm.s32 $0x100  }
.LBB2_1:
0x2b: {  	[dreg:$0x11] =	wrdreg s0;
	s4 =	simm.s32 $0x0;
	s14 =	simm.s32 $0x200  }
.LBB2_2:
0x2c: {  	p1 =	sne.s32 s14, $0x9E00;
	[tilespmem:s4+$0x9070] =	vst v0  }
0x2d: {  	[tilespmem:s4+$0x9000] =	vst v0  }
0x2e: {  	[tilespmem:s4+$0x9010] =	vst v0  }
.Ltmp2:
0x2f: {  	[tilespmem:s4+$0x9020] =	vst v0;
	(pc) =	sbr.rel @p1 .LBB2_2-.Ltmp2, $4  }
0x30: {  	[tilespmem:s4+$0x9030] =	vst v0  }
0x31: {  	[tilespmem:s4+$0x9040] =	vst v0  }
0x32: {  	[tilespmem:s4+$0x9050] =	vst v0  }
0x33: {  	[tilespmem:s4+$0x9060] =	vst v0;
	s4 =	sshra.s32 s14, $0x2;
	s14 =	sadd.s32 $0x200, s14  }
0x34: {  	[tilespmem:s4+$0x9070] =	vst v0  }
0x35: {  	[tilespmem:s4+$0x9000] =	vst v0  }
0x36: {  	[tilespmem:s4+$0x9010] =	vst v0  }
0x37: {  	[tilespmem:s4+$0x9020] =	vst v0  }
0x38: {  	[tilespmem:s4+$0x9030] =	vst v0  }
0x39: {  	[tilespmem:s4+$0x9040] =	vst v0  }
0x3a: {  	[tilespmem:s4+$0x9050] =	vst v0;
	s0 =	rddreg [dreg:$0xc]  }
0x3b: {  	[tilespmem:s4+$0x9060] =	vst v0;
	s14 =	rddreg [dreg:$0x10]  }
0x3c: {  	[spmem:s14], [sflag:s16] =	dma.local [hbm:s0], $0x2800  }
.Ltmp3:
0x3d: {  	_ =	swait.ge [sflag:s17], $0x2800;
	(pc) =	sbr.rel @p0 .LBB2_6-.Ltmp3, $4  }
0x3e: {  	[sflag:s17] =	ssyncset.done $0x0  }
0x3f: {  	[sflag:s17] =	ssyncadd.s32 $0xFFFFD800  }
0x40: {  	[bflag:$0x0] =	sbarrier.arrive $0xFFFF  }
0x41: {  	s4 =	simm.s32 $0x0;
	s0 =	simm.s32 $0x580;
	s16 =	simm.s32 $0xF80  }
.LBB2_4:
0x42: {  	s14 =	rddreg [dreg:$0x6]  }
0x43: {  	s14 =	sadd.s32 s4, s14  }
0x44: {  	[tilespmem:s18], [sflag:$0x5] =	stream.linear.gather [hbm4b:s14+s3], $0x800, $0x38;
	[tilespmem:$0x1F800] =	vst v63  }
0x45: {  	_ =	swait.ge [sflag:s17], $0x800  }
0x46: {  	[sflag:s17] =	ssyncset.done $0x0  }
0x47: {  	s14 =	sadd.s32 s4, s15;
	[sflag:s17] =	ssyncadd.s32 $0xFFFFF800  }
0x48: {  	[tilespmem:s3], [sflag:$0x5] =	stream.linear.gather [hbm4b:s14+s3], $0x800, $0x38;
	[tilespmem:$0x1F800] =	vst v63  }
0x49: {  	_ =	swait.ge [sflag:s17], $0x800  }
0x4a: {  	[sflag:s17] =	ssyncset.done $0x0  }
0x4b: {  	[sflag:s17] =	ssyncadd.s32 $0xFFFFF800  }
0x4c: {  	[tilespmem:s20], [sflag:$0x1] =	stream.indirect.gather [hbm4b:s5+s19], $0x80, s3, s19, $0xb8;
	[tilespmem:$0x1F800] =	vst v63  }
0x4d: {  	_ = 	snop  }
0x4e: {  	[tilespmem:s21], [sflag:$0x2] =	stream.indirect.gather [hbm4b:s5+s19], $0x80, s19, s19, $0xb8;
	[tilespmem:$0x1F800] =	vst v63  }
0x4f: {  	_ =	swait.ge [sflag:s22], $0x4000  }
0x50: {  	[sflag:s22] =	ssyncset.done $0x0  }
0x51: {  	[sflag:s22] =	ssyncadd.s32 $0xFFFFC000  }
0x52: {  	[spmem:s2] =	stream.indirect.scatter.add.f32 [tilespmem:s20], [sflag:$0x3], $0x80, s18, s19, $0xb8;
	[tilespmem:$0x1F800] =	vst v63  }
0x53: {  	v2 =	vld [tilespmem:$0x800];
	_ =	sdelay $0x7  }
0x54: {  	[tilespmem:v2+s23+$0x0] =	vst.idx.add.f32.msk $0xffff, v1  }
0x55: {  	v2 =	vld [tilespmem:$0x810];
	_ =	sdelay $0x7  }
0x56: {  	[tilespmem:v2+s23+$0x0] =	vst.idx.add.f32.msk $0xffff, v1  }
0x57: {  	v2 =	vld [tilespmem:$0x820];
	_ =	sdelay $0x7  }
0x58: {  	[tilespmem:v2+s23+$0x0] =	vst.idx.add.f32.msk $0xffff, v1  }
0x59: {  	v2 =	vld [tilespmem:$0x830];
	_ =	sdelay $0x7  }
0x5a: {  	[tilespmem:v2+s23+$0x0] =	vst.idx.add.f32.msk $0xffff, v1  }
0x5b: {  	v2 =	vld [tilespmem:$0x840];
	_ =	sdelay $0x7  }
0x5c: {  	[tilespmem:v2+s23+$0x0] =	vst.idx.add.f32.msk $0xffff, v1  }
0x5d: {  	v2 =	vld [tilespmem:$0x850];
	_ =	sdelay $0x7  }
0x5e: {  	[tilespmem:v2+s23+$0x0] =	vst.idx.add.f32.msk $0xffff, v1  }
0x5f: {  	v2 =	vld [tilespmem:$0x860];
	_ =	sdelay $0x7  }
0x60: {  	[tilespmem:v2+s23+$0x0] =	vst.idx.add.f32.msk $0xffff, v1  }
0x61: {  	v2 =	vld [tilespmem:$0x870];
	_ =	sdelay $0x7  }
0x62: {  	[tilespmem:v2+s23+$0x0] =	vst.idx.add.f32.msk $0xffff, v1  }
0x63: {  	_ =	swait.ge [sflag:s24], $0x4000  }
0x64: {  	[sflag:s24] =	ssyncset.done $0x0  }
0x65: {  	[sflag:s24] =	ssyncadd.s32 $0xFFFFC000  }
0x66: {  	[tilespmem:s20], [sflag:$0x1] =	stream.indirect.gather [hbm4b:s5+s19], $0x80, s25, s19, $0xb8;
	[tilespmem:$0x1F800] =	vst v63  }
0x67: {  	_ =	swait.ge [sflag:s26], $0x4000  }
0x68: {  	[sflag:s26] =	ssyncset.done $0x0  }
0x69: {  	s14 =	simm.s32 $0x880;
	[sflag:s26] =	ssyncadd.s32 $0xFFFFC000  }
0x6a: {  	[spmem:s2] =	stream.indirect.scatter.add.f32 [tilespmem:s21], [sflag:$0x4], $0x80, s14, s19, $0xb8;
	[tilespmem:$0x1F800] =	vst v63  }
0x6b: {  	v2 =	vld [tilespmem:$0x880];
	_ =	sdelay $0x7  }
0x6c: {  	[tilespmem:v2+s23+$0x0] =	vst.idx.add.f32.msk $0xffff, v1  }
0x6d: {  	v2 =	vld [tilespmem:$0x890];
	_ =	sdelay $0x7  }
0x6e: {  	[tilespmem:v2+s23+$0x0] =	vst.idx.add.f32.msk $0xffff, v1  }
0x6f: {  	v2 =	vld [tilespmem:$0x8A0];
	_ =	sdelay $0x7  }
0x70: {  	[tilespmem:v2+s23+$0x0] =	vst.idx.add.f32.msk $0xffff, v1  }
0x71: {  	v2 =	vld [tilespmem:$0x8B0];
	_ =	sdelay $0x7  }
0x72: {  	[tilespmem:v2+s23+$0x0] =	vst.idx.add.f32.msk $0xffff, v1  }
0x73: {  	v2 =	vld [tilespmem:$0x8C0];
	_ =	sdelay $0x7  }
0x74: {  	[tilespmem:v2+s23+$0x0] =	vst.idx.add.f32.msk $0xffff, v1  }
0x75: {  	v2 =	vld [tilespmem:$0x8D0];
	_ =	sdelay $0x7  }
0x76: {  	[tilespmem:v2+s23+$0x0] =	vst.idx.add.f32.msk $0xffff, v1  }
0x77: {  	v2 =	vld [tilespmem:$0x8E0];
	_ =	sdelay $0x7  }
0x78: {  	[tilespmem:v2+s23+$0x0] =	vst.idx.add.f32.msk $0xffff, v1  }
0x79: {  	v2 =	vld [tilespmem:$0x8F0];
	_ =	sdelay $0x7  }
0x7a: {  	[tilespmem:v2+s23+$0x0] =	vst.idx.add.f32.msk $0xffff, v1  }
0x7b: {  	_ =	swait.ge [sflag:s29], $0x4000  }
0x7c: {  	[sflag:s29] =	ssyncset.done $0x0  }
0x7d: {  	s14 =	simm.s32 $0x180;
	[sflag:s29] =	ssyncadd.s32 $0xFFFFC000  }
0x7e: {  	[tilespmem:s21], [sflag:$0x2] =	stream.indirect.gather [hbm4b:s5+s19], $0x80, s14, s19, $0xb8;
	[tilespmem:$0x1F800] =	vst v63  }
0x7f: {  	_ =	swait.ge [sflag:s22], $0x4000  }
0x80: {  	[sflag:s22] =	ssyncset.done $0x0  }
0x81: {  	s14 =	simm.s32 $0x900;
	[sflag:s22] =	ssyncadd.s32 $0xFFFFC000  }
0x82: {  	[spmem:s2] =	stream.indirect.scatter.add.f32 [tilespmem:s20], [sflag:$0x3], $0x80, s14, s19, $0xb8;
	[tilespmem:$0x1F800] =	vst v63  }
0x83: {  	v2 =	vld [tilespmem:$0x900];
	_ =	sdelay $0x7  }
0x84: {  	[tilespmem:v2+s23+$0x0] =	vst.idx.add.f32.msk $0xffff, v1  }
0x85: {  	v2 =	vld [tilespmem:$0x910];
	_ =	sdelay $0x7  }
0x86: {  	[tilespmem:v2+s23+$0x0] =	vst.idx.add.f32.msk $0xffff, v1  }
0x87: {  	v2 =	vld [tilespmem:$0x920];
	_ =	sdelay $0x7  }
0x88: {  	[tilespmem:v2+s23+$0x0] =	vst.idx.add.f32.msk $0xffff, v1  }
0x89: {  	v2 =	vld [tilespmem:$0x930];
	_ =	sdelay $0x7  }
0x8a: {  	[tilespmem:v2+s23+$0x0] =	vst.idx.add.f32.msk $0xffff, v1  }
0x8b: {  	v2 =	vld [tilespmem:$0x940];
	_ =	sdelay $0x7  }
0x8c: {  	[tilespmem:v2+s23+$0x0] =	vst.idx.add.f32.msk $0xffff, v1  }
0x8d: {  	v2 =	vld [tilespmem:$0x950];
	_ =	sdelay $0x7  }
0x8e: {  	[tilespmem:v2+s23+$0x0] =	vst.idx.add.f32.msk $0xffff, v1  }
0x8f: {  	v2 =	vld [tilespmem:$0x960];
	_ =	sdelay $0x7  }
0x90: {  	[tilespmem:v2+s23+$0x0] =	vst.idx.add.f32.msk $0xffff, v1  }
0x91: {  	v2 =	vld [tilespmem:$0x970];
	_ =	sdelay $0x7  }
0x92: {  	[tilespmem:v2+s23+$0x0] =	vst.idx.add.f32.msk $0xffff, v1  }
0x93: {  	_ =	swait.ge [sflag:s24], $0x4000  }
0x94: {  	[sflag:s24] =	ssyncset.done $0x0  }
0x95: {  	s14 =	simm.s32 $0x200;
	[sflag:s24] =	ssyncadd.s32 $0xFFFFC000  }
0x96: {  	[tilespmem:s20], [sflag:$0x1] =	stream.indirect.gather [hbm4b:s5+s19], $0x80, s14, s19, $0xb8;
	[tilespmem:$0x1F800] =	vst v63  }
0x97: {  	_ =	swait.ge [sflag:s26], $0x4000  }
0x98: {  	[sflag:s26] =	ssyncset.done $0x0  }
0x99: {  	s14 =	simm.s32 $0x980;
	[sflag:s26] =	ssyncadd.s32 $0xFFFFC000  }
0x9a: {  	[spmem:s2] =	stream.indirect.scatter.add.f32 [tilespmem:s21], [sflag:$0x4], $0x80, s14, s19, $0xb8;
	[tilespmem:$0x1F800] =	vst v63  }
0x9b: {  	v2 =	vld [tilespmem:$0x980];
	_ =	sdelay $0x7  }
0x9c: {  	[tilespmem:v2+s23+$0x0] =	vst.idx.add.f32.msk $0xffff, v1  }
0x9d: {  	v2 =	vld [tilespmem:$0x990];
	_ =	sdelay $0x7  }
0x9e: {  	[tilespmem:v2+s23+$0x0] =	vst.idx.add.f32.msk $0xffff, v1  }
0x9f: {  	v2 =	vld [tilespmem:$0x9A0];
	_ =	sdelay $0x7  }
0xa0: {  	[tilespmem:v2+s23+$0x0] =	vst.idx.add.f32.msk $0xffff, v1  }
0xa1: {  	v2 =	vld [tilespmem:$0x9B0];
	_ =	sdelay $0x7  }
0xa2: {  	[tilespmem:v2+s23+$0x0] =	vst.idx.add.f32.msk $0xffff, v1  }
0xa3: {  	v2 =	vld [tilespmem:$0x9C0];
	_ =	sdelay $0x7  }
0xa4: {  	[tilespmem:v2+s23+$0x0] =	vst.idx.add.f32.msk $0xffff, v1  }
0xa5: {  	v2 =	vld [tilespmem:$0x9D0];
	_ =	sdelay $0x7  }
0xa6: {  	[tilespmem:v2+s23+$0x0] =	vst.idx.add.f32.msk $0xffff, v1  }
0xa7: {  	v2 =	vld [tilespmem:$0x9E0];
	_ =	sdelay $0x7  }
0xa8: {  	[tilespmem:v2+s23+$0x0] =	vst.idx.add.f32.msk $0xffff, v1  }
0xa9: {  	v2 =	vld [tilespmem:$0x9F0];
	_ =	sdelay $0x7  }
0xaa: {  	[tilespmem:v2+s23+$0x0] =	vst.idx.add.f32.msk $0xffff, v1  }
0xab: {  	_ =	swait.ge [sflag:s29], $0x4000  }
0xac: {  	[sflag:s29] =	ssyncset.done $0x0  }
0xad: {  	s14 =	simm.s32 $0x280;
	[sflag:s29] =	ssyncadd.s32 $0xFFFFC000  }
0xae: {  	[tilespmem:s21], [sflag:$0x2] =	stream.indirect.gather [hbm4b:s5+s19], $0x80, s14, s19, $0xb8;
	[tilespmem:$0x1F800] =	vst v63  }
0xaf: {  	_ =	swait.ge [sflag:s22], $0x4000  }
0xb0: {  	[sflag:s22] =	ssyncset.done $0x0  }
0xb1: {  	s14 =	simm.s32 $0xA00;
	[sflag:s22] =	ssyncadd.s32 $0xFFFFC000  }
0xb2: {  	[spmem:s2] =	stream.indirect.scatter.add.f32 [tilespmem:s20], [sflag:$0x3], $0x80, s14, s19, $0xb8;
	[tilespmem:$0x1F800] =	vst v63  }
0xb3: {  	v2 =	vld [tilespmem:$0xA00];
	_ =	sdelay $0x7  }
0xb4: {  	[tilespmem:v2+s23+$0x0] =	vst.idx.add.f32.msk $0xffff, v1  }
0xb5: {  	v2 =	vld [tilespmem:$0xA10];
	_ =	sdelay $0x7  }
0xb6: {  	[tilespmem:v2+s23+$0x0] =	vst.idx.add.f32.msk $0xffff, v1  }
0xb7: {  	v2 =	vld [tilespmem:$0xA20];
	_ =	sdelay $0x7  }
0xb8: {  	[tilespmem:v2+s23+$0x0] =	vst.idx.add.f32.msk $0xffff, v1  }
0xb9: {  	v2 =	vld [tilespmem:$0xA30];
	_ =	sdelay $0x7  }
0xba: {  	[tilespmem:v2+s23+$0x0] =	vst.idx.add.f32.msk $0xffff, v1  }
0xbb: {  	v2 =	vld [tilespmem:$0xA40];
	_ =	sdelay $0x7  }
0xbc: {  	[tilespmem:v2+s23+$0x0] =	vst.idx.add.f32.msk $0xffff, v1  }
0xbd: {  	v2 =	vld [tilespmem:$0xA50];
	_ =	sdelay $0x7  }
0xbe: {  	[tilespmem:v2+s23+$0x0] =	vst.idx.add.f32.msk $0xffff, v1  }
0xbf: {  	v2 =	vld [tilespmem:$0xA60];
	_ =	sdelay $0x7  }
0xc0: {  	[tilespmem:v2+s23+$0x0] =	vst.idx.add.f32.msk $0xffff, v1  }
0xc1: {  	v2 =	vld [tilespmem:$0xA70];
	_ =	sdelay $0x7  }
0xc2: {  	[tilespmem:v2+s23+$0x0] =	vst.idx.add.f32.msk $0xffff, v1  }
0xc3: {  	_ =	swait.ge [sflag:s24], $0x4000  }
0xc4: {  	[sflag:s24] =	ssyncset.done $0x0  }
0xc5: {  	s14 =	simm.s32 $0x300;
	[sflag:s24] =	ssyncadd.s32 $0xFFFFC000  }
0xc6: {  	[tilespmem:s20], [sflag:$0x1] =	stream.indirect.gather [hbm4b:s5+s19], $0x80, s14, s19, $0xb8;
	[tilespmem:$0x1F800] =	vst v63  }
0xc7: {  	_ =	swait.ge [sflag:s26], $0x4000  }
0xc8: {  	[sflag:s26] =	ssyncset.done $0x0  }
0xc9: {  	s14 =	simm.s32 $0xA80;
	[sflag:s26] =	ssyncadd.s32 $0xFFFFC000  }
0xca: {  	[spmem:s2] =	stream.indirect.scatter.add.f32 [tilespmem:s21], [sflag:$0x4], $0x80, s14, s19, $0xb8;
	[tilespmem:$0x1F800] =	vst v63  }
0xcb: {  	v2 =	vld [tilespmem:$0xA80];
	_ =	sdelay $0x7  }
0xcc: {  	[tilespmem:v2+s23+$0x0] =	vst.idx.add.f32.msk $0xffff, v1  }
0xcd: {  	v2 =	vld [tilespmem:$0xA90];
	_ =	sdelay $0x7  }
0xce: {  	[tilespmem:v2+s23+$0x0] =	vst.idx.add.f32.msk $0xffff, v1  }
0xcf: {  	v2 =	vld [tilespmem:$0xAA0];
	_ =	sdelay $0x7  }
0xd0: {  	[tilespmem:v2+s23+$0x0] =	vst.idx.add.f32.msk $0xffff, v1  }
0xd1: {  	v2 =	vld [tilespmem:$0xAB0];
	_ =	sdelay $0x7  }
0xd2: {  	[tilespmem:v2+s23+$0x0] =	vst.idx.add.f32.msk $0xffff, v1  }
0xd3: {  	v2 =	vld [tilespmem:$0xAC0];
	_ =	sdelay $0x7  }
0xd4: {  	[tilespmem:v2+s23+$0x0] =	vst.idx.add.f32.msk $0xffff, v1  }
0xd5: {  	v2 =	vld [tilespmem:$0xAD0];
	_ =	sdelay $0x7  }
0xd6: {  	[tilespmem:v2+s23+$0x0] =	vst.idx.add.f32.msk $0xffff, v1  }
0xd7: {  	v2 =	vld [tilespmem:$0xAE0];
	_ =	sdelay $0x7  }
0xd8: {  	[tilespmem:v2+s23+$0x0] =	vst.idx.add.f32.msk $0xffff, v1  }
0xd9: {  	v2 =	vld [tilespmem:$0xAF0];
	_ =	sdelay $0x7  }
0xda: {  	[tilespmem:v2+s23+$0x0] =	vst.idx.add.f32.msk $0xffff, v1  }
0xdb: {  	_ =	swait.ge [sflag:s29], $0x4000  }
0xdc: {  	[sflag:s29] =	ssyncset.done $0x0  }
0xdd: {  	s14 =	simm.s32 $0x380;
	[sflag:s29] =	ssyncadd.s32 $0xFFFFC000  }
0xde: {  	[tilespmem:s21], [sflag:$0x2] =	stream.indirect.gather [hbm4b:s5+s19], $0x80, s14, s19, $0xb8;
	[tilespmem:$0x1F800] =	vst v63  }
0xdf: {  	_ =	swait.ge [sflag:s22], $0x4000  }
0xe0: {  	[sflag:s22] =	ssyncset.done $0x0  }
0xe1: {  	s14 =	simm.s32 $0xB00;
	[sflag:s22] =	ssyncadd.s32 $0xFFFFC000  }
0xe2: {  	[spmem:s2] =	stream.indirect.scatter.add.f32 [tilespmem:s20], [sflag:$0x3], $0x80, s14, s19, $0xb8;
	[tilespmem:$0x1F800] =	vst v63  }
0xe3: {  	v2 =	vld [tilespmem:$0xB00];
	_ =	sdelay $0x7  }
0xe4: {  	[tilespmem:v2+s23+$0x0] =	vst.idx.add.f32.msk $0xffff, v1  }
0xe5: {  	v2 =	vld [tilespmem:$0xB10];
	_ =	sdelay $0x7  }
0xe6: {  	[tilespmem:v2+s23+$0x0] =	vst.idx.add.f32.msk $0xffff, v1  }
0xe7: {  	v2 =	vld [tilespmem:$0xB20];
	_ =	sdelay $0x7  }
0xe8: {  	[tilespmem:v2+s23+$0x0] =	vst.idx.add.f32.msk $0xffff, v1  }
0xe9: {  	v2 =	vld [tilespmem:$0xB30];
	_ =	sdelay $0x7  }
0xea: {  	[tilespmem:v2+s23+$0x0] =	vst.idx.add.f32.msk $0xffff, v1  }
0xeb: {  	v2 =	vld [tilespmem:$0xB40];
	_ =	sdelay $0x7  }
0xec: {  	[tilespmem:v2+s23+$0x0] =	vst.idx.add.f32.msk $0xffff, v1  }
0xed: {  	v2 =	vld [tilespmem:$0xB50];
	_ =	sdelay $0x7  }
0xee: {  	[tilespmem:v2+s23+$0x0] =	vst.idx.add.f32.msk $0xffff, v1  }
0xef: {  	v2 =	vld [tilespmem:$0xB60];
	_ =	sdelay $0x7  }
0xf0: {  	[tilespmem:v2+s23+$0x0] =	vst.idx.add.f32.msk $0xffff, v1  }
0xf1: {  	v2 =	vld [tilespmem:$0xB70];
	_ =	sdelay $0x7  }
0xf2: {  	[tilespmem:v2+s23+$0x0] =	vst.idx.add.f32.msk $0xffff, v1  }
0xf3: {  	_ =	swait.ge [sflag:s24], $0x4000  }
0xf4: {  	[sflag:s24] =	ssyncset.done $0x0  }
0xf5: {  	s14 =	simm.s32 $0x400;
	[sflag:s24] =	ssyncadd.s32 $0xFFFFC000  }
0xf6: {  	[tilespmem:s20], [sflag:$0x1] =	stream.indirect.gather [hbm4b:s5+s19], $0x80, s14, s19, $0xb8;
	[tilespmem:$0x1F800] =	vst v63  }
0xf7: {  	_ =	swait.ge [sflag:s26], $0x4000  }
0xf8: {  	[sflag:s26] =	ssyncset.done $0x0  }
0xf9: {  	s14 =	simm.s32 $0xB80;
	[sflag:s26] =	ssyncadd.s32 $0xFFFFC000  }
0xfa: {  	[spmem:s2] =	stream.indirect.scatter.add.f32 [tilespmem:s21], [sflag:$0x4], $0x80, s14, s19, $0xb8;
	[tilespmem:$0x1F800] =	vst v63  }
0xfb: {  	v2 =	vld [tilespmem:$0xB80];
	_ =	sdelay $0x7  }
0xfc: {  	[tilespmem:v2+s23+$0x0] =	vst.idx.add.f32.msk $0xffff, v1  }
0xfd: {  	v2 =	vld [tilespmem:$0xB90];
	_ =	sdelay $0x7  }
0xfe: {  	[tilespmem:v2+s23+$0x0] =	vst.idx.add.f32.msk $0xffff, v1  }
0xff: {  	v2 =	vld [tilespmem:$0xBA0];
	_ =	sdelay $0x7  }
0x100: {  	[tilespmem:v2+s23+$0x0] =	vst.idx.add.f32.msk $0xffff, v1  }
0x101: {  	v2 =	vld [tilespmem:$0xBB0];
	_ =	sdelay $0x7  }
0x102: {  	[tilespmem:v2+s23+$0x0] =	vst.idx.add.f32.msk $0xffff, v1  }
0x103: {  	v2 =	vld [tilespmem:$0xBC0];
	_ =	sdelay $0x7  }
0x104: {  	[tilespmem:v2+s23+$0x0] =	vst.idx.add.f32.msk $0xffff, v1  }
0x105: {  	v2 =	vld [tilespmem:$0xBD0];
	_ =	sdelay $0x7  }
0x106: {  	[tilespmem:v2+s23+$0x0] =	vst.idx.add.f32.msk $0xffff, v1  }
0x107: {  	v2 =	vld [tilespmem:$0xBE0];
	_ =	sdelay $0x7  }
0x108: {  	[tilespmem:v2+s23+$0x0] =	vst.idx.add.f32.msk $0xffff, v1  }
0x109: {  	v2 =	vld [tilespmem:$0xBF0];
	_ =	sdelay $0x7  }
0x10a: {  	[tilespmem:v2+s23+$0x0] =	vst.idx.add.f32.msk $0xffff, v1  }
0x10b: {  	_ =	swait.ge [sflag:s29], $0x4000  }
0x10c: {  	[sflag:s29] =	ssyncset.done $0x0  }
0x10d: {  	s14 =	simm.s32 $0x480;
	[sflag:s29] =	ssyncadd.s32 $0xFFFFC000  }
0x10e: {  	[tilespmem:s21], [sflag:$0x2] =	stream.indirect.gather [hbm4b:s5+s19], $0x80, s14, s19, $0xb8;
	[tilespmem:$0x1F800] =	vst v63  }
0x10f: {  	_ =	swait.ge [sflag:s22], $0x4000  }
0x110: {  	[sflag:s22] =	ssyncset.done $0x0  }
0x111: {  	s14 =	simm.s32 $0xC00;
	[sflag:s22] =	ssyncadd.s32 $0xFFFFC000  }
0x112: {  	[spmem:s2] =	stream.indirect.scatter.add.f32 [tilespmem:s20], [sflag:$0x3], $0x80, s14, s19, $0xb8;
	[tilespmem:$0x1F800] =	vst v63  }
0x113: {  	v2 =	vld [tilespmem:$0xC00];
	_ =	sdelay $0x7  }
0x114: {  	[tilespmem:v2+s23+$0x0] =	vst.idx.add.f32.msk $0xffff, v1  }
0x115: {  	v2 =	vld [tilespmem:$0xC10];
	_ =	sdelay $0x7  }
0x116: {  	[tilespmem:v2+s23+$0x0] =	vst.idx.add.f32.msk $0xffff, v1  }
0x117: {  	v2 =	vld [tilespmem:$0xC20];
	_ =	sdelay $0x7  }
0x118: {  	[tilespmem:v2+s23+$0x0] =	vst.idx.add.f32.msk $0xffff, v1  }
0x119: {  	v2 =	vld [tilespmem:$0xC30];
	_ =	sdelay $0x7  }
0x11a: {  	[tilespmem:v2+s23+$0x0] =	vst.idx.add.f32.msk $0xffff, v1  }
0x11b: {  	v2 =	vld [tilespmem:$0xC40];
	_ =	sdelay $0x7  }
0x11c: {  	[tilespmem:v2+s23+$0x0] =	vst.idx.add.f32.msk $0xffff, v1  }
0x11d: {  	v2 =	vld [tilespmem:$0xC50];
	_ =	sdelay $0x7  }
0x11e: {  	[tilespmem:v2+s23+$0x0] =	vst.idx.add.f32.msk $0xffff, v1  }
0x11f: {  	v2 =	vld [tilespmem:$0xC60];
	_ =	sdelay $0x7  }
0x120: {  	[tilespmem:v2+s23+$0x0] =	vst.idx.add.f32.msk $0xffff, v1  }
0x121: {  	v2 =	vld [tilespmem:$0xC70];
	_ =	sdelay $0x7  }
0x122: {  	[tilespmem:v2+s23+$0x0] =	vst.idx.add.f32.msk $0xffff, v1  }
0x123: {  	_ =	swait.ge [sflag:s24], $0x4000  }
0x124: {  	[sflag:s24] =	ssyncset.done $0x0  }
0x125: {  	[sflag:s24] =	ssyncadd.s32 $0xFFFFC000  }
0x126: {  	[tilespmem:s20], [sflag:$0x1] =	stream.indirect.gather [hbm4b:s5+s19], $0x80, s30, s19, $0xb8;
	[tilespmem:$0x1F800] =	vst v63  }
0x127: {  	_ =	swait.ge [sflag:s26], $0x4000  }
0x128: {  	[sflag:s26] =	ssyncset.done $0x0  }
0x129: {  	[sflag:s26] =	ssyncadd.s32 $0xFFFFC000  }
0x12a: {  	[spmem:s2] =	stream.indirect.scatter.add.f32 [tilespmem:s21], [sflag:$0x4], $0x80, s31, s19, $0xb8;
	[tilespmem:$0x1F800] =	vst v63  }
0x12b: {  	v2 =	vld [tilespmem:$0xC80];
	_ =	sdelay $0x7  }
0x12c: {  	[tilespmem:v2+s23+$0x0] =	vst.idx.add.f32.msk $0xffff, v1  }
0x12d: {  	v2 =	vld [tilespmem:$0xC90];
	_ =	sdelay $0x7  }
0x12e: {  	[tilespmem:v2+s23+$0x0] =	vst.idx.add.f32.msk $0xffff, v1  }
0x12f: {  	v2 =	vld [tilespmem:$0xCA0];
	_ =	sdelay $0x7  }
0x130: {  	[tilespmem:v2+s23+$0x0] =	vst.idx.add.f32.msk $0xffff, v1  }
0x131: {  	v2 =	vld [tilespmem:$0xCB0];
	_ =	sdelay $0x7  }
0x132: {  	[tilespmem:v2+s23+$0x0] =	vst.idx.add.f32.msk $0xffff, v1  }
0x133: {  	v2 =	vld [tilespmem:$0xCC0];
	_ =	sdelay $0x7  }
0x134: {  	[tilespmem:v2+s23+$0x0] =	vst.idx.add.f32.msk $0xffff, v1  }
0x135: {  	v2 =	vld [tilespmem:$0xCD0];
	_ =	sdelay $0x7  }
0x136: {  	[tilespmem:v2+s23+$0x0] =	vst.idx.add.f32.msk $0xffff, v1  }
0x137: {  	v2 =	vld [tilespmem:$0xCE0];
	_ =	sdelay $0x7  }
0x138: {  	[tilespmem:v2+s23+$0x0] =	vst.idx.add.f32.msk $0xffff, v1  }
0x139: {  	v2 =	vld [tilespmem:$0xCF0];
	_ =	sdelay $0x7  }
0x13a: {  	[tilespmem:v2+s23+$0x0] =	vst.idx.add.f32.msk $0xffff, v1  }
0x13b: {  	_ =	swait.ge [sflag:s29], $0x4000  }
0x13c: {  	[sflag:s29] =	ssyncset.done $0x0  }
0x13d: {  	[sflag:s29] =	ssyncadd.s32 $0xFFFFC000  }
0x13e: {  	[tilespmem:s21], [sflag:$0x2] =	stream.indirect.gather [hbm4b:s5+s19], $0x80, s0, s19, $0xb8;
	[tilespmem:$0x1F800] =	vst v63  }
0x13f: {  	_ =	swait.ge [sflag:s22], $0x4000  }
0x140: {  	[sflag:s22] =	ssyncset.done $0x0  }
0x141: {  	[sflag:s22] =	ssyncadd.s32 $0xFFFFC000  }
0x142: {  	[spmem:s2] =	stream.indirect.scatter.add.f32 [tilespmem:s20], [sflag:$0x3], $0x80, s1, s19, $0xb8;
	[tilespmem:$0x1F800] =	vst v63  }
0x143: {  	v2 =	vld [tilespmem:$0xD00];
	_ =	sdelay $0x7  }
0x144: {  	[tilespmem:v2+s23+$0x0] =	vst.idx.add.f32.msk $0xffff, v1  }
0x145: {  	v2 =	vld [tilespmem:$0xD10];
	_ =	sdelay $0x7  }
0x146: {  	[tilespmem:v2+s23+$0x0] =	vst.idx.add.f32.msk $0xffff, v1  }
0x147: {  	v2 =	vld [tilespmem:$0xD20];
	_ =	sdelay $0x7  }
0x148: {  	[tilespmem:v2+s23+$0x0] =	vst.idx.add.f32.msk $0xffff, v1  }
0x149: {  	v2 =	vld [tilespmem:$0xD30];
	_ =	sdelay $0x7  }
0x14a: {  	[tilespmem:v2+s23+$0x0] =	vst.idx.add.f32.msk $0xffff, v1  }
0x14b: {  	v2 =	vld [tilespmem:$0xD40];
	_ =	sdelay $0x7  }
0x14c: {  	[tilespmem:v2+s23+$0x0] =	vst.idx.add.f32.msk $0xffff, v1  }
0x14d: {  	v2 =	vld [tilespmem:$0xD50];
	_ =	sdelay $0x7  }
0x14e: {  	[tilespmem:v2+s23+$0x0] =	vst.idx.add.f32.msk $0xffff, v1  }
0x14f: {  	v2 =	vld [tilespmem:$0xD60];
	_ =	sdelay $0x7  }
0x150: {  	[tilespmem:v2+s23+$0x0] =	vst.idx.add.f32.msk $0xffff, v1  }
0x151: {  	v2 =	vld [tilespmem:$0xD70];
	_ =	sdelay $0x7  }
0x152: {  	[tilespmem:v2+s23+$0x0] =	vst.idx.add.f32.msk $0xffff, v1  }
0x153: {  	_ =	swait.ge [sflag:s24], $0x4000  }
0x154: {  	[sflag:s24] =	ssyncset.done $0x0  }
0x155: {  	[sflag:s24] =	ssyncadd.s32 $0xFFFFC000  }
0x156: {  	[tilespmem:s20], [sflag:$0x1] =	stream.indirect.gather [hbm4b:s5+s19], $0x80, s7, s19, $0xb8;
	[tilespmem:$0x1F800] =	vst v63  }
0x157: {  	_ =	swait.ge [sflag:s26], $0x4000  }
0x158: {  	[sflag:s26] =	ssyncset.done $0x0  }
0x159: {  	[sflag:s26] =	ssyncadd.s32 $0xFFFFC000  }
0x15a: {  	[spmem:s2] =	stream.indirect.scatter.add.f32 [tilespmem:s21], [sflag:$0x4], $0x80, s8, s19, $0xb8;
	[tilespmem:$0x1F800] =	vst v63  }
0x15b: {  	v2 =	vld [tilespmem:$0xD80];
	_ =	sdelay $0x7  }
0x15c: {  	[tilespmem:v2+s23+$0x0] =	vst.idx.add.f32.msk $0xffff, v1  }
0x15d: {  	v2 =	vld [tilespmem:$0xD90];
	_ =	sdelay $0x7  }
0x15e: {  	[tilespmem:v2+s23+$0x0] =	vst.idx.add.f32.msk $0xffff, v1  }
0x15f: {  	v2 =	vld [tilespmem:$0xDA0];
	_ =	sdelay $0x7  }
0x160: {  	[tilespmem:v2+s23+$0x0] =	vst.idx.add.f32.msk $0xffff, v1  }
0x161: {  	v2 =	vld [tilespmem:$0xDB0];
	_ =	sdelay $0x7  }
0x162: {  	[tilespmem:v2+s23+$0x0] =	vst.idx.add.f32.msk $0xffff, v1  }
0x163: {  	v2 =	vld [tilespmem:$0xDC0];
	_ =	sdelay $0x7  }
0x164: {  	[tilespmem:v2+s23+$0x0] =	vst.idx.add.f32.msk $0xffff, v1  }
0x165: {  	v2 =	vld [tilespmem:$0xDD0];
	_ =	sdelay $0x7  }
0x166: {  	[tilespmem:v2+s23+$0x0] =	vst.idx.add.f32.msk $0xffff, v1  }
0x167: {  	v2 =	vld [tilespmem:$0xDE0];
	_ =	sdelay $0x7  }
0x168: {  	[tilespmem:v2+s23+$0x0] =	vst.idx.add.f32.msk $0xffff, v1  }
0x169: {  	v2 =	vld [tilespmem:$0xDF0];
	_ =	sdelay $0x7  }
0x16a: {  	[tilespmem:v2+s23+$0x0] =	vst.idx.add.f32.msk $0xffff, v1  }
0x16b: {  	_ =	swait.ge [sflag:s29], $0x4000  }
0x16c: {  	[sflag:s29] =	ssyncset.done $0x0  }
0x16d: {  	[sflag:s29] =	ssyncadd.s32 $0xFFFFC000  }
0x16e: {  	[tilespmem:s21], [sflag:$0x2] =	stream.indirect.gather [hbm4b:s5+s19], $0x80, s9, s19, $0xb8;
	[tilespmem:$0x1F800] =	vst v63  }
0x16f: {  	_ =	swait.ge [sflag:s22], $0x4000  }
0x170: {  	[sflag:s22] =	ssyncset.done $0x0  }
0x171: {  	[sflag:s22] =	ssyncadd.s32 $0xFFFFC000  }
0x172: {  	[spmem:s2] =	stream.indirect.scatter.add.f32 [tilespmem:s20], [sflag:$0x3], $0x80, s10, s19, $0xb8;
	[tilespmem:$0x1F800] =	vst v63  }
0x173: {  	v2 =	vld [tilespmem:$0xE00];
	_ =	sdelay $0x7  }
0x174: {  	[tilespmem:v2+s23+$0x0] =	vst.idx.add.f32.msk $0xffff, v1  }
0x175: {  	v2 =	vld [tilespmem:$0xE10];
	_ =	sdelay $0x7  }
0x176: {  	[tilespmem:v2+s23+$0x0] =	vst.idx.add.f32.msk $0xffff, v1  }
0x177: {  	v2 =	vld [tilespmem:$0xE20];
	_ =	sdelay $0x7  }
0x178: {  	[tilespmem:v2+s23+$0x0] =	vst.idx.add.f32.msk $0xffff, v1  }
0x179: {  	v2 =	vld [tilespmem:$0xE30];
	_ =	sdelay $0x7  }
0x17a: {  	[tilespmem:v2+s23+$0x0] =	vst.idx.add.f32.msk $0xffff, v1  }
0x17b: {  	v2 =	vld [tilespmem:$0xE40];
	_ =	sdelay $0x7  }
0x17c: {  	[tilespmem:v2+s23+$0x0] =	vst.idx.add.f32.msk $0xffff, v1  }
0x17d: {  	v2 =	vld [tilespmem:$0xE50];
	_ =	sdelay $0x7  }
0x17e: {  	[tilespmem:v2+s23+$0x0] =	vst.idx.add.f32.msk $0xffff, v1  }
0x17f: {  	v2 =	vld [tilespmem:$0xE60];
	_ =	sdelay $0x7  }
0x180: {  	[tilespmem:v2+s23+$0x0] =	vst.idx.add.f32.msk $0xffff, v1  }
0x181: {  	v2 =	vld [tilespmem:$0xE70];
	_ =	sdelay $0x7  }
0x182: {  	[tilespmem:v2+s23+$0x0] =	vst.idx.add.f32.msk $0xffff, v1  }
0x183: {  	_ =	swait.ge [sflag:s24], $0x4000  }
0x184: {  	[sflag:s24] =	ssyncset.done $0x0  }
0x185: {  	[sflag:s24] =	ssyncadd.s32 $0xFFFFC000  }
0x186: {  	[tilespmem:s20], [sflag:$0x1] =	stream.indirect.gather [hbm4b:s5+s19], $0x80, s12, s19, $0xb8;
	[tilespmem:$0x1F800] =	vst v63  }
0x187: {  	_ =	swait.ge [sflag:s26], $0x4000  }
0x188: {  	[sflag:s26] =	ssyncset.done $0x0  }
0x189: {  	[sflag:s26] =	ssyncadd.s32 $0xFFFFC000  }
0x18a: {  	[spmem:s2] =	stream.indirect.scatter.add.f32 [tilespmem:s21], [sflag:$0x4], $0x80, s13, s19, $0xb8;
	[tilespmem:$0x1F800] =	vst v63  }
0x18b: {  	v2 =	vld [tilespmem:$0xE80];
	_ =	sdelay $0x7  }
0x18c: {  	[tilespmem:v2+s23+$0x0] =	vst.idx.add.f32.msk $0xffff, v1  }
0x18d: {  	v2 =	vld [tilespmem:$0xE90];
	_ =	sdelay $0x7  }
0x18e: {  	[tilespmem:v2+s23+$0x0] =	vst.idx.add.f32.msk $0xffff, v1  }
0x18f: {  	v2 =	vld [tilespmem:$0xEA0];
	_ =	sdelay $0x7  }
0x190: {  	[tilespmem:v2+s23+$0x0] =	vst.idx.add.f32.msk $0xffff, v1  }
0x191: {  	v2 =	vld [tilespmem:$0xEB0];
	_ =	sdelay $0x7  }
0x192: {  	[tilespmem:v2+s23+$0x0] =	vst.idx.add.f32.msk $0xffff, v1  }
0x193: {  	v2 =	vld [tilespmem:$0xEC0];
	_ =	sdelay $0x7  }
0x194: {  	[tilespmem:v2+s23+$0x0] =	vst.idx.add.f32.msk $0xffff, v1  }
0x195: {  	v2 =	vld [tilespmem:$0xED0];
	_ =	sdelay $0x7  }
0x196: {  	[tilespmem:v2+s23+$0x0] =	vst.idx.add.f32.msk $0xffff, v1  }
0x197: {  	v2 =	vld [tilespmem:$0xEE0];
	_ =	sdelay $0x7  }
0x198: {  	[tilespmem:v2+s23+$0x0] =	vst.idx.add.f32.msk $0xffff, v1  }
0x199: {  	v2 =	vld [tilespmem:$0xEF0];
	_ =	sdelay $0x7  }
0x19a: {  	[tilespmem:v2+s23+$0x0] =	vst.idx.add.f32.msk $0xffff, v1  }
0x19b: {  	_ =	swait.ge [sflag:s29], $0x4000  }
0x19c: {  	[sflag:s29] =	ssyncset.done $0x0  }
0x19d: {  	[sflag:s29] =	ssyncadd.s32 $0xFFFFC000  }
0x19e: {  	[tilespmem:s21], [sflag:$0x2] =	stream.indirect.gather [hbm4b:s5+s19], $0x80, s11, s19, $0xb8;
	[tilespmem:$0x1F800] =	vst v63  }
0x19f: {  	_ =	swait.ge [sflag:s22], $0x4000  }
0x1a0: {  	[sflag:s22] =	ssyncset.done $0x0  }
0x1a1: {  	[sflag:s22] =	ssyncadd.s32 $0xFFFFC000  }
0x1a2: {  	[spmem:s2] =	stream.indirect.scatter.add.f32 [tilespmem:s20], [sflag:$0x3], $0x80, s28, s19, $0xb8;
	[tilespmem:$0x1F800] =	vst v63  }
0x1a3: {  	v2 =	vld [tilespmem:$0xF00];
	_ =	sdelay $0x7  }
0x1a4: {  	[tilespmem:v2+s23+$0x0] =	vst.idx.add.f32.msk $0xffff, v1  }
0x1a5: {  	v2 =	vld [tilespmem:$0xF10];
	_ =	sdelay $0x7  }
0x1a6: {  	[tilespmem:v2+s23+$0x0] =	vst.idx.add.f32.msk $0xffff, v1  }
0x1a7: {  	v2 =	vld [tilespmem:$0xF20];
	_ =	sdelay $0x7  }
0x1a8: {  	[tilespmem:v2+s23+$0x0] =	vst.idx.add.f32.msk $0xffff, v1  }
0x1a9: {  	v2 =	vld [tilespmem:$0xF30];
	_ =	sdelay $0x7  }
0x1aa: {  	[tilespmem:v2+s23+$0x0] =	vst.idx.add.f32.msk $0xffff, v1  }
0x1ab: {  	v2 =	vld [tilespmem:$0xF40];
	_ =	sdelay $0x7  }
0x1ac: {  	[tilespmem:v2+s23+$0x0] =	vst.idx.add.f32.msk $0xffff, v1  }
0x1ad: {  	v2 =	vld [tilespmem:$0xF50];
	_ =	sdelay $0x7  }
0x1ae: {  	[tilespmem:v2+s23+$0x0] =	vst.idx.add.f32.msk $0xffff, v1  }
0x1af: {  	v2 =	vld [tilespmem:$0xF60];
	_ =	sdelay $0x7  }
0x1b0: {  	[tilespmem:v2+s23+$0x0] =	vst.idx.add.f32.msk $0xffff, v1  }
0x1b1: {  	v2 =	vld [tilespmem:$0xF70];
	_ =	sdelay $0x7  }
0x1b2: {  	[tilespmem:v2+s23+$0x0] =	vst.idx.add.f32.msk $0xffff, v1  }
0x1b3: {  	_ =	swait.ge [sflag:s26], $0x4000  }
0x1b4: {  	[sflag:s26] =	ssyncset.done $0x0  }
0x1b5: {  	[sflag:s26] =	ssyncadd.s32 $0xFFFFC000  }
0x1b6: {  	[spmem:s2] =	stream.indirect.scatter.add.f32 [tilespmem:s21], [sflag:$0x4], $0x80, s16, s19, $0xb8;
	[tilespmem:$0x1F800] =	vst v63  }
0x1b7: {  	v2 =	vld [tilespmem:$0xF80];
	_ =	sdelay $0x7  }
0x1b8: {  	[tilespmem:v2+s23+$0x0] =	vst.idx.add.f32.msk $0xffff, v1  }
0x1b9: {  	v2 =	vld [tilespmem:$0xF90];
	_ =	sdelay $0x7  }
0x1ba: {  	[tilespmem:v2+s23+$0x0] =	vst.idx.add.f32.msk $0xffff, v1  }
0x1bb: {  	v2 =	vld [tilespmem:$0xFA0];
	_ =	sdelay $0x7  }
0x1bc: {  	[tilespmem:v2+s23+$0x0] =	vst.idx.add.f32.msk $0xffff, v1  }
0x1bd: {  	v2 =	vld [tilespmem:$0xFB0];
	_ =	sdelay $0x7  }
0x1be: {  	[tilespmem:v2+s23+$0x0] =	vst.idx.add.f32.msk $0xffff, v1  }
0x1bf: {  	v2 =	vld [tilespmem:$0xFC0];
	_ =	sdelay $0x7  }
0x1c0: {  	[tilespmem:v2+s23+$0x0] =	vst.idx.add.f32.msk $0xffff, v1  }
0x1c1: {  	v2 =	vld [tilespmem:$0xFD0];
	_ =	sdelay $0x7  }
0x1c2: {  	[tilespmem:v2+s23+$0x0] =	vst.idx.add.f32.msk $0xffff, v1  }
0x1c3: {  	v2 =	vld [tilespmem:$0xFE0];
	_ =	sdelay $0x7  }
0x1c4: {  	[tilespmem:v2+s23+$0x0] =	vst.idx.add.f32.msk $0xffff, v1  }
0x1c5: {  	v2 =	vld [tilespmem:$0xFF0];
	_ =	sdelay $0x7  }
0x1c6: {  	[tilespmem:v2+s23+$0x0] =	vst.idx.add.f32.msk $0xffff, v1  }
0x1c7: {  	p1 =	sne.s32 s4, $0x900;
	_ =	swait.ge [sflag:s24], $0x4000  }
.Ltmp4:
0x1c8: {  	[sflag:s24] =	ssyncset.done $0x0;
	(pc) =	sbr.rel @p1 .LBB2_4-.Ltmp4, $4  }
0x1c9: {  	[sflag:s24] =	ssyncadd.s32 $0xFFFFC000  }
0x1ca: {  	_ =	swait.ge [sflag:s29], $0x4000  }
0x1cb: {  	[sflag:s29] =	ssyncset.done $0x0  }
0x1cc: {  	s4 =	sadd.s32 $0x100, s4;
	[sflag:s29] =	ssyncadd.s32 $0xFFFFC000  }
.Ltmp5:
0x1cd: {  	(pc) =	sbr.rel .LBB2_8-.Ltmp5, $4  }
0x1ce: {  	[bflag:$0x0] =	sbarrier.arrive $0xFFFF  }
0x1cf: {  	s14 =	rddreg [dreg:$0x8]  }
0x1d0: {  	s4 =	rddreg [dreg:$0x9]  }
0x1d1: {  	s0 =	rddreg [dreg:$0x11]  }
.LBB2_6:
0x1d2: {  	s14 =	rddreg [dreg:$0x5]  }
0x1d3: {  	s14 =	sadd.s32 s4, s14  }
0x1d4: {  	[tilespmem:s18], [sflag:$0x5] =	stream.linear.gather [hbm4b:s14+s3], $0x800, $0x38;
	[tilespmem:$0x1F800] =	vst v63  }
0x1d5: {  	_ =	swait.ge [sflag:s17], $0x800  }
0x1d6: {  	[sflag:s17] =	ssyncset.done $0x0  }
0x1d7: {  	s14 =	sadd.s32 s4, s15;
	[sflag:s17] =	ssyncadd.s32 $0xFFFFF800  }
0x1d8: {  	[tilespmem:s3], [sflag:$0x5] =	stream.linear.gather [hbm4b:s14+s3], $0x800, $0x38;
	[tilespmem:$0x1F800] =	vst v63  }
0x1d9: {  	_ =	swait.ge [sflag:s17], $0x800  }
0x1da: {  	[sflag:s17] =	ssyncset.done $0x0  }
0x1db: {  	[sflag:s17] =	ssyncadd.s32 $0xFFFFF800  }
0x1dc: {  	[tilespmem:s20], [sflag:$0x1] =	stream.indirect.gather [hbm4b:s6+s19], $0x80, s3, s19, $0xb8;
	[tilespmem:$0x1F800] =	vst v63  }
0x1dd: {  	_ = 	snop  }
0x1de: {  	[tilespmem:s21], [sflag:$0x2] =	stream.indirect.gather [hbm4b:s6+s19], $0x80, s19, s19, $0xb8;
	[tilespmem:$0x1F800] =	vst v63  }
0x1df: {  	_ =	swait.ge [sflag:s22], $0x4000  }
0x1e0: {  	[sflag:s22] =	ssyncset.done $0x0  }
0x1e1: {  	[sflag:s22] =	ssyncadd.s32 $0xFFFFC000  }
0x1e2: {  	[spmem:s2] =	stream.indirect.scatter.add.f32 [tilespmem:s20], [sflag:$0x3], $0x80, s18, s19, $0xb8;
	[tilespmem:$0x1F800] =	vst v63  }
0x1e3: {  	v2 =	vld [tilespmem:$0x800];
	_ =	sdelay $0x7  }
0x1e4: {  	[tilespmem:v2+s23+$0x0] =	vst.idx.add.f32.msk $0xffff, v1  }
0x1e5: {  	v2 =	vld [tilespmem:$0x810];
	_ =	sdelay $0x7  }
0x1e6: {  	[tilespmem:v2+s23+$0x0] =	vst.idx.add.f32.msk $0xffff, v1  }
0x1e7: {  	v2 =	vld [tilespmem:$0x820];
	_ =	sdelay $0x7  }
0x1e8: {  	[tilespmem:v2+s23+$0x0] =	vst.idx.add.f32.msk $0xffff, v1  }
0x1e9: {  	v2 =	vld [tilespmem:$0x830];
	_ =	sdelay $0x7  }
0x1ea: {  	[tilespmem:v2+s23+$0x0] =	vst.idx.add.f32.msk $0xffff, v1  }
0x1eb: {  	v2 =	vld [tilespmem:$0x840];
	_ =	sdelay $0x7  }
0x1ec: {  	[tilespmem:v2+s23+$0x0] =	vst.idx.add.f32.msk $0xffff, v1  }
0x1ed: {  	v2 =	vld [tilespmem:$0x850];
	_ =	sdelay $0x7  }
0x1ee: {  	[tilespmem:v2+s23+$0x0] =	vst.idx.add.f32.msk $0xffff, v1  }
0x1ef: {  	v2 =	vld [tilespmem:$0x860];
	_ =	sdelay $0x7  }
0x1f0: {  	[tilespmem:v2+s23+$0x0] =	vst.idx.add.f32.msk $0xffff, v1  }
0x1f1: {  	v2 =	vld [tilespmem:$0x870];
	_ =	sdelay $0x7  }
0x1f2: {  	[tilespmem:v2+s23+$0x0] =	vst.idx.add.f32.msk $0xffff, v1  }
0x1f3: {  	_ =	swait.ge [sflag:s24], $0x4000  }
0x1f4: {  	[sflag:s24] =	ssyncset.done $0x0  }
0x1f5: {  	[sflag:s24] =	ssyncadd.s32 $0xFFFFC000  }
0x1f6: {  	[tilespmem:s20], [sflag:$0x1] =	stream.indirect.gather [hbm4b:s6+s19], $0x80, s25, s19, $0xb8;
	[tilespmem:$0x1F800] =	vst v63  }
0x1f7: {  	_ =	swait.ge [sflag:s26], $0x4000  }
0x1f8: {  	[sflag:s26] =	ssyncset.done $0x0  }
0x1f9: {  	s14 =	simm.s32 $0x880;
	[sflag:s26] =	ssyncadd.s32 $0xFFFFC000  }
0x1fa: {  	[spmem:s2] =	stream.indirect.scatter.add.f32 [tilespmem:s21], [sflag:$0x4], $0x80, s14, s19, $0xb8;
	[tilespmem:$0x1F800] =	vst v63  }
0x1fb: {  	v2 =	vld [tilespmem:$0x880];
	_ =	sdelay $0x7  }
0x1fc: {  	[tilespmem:v2+s23+$0x0] =	vst.idx.add.f32.msk $0xffff, v1  }
0x1fd: {  	v2 =	vld [tilespmem:$0x890];
	_ =	sdelay $0x7  }
0x1fe: {  	[tilespmem:v2+s23+$0x0] =	vst.idx.add.f32.msk $0xffff, v1  }
0x1ff: {  	v2 =	vld [tilespmem:$0x8A0];
	_ =	sdelay $0x7  }
0x200: {  	[tilespmem:v2+s23+$0x0] =	vst.idx.add.f32.msk $0xffff, v1  }
0x201: {  	v2 =	vld [tilespmem:$0x8B0];
	_ =	sdelay $0x7  }
0x202: {  	[tilespmem:v2+s23+$0x0] =	vst.idx.add.f32.msk $0xffff, v1  }
0x203: {  	v2 =	vld [tilespmem:$0x8C0];
	_ =	sdelay $0x7  }
0x204: {  	[tilespmem:v2+s23+$0x0] =	vst.idx.add.f32.msk $0xffff, v1  }
0x205: {  	v2 =	vld [tilespmem:$0x8D0];
	_ =	sdelay $0x7  }
0x206: {  	[tilespmem:v2+s23+$0x0] =	vst.idx.add.f32.msk $0xffff, v1  }
0x207: {  	v2 =	vld [tilespmem:$0x8E0];
	_ =	sdelay $0x7  }
0x208: {  	[tilespmem:v2+s23+$0x0] =	vst.idx.add.f32.msk $0xffff, v1  }
0x209: {  	v2 =	vld [tilespmem:$0x8F0];
	_ =	sdelay $0x7  }
0x20a: {  	[tilespmem:v2+s23+$0x0] =	vst.idx.add.f32.msk $0xffff, v1  }
0x20b: {  	_ =	swait.ge [sflag:s29], $0x4000  }
0x20c: {  	[sflag:s29] =	ssyncset.done $0x0  }
0x20d: {  	s14 =	simm.s32 $0x180;
	[sflag:s29] =	ssyncadd.s32 $0xFFFFC000  }
0x20e: {  	[tilespmem:s21], [sflag:$0x2] =	stream.indirect.gather [hbm4b:s6+s19], $0x80, s14, s19, $0xb8;
	[tilespmem:$0x1F800] =	vst v63  }
0x20f: {  	_ =	swait.ge [sflag:s22], $0x4000  }
0x210: {  	[sflag:s22] =	ssyncset.done $0x0  }
0x211: {  	s14 =	simm.s32 $0x900;
	[sflag:s22] =	ssyncadd.s32 $0xFFFFC000  }
0x212: {  	[spmem:s2] =	stream.indirect.scatter.add.f32 [tilespmem:s20], [sflag:$0x3], $0x80, s14, s19, $0xb8;
	[tilespmem:$0x1F800] =	vst v63  }
0x213: {  	v2 =	vld [tilespmem:$0x900];
	_ =	sdelay $0x7  }
0x214: {  	[tilespmem:v2+s23+$0x0] =	vst.idx.add.f32.msk $0xffff, v1  }
0x215: {  	v2 =	vld [tilespmem:$0x910];
	_ =	sdelay $0x7  }
0x216: {  	[tilespmem:v2+s23+$0x0] =	vst.idx.add.f32.msk $0xffff, v1  }
0x217: {  	v2 =	vld [tilespmem:$0x920];
	_ =	sdelay $0x7  }
0x218: {  	[tilespmem:v2+s23+$0x0] =	vst.idx.add.f32.msk $0xffff, v1  }
0x219: {  	v2 =	vld [tilespmem:$0x930];
	_ =	sdelay $0x7  }
0x21a: {  	[tilespmem:v2+s23+$0x0] =	vst.idx.add.f32.msk $0xffff, v1  }
0x21b: {  	v2 =	vld [tilespmem:$0x940];
	_ =	sdelay $0x7  }
0x21c: {  	[tilespmem:v2+s23+$0x0] =	vst.idx.add.f32.msk $0xffff, v1  }
0x21d: {  	v2 =	vld [tilespmem:$0x950];
	_ =	sdelay $0x7  }
0x21e: {  	[tilespmem:v2+s23+$0x0] =	vst.idx.add.f32.msk $0xffff, v1  }
0x21f: {  	v2 =	vld [tilespmem:$0x960];
	_ =	sdelay $0x7  }
0x220: {  	[tilespmem:v2+s23+$0x0] =	vst.idx.add.f32.msk $0xffff, v1  }
0x221: {  	v2 =	vld [tilespmem:$0x970];
	_ =	sdelay $0x7  }
0x222: {  	[tilespmem:v2+s23+$0x0] =	vst.idx.add.f32.msk $0xffff, v1  }
0x223: {  	_ =	swait.ge [sflag:s24], $0x4000  }
0x224: {  	[sflag:s24] =	ssyncset.done $0x0  }
0x225: {  	s14 =	simm.s32 $0x200;
	[sflag:s24] =	ssyncadd.s32 $0xFFFFC000  }
0x226: {  	[tilespmem:s20], [sflag:$0x1] =	stream.indirect.gather [hbm4b:s6+s19], $0x80, s14, s19, $0xb8;
	[tilespmem:$0x1F800] =	vst v63  }
0x227: {  	_ =	swait.ge [sflag:s26], $0x4000  }
0x228: {  	[sflag:s26] =	ssyncset.done $0x0  }
0x229: {  	s14 =	simm.s32 $0x980;
	[sflag:s26] =	ssyncadd.s32 $0xFFFFC000  }
0x22a: {  	[spmem:s2] =	stream.indirect.scatter.add.f32 [tilespmem:s21], [sflag:$0x4], $0x80, s14, s19, $0xb8;
	[tilespmem:$0x1F800] =	vst v63  }
0x22b: {  	v2 =	vld [tilespmem:$0x980];
	_ =	sdelay $0x7  }
0x22c: {  	[tilespmem:v2+s23+$0x0] =	vst.idx.add.f32.msk $0xffff, v1  }
0x22d: {  	v2 =	vld [tilespmem:$0x990];
	_ =	sdelay $0x7  }
0x22e: {  	[tilespmem:v2+s23+$0x0] =	vst.idx.add.f32.msk $0xffff, v1  }
0x22f: {  	v2 =	vld [tilespmem:$0x9A0];
	_ =	sdelay $0x7  }
0x230: {  	[tilespmem:v2+s23+$0x0] =	vst.idx.add.f32.msk $0xffff, v1  }
0x231: {  	v2 =	vld [tilespmem:$0x9B0];
	_ =	sdelay $0x7  }
0x232: {  	[tilespmem:v2+s23+$0x0] =	vst.idx.add.f32.msk $0xffff, v1  }
0x233: {  	v2 =	vld [tilespmem:$0x9C0];
	_ =	sdelay $0x7  }
0x234: {  	[tilespmem:v2+s23+$0x0] =	vst.idx.add.f32.msk $0xffff, v1  }
0x235: {  	v2 =	vld [tilespmem:$0x9D0];
	_ =	sdelay $0x7  }
0x236: {  	[tilespmem:v2+s23+$0x0] =	vst.idx.add.f32.msk $0xffff, v1  }
0x237: {  	v2 =	vld [tilespmem:$0x9E0];
	_ =	sdelay $0x7  }
0x238: {  	[tilespmem:v2+s23+$0x0] =	vst.idx.add.f32.msk $0xffff, v1  }
0x239: {  	v2 =	vld [tilespmem:$0x9F0];
	_ =	sdelay $0x7  }
0x23a: {  	[tilespmem:v2+s23+$0x0] =	vst.idx.add.f32.msk $0xffff, v1  }
0x23b: {  	_ =	swait.ge [sflag:s29], $0x4000  }
0x23c: {  	[sflag:s29] =	ssyncset.done $0x0  }
0x23d: {  	s14 =	simm.s32 $0x280;
	[sflag:s29] =	ssyncadd.s32 $0xFFFFC000  }
0x23e: {  	[tilespmem:s21], [sflag:$0x2] =	stream.indirect.gather [hbm4b:s6+s19], $0x80, s14, s19, $0xb8;
	[tilespmem:$0x1F800] =	vst v63  }
0x23f: {  	_ =	swait.ge [sflag:s22], $0x4000  }
0x240: {  	[sflag:s22] =	ssyncset.done $0x0  }
0x241: {  	s14 =	simm.s32 $0xA00;
	[sflag:s22] =	ssyncadd.s32 $0xFFFFC000  }
0x242: {  	[spmem:s2] =	stream.indirect.scatter.add.f32 [tilespmem:s20], [sflag:$0x3], $0x80, s14, s19, $0xb8;
	[tilespmem:$0x1F800] =	vst v63  }
0x243: {  	v2 =	vld [tilespmem:$0xA00];
	_ =	sdelay $0x7  }
0x244: {  	[tilespmem:v2+s23+$0x0] =	vst.idx.add.f32.msk $0xffff, v1  }
0x245: {  	v2 =	vld [tilespmem:$0xA10];
	_ =	sdelay $0x7  }
0x246: {  	[tilespmem:v2+s23+$0x0] =	vst.idx.add.f32.msk $0xffff, v1  }
0x247: {  	v2 =	vld [tilespmem:$0xA20];
	_ =	sdelay $0x7  }
0x248: {  	[tilespmem:v2+s23+$0x0] =	vst.idx.add.f32.msk $0xffff, v1  }
0x249: {  	v2 =	vld [tilespmem:$0xA30];
	_ =	sdelay $0x7  }
0x24a: {  	[tilespmem:v2+s23+$0x0] =	vst.idx.add.f32.msk $0xffff, v1  }
0x24b: {  	v2 =	vld [tilespmem:$0xA40];
	_ =	sdelay $0x7  }
0x24c: {  	[tilespmem:v2+s23+$0x0] =	vst.idx.add.f32.msk $0xffff, v1  }
0x24d: {  	v2 =	vld [tilespmem:$0xA50];
	_ =	sdelay $0x7  }
0x24e: {  	[tilespmem:v2+s23+$0x0] =	vst.idx.add.f32.msk $0xffff, v1  }
0x24f: {  	v2 =	vld [tilespmem:$0xA60];
	_ =	sdelay $0x7  }
0x250: {  	[tilespmem:v2+s23+$0x0] =	vst.idx.add.f32.msk $0xffff, v1  }
0x251: {  	v2 =	vld [tilespmem:$0xA70];
	_ =	sdelay $0x7  }
0x252: {  	[tilespmem:v2+s23+$0x0] =	vst.idx.add.f32.msk $0xffff, v1  }
0x253: {  	_ =	swait.ge [sflag:s24], $0x4000  }
0x254: {  	[sflag:s24] =	ssyncset.done $0x0  }
0x255: {  	s14 =	simm.s32 $0x300;
	[sflag:s24] =	ssyncadd.s32 $0xFFFFC000  }
0x256: {  	[tilespmem:s20], [sflag:$0x1] =	stream.indirect.gather [hbm4b:s6+s19], $0x80, s14, s19, $0xb8;
	[tilespmem:$0x1F800] =	vst v63  }
0x257: {  	_ =	swait.ge [sflag:s26], $0x4000  }
0x258: {  	[sflag:s26] =	ssyncset.done $0x0  }
0x259: {  	s14 =	simm.s32 $0xA80;
	[sflag:s26] =	ssyncadd.s32 $0xFFFFC000  }
0x25a: {  	[spmem:s2] =	stream.indirect.scatter.add.f32 [tilespmem:s21], [sflag:$0x4], $0x80, s14, s19, $0xb8;
	[tilespmem:$0x1F800] =	vst v63  }
0x25b: {  	v2 =	vld [tilespmem:$0xA80];
	_ =	sdelay $0x7  }
0x25c: {  	[tilespmem:v2+s23+$0x0] =	vst.idx.add.f32.msk $0xffff, v1  }
0x25d: {  	v2 =	vld [tilespmem:$0xA90];
	_ =	sdelay $0x7  }
0x25e: {  	[tilespmem:v2+s23+$0x0] =	vst.idx.add.f32.msk $0xffff, v1  }
0x25f: {  	v2 =	vld [tilespmem:$0xAA0];
	_ =	sdelay $0x7  }
0x260: {  	[tilespmem:v2+s23+$0x0] =	vst.idx.add.f32.msk $0xffff, v1  }
0x261: {  	v2 =	vld [tilespmem:$0xAB0];
	_ =	sdelay $0x7  }
0x262: {  	[tilespmem:v2+s23+$0x0] =	vst.idx.add.f32.msk $0xffff, v1  }
0x263: {  	v2 =	vld [tilespmem:$0xAC0];
	_ =	sdelay $0x7  }
0x264: {  	[tilespmem:v2+s23+$0x0] =	vst.idx.add.f32.msk $0xffff, v1  }
0x265: {  	v2 =	vld [tilespmem:$0xAD0];
	_ =	sdelay $0x7  }
0x266: {  	[tilespmem:v2+s23+$0x0] =	vst.idx.add.f32.msk $0xffff, v1  }
0x267: {  	v2 =	vld [tilespmem:$0xAE0];
	_ =	sdelay $0x7  }
0x268: {  	[tilespmem:v2+s23+$0x0] =	vst.idx.add.f32.msk $0xffff, v1  }
0x269: {  	v2 =	vld [tilespmem:$0xAF0];
	_ =	sdelay $0x7  }
0x26a: {  	[tilespmem:v2+s23+$0x0] =	vst.idx.add.f32.msk $0xffff, v1  }
0x26b: {  	_ =	swait.ge [sflag:s29], $0x4000  }
0x26c: {  	[sflag:s29] =	ssyncset.done $0x0  }
0x26d: {  	s14 =	simm.s32 $0x380;
	[sflag:s29] =	ssyncadd.s32 $0xFFFFC000  }
0x26e: {  	[tilespmem:s21], [sflag:$0x2] =	stream.indirect.gather [hbm4b:s6+s19], $0x80, s14, s19, $0xb8;
	[tilespmem:$0x1F800] =	vst v63  }
0x26f: {  	_ =	swait.ge [sflag:s22], $0x4000  }
0x270: {  	[sflag:s22] =	ssyncset.done $0x0  }
0x271: {  	s14 =	simm.s32 $0xB00;
	[sflag:s22] =	ssyncadd.s32 $0xFFFFC000  }
0x272: {  	[spmem:s2] =	stream.indirect.scatter.add.f32 [tilespmem:s20], [sflag:$0x3], $0x80, s14, s19, $0xb8;
	[tilespmem:$0x1F800] =	vst v63  }
0x273: {  	v2 =	vld [tilespmem:$0xB00];
	_ =	sdelay $0x7  }
0x274: {  	[tilespmem:v2+s23+$0x0] =	vst.idx.add.f32.msk $0xffff, v1  }
0x275: {  	v2 =	vld [tilespmem:$0xB10];
	_ =	sdelay $0x7  }
0x276: {  	[tilespmem:v2+s23+$0x0] =	vst.idx.add.f32.msk $0xffff, v1  }
0x277: {  	v2 =	vld [tilespmem:$0xB20];
	_ =	sdelay $0x7  }
0x278: {  	[tilespmem:v2+s23+$0x0] =	vst.idx.add.f32.msk $0xffff, v1  }
0x279: {  	v2 =	vld [tilespmem:$0xB30];
	_ =	sdelay $0x7  }
0x27a: {  	[tilespmem:v2+s23+$0x0] =	vst.idx.add.f32.msk $0xffff, v1  }
0x27b: {  	v2 =	vld [tilespmem:$0xB40];
	_ =	sdelay $0x7  }
0x27c: {  	[tilespmem:v2+s23+$0x0] =	vst.idx.add.f32.msk $0xffff, v1  }
0x27d: {  	v2 =	vld [tilespmem:$0xB50];
	_ =	sdelay $0x7  }
0x27e: {  	[tilespmem:v2+s23+$0x0] =	vst.idx.add.f32.msk $0xffff, v1  }
0x27f: {  	v2 =	vld [tilespmem:$0xB60];
	_ =	sdelay $0x7  }
0x280: {  	[tilespmem:v2+s23+$0x0] =	vst.idx.add.f32.msk $0xffff, v1  }
0x281: {  	v2 =	vld [tilespmem:$0xB70];
	_ =	sdelay $0x7  }
0x282: {  	[tilespmem:v2+s23+$0x0] =	vst.idx.add.f32.msk $0xffff, v1  }
0x283: {  	_ =	swait.ge [sflag:s24], $0x4000  }
0x284: {  	[sflag:s24] =	ssyncset.done $0x0  }
0x285: {  	s14 =	simm.s32 $0x400;
	[sflag:s24] =	ssyncadd.s32 $0xFFFFC000  }
0x286: {  	[tilespmem:s20], [sflag:$0x1] =	stream.indirect.gather [hbm4b:s6+s19], $0x80, s14, s19, $0xb8;
	[tilespmem:$0x1F800] =	vst v63  }
0x287: {  	_ =	swait.ge [sflag:s26], $0x4000  }
0x288: {  	[sflag:s26] =	ssyncset.done $0x0  }
0x289: {  	s14 =	simm.s32 $0xB80;
	[sflag:s26] =	ssyncadd.s32 $0xFFFFC000  }
0x28a: {  	[spmem:s2] =	stream.indirect.scatter.add.f32 [tilespmem:s21], [sflag:$0x4], $0x80, s14, s19, $0xb8;
	[tilespmem:$0x1F800] =	vst v63  }
0x28b: {  	v2 =	vld [tilespmem:$0xB80];
	_ =	sdelay $0x7  }
0x28c: {  	[tilespmem:v2+s23+$0x0] =	vst.idx.add.f32.msk $0xffff, v1  }
0x28d: {  	v2 =	vld [tilespmem:$0xB90];
	_ =	sdelay $0x7  }
0x28e: {  	[tilespmem:v2+s23+$0x0] =	vst.idx.add.f32.msk $0xffff, v1  }
0x28f: {  	v2 =	vld [tilespmem:$0xBA0];
	_ =	sdelay $0x7  }
0x290: {  	[tilespmem:v2+s23+$0x0] =	vst.idx.add.f32.msk $0xffff, v1  }
0x291: {  	v2 =	vld [tilespmem:$0xBB0];
	_ =	sdelay $0x7  }
0x292: {  	[tilespmem:v2+s23+$0x0] =	vst.idx.add.f32.msk $0xffff, v1  }
0x293: {  	v2 =	vld [tilespmem:$0xBC0];
	_ =	sdelay $0x7  }
0x294: {  	[tilespmem:v2+s23+$0x0] =	vst.idx.add.f32.msk $0xffff, v1  }
0x295: {  	v2 =	vld [tilespmem:$0xBD0];
	_ =	sdelay $0x7  }
0x296: {  	[tilespmem:v2+s23+$0x0] =	vst.idx.add.f32.msk $0xffff, v1  }
0x297: {  	v2 =	vld [tilespmem:$0xBE0];
	_ =	sdelay $0x7  }
0x298: {  	[tilespmem:v2+s23+$0x0] =	vst.idx.add.f32.msk $0xffff, v1  }
0x299: {  	v2 =	vld [tilespmem:$0xBF0];
	_ =	sdelay $0x7  }
0x29a: {  	[tilespmem:v2+s23+$0x0] =	vst.idx.add.f32.msk $0xffff, v1  }
0x29b: {  	_ =	swait.ge [sflag:s29], $0x4000  }
0x29c: {  	[sflag:s29] =	ssyncset.done $0x0  }
0x29d: {  	s14 =	simm.s32 $0x480;
	[sflag:s29] =	ssyncadd.s32 $0xFFFFC000  }
0x29e: {  	[tilespmem:s21], [sflag:$0x2] =	stream.indirect.gather [hbm4b:s6+s19], $0x80, s14, s19, $0xb8;
	[tilespmem:$0x1F800] =	vst v63  }
0x29f: {  	_ =	swait.ge [sflag:s22], $0x4000  }
0x2a0: {  	[sflag:s22] =	ssyncset.done $0x0  }
0x2a1: {  	s14 =	simm.s32 $0xC00;
	[sflag:s22] =	ssyncadd.s32 $0xFFFFC000  }
0x2a2: {  	[spmem:s2] =	stream.indirect.scatter.add.f32 [tilespmem:s20], [sflag:$0x3], $0x80, s14, s19, $0xb8;
	[tilespmem:$0x1F800] =	vst v63  }
0x2a3: {  	v2 =	vld [tilespmem:$0xC00];
	_ =	sdelay $0x7  }
0x2a4: {  	[tilespmem:v2+s23+$0x0] =	vst.idx.add.f32.msk $0xffff, v1  }
0x2a5: {  	v2 =	vld [tilespmem:$0xC10];
	_ =	sdelay $0x7  }
0x2a6: {  	[tilespmem:v2+s23+$0x0] =	vst.idx.add.f32.msk $0xffff, v1  }
0x2a7: {  	v2 =	vld [tilespmem:$0xC20];
	_ =	sdelay $0x7  }
0x2a8: {  	[tilespmem:v2+s23+$0x0] =	vst.idx.add.f32.msk $0xffff, v1  }
0x2a9: {  	v2 =	vld [tilespmem:$0xC30];
	_ =	sdelay $0x7  }
0x2aa: {  	[tilespmem:v2+s23+$0x0] =	vst.idx.add.f32.msk $0xffff, v1  }
0x2ab: {  	v2 =	vld [tilespmem:$0xC40];
	_ =	sdelay $0x7  }
0x2ac: {  	[tilespmem:v2+s23+$0x0] =	vst.idx.add.f32.msk $0xffff, v1  }
0x2ad: {  	v2 =	vld [tilespmem:$0xC50];
	_ =	sdelay $0x7  }
0x2ae: {  	[tilespmem:v2+s23+$0x0] =	vst.idx.add.f32.msk $0xffff, v1  }
0x2af: {  	v2 =	vld [tilespmem:$0xC60];
	_ =	sdelay $0x7  }
0x2b0: {  	[tilespmem:v2+s23+$0x0] =	vst.idx.add.f32.msk $0xffff, v1  }
0x2b1: {  	v2 =	vld [tilespmem:$0xC70];
	_ =	sdelay $0x7  }
0x2b2: {  	[tilespmem:v2+s23+$0x0] =	vst.idx.add.f32.msk $0xffff, v1  }
0x2b3: {  	_ =	swait.ge [sflag:s24], $0x4000  }
0x2b4: {  	[sflag:s24] =	ssyncset.done $0x0  }
0x2b5: {  	[sflag:s24] =	ssyncadd.s32 $0xFFFFC000  }
0x2b6: {  	[tilespmem:s20], [sflag:$0x1] =	stream.indirect.gather [hbm4b:s6+s19], $0x80, s30, s19, $0xb8;
	[tilespmem:$0x1F800] =	vst v63  }
0x2b7: {  	_ =	swait.ge [sflag:s26], $0x4000  }
0x2b8: {  	[sflag:s26] =	ssyncset.done $0x0  }
0x2b9: {  	[sflag:s26] =	ssyncadd.s32 $0xFFFFC000  }
0x2ba: {  	[spmem:s2] =	stream.indirect.scatter.add.f32 [tilespmem:s21], [sflag:$0x4], $0x80, s31, s19, $0xb8;
	[tilespmem:$0x1F800] =	vst v63  }
0x2bb: {  	v2 =	vld [tilespmem:$0xC80];
	_ =	sdelay $0x7  }
0x2bc: {  	[tilespmem:v2+s23+$0x0] =	vst.idx.add.f32.msk $0xffff, v1  }
0x2bd: {  	v2 =	vld [tilespmem:$0xC90];
	_ =	sdelay $0x7  }
0x2be: {  	[tilespmem:v2+s23+$0x0] =	vst.idx.add.f32.msk $0xffff, v1  }
0x2bf: {  	v2 =	vld [tilespmem:$0xCA0];
	_ =	sdelay $0x7  }
0x2c0: {  	[tilespmem:v2+s23+$0x0] =	vst.idx.add.f32.msk $0xffff, v1  }
0x2c1: {  	v2 =	vld [tilespmem:$0xCB0];
	_ =	sdelay $0x7  }
0x2c2: {  	[tilespmem:v2+s23+$0x0] =	vst.idx.add.f32.msk $0xffff, v1  }
0x2c3: {  	v2 =	vld [tilespmem:$0xCC0];
	_ =	sdelay $0x7  }
0x2c4: {  	[tilespmem:v2+s23+$0x0] =	vst.idx.add.f32.msk $0xffff, v1  }
0x2c5: {  	v2 =	vld [tilespmem:$0xCD0];
	_ =	sdelay $0x7  }
0x2c6: {  	[tilespmem:v2+s23+$0x0] =	vst.idx.add.f32.msk $0xffff, v1  }
0x2c7: {  	v2 =	vld [tilespmem:$0xCE0];
	_ =	sdelay $0x7  }
0x2c8: {  	[tilespmem:v2+s23+$0x0] =	vst.idx.add.f32.msk $0xffff, v1  }
0x2c9: {  	v2 =	vld [tilespmem:$0xCF0];
	_ =	sdelay $0x7  }
0x2ca: {  	[tilespmem:v2+s23+$0x0] =	vst.idx.add.f32.msk $0xffff, v1  }
0x2cb: {  	_ =	swait.ge [sflag:s29], $0x4000  }
0x2cc: {  	[sflag:s29] =	ssyncset.done $0x0  }
0x2cd: {  	[sflag:s29] =	ssyncadd.s32 $0xFFFFC000  }
0x2ce: {  	[tilespmem:s21], [sflag:$0x2] =	stream.indirect.gather [hbm4b:s6+s19], $0x80, s0, s19, $0xb8;
	[tilespmem:$0x1F800] =	vst v63  }
0x2cf: {  	_ =	swait.ge [sflag:s22], $0x4000  }
0x2d0: {  	[sflag:s22] =	ssyncset.done $0x0  }
0x2d1: {  	[sflag:s22] =	ssyncadd.s32 $0xFFFFC000  }
0x2d2: {  	[spmem:s2] =	stream.indirect.scatter.add.f32 [tilespmem:s20], [sflag:$0x3], $0x80, s1, s19, $0xb8;
	[tilespmem:$0x1F800] =	vst v63  }
0x2d3: {  	v2 =	vld [tilespmem:$0xD00];
	_ =	sdelay $0x7  }
0x2d4: {  	[tilespmem:v2+s23+$0x0] =	vst.idx.add.f32.msk $0xffff, v1  }
0x2d5: {  	v2 =	vld [tilespmem:$0xD10];
	_ =	sdelay $0x7  }
0x2d6: {  	[tilespmem:v2+s23+$0x0] =	vst.idx.add.f32.msk $0xffff, v1  }
0x2d7: {  	v2 =	vld [tilespmem:$0xD20];
	_ =	sdelay $0x7  }
0x2d8: {  	[tilespmem:v2+s23+$0x0] =	vst.idx.add.f32.msk $0xffff, v1  }
0x2d9: {  	v2 =	vld [tilespmem:$0xD30];
	_ =	sdelay $0x7  }
0x2da: {  	[tilespmem:v2+s23+$0x0] =	vst.idx.add.f32.msk $0xffff, v1  }
0x2db: {  	v2 =	vld [tilespmem:$0xD40];
	_ =	sdelay $0x7  }
0x2dc: {  	[tilespmem:v2+s23+$0x0] =	vst.idx.add.f32.msk $0xffff, v1  }
0x2dd: {  	v2 =	vld [tilespmem:$0xD50];
	_ =	sdelay $0x7  }
0x2de: {  	[tilespmem:v2+s23+$0x0] =	vst.idx.add.f32.msk $0xffff, v1  }
0x2df: {  	v2 =	vld [tilespmem:$0xD60];
	_ =	sdelay $0x7  }
0x2e0: {  	[tilespmem:v2+s23+$0x0] =	vst.idx.add.f32.msk $0xffff, v1  }
0x2e1: {  	v2 =	vld [tilespmem:$0xD70];
	_ =	sdelay $0x7  }
0x2e2: {  	[tilespmem:v2+s23+$0x0] =	vst.idx.add.f32.msk $0xffff, v1  }
0x2e3: {  	_ =	swait.ge [sflag:s24], $0x4000  }
0x2e4: {  	[sflag:s24] =	ssyncset.done $0x0  }
0x2e5: {  	[sflag:s24] =	ssyncadd.s32 $0xFFFFC000  }
0x2e6: {  	[tilespmem:s20], [sflag:$0x1] =	stream.indirect.gather [hbm4b:s6+s19], $0x80, s7, s19, $0xb8;
	[tilespmem:$0x1F800] =	vst v63  }
0x2e7: {  	_ =	swait.ge [sflag:s26], $0x4000  }
0x2e8: {  	[sflag:s26] =	ssyncset.done $0x0  }
0x2e9: {  	[sflag:s26] =	ssyncadd.s32 $0xFFFFC000  }
0x2ea: {  	[spmem:s2] =	stream.indirect.scatter.add.f32 [tilespmem:s21], [sflag:$0x4], $0x80, s8, s19, $0xb8;
	[tilespmem:$0x1F800] =	vst v63  }
0x2eb: {  	v2 =	vld [tilespmem:$0xD80];
	_ =	sdelay $0x7  }
0x2ec: {  	[tilespmem:v2+s23+$0x0] =	vst.idx.add.f32.msk $0xffff, v1  }
0x2ed: {  	v2 =	vld [tilespmem:$0xD90];
	_ =	sdelay $0x7  }
0x2ee: {  	[tilespmem:v2+s23+$0x0] =	vst.idx.add.f32.msk $0xffff, v1  }
0x2ef: {  	v2 =	vld [tilespmem:$0xDA0];
	_ =	sdelay $0x7  }
0x2f0: {  	[tilespmem:v2+s23+$0x0] =	vst.idx.add.f32.msk $0xffff, v1  }
0x2f1: {  	v2 =	vld [tilespmem:$0xDB0];
	_ =	sdelay $0x7  }
0x2f2: {  	[tilespmem:v2+s23+$0x0] =	vst.idx.add.f32.msk $0xffff, v1  }
0x2f3: {  	v2 =	vld [tilespmem:$0xDC0];
	_ =	sdelay $0x7  }
0x2f4: {  	[tilespmem:v2+s23+$0x0] =	vst.idx.add.f32.msk $0xffff, v1  }
0x2f5: {  	v2 =	vld [tilespmem:$0xDD0];
	_ =	sdelay $0x7  }
0x2f6: {  	[tilespmem:v2+s23+$0x0] =	vst.idx.add.f32.msk $0xffff, v1  }
0x2f7: {  	v2 =	vld [tilespmem:$0xDE0];
	_ =	sdelay $0x7  }
0x2f8: {  	[tilespmem:v2+s23+$0x0] =	vst.idx.add.f32.msk $0xffff, v1  }
0x2f9: {  	v2 =	vld [tilespmem:$0xDF0];
	_ =	sdelay $0x7  }
0x2fa: {  	[tilespmem:v2+s23+$0x0] =	vst.idx.add.f32.msk $0xffff, v1  }
0x2fb: {  	_ =	swait.ge [sflag:s29], $0x4000  }
0x2fc: {  	[sflag:s29] =	ssyncset.done $0x0  }
0x2fd: {  	[sflag:s29] =	ssyncadd.s32 $0xFFFFC000  }
0x2fe: {  	[tilespmem:s21], [sflag:$0x2] =	stream.indirect.gather [hbm4b:s6+s19], $0x80, s9, s19, $0xb8;
	[tilespmem:$0x1F800] =	vst v63  }
0x2ff: {  	_ =	swait.ge [sflag:s22], $0x4000  }
0x300: {  	[sflag:s22] =	ssyncset.done $0x0  }
0x301: {  	[sflag:s22] =	ssyncadd.s32 $0xFFFFC000  }
0x302: {  	[spmem:s2] =	stream.indirect.scatter.add.f32 [tilespmem:s20], [sflag:$0x3], $0x80, s10, s19, $0xb8;
	[tilespmem:$0x1F800] =	vst v63  }
0x303: {  	v2 =	vld [tilespmem:$0xE00];
	_ =	sdelay $0x7  }
0x304: {  	[tilespmem:v2+s23+$0x0] =	vst.idx.add.f32.msk $0xffff, v1  }
0x305: {  	v2 =	vld [tilespmem:$0xE10];
	_ =	sdelay $0x7  }
0x306: {  	[tilespmem:v2+s23+$0x0] =	vst.idx.add.f32.msk $0xffff, v1  }
0x307: {  	v2 =	vld [tilespmem:$0xE20];
	_ =	sdelay $0x7  }
0x308: {  	[tilespmem:v2+s23+$0x0] =	vst.idx.add.f32.msk $0xffff, v1  }
0x309: {  	v2 =	vld [tilespmem:$0xE30];
	_ =	sdelay $0x7  }
0x30a: {  	[tilespmem:v2+s23+$0x0] =	vst.idx.add.f32.msk $0xffff, v1  }
0x30b: {  	v2 =	vld [tilespmem:$0xE40];
	_ =	sdelay $0x7  }
0x30c: {  	[tilespmem:v2+s23+$0x0] =	vst.idx.add.f32.msk $0xffff, v1  }
0x30d: {  	v2 =	vld [tilespmem:$0xE50];
	_ =	sdelay $0x7  }
0x30e: {  	[tilespmem:v2+s23+$0x0] =	vst.idx.add.f32.msk $0xffff, v1  }
0x30f: {  	v2 =	vld [tilespmem:$0xE60];
	_ =	sdelay $0x7  }
0x310: {  	[tilespmem:v2+s23+$0x0] =	vst.idx.add.f32.msk $0xffff, v1  }
0x311: {  	v2 =	vld [tilespmem:$0xE70];
	_ =	sdelay $0x7  }
0x312: {  	[tilespmem:v2+s23+$0x0] =	vst.idx.add.f32.msk $0xffff, v1  }
0x313: {  	_ =	swait.ge [sflag:s24], $0x4000  }
0x314: {  	[sflag:s24] =	ssyncset.done $0x0  }
0x315: {  	[sflag:s24] =	ssyncadd.s32 $0xFFFFC000  }
0x316: {  	[tilespmem:s20], [sflag:$0x1] =	stream.indirect.gather [hbm4b:s6+s19], $0x80, s12, s19, $0xb8;
	[tilespmem:$0x1F800] =	vst v63  }
0x317: {  	_ =	swait.ge [sflag:s26], $0x4000  }
0x318: {  	[sflag:s26] =	ssyncset.done $0x0  }
0x319: {  	[sflag:s26] =	ssyncadd.s32 $0xFFFFC000  }
0x31a: {  	[spmem:s2] =	stream.indirect.scatter.add.f32 [tilespmem:s21], [sflag:$0x4], $0x80, s13, s19, $0xb8;
	[tilespmem:$0x1F800] =	vst v63  }
0x31b: {  	v2 =	vld [tilespmem:$0xE80];
	_ =	sdelay $0x7  }
0x31c: {  	[tilespmem:v2+s23+$0x0] =	vst.idx.add.f32.msk $0xffff, v1  }
0x31d: {  	v2 =	vld [tilespmem:$0xE90];
	_ =	sdelay $0x7  }
0x31e: {  	[tilespmem:v2+s23+$0x0] =	vst.idx.add.f32.msk $0xffff, v1  }
0x31f: {  	v2 =	vld [tilespmem:$0xEA0];
	_ =	sdelay $0x7  }
0x320: {  	[tilespmem:v2+s23+$0x0] =	vst.idx.add.f32.msk $0xffff, v1  }
0x321: {  	v2 =	vld [tilespmem:$0xEB0];
	_ =	sdelay $0x7  }
0x322: {  	[tilespmem:v2+s23+$0x0] =	vst.idx.add.f32.msk $0xffff, v1  }
0x323: {  	v2 =	vld [tilespmem:$0xEC0];
	_ =	sdelay $0x7  }
0x324: {  	[tilespmem:v2+s23+$0x0] =	vst.idx.add.f32.msk $0xffff, v1  }
0x325: {  	v2 =	vld [tilespmem:$0xED0];
	_ =	sdelay $0x7  }
0x326: {  	[tilespmem:v2+s23+$0x0] =	vst.idx.add.f32.msk $0xffff, v1  }
0x327: {  	v2 =	vld [tilespmem:$0xEE0];
	_ =	sdelay $0x7  }
0x328: {  	[tilespmem:v2+s23+$0x0] =	vst.idx.add.f32.msk $0xffff, v1  }
0x329: {  	v2 =	vld [tilespmem:$0xEF0];
	_ =	sdelay $0x7  }
0x32a: {  	[tilespmem:v2+s23+$0x0] =	vst.idx.add.f32.msk $0xffff, v1  }
0x32b: {  	_ =	swait.ge [sflag:s29], $0x4000  }
0x32c: {  	[sflag:s29] =	ssyncset.done $0x0  }
0x32d: {  	[sflag:s29] =	ssyncadd.s32 $0xFFFFC000  }
0x32e: {  	[tilespmem:s21], [sflag:$0x2] =	stream.indirect.gather [hbm4b:s6+s19], $0x80, s11, s19, $0xb8;
	[tilespmem:$0x1F800] =	vst v63  }
0x32f: {  	_ =	swait.ge [sflag:s22], $0x4000  }
0x330: {  	[sflag:s22] =	ssyncset.done $0x0  }
0x331: {  	[sflag:s22] =	ssyncadd.s32 $0xFFFFC000  }
0x332: {  	[spmem:s2] =	stream.indirect.scatter.add.f32 [tilespmem:s20], [sflag:$0x3], $0x80, s28, s19, $0xb8;
	[tilespmem:$0x1F800] =	vst v63  }
0x333: {  	v2 =	vld [tilespmem:$0xF00];
	_ =	sdelay $0x7  }
0x334: {  	[tilespmem:v2+s23+$0x0] =	vst.idx.add.f32.msk $0xffff, v1  }
0x335: {  	v2 =	vld [tilespmem:$0xF10];
	_ =	sdelay $0x7  }
0x336: {  	[tilespmem:v2+s23+$0x0] =	vst.idx.add.f32.msk $0xffff, v1  }
0x337: {  	v2 =	vld [tilespmem:$0xF20];
	_ =	sdelay $0x7  }
0x338: {  	[tilespmem:v2+s23+$0x0] =	vst.idx.add.f32.msk $0xffff, v1  }
0x339: {  	v2 =	vld [tilespmem:$0xF30];
	_ =	sdelay $0x7  }
0x33a: {  	[tilespmem:v2+s23+$0x0] =	vst.idx.add.f32.msk $0xffff, v1  }
0x33b: {  	v2 =	vld [tilespmem:$0xF40];
	_ =	sdelay $0x7  }
0x33c: {  	[tilespmem:v2+s23+$0x0] =	vst.idx.add.f32.msk $0xffff, v1  }
0x33d: {  	v2 =	vld [tilespmem:$0xF50];
	_ =	sdelay $0x7  }
0x33e: {  	[tilespmem:v2+s23+$0x0] =	vst.idx.add.f32.msk $0xffff, v1  }
0x33f: {  	v2 =	vld [tilespmem:$0xF60];
	_ =	sdelay $0x7  }
0x340: {  	[tilespmem:v2+s23+$0x0] =	vst.idx.add.f32.msk $0xffff, v1  }
0x341: {  	v2 =	vld [tilespmem:$0xF70];
	_ =	sdelay $0x7  }
0x342: {  	[tilespmem:v2+s23+$0x0] =	vst.idx.add.f32.msk $0xffff, v1  }
0x343: {  	_ =	swait.ge [sflag:s26], $0x4000  }
0x344: {  	[sflag:s26] =	ssyncset.done $0x0  }
0x345: {  	[sflag:s26] =	ssyncadd.s32 $0xFFFFC000  }
0x346: {  	[spmem:s2] =	stream.indirect.scatter.add.f32 [tilespmem:s21], [sflag:$0x4], $0x80, s16, s19, $0xb8;
	[tilespmem:$0x1F800] =	vst v63  }
0x347: {  	v2 =	vld [tilespmem:$0xF80];
	_ =	sdelay $0x7  }
0x348: {  	[tilespmem:v2+s23+$0x0] =	vst.idx.add.f32.msk $0xffff, v1  }
0x349: {  	v2 =	vld [tilespmem:$0xF90];
	_ =	sdelay $0x7  }
0x34a: {  	[tilespmem:v2+s23+$0x0] =	vst.idx.add.f32.msk $0xffff, v1  }
0x34b: {  	v2 =	vld [tilespmem:$0xFA0];
	_ =	sdelay $0x7  }
0x34c: {  	[tilespmem:v2+s23+$0x0] =	vst.idx.add.f32.msk $0xffff, v1  }
0x34d: {  	v2 =	vld [tilespmem:$0xFB0];
	_ =	sdelay $0x7  }
0x34e: {  	[tilespmem:v2+s23+$0x0] =	vst.idx.add.f32.msk $0xffff, v1  }
0x34f: {  	v2 =	vld [tilespmem:$0xFC0];
	_ =	sdelay $0x7  }
0x350: {  	[tilespmem:v2+s23+$0x0] =	vst.idx.add.f32.msk $0xffff, v1  }
0x351: {  	v2 =	vld [tilespmem:$0xFD0];
	_ =	sdelay $0x7  }
0x352: {  	[tilespmem:v2+s23+$0x0] =	vst.idx.add.f32.msk $0xffff, v1  }
0x353: {  	v2 =	vld [tilespmem:$0xFE0];
	_ =	sdelay $0x7  }
0x354: {  	[tilespmem:v2+s23+$0x0] =	vst.idx.add.f32.msk $0xffff, v1  }
0x355: {  	v2 =	vld [tilespmem:$0xFF0];
	_ =	sdelay $0x7  }
0x356: {  	[tilespmem:v2+s23+$0x0] =	vst.idx.add.f32.msk $0xffff, v1  }
0x357: {  	p1 =	sne.s32 s4, $0x900;
	_ =	swait.ge [sflag:s24], $0x4000  }
.Ltmp6:
0x358: {  	[sflag:s24] =	ssyncset.done $0x0;
	(pc) =	sbr.rel @p1 .LBB2_6-.Ltmp6, $4  }
0x359: {  	[sflag:s24] =	ssyncadd.s32 $0xFFFFC000  }
0x35a: {  	_ =	swait.ge [sflag:s29], $0x4000  }
0x35b: {  	[sflag:s29] =	ssyncset.done $0x0  }
0x35c: {  	s4 =	sadd.s32 $0x100, s4;
	[sflag:s29] =	ssyncadd.s32 $0xFFFFC000  }
.Ltmp7:
0x35d: {  	(pc) =	sbr.rel .LBB2_8-.Ltmp7, $4  }
0x35e: {  	[bflag:$0x0] =	sbarrier.arrive $0xFFFF  }
0x35f: {  	s14 =	rddreg [dreg:$0xa]  }
0x360: {  	s4 =	rddreg [dreg:$0xb]  }
0x361: {  	s0 =	rddreg [dreg:$0x11]  }
.LBB2_9:
0x362: {  	_ =	sfence.sel $0x180000  }
0x363: {  	[bflag:$0x0] =	sbarrier.arrive $0xFFFF  }
0x364: {  	_ =	strace $0x90000047  }
0x365: {  	s0 =	stileid.u32;
	[bflag:$0x2] =	sbarrier.arrive $0xFFFF  }
0x366: {  	p0 =	sne.s32 s0, $0x0;
	s0 =	rddreg [dreg:$0x4]  }
0x367: {  	s0 =	sadd.s32 @!p0 $0x100000, s0  }
0x368: {  	[sflag:s0] =	ssyncadd.tile.s32 @!p0 $0x1;
	_ =	shalt  }
.Lfunc_end2:
_tile_overlayer_lowered:
.L_overlay_start_2:
0x369: {  	(tag) =	ssettag $0x2  }
0x36a: {  	s0 =	rddreg [dreg:$0x0];
	s2 =	stileid.u32  }
0x36b: {  	s1 =	rddreg [dreg:$0x1];
	p0 =	sne.s32 s2, $0x0  }
0x36c: {  	s3 =	rddreg [dreg:$0x2];
	[bflag:$0x3] =	sbarrier.arrive $0xFFFF;
	s2 =	simm.s32 @!p0 $0x1C05  }
0x36d: {  	[timem:s3], [sflag:s2] =	dma.local @!p0 [hbm:s0], s1  }
0x36e: {  	s0 =	simm.s32 @!p0 $0x5  }
0x36f: {  	_ =	swait.ge @!p0 [sflag:s0], s1  }
0x370: {  	s1 =	ssub.s32 @!p0 $0x0, s1;
	[sflag:s0] =	ssyncset.done @!p0 $0x0  }
0x371: {  	[sflag:s0] =	ssyncadd.s32 @!p0 s1  }
0x372: {  	[bflag:$0x3] =	sbarrier.arrive $0xFFFF  }
0x373: {  	_ =	shalt  }

</sc_bundles>
